<compile_context>
chip_gen: v7x
topology: tpu7x:2x2x1
jax: 0.10.2.dev20260603
libtpu: 0.0.44.dev20260713+nightly
codegen_flags: <defaults>
</compile_context>

<pallas_src>
import jax
import jax.numpy as jnp
from jax import lax
from jax.experimental import pallas as pl
from jax.experimental.pallas import tpu as pltpu
from jax.experimental.pallas import tpu_sc as plsc

_N = 10000
_D = 128
_NC = 2
_NS = 16
_E = 320000
_PT = _E // (_NC * _NS)
_CH = 80
_NCH = _PT // _CH
_SLAB = 624
_SLAB_LAST = _N - (_NS - 1) * _SLAB
_LAST0 = (_NS - 1) * _SLAB
_BN = 1000
_EPS = 1e-12



def _rownorm(x):
    return jnp.sqrt(jnp.sum(x * x, axis=1, keepdims=True))


def _matmul_t(x, w):
    return lax.dot_general(x, w, (((1,), (1,)), ((), ())),
                           preferred_element_type=jnp.float32)


def _log_map_table(b, sc):
    bn = _rownorm(b)
    at = 0.5 * jnp.log((1.0 + sc * bn) / (1.0 - sc * bn))
    return (2.0 / sc) * at * b / bn


def _sphere_table(s, ws, bs):
    ns = s / jnp.maximum(_rownorm(s), _EPS)
    ts0 = _matmul_t(ns, ws) + bs
    return ts0 / jnp.maximum(_rownorm(ts0), _EPS)


def _tc_prologue_body(cb_ref, b_ref, s_ref, ws_ref, bs_ref, tb_ref, ts_ref):
    sc = jnp.sqrt(cb_ref[0, 0])
    tb_ref[...] = _log_map_table(b_ref[...], sc)
    ts_ref[...] = _sphere_table(s_ref[...], ws_ref[...], bs_ref[...])


def _update_from_sums(se, sb, ss, degc, cb_ref, we_ref, be_ref, wb_ref, bb_ref):
    sc = jnp.sqrt(cb_ref[0, 0])
    invd = 1.0 / jnp.maximum(degc, 1.0)
    mask = jnp.minimum(degc, 1.0)
    ue = _matmul_t(se * invd, we_ref[...]) + be_ref[...] * mask
    e_new = jnp.where(ue >= 0, ue, 0.2 * ue)
    nb = _matmul_t(sb * invd, wb_ref[...]) + bb_ref[...] * mask
    nbn = _rownorm(nb)
    b_new = jnp.tanh(sc * nbn * 0.5) * nb / (sc * nbn)
    mts = ss * invd
    s_new = mts / jnp.maximum(_rownorm(mts), _EPS)
    return e_new, b_new, s_new


def _sum2(ref):
    return ref[0] + ref[1]


def _tc_mid_body(cb_ref, se_ref, sb_ref, ss_ref, deg_ref, we_ref, be_ref,
                 wb_ref, bb_ref, wsn_ref, bsn_ref, e_ref, tb_ref, ts_ref):
    degc = deg_ref[0, :, 0:1] + deg_ref[1, :, 0:1]
    e_new, b_new, s_new = _update_from_sums(
        _sum2(se_ref), _sum2(sb_ref), _sum2(ss_ref), degc,
        cb_ref, we_ref, be_ref, wb_ref, bb_ref)
    sc = jnp.sqrt(cb_ref[0, 0])
    e_ref[...] = e_new
    tb_ref[...] = _log_map_table(b_new, sc)
    ts_ref[...] = _sphere_table(s_new, wsn_ref[...], bsn_ref[...])


def _tc_epilogue_body(cb_ref, se_ref, sb_ref, ss_ref, deg_ref, we_ref, be_ref,
                      wb_ref, bb_ref, e_ref, b_ref, s_ref):
    degc = deg_ref[0, :, 0:1] + deg_ref[1, :, 0:1]
    e_new, b_new, s_new = _update_from_sums(
        _sum2(se_ref), _sum2(sb_ref), _sum2(ss_ref), degc,
        cb_ref, we_ref, be_ref, wb_ref, bb_ref)
    e_ref[...] = e_new
    b_ref[...] = b_new
    s_ref[...] = s_new


_GRID = _N // _BN

_SCALAR_SPEC = pl.BlockSpec((1, 1), lambda i: (0, 0), memory_space=pltpu.SMEM)
_ROW_SPEC = pl.BlockSpec((_BN, _D), lambda i: (i, 0))
_S_SPEC = pl.BlockSpec((_NC, _BN, _D), lambda i: (0, i, 0))
_DEG_SPEC = pl.BlockSpec((_NC, _BN, 16), lambda i: (0, i, 0))
_W_SPEC = pl.BlockSpec((_D, _D), lambda i: (0, 0))
_B_SPEC = pl.BlockSpec((1, _D), lambda i: (0, 0))

_ROW_SHAPE = jax.ShapeDtypeStruct((_N, _D), jnp.float32)


def _tc_prologue(cb, b, s, ws0, bs0):
    return pl.pallas_call(
        _tc_prologue_body,
        grid=(_GRID,),
        in_specs=[_SCALAR_SPEC, _ROW_SPEC, _ROW_SPEC, _W_SPEC, _B_SPEC],
        out_specs=[_ROW_SPEC, _ROW_SPEC],
        out_shape=[_ROW_SHAPE, _ROW_SHAPE],
    )(cb, b, s, ws0, bs0)


def _tc_mid(cb, se, sb, ss, deg2, we, be, wb, bb, wsn, bsn):
    return pl.pallas_call(
        _tc_mid_body,
        grid=(_GRID,),
        in_specs=[_SCALAR_SPEC, _S_SPEC, _S_SPEC, _S_SPEC, _DEG_SPEC,
                  _W_SPEC, _B_SPEC, _W_SPEC, _B_SPEC, _W_SPEC, _B_SPEC],
        out_specs=[_ROW_SPEC, _ROW_SPEC, _ROW_SPEC],
        out_shape=[_ROW_SHAPE, _ROW_SHAPE, _ROW_SHAPE],
    )(cb, se, sb, ss, deg2, we, be, wb, bb, wsn, bsn)


def _tc_epilogue(cb, se, sb, ss, deg2, we, be, wb, bb):
    return pl.pallas_call(
        _tc_epilogue_body,
        grid=(_GRID,),
        in_specs=[_SCALAR_SPEC, _S_SPEC, _S_SPEC, _S_SPEC, _DEG_SPEC,
                  _W_SPEC, _B_SPEC, _W_SPEC, _B_SPEC],
        out_specs=[_ROW_SPEC, _ROW_SPEC, _ROW_SPEC],
        out_shape=[_ROW_SHAPE, _ROW_SHAPE, _ROW_SHAPE],
    )(cb, se, sb, ss, deg2, we, be, wb, bb)



def _zero_slab(s, zsrc_hbm, acc_sh, r0):
    @pl.when(s < _NS - 1)
    def _():
        pltpu.sync_copy(zsrc_hbm.at[pl.ds(0, _SLAB)],
                        acc_sh.at[pl.ds(r0, _SLAB)])

    @pl.when(s == _NS - 1)
    def _():
        pltpu.sync_copy(zsrc_hbm, acc_sh.at[pl.ds(_LAST0, _SLAB_LAST)])


def _write_slab(s, acc_sh, out_hbm, c, r0):
    @pl.when(s < _NS - 1)
    def _():
        pltpu.sync_copy(acc_sh.at[pl.ds(r0, _SLAB)],
                        out_hbm.at[c, pl.ds(r0, _SLAB)])

    @pl.when(s == _NS - 1)
    def _():
        pltpu.sync_copy(acc_sh.at[pl.ds(_LAST0, _SLAB_LAST)],
                        out_hbm.at[c, pl.ds(_LAST0, _SLAB_LAST)])


_MESH = dict(core_axis_name="c", subcore_axis_name="s",
             num_cores=_NC, num_subcores=_NS)
_SC_PARAMS = pltpu.CompilerParams(use_tc_tiling_on_sc=False)


def _make_sc_segsum():
    mesh = plsc.VectorSubcoreMesh(**_MESH)

    scratch = [
        pltpu.VMEM_SHARED((_N, _D), jnp.float32),
        pltpu.VMEM((_NCH, _CH), jnp.int32),
        pltpu.VMEM((_NCH, _CH), jnp.int32),
        pltpu.VMEM((_CH, _D), jnp.float32),
        pltpu.VMEM((_CH, _D), jnp.float32),
        pltpu.VMEM((_CH, _D), jnp.float32),
        pltpu.SemaphoreType.DMA,
        pltpu.SemaphoreType.DMA,
        pltpu.SemaphoreType.DMA,
        pltpu.SemaphoreType.DMA,
        pltpu.SemaphoreType.DMA,
        pltpu.SemaphoreType.DMA,
    ]

    def body(t_hbm, src2_hbm, dst2_hbm, zrows_hbm, out_hbm,
             acc_sh, srcall, dstall, rows0, rows1, rows2,
             g0, g1, g2, s0, s1, s2):
        c = lax.axis_index("c")
        s = lax.axis_index("s")
        r0 = pl.multiple_of(s * _SLAB, 8)
        bufs = ((rows0, g0, s0), (rows1, g1, s1), (rows2, g2, s2))

        row0 = (c * _NS + s) * _NCH
        pltpu.sync_copy(src2_hbm.at[pl.ds(row0, _NCH)], srcall)
        pltpu.sync_copy(dst2_hbm.at[pl.ds(row0, _NCH)], dstall)
        _zero_slab(s, zrows_hbm, acc_sh, r0)
        plsc.subcore_barrier()

        def sg(j, k):
            rows, gsem, _ = bufs[k]
            pltpu.async_copy(t_hbm.at[srcall.at[j]], rows, gsem)

        def wg(j, k):
            rows, gsem, _ = bufs[k]
            pltpu.make_async_copy(t_hbm.at[srcall.at[j]], rows, gsem).wait()

        def ss(j, k):
            rows, _, ssem = bufs[k]
            pltpu.async_copy(rows, acc_sh.at[dstall.at[j]], ssem, add=True)

        def ws(k):
            rows, _, ssem = bufs[k]
            pltpu.make_async_copy(rows, acc_sh.at[dstall.at[0]], ssem).wait()

        sg(0, 0)
        sg(1, 1)

        def step(i, carry):
            for k in range(3):
                @pl.when(i % 3 == k)
                def _(k=k):
                    wg(i, k)
                    ss(i, k)
            for k in range(3):
                @pl.when(jnp.logical_and(i >= 1, (i - 1) % 3 == k))
                def _(k=k):
                    ws(k)
            for k in range(3):
                @pl.when(jnp.logical_and(i + 2 < _NCH, (i + 2) % 3 == k))
                def _(k=k):
                    sg(i + 2, k)
            return carry

        lax.fori_loop(0, _NCH, step, 0)
        ws((_NCH - 1) % 3)

        plsc.subcore_barrier()
        _write_slab(s, acc_sh, out_hbm, c, r0)

    return pl.kernel(body,
                     out_type=jax.ShapeDtypeStruct((_NC, _N, _D), jnp.float32),
                     mesh=mesh, scratch_types=scratch,
                     compiler_params=_SC_PARAMS)


def _make_sc_deg():
    mesh = plsc.VectorSubcoreMesh(**_MESH)

    scratch = [
        pltpu.VMEM_SHARED((_N, 16), jnp.float32),
        pltpu.VMEM((_NCH, _CH), jnp.int32),
        pltpu.VMEM((_CH, 16), jnp.float32),
    ]

    def body(dst2_hbm, zdeg_hbm, ones_hbm, deg_hbm,
             deg_sh, dstall, onesb):
        c = lax.axis_index("c")
        s = lax.axis_index("s")
        r0 = pl.multiple_of(s * _SLAB, 8)

        row0 = (c * _NS + s) * _NCH
        pltpu.sync_copy(dst2_hbm.at[pl.ds(row0, _NCH)], dstall)
        pltpu.sync_copy(ones_hbm, onesb)
        _zero_slab(s, zdeg_hbm, deg_sh, r0)
        plsc.subcore_barrier()

        def chunk(j, carry):
            pltpu.sync_copy(onesb, deg_sh.at[dstall.at[j]], add=True)
            return carry

        lax.fori_loop(0, _NCH, chunk, 0)

        plsc.subcore_barrier()
        _write_slab(s, deg_sh, deg_hbm, c, r0)

    return pl.kernel(body,
                     out_type=jax.ShapeDtypeStruct((_NC, _N, 16), jnp.float32),
                     mesh=mesh, scratch_types=scratch,
                     compiler_params=_SC_PARAMS)



def kernel(e_emb, b_emb, s_emb, edge_index, We, be, Wb, bb, Ws, bs,
           b_curvature, s_curvature):
    sc_seg = _make_sc_segsum()
    sc_deg = _make_sc_deg()
    src2 = edge_index[0].astype(jnp.int32).reshape(_E // _CH, _CH)
    dst2 = edge_index[1].astype(jnp.int32).reshape(_E // _CH, _CH)
    cb = b_curvature.reshape(1, 1)
    be2 = be.reshape(2, 1, _D)
    bb2 = bb.reshape(2, 1, _D)
    bs2 = bs.reshape(2, 1, _D)
    zrows = jnp.zeros((_SLAB_LAST, _D), jnp.float32)
    zdeg = jnp.zeros((_SLAB_LAST, 16), jnp.float32)
    ones = jnp.ones((_CH, 16), jnp.float32)

    tb0, ts0 = _tc_prologue(cb, b_emb, s_emb, Ws[0], bs2[0])
    deg2 = sc_deg(dst2, zdeg, ones)
    se0 = sc_seg(e_emb, src2, dst2, zrows)
    sb0 = sc_seg(tb0, src2, dst2, zrows)
    ss0 = sc_seg(ts0, src2, dst2, zrows)
    e1, tb1, ts1 = _tc_mid(cb, se0, sb0, ss0, deg2,
                           We[0], be2[0], Wb[0], bb2[0], Ws[1], bs2[1])
    se1 = sc_seg(e1, src2, dst2, zrows)
    sb1 = sc_seg(tb1, src2, dst2, zrows)
    ss1 = sc_seg(ts1, src2, dst2, zrows)
    e2, b2, s2 = _tc_epilogue(cb, se1, sb1, ss1, deg2,
                              We[1], be2[1], Wb[1], bb2[1])
    return (e2, b2, s2)

# --- scband reference (transcript-rebuilt; emitter-appended) ---
"""Pipeline reference for scband-apsdg-47596827574579 (READ-ONLY COPY).

The authoritative reference and input builder live on the scoring server;
editing this copy changes nothing except your own understanding.
"""

import jax, jax.numpy as jnp
import numpy as np

N = 10000
E = 320000
D = 128
L = 2


def mobius_addition(x, y, c):
    xy = jnp.sum(x * y, axis=-1, keepdims=True)
    xn = jnp.sum(x ** 2, axis=-1, keepdims=True)
    yn = jnp.sum(y ** 2, axis=-1, keepdims=True)
    num = (1 + 2 * c * xy + c * yn) * x + (1 - c * xn) * y
    den = 1 + 2 * c * xy + c * c * xn * yn
    return num / den


def exp_map(x, v, c):
    vn = jnp.linalg.norm(v, axis=-1, keepdims=True)
    second = jnp.tanh(jnp.sqrt(c) * vn / 2) * v / (jnp.sqrt(c) * vn)
    return mobius_addition(x, second, c)


def log_map(x, y, c):
    add = mobius_addition(-x, y, c)
    an = jnp.linalg.norm(add, axis=-1, keepdims=True)
    return 2 / jnp.sqrt(c) * jnp.arctanh(jnp.sqrt(c) * an) * add / an


def l2_normalize(x):
    n = jnp.linalg.norm(x, axis=1, keepdims=True)
    return x / jnp.maximum(n, 1e-12)


def mean_agg(h, src, dst, n):
    s = jax.ops.segment_sum(h[src], dst, num_segments=n)
    deg = jax.ops.segment_sum(jnp.ones((src.shape[0], 1), h.dtype), dst, num_segments=n)
    return s / jnp.maximum(deg, 1.0)


def setup_inputs(seed: int = 0):
    key = jax.random.key(seed)
    ks = jax.random.split(key, 8)
    e_emb = jax.random.normal(ks[0], (N, D), dtype=jnp.float32)
    b_emb = jax.random.uniform(ks[1], (N, D), dtype=jnp.float32) * 0.05
    s_emb = jax.random.normal(ks[2], (N, D), dtype=jnp.float32)
    edge_index = jax.random.randint(ks[3], (2, E), 0, N)
    scale = 1.0 / np.sqrt(D)
    We = jax.random.normal(ks[4], (L, D, D), dtype=jnp.float32) * scale
    be = jnp.zeros((L, D), dtype=jnp.float32)
    Wb = jax.random.normal(ks[5], (L, D, D), dtype=jnp.float32) * scale
    bb = jnp.zeros((L, D), dtype=jnp.float32)
    Ws = jax.random.normal(ks[6], (L, D, D), dtype=jnp.float32) * scale
    bs = jnp.zeros((L, D), dtype=jnp.float32)
    b_curvature = jnp.ones((1,), dtype=jnp.float32)
    s_curvature = jnp.ones((1,), dtype=jnp.float32)
    return {"e_emb": e_emb, "b_emb": b_emb, "s_emb": s_emb, "edge_index": edge_index,
            "We": We, "be": be, "Wb": Wb, "bb": bb, "Ws": Ws, "bs": bs,
            "b_curvature": b_curvature, "s_curvature": s_curvature}


def reference(e_emb, b_emb, s_emb, edge_index, We, be, Wb, bb, Ws, bs, b_curvature, s_curvature):
    src = edge_index[0]
    dst = edge_index[1]
    n = e_emb.shape[0]
    for l in range(L):
        # Euclidean message passing: transform -> copy_u -> mean
        te = e_emb @ We[l].T + be[l]
        ue = mean_agg(te, src, dst, n)
        # Hyperbolic message passing: log_map at origin -> transform -> mean -> exp_map
        origin = jnp.zeros((1, b_emb.shape[1]), dtype=b_emb.dtype)
        tan = log_map(origin, b_emb, b_curvature)
        tb = tan @ Wb[l].T + bb[l]
        nb = mean_agg(tb, src, dst, n)
        ub = exp_map(origin, nb, b_curvature)
        # Spherical message passing: normalize -> transform -> normalize -> mean -> normalize
        ns = l2_normalize(s_emb)
        ts = l2_normalize(ns @ Ws[l].T + bs[l])
        us = l2_normalize(mean_agg(ts, src, dst, n))
        e_emb = jax.nn.leaky_relu(ue, negative_slope=0.2)
        b_emb = ub
        s_emb = us
    return (e_emb, b_emb, s_emb)

if __name__ == "__main__":
    import jax
    _d = setup_inputs()
    print(jax.jit(kernel)(*tuple(_d.values())))

</pallas_src>

<mosaic_0001>
#map = affine_map<(d0, d1) -> (0, 0)>
#map1 = affine_map<(d0, d1) -> (0, 0, 0)>
module attributes {stable_mosaic.version = 14 : i64} {
  func.func @body(%arg0: i32, %arg1: i32, %arg2: memref<10000x128xf32, #tpu.memory_space<hbm>>, %arg3: memref<4000x80xi32, #tpu.memory_space<hbm>>, %arg4: memref<4000x80xi32, #tpu.memory_space<hbm>>, %arg5: memref<640x128xf32, #tpu.memory_space<hbm>>, %arg6: memref<2x10000x128xf32, #tpu.memory_space<hbm>>, %arg7: memref<10000x128xf32, #tpu.memory_space<vmem_shared>>, %arg8: memref<125x80xi32, #tpu.memory_space<vmem>>, %arg9: memref<125x80xi32, #tpu.memory_space<vmem>>, %arg10: memref<80x128xf32, #tpu.memory_space<vmem>>, %arg11: memref<80x128xf32, #tpu.memory_space<vmem>>, %arg12: memref<80x128xf32, #tpu.memory_space<vmem>>, %arg13: memref<!tpu.dma_semaphore, #tpu.memory_space<semaphore_mem>>, %arg14: memref<!tpu.dma_semaphore, #tpu.memory_space<semaphore_mem>>, %arg15: memref<!tpu.dma_semaphore, #tpu.memory_space<semaphore_mem>>, %arg16: memref<!tpu.dma_semaphore, #tpu.memory_space<semaphore_mem>>, %arg17: memref<!tpu.dma_semaphore, #tpu.memory_space<semaphore_mem>>, %arg18: memref<!tpu.dma_semaphore, #tpu.memory_space<semaphore_mem>>) attributes {dimension_semantics = [#tpu.dimension_semantics<core_parallel>, #tpu.dimension_semantics<subcore_parallel>], iteration_bounds = array<i64: 2, 16>, scalar_prefetch = 0 : i64, scratch_operands = 12 : i64, tpu.core_type = #tpu.core_type<sc_vector_subcore>, window_params = [{transform_indices = #map}, {transform_indices = #map}, {transform_indices = #map}, {transform_indices = #map}, {transform_indices = #map1}]} {
    %mul3A = arith.constant 624 : i32
    %mul3A_0 = arith.muli %arg1, %mul3A : i32
    %multiple_of3A = tpu.assume_multiple %mul3A_0, 8 : i32
    %mul3A_1 = arith.constant 16 : i32
    %mul3A_2 = arith.muli %arg0, %mul3A_1 : i32
    %add3A = arith.addi %mul3A_2, %arg1 : i32
    %mul3A_3 = arith.constant 125 : i32
    %mul3A_4 = arith.muli %add3A, %mul3A_3 : i32
    "tpu.region"() ({
      %run_scoped3A = tpu.sem_alloc : memref<!tpu.dma_semaphore, #tpu.memory_space<semaphore_mem>>
      %dma_start3A_46 = arith.constant 0 : i32
      %dma_start3A_47 = tpu.memref_slice %arg3[%mul3A_4, %dma_start3A_46] : memref<4000x80xi32, #tpu.memory_space<hbm>> -> memref<125x80xi32, #tpu.memory_space<hbm>>
      %dma_start3A_48 = arith.constant 0 : i32
      %dma_start3A_49 = tpu.memref_slice %arg3[%mul3A_4, %dma_start3A_48] : memref<4000x80xi32, #tpu.memory_space<hbm>> -> memref<125x80xi32, #tpu.memory_space<hbm>>
      tpu.enqueue_dma source(%dma_start3A_49 : memref<125x80xi32, #tpu.memory_space<hbm>>) target(%arg8 : memref<125x80xi32, #tpu.memory_space<vmem>>) target_semaphore(%run_scoped3A : memref<!tpu.dma_semaphore, #tpu.memory_space<semaphore_mem>>)
      %dma_wait3A_50 = arith.constant 0 : i32
      %dma_wait3A_51 = tpu.memref_slice %arg3[%mul3A_4, %dma_wait3A_50] : memref<4000x80xi32, #tpu.memory_space<hbm>> -> memref<125x80xi32, #tpu.memory_space<hbm>>
      %dma_wait3A_52 = arith.constant 0 : i32
      %dma_wait3A_53 = tpu.memref_slice %arg3[%mul3A_4, %dma_wait3A_52] : memref<4000x80xi32, #tpu.memory_space<hbm>> -> memref<125x80xi32, #tpu.memory_space<hbm>>
      tpu.wait_dma2 semaphore(%run_scoped3A : memref<!tpu.dma_semaphore, #tpu.memory_space<semaphore_mem>>) src(%dma_wait3A_53 : memref<125x80xi32, #tpu.memory_space<hbm>>) dst(%arg8 : memref<125x80xi32, #tpu.memory_space<vmem>>)
      tpu.yield
    }) : () -> ()
    "tpu.region"() ({
      %run_scoped3A = tpu.sem_alloc : memref<!tpu.dma_semaphore, #tpu.memory_space<semaphore_mem>>
      %dma_start3A_46 = arith.constant 0 : i32
      %dma_start3A_47 = tpu.memref_slice %arg4[%mul3A_4, %dma_start3A_46] : memref<4000x80xi32, #tpu.memory_space<hbm>> -> memref<125x80xi32, #tpu.memory_space<hbm>>
      %dma_start3A_48 = arith.constant 0 : i32
      %dma_start3A_49 = tpu.memref_slice %arg4[%mul3A_4, %dma_start3A_48] : memref<4000x80xi32, #tpu.memory_space<hbm>> -> memref<125x80xi32, #tpu.memory_space<hbm>>
      tpu.enqueue_dma source(%dma_start3A_49 : memref<125x80xi32, #tpu.memory_space<hbm>>) target(%arg9 : memref<125x80xi32, #tpu.memory_space<vmem>>) target_semaphore(%run_scoped3A : memref<!tpu.dma_semaphore, #tpu.memory_space<semaphore_mem>>)
      %dma_wait3A_50 = arith.constant 0 : i32
      %dma_wait3A_51 = tpu.memref_slice %arg4[%mul3A_4, %dma_wait3A_50] : memref<4000x80xi32, #tpu.memory_space<hbm>> -> memref<125x80xi32, #tpu.memory_space<hbm>>
      %dma_wait3A_52 = arith.constant 0 : i32
      %dma_wait3A_53 = tpu.memref_slice %arg4[%mul3A_4, %dma_wait3A_52] : memref<4000x80xi32, #tpu.memory_space<hbm>> -> memref<125x80xi32, #tpu.memory_space<hbm>>
      tpu.wait_dma2 semaphore(%run_scoped3A : memref<!tpu.dma_semaphore, #tpu.memory_space<semaphore_mem>>) src(%dma_wait3A_53 : memref<125x80xi32, #tpu.memory_space<hbm>>) dst(%arg9 : memref<125x80xi32, #tpu.memory_space<vmem>>)
      tpu.yield
    }) : () -> ()
    %lt3A = arith.constant 15 : i32
    %lt3A_5 = arith.cmpi slt, %arg1, %lt3A : i32
    %convert_element_type3A = arith.extui %lt3A_5 : i1 to i32
    %cond3A = arith.constant 0 : i32
    %cond3A_6 = arith.cmpi ne, %convert_element_type3A, %cond3A : i32
    scf.if %cond3A_6 {
      "tpu.region"() ({
        %run_scoped3A = tpu.sem_alloc : memref<!tpu.dma_semaphore, #tpu.memory_space<semaphore_mem>>
        %dma_start3A_46 = arith.constant 0 : i32
        %dma_start3A_47 = tpu.memref_slice %arg7[%multiple_of3A, %dma_start3A_46] : memref<10000x128xf32, #tpu.memory_space<vmem_shared>> -> memref<624x128xf32, #tpu.memory_space<vmem_shared>>
        %dma_start3A_48 = arith.constant 0 : i32
        %dma_start3A_49 = arith.constant 0 : i32
        %dma_start3A_50 = tpu.memref_slice %arg5[%dma_start3A_48, %dma_start3A_49] : memref<640x128xf32, #tpu.memory_space<hbm>> -> memref<624x128xf32, #tpu.memory_space<hbm>>
        tpu.enqueue_dma source(%dma_start3A_50 : memref<624x128xf32, #tpu.memory_space<hbm>>) target(%dma_start3A_47 : memref<624x128xf32, #tpu.memory_space<vmem_shared>>) target_semaphore(%run_scoped3A : memref<!tpu.dma_semaphore, #tpu.memory_space<semaphore_mem>>)
        %dma_wait3A_51 = arith.constant 0 : i32
        %dma_wait3A_52 = tpu.memref_slice %arg7[%multiple_of3A, %dma_wait3A_51] : memref<10000x128xf32, #tpu.memory_space<vmem_shared>> -> memref<624x128xf32, #tpu.memory_space<vmem_shared>>
        %dma_wait3A_53 = arith.constant 0 : i32
        %dma_wait3A_54 = arith.constant 0 : i32
        %dma_wait3A_55 = tpu.memref_slice %arg5[%dma_wait3A_53, %dma_wait3A_54] : memref<640x128xf32, #tpu.memory_space<hbm>> -> memref<624x128xf32, #tpu.memory_space<hbm>>
        tpu.wait_dma2 semaphore(%run_scoped3A : memref<!tpu.dma_semaphore, #tpu.memory_space<semaphore_mem>>) src(%dma_wait3A_55 : memref<624x128xf32, #tpu.memory_space<hbm>>) dst(%dma_wait3A_52 : memref<624x128xf32, #tpu.memory_space<vmem_shared>>)
        tpu.yield
      }) : () -> ()
    } else {
    }
    %eq3A = arith.constant 15 : i32
    %eq3A_7 = arith.cmpi eq, %arg1, %eq3A : i32
    %convert_element_type3A_8 = arith.extui %eq3A_7 : i1 to i32
    %cond3A_9 = arith.constant 0 : i32
    %cond3A_10 = arith.cmpi ne, %convert_element_type3A_8, %cond3A_9 : i32
    scf.if %cond3A_10 {
      "tpu.region"() ({
        %run_scoped3A = tpu.sem_alloc : memref<!tpu.dma_semaphore, #tpu.memory_space<semaphore_mem>>
        %dma_start3A_46 = arith.constant 9360 : i32
        %dma_start3A_47 = arith.constant 0 : i32
        %dma_start3A_48 = tpu.memref_slice %arg7[%dma_start3A_46, %dma_start3A_47] : memref<10000x128xf32, #tpu.memory_space<vmem_shared>> -> memref<640x128xf32, #tpu.memory_space<vmem_shared>>
        tpu.enqueue_dma source(%arg5 : memref<640x128xf32, #tpu.memory_space<hbm>>) target(%dma_start3A_48 : memref<640x128xf32, #tpu.memory_space<vmem_shared>>) target_semaphore(%run_scoped3A : memref<!tpu.dma_semaphore, #tpu.memory_space<semaphore_mem>>)
        %dma_wait3A_49 = arith.constant 9360 : i32
        %dma_wait3A_50 = arith.constant 0 : i32
        %dma_wait3A_51 = tpu.memref_slice %arg7[%dma_wait3A_49, %dma_wait3A_50] : memref<10000x128xf32, #tpu.memory_space<vmem_shared>> -> memref<640x128xf32, #tpu.memory_space<vmem_shared>>
        tpu.wait_dma2 semaphore(%run_scoped3A : memref<!tpu.dma_semaphore, #tpu.memory_space<semaphore_mem>>) src(%arg5 : memref<640x128xf32, #tpu.memory_space<hbm>>) dst(%dma_wait3A_51 : memref<640x128xf32, #tpu.memory_space<vmem_shared>>)
        tpu.yield
      }) : () -> ()
    } else {
    }
    %barrier3A = arith.constant 0 : index
    tpu.barrier barrier_id(%barrier3A)
    %dma_start3A = arith.constant 0 : i32
    %dma_start3A_11 = arith.constant 0 : i32
    %dma_start3A_12 = tpu.memref_slice %arg8[%dma_start3A, %dma_start3A_11] : memref<125x80xi32, #tpu.memory_space<vmem>> -> memref<1x80xi32, #tpu.memory_space<vmem>>
    %dma_start3A_13 = tpu.memref_squeeze %dma_start3A_12 : memref<1x80xi32, #tpu.memory_space<vmem>> -> memref<80xi32, #tpu.memory_space<vmem>>
    %dma_start3A_14 = arith.constant 0 : i32
    %dma_start3A_15 = arith.constant 0 : i32
    %dma_start3A_16 = tpu.memref_slice %arg2[%dma_start3A_14, %dma_start3A_15] : memref<10000x128xf32, #tpu.memory_space<hbm>> -> memref<10000x128xf32, #tpu.memory_space<hbm>>
    tpu.enqueue_indirect_dma source(%dma_start3A_16 : memref<10000x128xf32, #tpu.memory_space<hbm>>) target(%arg10 : memref<80x128xf32, #tpu.memory_space<vmem>>) offsets(%dma_start3A_13 : memref<80xi32, #tpu.memory_space<vmem>>) semaphore(%arg13 : memref<!tpu.dma_semaphore, #tpu.memory_space<semaphore_mem>>)
    %dma_start3A_17 = arith.constant 1 : i32
    %dma_start3A_18 = arith.constant 0 : i32
    %dma_start3A_19 = tpu.memref_slice %arg8[%dma_start3A_17, %dma_start3A_18] : memref<125x80xi32, #tpu.memory_space<vmem>> -> memref<1x80xi32, #tpu.memory_space<vmem>>
    %dma_start3A_20 = tpu.memref_squeeze %dma_start3A_19 : memref<1x80xi32, #tpu.memory_space<vmem>> -> memref<80xi32, #tpu.memory_space<vmem>>
    %dma_start3A_21 = arith.constant 0 : i32
    %dma_start3A_22 = arith.constant 0 : i32
    %dma_start3A_23 = tpu.memref_slice %arg2[%dma_start3A_21, %dma_start3A_22] : memref<10000x128xf32, #tpu.memory_space<hbm>> -> memref<10000x128xf32, #tpu.memory_space<hbm>>
    tpu.enqueue_indirect_dma source(%dma_start3A_23 : memref<10000x128xf32, #tpu.memory_space<hbm>>) target(%arg11 : memref<80x128xf32, #tpu.memory_space<vmem>>) offsets(%dma_start3A_20 : memref<80xi32, #tpu.memory_space<vmem>>) semaphore(%arg14 : memref<!tpu.dma_semaphore, #tpu.memory_space<semaphore_mem>>)
    %scan3A = arith.constant 0 : i32
    %scan3A_24 = arith.constant 0 : i32
    %scan3A_25 = arith.constant 125 : i32
    %scan3A_26 = arith.addi %scan3A_24, %scan3A_25 : i32
    %scan3A_27 = arith.constant 1 : i32
    scf.for %scan3A_46 = %scan3A_24 to %scan3A_26 step %scan3A_27  : i32 {
      %jit3A = arith.constant 3 : i32
      %eq3A_47 = arith.constant 0 : i32
      %eq3A_48 = arith.cmpi eq, %jit3A, %eq3A_47 : i32
      %jit3A_49 = arith.constant 1 : i32
      %select_n3A = arith.select %eq3A_48, %jit3A_49, %jit3A : i32
      %rem3A = arith.remsi %scan3A_46, %select_n3A : i32
      %ne3A = arith.constant 0 : i32
      %ne3A_50 = arith.cmpi ne, %rem3A, %ne3A : i32
      %lt3A_51 = arith.constant 0 : i32
      %lt3A_52 = arith.cmpi slt, %rem3A, %lt3A_51 : i32
      %lt3A_53 = arith.constant 0 : i32
      %lt3A_54 = arith.cmpi slt, %select_n3A, %lt3A_53 : i32
      %ne3A_55 = arith.xori %lt3A_52, %lt3A_54 : i1
      %and3A = arith.andi %ne3A_55, %ne3A_50 : i1
      %add3A_56 = arith.addi %rem3A, %select_n3A : i32
      %select_n3A_57 = arith.select %and3A, %add3A_56, %rem3A : i32
      %eq3A_58 = arith.constant 0 : i32
      %eq3A_59 = arith.cmpi eq, %select_n3A_57, %eq3A_58 : i32
      %convert_element_type3A_60 = arith.extui %eq3A_59 : i1 to i32
      %cond3A_61 = arith.constant 0 : i32
      %cond3A_62 = arith.cmpi ne, %convert_element_type3A_60, %cond3A_61 : i32
      scf.if %cond3A_62 {
        %dma_wait3A_265 = arith.constant 0 : i32
        %dma_wait3A_266 = tpu.memref_slice %arg8[%scan3A_46, %dma_wait3A_265] : memref<125x80xi32, #tpu.memory_space<vmem>> -> memref<1x80xi32, #tpu.memory_space<vmem>>
        %dma_wait3A_267 = tpu.memref_squeeze %dma_wait3A_266 : memref<1x80xi32, #tpu.memory_space<vmem>> -> memref<80xi32, #tpu.memory_space<vmem>>
        %dma_wait3A_268 = arith.constant 0 : i32
        %dma_wait3A_269 = arith.constant 0 : i32
        %dma_wait3A_270 = tpu.memref_slice %arg2[%dma_wait3A_268, %dma_wait3A_269] : memref<10000x128xf32, #tpu.memory_space<hbm>> -> memref<10000x128xf32, #tpu.memory_space<hbm>>
        tpu.wait_indirect_dma semaphore(%arg13 : memref<!tpu.dma_semaphore, #tpu.memory_space<semaphore_mem>>) src(%dma_wait3A_270 : memref<10000x128xf32, #tpu.memory_space<hbm>>) dst(%arg10 : memref<80x128xf32, #tpu.memory_space<vmem>>)
        %dma_start3A_271 = arith.constant 0 : i32
        %dma_start3A_272 = tpu.memref_slice %arg9[%scan3A_46, %dma_start3A_271] : memref<125x80xi32, #tpu.memory_space<vmem>> -> memref<1x80xi32, #tpu.memory_space<vmem>>
        %dma_start3A_273 = tpu.memref_squeeze %dma_start3A_272 : memref<1x80xi32, #tpu.memory_space<vmem>> -> memref<80xi32, #tpu.memory_space<vmem>>
        %dma_start3A_274 = arith.constant 0 : i32
        %dma_start3A_275 = arith.constant 0 : i32
        %dma_start3A_276 = tpu.memref_slice %arg7[%dma_start3A_274, %dma_start3A_275] : memref<10000x128xf32, #tpu.memory_space<vmem_shared>> -> memref<10000x128xf32, #tpu.memory_space<vmem_shared>>
        tpu.enqueue_indirect_dma source(%arg10 : memref<80x128xf32, #tpu.memory_space<vmem>>) target(%dma_start3A_276 : memref<10000x128xf32, #tpu.memory_space<vmem_shared>>) offsets(%dma_start3A_273 : memref<80xi32, #tpu.memory_space<vmem>>) semaphore(%arg16 : memref<!tpu.dma_semaphore, #tpu.memory_space<semaphore_mem>>) {add = true}
      } else {
      }
      %jit3A_63 = arith.constant 3 : i32
      %eq3A_64 = arith.constant 0 : i32
      %eq3A_65 = arith.cmpi eq, %jit3A_63, %eq3A_64 : i32
      %jit3A_66 = arith.constant 1 : i32
      %select_n3A_67 = arith.select %eq3A_65, %jit3A_66, %jit3A_63 : i32
      %rem3A_68 = arith.remsi %scan3A_46, %select_n3A_67 : i32
      %ne3A_69 = arith.constant 0 : i32
      %ne3A_70 = arith.cmpi ne, %rem3A_68, %ne3A_69 : i32
      %lt3A_71 = arith.constant 0 : i32
      %lt3A_72 = arith.cmpi slt, %rem3A_68, %lt3A_71 : i32
      %lt3A_73 = arith.constant 0 : i32
      %lt3A_74 = arith.cmpi slt, %select_n3A_67, %lt3A_73 : i32
      %ne3A_75 = arith.xori %lt3A_72, %lt3A_74 : i1
      %and3A_76 = arith.andi %ne3A_75, %ne3A_70 : i1
      %add3A_77 = arith.addi %rem3A_68, %select_n3A_67 : i32
      %select_n3A_78 = arith.select %and3A_76, %add3A_77, %rem3A_68 : i32
      %eq3A_79 = arith.constant 1 : i32
      %eq3A_80 = arith.cmpi eq, %select_n3A_78, %eq3A_79 : i32
      %convert_element_type3A_81 = arith.extui %eq3A_80 : i1 to i32
      %cond3A_82 = arith.constant 0 : i32
      %cond3A_83 = arith.cmpi ne, %convert_element_type3A_81, %cond3A_82 : i32
      scf.if %cond3A_83 {
        %dma_wait3A_265 = arith.constant 0 : i32
        %dma_wait3A_266 = tpu.memref_slice %arg8[%scan3A_46, %dma_wait3A_265] : memref<125x80xi32, #tpu.memory_space<vmem>> -> memref<1x80xi32, #tpu.memory_space<vmem>>
        %dma_wait3A_267 = tpu.memref_squeeze %dma_wait3A_266 : memref<1x80xi32, #tpu.memory_space<vmem>> -> memref<80xi32, #tpu.memory_space<vmem>>
        %dma_wait3A_268 = arith.constant 0 : i32
        %dma_wait3A_269 = arith.constant 0 : i32
        %dma_wait3A_270 = tpu.memref_slice %arg2[%dma_wait3A_268, %dma_wait3A_269] : memref<10000x128xf32, #tpu.memory_space<hbm>> -> memref<10000x128xf32, #tpu.memory_space<hbm>>
        tpu.wait_indirect_dma semaphore(%arg14 : memref<!tpu.dma_semaphore, #tpu.memory_space<semaphore_mem>>) src(%dma_wait3A_270 : memref<10000x128xf32, #tpu.memory_space<hbm>>) dst(%arg11 : memref<80x128xf32, #tpu.memory_space<vmem>>)
        %dma_start3A_271 = arith.constant 0 : i32
        %dma_start3A_272 = tpu.memref_slice %arg9[%scan3A_46, %dma_start3A_271] : memref<125x80xi32, #tpu.memory_space<vmem>> -> memref<1x80xi32, #tpu.memory_space<vmem>>
        %dma_start3A_273 = tpu.memref_squeeze %dma_start3A_272 : memref<1x80xi32, #tpu.memory_space<vmem>> -> memref<80xi32, #tpu.memory_space<vmem>>
        %dma_start3A_274 = arith.constant 0 : i32
        %dma_start3A_275 = arith.constant 0 : i32
        %dma_start3A_276 = tpu.memref_slice %arg7[%dma_start3A_274, %dma_start3A_275] : memref<10000x128xf32, #tpu.memory_space<vmem_shared>> -> memref<10000x128xf32, #tpu.memory_space<vmem_shared>>
        tpu.enqueue_indirect_dma source(%arg11 : memref<80x128xf32, #tpu.memory_space<vmem>>) target(%dma_start3A_276 : memref<10000x128xf32, #tpu.memory_space<vmem_shared>>) offsets(%dma_start3A_273 : memref<80xi32, #tpu.memory_space<vmem>>) semaphore(%arg17 : memref<!tpu.dma_semaphore, #tpu.memory_space<semaphore_mem>>) {add = true}
      } else {
      }
      %jit3A_84 = arith.constant 3 : i32
      %eq3A_85 = arith.constant 0 : i32
      %eq3A_86 = arith.cmpi eq, %jit3A_84, %eq3A_85 : i32
      %jit3A_87 = arith.constant 1 : i32
      %select_n3A_88 = arith.select %eq3A_86, %jit3A_87, %jit3A_84 : i32
      %rem3A_89 = arith.remsi %scan3A_46, %select_n3A_88 : i32
      %ne3A_90 = arith.constant 0 : i32
      %ne3A_91 = arith.cmpi ne, %rem3A_89, %ne3A_90 : i32
      %lt3A_92 = arith.constant 0 : i32
      %lt3A_93 = arith.cmpi slt, %rem3A_89, %lt3A_92 : i32
      %lt3A_94 = arith.constant 0 : i32
      %lt3A_95 = arith.cmpi slt, %select_n3A_88, %lt3A_94 : i32
      %ne3A_96 = arith.xori %lt3A_93, %lt3A_95 : i1
      %and3A_97 = arith.andi %ne3A_96, %ne3A_91 : i1
      %add3A_98 = arith.addi %rem3A_89, %select_n3A_88 : i32
      %select_n3A_99 = arith.select %and3A_97, %add3A_98, %rem3A_89 : i32
      %eq3A_100 = arith.constant 2 : i32
      %eq3A_101 = arith.cmpi eq, %select_n3A_99, %eq3A_100 : i32
      %convert_element_type3A_102 = arith.extui %eq3A_101 : i1 to i32
      %cond3A_103 = arith.constant 0 : i32
      %cond3A_104 = arith.cmpi ne, %convert_element_type3A_102, %cond3A_103 : i32
      scf.if %cond3A_104 {
        %dma_wait3A_265 = arith.constant 0 : i32
        %dma_wait3A_266 = tpu.memref_slice %arg8[%scan3A_46, %dma_wait3A_265] : memref<125x80xi32, #tpu.memory_space<vmem>> -> memref<1x80xi32, #tpu.memory_space<vmem>>
        %dma_wait3A_267 = tpu.memref_squeeze %dma_wait3A_266 : memref<1x80xi32, #tpu.memory_space<vmem>> -> memref<80xi32, #tpu.memory_space<vmem>>
        %dma_wait3A_268 = arith.constant 0 : i32
        %dma_wait3A_269 = arith.constant 0 : i32
        %dma_wait3A_270 = tpu.memref_slice %arg2[%dma_wait3A_268, %dma_wait3A_269] : memref<10000x128xf32, #tpu.memory_space<hbm>> -> memref<10000x128xf32, #tpu.memory_space<hbm>>
        tpu.wait_indirect_dma semaphore(%arg15 : memref<!tpu.dma_semaphore, #tpu.memory_space<semaphore_mem>>) src(%dma_wait3A_270 : memref<10000x128xf32, #tpu.memory_space<hbm>>) dst(%arg12 : memref<80x128xf32, #tpu.memory_space<vmem>>)
        %dma_start3A_271 = arith.constant 0 : i32
        %dma_start3A_272 = tpu.memref_slice %arg9[%scan3A_46, %dma_start3A_271] : memref<125x80xi32, #tpu.memory_space<vmem>> -> memref<1x80xi32, #tpu.memory_space<vmem>>
        %dma_start3A_273 = tpu.memref_squeeze %dma_start3A_272 : memref<1x80xi32, #tpu.memory_space<vmem>> -> memref<80xi32, #tpu.memory_space<vmem>>
        %dma_start3A_274 = arith.constant 0 : i32
        %dma_start3A_275 = arith.constant 0 : i32
        %dma_start3A_276 = tpu.memref_slice %arg7[%dma_start3A_274, %dma_start3A_275] : memref<10000x128xf32, #tpu.memory_space<vmem_shared>> -> memref<10000x128xf32, #tpu.memory_space<vmem_shared>>
        tpu.enqueue_indirect_dma source(%arg12 : memref<80x128xf32, #tpu.memory_space<vmem>>) target(%dma_start3A_276 : memref<10000x128xf32, #tpu.memory_space<vmem_shared>>) offsets(%dma_start3A_273 : memref<80xi32, #tpu.memory_space<vmem>>) semaphore(%arg18 : memref<!tpu.dma_semaphore, #tpu.memory_space<semaphore_mem>>) {add = true}
      } else {
      }
      %ge3A = arith.constant 1 : i32
      %ge3A_105 = arith.cmpi sge, %scan3A_46, %ge3A : i32
      %sub3A = arith.constant 1 : i32
      %sub3A_106 = arith.subi %scan3A_46, %sub3A : i32
      %jit3A_107 = arith.constant 3 : i32
      %eq3A_108 = arith.constant 0 : i32
      %eq3A_109 = arith.cmpi eq, %jit3A_107, %eq3A_108 : i32
      %jit3A_110 = arith.constant 1 : i32
      %select_n3A_111 = arith.select %eq3A_109, %jit3A_110, %jit3A_107 : i32
      %rem3A_112 = arith.remsi %sub3A_106, %select_n3A_111 : i32
      %ne3A_113 = arith.constant 0 : i32
      %ne3A_114 = arith.cmpi ne, %rem3A_112, %ne3A_113 : i32
      %lt3A_115 = arith.constant 0 : i32
      %lt3A_116 = arith.cmpi slt, %rem3A_112, %lt3A_115 : i32
      %lt3A_117 = arith.constant 0 : i32
      %lt3A_118 = arith.cmpi slt, %select_n3A_111, %lt3A_117 : i32
      %ne3A_119 = arith.xori %lt3A_116, %lt3A_118 : i1
      %and3A_120 = arith.andi %ne3A_119, %ne3A_114 : i1
      %add3A_121 = arith.addi %rem3A_112, %select_n3A_111 : i32
      %select_n3A_122 = arith.select %and3A_120, %add3A_121, %rem3A_112 : i32
      %eq3A_123 = arith.constant 0 : i32
      %eq3A_124 = arith.cmpi eq, %select_n3A_122, %eq3A_123 : i32
      %and3A_125 = arith.andi %ge3A_105, %eq3A_124 : i1
      %convert_element_type3A_126 = arith.extui %and3A_125 : i1 to i32
      %cond3A_127 = arith.constant 0 : i32
      %cond3A_128 = arith.cmpi ne, %convert_element_type3A_126, %cond3A_127 : i32
      scf.if %cond3A_128 {
        %dma_wait3A_265 = arith.constant 0 : i32
        %dma_wait3A_266 = arith.constant 0 : i32
        %dma_wait3A_267 = tpu.memref_slice %arg9[%dma_wait3A_265, %dma_wait3A_266] : memref<125x80xi32, #tpu.memory_space<vmem>> -> memref<1x80xi32, #tpu.memory_space<vmem>>
        %dma_wait3A_268 = tpu.memref_squeeze %dma_wait3A_267 : memref<1x80xi32, #tpu.memory_space<vmem>> -> memref<80xi32, #tpu.memory_space<vmem>>
        %dma_wait3A_269 = arith.constant 0 : i32
        %dma_wait3A_270 = arith.constant 0 : i32
        %dma_wait3A_271 = tpu.memref_slice %arg7[%dma_wait3A_269, %dma_wait3A_270] : memref<10000x128xf32, #tpu.memory_space<vmem_shared>> -> memref<10000x128xf32, #tpu.memory_space<vmem_shared>>
        tpu.wait_indirect_dma semaphore(%arg16 : memref<!tpu.dma_semaphore, #tpu.memory_space<semaphore_mem>>) src(%arg10 : memref<80x128xf32, #tpu.memory_space<vmem>>) dst(%dma_wait3A_271 : memref<10000x128xf32, #tpu.memory_space<vmem_shared>>)
      } else {
      }
      %ge3A_129 = arith.constant 1 : i32
      %ge3A_130 = arith.cmpi sge, %scan3A_46, %ge3A_129 : i32
      %sub3A_131 = arith.constant 1 : i32
      %sub3A_132 = arith.subi %scan3A_46, %sub3A_131 : i32
      %jit3A_133 = arith.constant 3 : i32
      %eq3A_134 = arith.constant 0 : i32
      %eq3A_135 = arith.cmpi eq, %jit3A_133, %eq3A_134 : i32
      %jit3A_136 = arith.constant 1 : i32
      %select_n3A_137 = arith.select %eq3A_135, %jit3A_136, %jit3A_133 : i32
      %rem3A_138 = arith.remsi %sub3A_132, %select_n3A_137 : i32
      %ne3A_139 = arith.constant 0 : i32
      %ne3A_140 = arith.cmpi ne, %rem3A_138, %ne3A_139 : i32
      %lt3A_141 = arith.constant 0 : i32
      %lt3A_142 = arith.cmpi slt, %rem3A_138, %lt3A_141 : i32
      %lt3A_143 = arith.constant 0 : i32
      %lt3A_144 = arith.cmpi slt, %select_n3A_137, %lt3A_143 : i32
      %ne3A_145 = arith.xori %lt3A_142, %lt3A_144 : i1
      %and3A_146 = arith.andi %ne3A_145, %ne3A_140 : i1
      %add3A_147 = arith.addi %rem3A_138, %select_n3A_137 : i32
      %select_n3A_148 = arith.select %and3A_146, %add3A_147, %rem3A_138 : i32
      %eq3A_149 = arith.constant 1 : i32
      %eq3A_150 = arith.cmpi eq, %select_n3A_148, %eq3A_149 : i32
      %and3A_151 = arith.andi %ge3A_130, %eq3A_150 : i1
      %convert_element_type3A_152 = arith.extui %and3A_151 : i1 to i32
      %cond3A_153 = arith.constant 0 : i32
      %cond3A_154 = arith.cmpi ne, %convert_element_type3A_152, %cond3A_153 : i32
      scf.if %cond3A_154 {
        %dma_wait3A_265 = arith.constant 0 : i32
        %dma_wait3A_266 = arith.constant 0 : i32
        %dma_wait3A_267 = tpu.memref_slice %arg9[%dma_wait3A_265, %dma_wait3A_266] : memref<125x80xi32, #tpu.memory_space<vmem>> -> memref<1x80xi32, #tpu.memory_space<vmem>>
        %dma_wait3A_268 = tpu.memref_squeeze %dma_wait3A_267 : memref<1x80xi32, #tpu.memory_space<vmem>> -> memref<80xi32, #tpu.memory_space<vmem>>
        %dma_wait3A_269 = arith.constant 0 : i32
        %dma_wait3A_270 = arith.constant 0 : i32
        %dma_wait3A_271 = tpu.memref_slice %arg7[%dma_wait3A_269, %dma_wait3A_270] : memref<10000x128xf32, #tpu.memory_space<vmem_shared>> -> memref<10000x128xf32, #tpu.memory_space<vmem_shared>>
        tpu.wait_indirect_dma semaphore(%arg17 : memref<!tpu.dma_semaphore, #tpu.memory_space<semaphore_mem>>) src(%arg11 : memref<80x128xf32, #tpu.memory_space<vmem>>) dst(%dma_wait3A_271 : memref<10000x128xf32, #tpu.memory_space<vmem_shared>>)
      } else {
      }
      %ge3A_155 = arith.constant 1 : i32
      %ge3A_156 = arith.cmpi sge, %scan3A_46, %ge3A_155 : i32
      %sub3A_157 = arith.constant 1 : i32
      %sub3A_158 = arith.subi %scan3A_46, %sub3A_157 : i32
      %jit3A_159 = arith.constant 3 : i32
      %eq3A_160 = arith.constant 0 : i32
      %eq3A_161 = arith.cmpi eq, %jit3A_159, %eq3A_160 : i32
      %jit3A_162 = arith.constant 1 : i32
      %select_n3A_163 = arith.select %eq3A_161, %jit3A_162, %jit3A_159 : i32
      %rem3A_164 = arith.remsi %sub3A_158, %select_n3A_163 : i32
      %ne3A_165 = arith.constant 0 : i32
      %ne3A_166 = arith.cmpi ne, %rem3A_164, %ne3A_165 : i32
      %lt3A_167 = arith.constant 0 : i32
      %lt3A_168 = arith.cmpi slt, %rem3A_164, %lt3A_167 : i32
      %lt3A_169 = arith.constant 0 : i32
      %lt3A_170 = arith.cmpi slt, %select_n3A_163, %lt3A_169 : i32
      %ne3A_171 = arith.xori %lt3A_168, %lt3A_170 : i1
      %and3A_172 = arith.andi %ne3A_171, %ne3A_166 : i1
      %add3A_173 = arith.addi %rem3A_164, %select_n3A_163 : i32
      %select_n3A_174 = arith.select %and3A_172, %add3A_173, %rem3A_164 : i32
      %eq3A_175 = arith.constant 2 : i32
      %eq3A_176 = arith.cmpi eq, %select_n3A_174, %eq3A_175 : i32
      %and3A_177 = arith.andi %ge3A_156, %eq3A_176 : i1
      %convert_element_type3A_178 = arith.extui %and3A_177 : i1 to i32
      %cond3A_179 = arith.constant 0 : i32
      %cond3A_180 = arith.cmpi ne, %convert_element_type3A_178, %cond3A_179 : i32
      scf.if %cond3A_180 {
        %dma_wait3A_265 = arith.constant 0 : i32
        %dma_wait3A_266 = arith.constant 0 : i32
        %dma_wait3A_267 = tpu.memref_slice %arg9[%dma_wait3A_265, %dma_wait3A_266] : memref<125x80xi32, #tpu.memory_space<vmem>> -> memref<1x80xi32, #tpu.memory_space<vmem>>
        %dma_wait3A_268 = tpu.memref_squeeze %dma_wait3A_267 : memref<1x80xi32, #tpu.memory_space<vmem>> -> memref<80xi32, #tpu.memory_space<vmem>>
        %dma_wait3A_269 = arith.constant 0 : i32
        %dma_wait3A_270 = arith.constant 0 : i32
        %dma_wait3A_271 = tpu.memref_slice %arg7[%dma_wait3A_269, %dma_wait3A_270] : memref<10000x128xf32, #tpu.memory_space<vmem_shared>> -> memref<10000x128xf32, #tpu.memory_space<vmem_shared>>
        tpu.wait_indirect_dma semaphore(%arg18 : memref<!tpu.dma_semaphore, #tpu.memory_space<semaphore_mem>>) src(%arg12 : memref<80x128xf32, #tpu.memory_space<vmem>>) dst(%dma_wait3A_271 : memref<10000x128xf32, #tpu.memory_space<vmem_shared>>)
      } else {
      }
      %add3A_181 = arith.constant 2 : i32
      %add3A_182 = arith.addi %scan3A_46, %add3A_181 : i32
      %lt3A_183 = arith.constant 125 : i32
      %lt3A_184 = arith.cmpi slt, %add3A_182, %lt3A_183 : i32
      %add3A_185 = arith.constant 2 : i32
      %add3A_186 = arith.addi %scan3A_46, %add3A_185 : i32
      %jit3A_187 = arith.constant 3 : i32
      %eq3A_188 = arith.constant 0 : i32
      %eq3A_189 = arith.cmpi eq, %jit3A_187, %eq3A_188 : i32
      %jit3A_190 = arith.constant 1 : i32
      %select_n3A_191 = arith.select %eq3A_189, %jit3A_190, %jit3A_187 : i32
      %rem3A_192 = arith.remsi %add3A_186, %select_n3A_191 : i32
      %ne3A_193 = arith.constant 0 : i32
      %ne3A_194 = arith.cmpi ne, %rem3A_192, %ne3A_193 : i32
      %lt3A_195 = arith.constant 0 : i32
      %lt3A_196 = arith.cmpi slt, %rem3A_192, %lt3A_195 : i32
      %lt3A_197 = arith.constant 0 : i32
      %lt3A_198 = arith.cmpi slt, %select_n3A_191, %lt3A_197 : i32
      %ne3A_199 = arith.xori %lt3A_196, %lt3A_198 : i1
      %and3A_200 = arith.andi %ne3A_199, %ne3A_194 : i1
      %add3A_201 = arith.addi %rem3A_192, %select_n3A_191 : i32
      %select_n3A_202 = arith.select %and3A_200, %add3A_201, %rem3A_192 : i32
      %eq3A_203 = arith.constant 0 : i32
      %eq3A_204 = arith.cmpi eq, %select_n3A_202, %eq3A_203 : i32
      %and3A_205 = arith.andi %lt3A_184, %eq3A_204 : i1
      %convert_element_type3A_206 = arith.extui %and3A_205 : i1 to i32
      %cond3A_207 = arith.constant 0 : i32
      %cond3A_208 = arith.cmpi ne, %convert_element_type3A_206, %cond3A_207 : i32
      scf.if %cond3A_208 {
        %add3A_265 = arith.constant 2 : i32
        %add3A_266 = arith.addi %scan3A_46, %add3A_265 : i32
        %dma_start3A_267 = arith.constant 0 : i32
        %dma_start3A_268 = tpu.memref_slice %arg8[%add3A_266, %dma_start3A_267] : memref<125x80xi32, #tpu.memory_space<vmem>> -> memref<1x80xi32, #tpu.memory_space<vmem>>
        %dma_start3A_269 = tpu.memref_squeeze %dma_start3A_268 : memref<1x80xi32, #tpu.memory_space<vmem>> -> memref<80xi32, #tpu.memory_space<vmem>>
        %dma_start3A_270 = arith.constant 0 : i32
        %dma_start3A_271 = arith.constant 0 : i32
        %dma_start3A_272 = tpu.memref_slice %arg2[%dma_start3A_270, %dma_start3A_271] : memref<10000x128xf32, #tpu.memory_space<hbm>> -> memref<10000x128xf32, #tpu.memory_space<hbm>>
        tpu.enqueue_indirect_dma source(%dma_start3A_272 : memref<10000x128xf32, #tpu.memory_space<hbm>>) target(%arg10 : memref<80x128xf32, #tpu.memory_space<vmem>>) offsets(%dma_start3A_269 : memref<80xi32, #tpu.memory_space<vmem>>) semaphore(%arg13 : memref<!tpu.dma_semaphore, #tpu.memory_space<semaphore_mem>>)
      } else {
      }
      %add3A_209 = arith.constant 2 : i32
      %add3A_210 = arith.addi %scan3A_46, %add3A_209 : i32
      %lt3A_211 = arith.constant 125 : i32
      %lt3A_212 = arith.cmpi slt, %add3A_210, %lt3A_211 : i32
      %add3A_213 = arith.constant 2 : i32
      %add3A_214 = arith.addi %scan3A_46, %add3A_213 : i32
      %jit3A_215 = arith.constant 3 : i32
      %eq3A_216 = arith.constant 0 : i32
      %eq3A_217 = arith.cmpi eq, %jit3A_215, %eq3A_216 : i32
      %jit3A_218 = arith.constant 1 : i32
      %select_n3A_219 = arith.select %eq3A_217, %jit3A_218, %jit3A_215 : i32
      %rem3A_220 = arith.remsi %add3A_214, %select_n3A_219 : i32
      %ne3A_221 = arith.constant 0 : i32
      %ne3A_222 = arith.cmpi ne, %rem3A_220, %ne3A_221 : i32
      %lt3A_223 = arith.constant 0 : i32
      %lt3A_224 = arith.cmpi slt, %rem3A_220, %lt3A_223 : i32
      %lt3A_225 = arith.constant 0 : i32
      %lt3A_226 = arith.cmpi slt, %select_n3A_219, %lt3A_225 : i32
      %ne3A_227 = arith.xori %lt3A_224, %lt3A_226 : i1
      %and3A_228 = arith.andi %ne3A_227, %ne3A_222 : i1
      %add3A_229 = arith.addi %rem3A_220, %select_n3A_219 : i32
      %select_n3A_230 = arith.select %and3A_228, %add3A_229, %rem3A_220 : i32
      %eq3A_231 = arith.constant 1 : i32
      %eq3A_232 = arith.cmpi eq, %select_n3A_230, %eq3A_231 : i32
      %and3A_233 = arith.andi %lt3A_212, %eq3A_232 : i1
      %convert_element_type3A_234 = arith.extui %and3A_233 : i1 to i32
      %cond3A_235 = arith.constant 0 : i32
      %cond3A_236 = arith.cmpi ne, %convert_element_type3A_234, %cond3A_235 : i32
      scf.if %cond3A_236 {
        %add3A_265 = arith.constant 2 : i32
        %add3A_266 = arith.addi %scan3A_46, %add3A_265 : i32
        %dma_start3A_267 = arith.constant 0 : i32
        %dma_start3A_268 = tpu.memref_slice %arg8[%add3A_266, %dma_start3A_267] : memref<125x80xi32, #tpu.memory_space<vmem>> -> memref<1x80xi32, #tpu.memory_space<vmem>>
        %dma_start3A_269 = tpu.memref_squeeze %dma_start3A_268 : memref<1x80xi32, #tpu.memory_space<vmem>> -> memref<80xi32, #tpu.memory_space<vmem>>
        %dma_start3A_270 = arith.constant 0 : i32
        %dma_start3A_271 = arith.constant 0 : i32
        %dma_start3A_272 = tpu.memref_slice %arg2[%dma_start3A_270, %dma_start3A_271] : memref<10000x128xf32, #tpu.memory_space<hbm>> -> memref<10000x128xf32, #tpu.memory_space<hbm>>
        tpu.enqueue_indirect_dma source(%dma_start3A_272 : memref<10000x128xf32, #tpu.memory_space<hbm>>) target(%arg11 : memref<80x128xf32, #tpu.memory_space<vmem>>) offsets(%dma_start3A_269 : memref<80xi32, #tpu.memory_space<vmem>>) semaphore(%arg14 : memref<!tpu.dma_semaphore, #tpu.memory_space<semaphore_mem>>)
      } else {
      }
      %add3A_237 = arith.constant 2 : i32
      %add3A_238 = arith.addi %scan3A_46, %add3A_237 : i32
      %lt3A_239 = arith.constant 125 : i32
      %lt3A_240 = arith.cmpi slt, %add3A_238, %lt3A_239 : i32
      %add3A_241 = arith.constant 2 : i32
      %add3A_242 = arith.addi %scan3A_46, %add3A_241 : i32
      %jit3A_243 = arith.constant 3 : i32
      %eq3A_244 = arith.constant 0 : i32
      %eq3A_245 = arith.cmpi eq, %jit3A_243, %eq3A_244 : i32
      %jit3A_246 = arith.constant 1 : i32
      %select_n3A_247 = arith.select %eq3A_245, %jit3A_246, %jit3A_243 : i32
      %rem3A_248 = arith.remsi %add3A_242, %select_n3A_247 : i32
      %ne3A_249 = arith.constant 0 : i32
      %ne3A_250 = arith.cmpi ne, %rem3A_248, %ne3A_249 : i32
      %lt3A_251 = arith.constant 0 : i32
      %lt3A_252 = arith.cmpi slt, %rem3A_248, %lt3A_251 : i32
      %lt3A_253 = arith.constant 0 : i32
      %lt3A_254 = arith.cmpi slt, %select_n3A_247, %lt3A_253 : i32
      %ne3A_255 = arith.xori %lt3A_252, %lt3A_254 : i1
      %and3A_256 = arith.andi %ne3A_255, %ne3A_250 : i1
      %add3A_257 = arith.addi %rem3A_248, %select_n3A_247 : i32
      %select_n3A_258 = arith.select %and3A_256, %add3A_257, %rem3A_248 : i32
      %eq3A_259 = arith.constant 2 : i32
      %eq3A_260 = arith.cmpi eq, %select_n3A_258, %eq3A_259 : i32
      %and3A_261 = arith.andi %lt3A_240, %eq3A_260 : i1
      %convert_element_type3A_262 = arith.extui %and3A_261 : i1 to i32
      %cond3A_263 = arith.constant 0 : i32
      %cond3A_264 = arith.cmpi ne, %convert_element_type3A_262, %cond3A_263 : i32
      scf.if %cond3A_264 {
        %add3A_265 = arith.constant 2 : i32
        %add3A_266 = arith.addi %scan3A_46, %add3A_265 : i32
        %dma_start3A_267 = arith.constant 0 : i32
        %dma_start3A_268 = tpu.memref_slice %arg8[%add3A_266, %dma_start3A_267] : memref<125x80xi32, #tpu.memory_space<vmem>> -> memref<1x80xi32, #tpu.memory_space<vmem>>
        %dma_start3A_269 = tpu.memref_squeeze %dma_start3A_268 : memref<1x80xi32, #tpu.memory_space<vmem>> -> memref<80xi32, #tpu.memory_space<vmem>>
        %dma_start3A_270 = arith.constant 0 : i32
        %dma_start3A_271 = arith.constant 0 : i32
        %dma_start3A_272 = tpu.memref_slice %arg2[%dma_start3A_270, %dma_start3A_271] : memref<10000x128xf32, #tpu.memory_space<hbm>> -> memref<10000x128xf32, #tpu.memory_space<hbm>>
        tpu.enqueue_indirect_dma source(%dma_start3A_272 : memref<10000x128xf32, #tpu.memory_space<hbm>>) target(%arg12 : memref<80x128xf32, #tpu.memory_space<vmem>>) offsets(%dma_start3A_269 : memref<80xi32, #tpu.memory_space<vmem>>) semaphore(%arg15 : memref<!tpu.dma_semaphore, #tpu.memory_space<semaphore_mem>>)
      } else {
      }
    }
    %scan3A_28 = arith.constant 125 : i32
    %dma_wait3A = arith.constant 0 : i32
    %dma_wait3A_29 = arith.constant 0 : i32
    %dma_wait3A_30 = tpu.memref_slice %arg9[%dma_wait3A, %dma_wait3A_29] : memref<125x80xi32, #tpu.memory_space<vmem>> -> memref<1x80xi32, #tpu.memory_space<vmem>>
    %dma_wait3A_31 = tpu.memref_squeeze %dma_wait3A_30 : memref<1x80xi32, #tpu.memory_space<vmem>> -> memref<80xi32, #tpu.memory_space<vmem>>
    %dma_wait3A_32 = arith.constant 0 : i32
    %dma_wait3A_33 = arith.constant 0 : i32
    %dma_wait3A_34 = tpu.memref_slice %arg7[%dma_wait3A_32, %dma_wait3A_33] : memref<10000x128xf32, #tpu.memory_space<vmem_shared>> -> memref<10000x128xf32, #tpu.memory_space<vmem_shared>>
    tpu.wait_indirect_dma semaphore(%arg17 : memref<!tpu.dma_semaphore, #tpu.memory_space<semaphore_mem>>) src(%arg11 : memref<80x128xf32, #tpu.memory_space<vmem>>) dst(%dma_wait3A_34 : memref<10000x128xf32, #tpu.memory_space<vmem_shared>>)
    %barrier3A_35 = arith.constant 0 : index
    tpu.barrier barrier_id(%barrier3A_35)
    %lt3A_36 = arith.constant 15 : i32
    %lt3A_37 = arith.cmpi slt, %arg1, %lt3A_36 : i32
    %convert_element_type3A_38 = arith.extui %lt3A_37 : i1 to i32
    %cond3A_39 = arith.constant 0 : i32
    %cond3A_40 = arith.cmpi ne, %convert_element_type3A_38, %cond3A_39 : i32
    scf.if %cond3A_40 {
      "tpu.region"() ({
        %run_scoped3A = tpu.sem_alloc : memref<!tpu.dma_semaphore, #tpu.memory_space<semaphore_mem>>
        %dma_start3A_46 = arith.constant 0 : i32
        %dma_start3A_47 = tpu.memref_slice %arg6[%arg0, %multiple_of3A, %dma_start3A_46] : memref<2x10000x128xf32, #tpu.memory_space<hbm>> -> memref<1x624x128xf32, #tpu.memory_space<hbm>>
        %dma_start3A_48 = tpu.memref_squeeze %dma_start3A_47 : memref<1x624x128xf32, #tpu.memory_space<hbm>> -> memref<624x128xf32, #tpu.memory_space<hbm>>
        %dma_start3A_49 = arith.constant 0 : i32
        %dma_start3A_50 = tpu.memref_slice %arg7[%multiple_of3A, %dma_start3A_49] : memref<10000x128xf32, #tpu.memory_space<vmem_shared>> -> memref<624x128xf32, #tpu.memory_space<vmem_shared>>
        tpu.enqueue_dma source(%dma_start3A_50 : memref<624x128xf32, #tpu.memory_space<vmem_shared>>) target(%dma_start3A_48 : memref<624x128xf32, #tpu.memory_space<hbm>>) target_semaphore(%run_scoped3A : memref<!tpu.dma_semaphore, #tpu.memory_space<semaphore_mem>>)
        %dma_wait3A_51 = arith.constant 0 : i32
        %dma_wait3A_52 = tpu.memref_slice %arg6[%arg0, %multiple_of3A, %dma_wait3A_51] : memref<2x10000x128xf32, #tpu.memory_space<hbm>> -> memref<1x624x128xf32, #tpu.memory_space<hbm>>
        %dma_wait3A_53 = tpu.memref_squeeze %dma_wait3A_52 : memref<1x624x128xf32, #tpu.memory_space<hbm>> -> memref<624x128xf32, #tpu.memory_space<hbm>>
        %dma_wait3A_54 = arith.constant 0 : i32
        %dma_wait3A_55 = tpu.memref_slice %arg7[%multiple_of3A, %dma_wait3A_54] : memref<10000x128xf32, #tpu.memory_space<vmem_shared>> -> memref<624x128xf32, #tpu.memory_space<vmem_shared>>
        tpu.wait_dma2 semaphore(%run_scoped3A : memref<!tpu.dma_semaphore, #tpu.memory_space<semaphore_mem>>) src(%dma_wait3A_55 : memref<624x128xf32, #tpu.memory_space<vmem_shared>>) dst(%dma_wait3A_53 : memref<624x128xf32, #tpu.memory_space<hbm>>)
        tpu.yield
      }) : () -> ()
    } else {
    }
    %eq3A_41 = arith.constant 15 : i32
    %eq3A_42 = arith.cmpi eq, %arg1, %eq3A_41 : i32
    %convert_element_type3A_43 = arith.extui %eq3A_42 : i1 to i32
    %cond3A_44 = arith.constant 0 : i32
    %cond3A_45 = arith.cmpi ne, %convert_element_type3A_43, %cond3A_44 : i32
    scf.if %cond3A_45 {
      "tpu.region"() ({
        %run_scoped3A = tpu.sem_alloc : memref<!tpu.dma_semaphore, #tpu.memory_space<semaphore_mem>>
        %dma_start3A_46 = arith.constant 9360 : i32
        %dma_start3A_47 = arith.constant 0 : i32
        %dma_start3A_48 = tpu.memref_slice %arg6[%arg0, %dma_start3A_46, %dma_start3A_47] : memref<2x10000x128xf32, #tpu.memory_space<hbm>> -> memref<1x640x128xf32, #tpu.memory_space<hbm>>
        %dma_start3A_49 = tpu.memref_squeeze %dma_start3A_48 : memref<1x640x128xf32, #tpu.memory_space<hbm>> -> memref<640x128xf32, #tpu.memory_space<hbm>>
        %dma_start3A_50 = arith.constant 9360 : i32
        %dma_start3A_51 = arith.constant 0 : i32
        %dma_start3A_52 = tpu.memref_slice %arg7[%dma_start3A_50, %dma_start3A_51] : memref<10000x128xf32, #tpu.memory_space<vmem_shared>> -> memref<640x128xf32, #tpu.memory_space<vmem_shared>>
        tpu.enqueue_dma source(%dma_start3A_52 : memref<640x128xf32, #tpu.memory_space<vmem_shared>>) target(%dma_start3A_49 : memref<640x128xf32, #tpu.memory_space<hbm>>) target_semaphore(%run_scoped3A : memref<!tpu.dma_semaphore, #tpu.memory_space<semaphore_mem>>)
        %dma_wait3A_53 = arith.constant 9360 : i32
        %dma_wait3A_54 = arith.constant 0 : i32
        %dma_wait3A_55 = tpu.memref_slice %arg6[%arg0, %dma_wait3A_53, %dma_wait3A_54] : memref<2x10000x128xf32, #tpu.memory_space<hbm>> -> memref<1x640x128xf32, #tpu.memory_space<hbm>>
        %dma_wait3A_56 = tpu.memref_squeeze %dma_wait3A_55 : memref<1x640x128xf32, #tpu.memory_space<hbm>> -> memref<640x128xf32, #tpu.memory_space<hbm>>
        %dma_wait3A_57 = arith.constant 9360 : i32
        %dma_wait3A_58 = arith.constant 0 : i32
        %dma_wait3A_59 = tpu.memref_slice %arg7[%dma_wait3A_57, %dma_wait3A_58] : memref<10000x128xf32, #tpu.memory_space<vmem_shared>> -> memref<640x128xf32, #tpu.memory_space<vmem_shared>>
        tpu.wait_dma2 semaphore(%run_scoped3A : memref<!tpu.dma_semaphore, #tpu.memory_space<semaphore_mem>>) src(%dma_wait3A_59 : memref<640x128xf32, #tpu.memory_space<vmem_shared>>) dst(%dma_wait3A_56 : memref<640x128xf32, #tpu.memory_space<hbm>>)
        tpu.yield
      }) : () -> ()
    } else {
    }
    return
  }
}

#map = affine_map<(d0, d1) -> (0, 0)>
#map1 = affine_map<(d0, d1) -> (0, 0, 0)>
module attributes {stable_mosaic.version = 14 : i64} {
  func.func @body(%arg0: i32, %arg1: i32, %arg2: memref<10000x128xf32, #tpu.memory_space<hbm>>, %arg3: memref<4000x80xi32, #tpu.memory_space<hbm>>, %arg4: memref<4000x80xi32, #tpu.memory_space<hbm>>, %arg5: memref<640x128xf32, #tpu.memory_space<hbm>>, %arg6: memref<2x10000x128xf32, #tpu.memory_space<hbm>>, %arg7: memref<10000x128xf32, #tpu.memory_space<vmem_shared>>, %arg8: memref<125x80xi32, #tpu.memory_space<vmem>>, %arg9: memref<125x80xi32, #tpu.memory_space<vmem>>, %arg10: memref<80x128xf32, #tpu.memory_space<vmem>>, %arg11: memref<80x128xf32, #tpu.memory_space<vmem>>, %arg12: memref<80x128xf32, #tpu.memory_space<vmem>>, %arg13: memref<!tpu.dma_semaphore, #tpu.memory_space<semaphore_mem>>, %arg14: memref<!tpu.dma_semaphore, #tpu.memory_space<semaphore_mem>>, %arg15: memref<!tpu.dma_semaphore, #tpu.memory_space<semaphore_mem>>, %arg16: memref<!tpu.dma_semaphore, #tpu.memory_space<semaphore_mem>>, %arg17: memref<!tpu.dma_semaphore, #tpu.memory_space<semaphore_mem>>, %arg18: memref<!tpu.dma_semaphore, #tpu.memory_space<semaphore_mem>>) attributes {dimension_semantics = [#tpu.dimension_semantics<core_parallel>, #tpu.dimension_semantics<subcore_parallel>], iteration_bounds = array<i64: 2, 16>, scalar_prefetch = 0 : i64, scratch_operands = 12 : i64, tpu.core_type = #tpu.core_type<sc_vector_subcore>, window_params = [{transform_indices = #map}, {transform_indices = #map}, {transform_indices = #map}, {transform_indices = #map}, {transform_indices = #map1}]} {
    %mul3A = arith.constant 624 : i32
    %mul3A_0 = arith.muli %arg1, %mul3A : i32
    %multiple_of3A = tpu.assume_multiple %mul3A_0, 8 : i32
    %mul3A_1 = arith.constant 16 : i32
    %mul3A_2 = arith.muli %arg0, %mul3A_1 : i32
    %add3A = arith.addi %mul3A_2, %arg1 : i32
    %mul3A_3 = arith.constant 125 : i32
    %mul3A_4 = arith.muli %add3A, %mul3A_3 : i32
    "tpu.region"() ({
      %run_scoped3A = tpu.sem_alloc : memref<!tpu.dma_semaphore, #tpu.memory_space<semaphore_mem>>
      %dma_start3A_46 = arith.constant 0 : i32
      %dma_start3A_47 = tpu.memref_slice %arg3[%mul3A_4, %dma_start3A_46] : memref<4000x80xi32, #tpu.memory_space<hbm>> -> memref<125x80xi32, #tpu.memory_space<hbm>>
      %dma_start3A_48 = arith.constant 0 : i32
      %dma_start3A_49 = tpu.memref_slice %arg3[%mul3A_4, %dma_start3A_48] : memref<4000x80xi32, #tpu.memory_space<hbm>> -> memref<125x80xi32, #tpu.memory_space<hbm>>
      tpu.enqueue_dma source(%dma_start3A_49 : memref<125x80xi32, #tpu.memory_space<hbm>>) target(%arg8 : memref<125x80xi32, #tpu.memory_space<vmem>>) target_semaphore(%run_scoped3A : memref<!tpu.dma_semaphore, #tpu.memory_space<semaphore_mem>>)
      %dma_wait3A_50 = arith.constant 0 : i32
      %dma_wait3A_51 = tpu.memref_slice %arg3[%mul3A_4, %dma_wait3A_50] : memref<4000x80xi32, #tpu.memory_space<hbm>> -> memref<125x80xi32, #tpu.memory_space<hbm>>
      %dma_wait3A_52 = arith.constant 0 : i32
      %dma_wait3A_53 = tpu.memref_slice %arg3[%mul3A_4, %dma_wait3A_52] : memref<4000x80xi32, #tpu.memory_space<hbm>> -> memref<125x80xi32, #tpu.memory_space<hbm>>
      tpu.wait_dma2 semaphore(%run_scoped3A : memref<!tpu.dma_semaphore, #tpu.memory_space<semaphore_mem>>) src(%dma_wait3A_53 : memref<125x80xi32, #tpu.memory_space<hbm>>) dst(%arg8 : memref<125x80xi32, #tpu.memory_space<vmem>>)
      tpu.yield
    }) : () -> ()
    "tpu.region"() ({
      %run_scoped3A = tpu.sem_alloc : memref<!tpu.dma_semaphore, #tpu.memory_space<semaphore_mem>>
      %dma_start3A_46 = arith.constant 0 : i32
      %dma_start3A_47 = tpu.memref_slice %arg4[%mul3A_4, %dma_start3A_46] : memref<4000x80xi32, #tpu.memory_space<hbm>> -> memref<125x80xi32, #tpu.memory_space<hbm>>
      %dma_start3A_48 = arith.constant 0 : i32
      %dma_start3A_49 = tpu.memref_slice %arg4[%mul3A_4, %dma_start3A_48] : memref<4000x80xi32, #tpu.memory_space<hbm>> -> memref<125x80xi32, #tpu.memory_space<hbm>>
      tpu.enqueue_dma source(%dma_start3A_49 : memref<125x80xi32, #tpu.memory_space<hbm>>) target(%arg9 : memref<125x80xi32, #tpu.memory_space<vmem>>) target_semaphore(%run_scoped3A : memref<!tpu.dma_semaphore, #tpu.memory_space<semaphore_mem>>)
      %dma_wait3A_50 = arith.constant 0 : i32
      %dma_wait3A_51 = tpu.memref_slice %arg4[%mul3A_4, %dma_wait3A_50] : memref<4000x80xi32, #tpu.memory_space<hbm>> -> memref<125x80xi32, #tpu.memory_space<hbm>>
      %dma_wait3A_52 = arith.constant 0 : i32
      %dma_wait3A_53 = tpu.memref_slice %arg4[%mul3A_4, %dma_wait3A_52] : memref<4000x80xi32, #tpu.memory_space<hbm>> -> memref<125x80xi32, #tpu.memory_space<hbm>>
      tpu.wait_dma2 semaphore(%run_scoped3A : memref<!tpu.dma_semaphore, #tpu.memory_space<semaphore_mem>>) src(%dma_wait3A_53 : memref<125x80xi32, #tpu.memory_space<hbm>>) dst(%arg9 : memref<125x80xi32, #tpu.memory_space<vmem>>)
      tpu.yield
    }) : () -> ()
    %lt3A = arith.constant 15 : i32
    %lt3A_5 = arith.cmpi slt, %arg1, %lt3A : i32
    %convert_element_type3A = arith.extui %lt3A_5 : i1 to i32
    %cond3A = arith.constant 0 : i32
    %cond3A_6 = arith.cmpi ne, %convert_element_type3A, %cond3A : i32
    scf.if %cond3A_6 {
      "tpu.region"() ({
        %run_scoped3A = tpu.sem_alloc : memref<!tpu.dma_semaphore, #tpu.memory_space<semaphore_mem>>
        %dma_start3A_46 = arith.constant 0 : i32
        %dma_start3A_47 = tpu.memref_slice %arg7[%multiple_of3A, %dma_start3A_46] : memref<10000x128xf32, #tpu.memory_space<vmem_shared>> -> memref<624x128xf32, #tpu.memory_space<vmem_shared>>
        %dma_start3A_48 = arith.constant 0 : i32
        %dma_start3A_49 = arith.constant 0 : i32
        %dma_start3A_50 = tpu.memref_slice %arg5[%dma_start3A_48, %dma_start3A_49] : memref<640x128xf32, #tpu.memory_space<hbm>> -> memref<624x128xf32, #tpu.memory_space<hbm>>
        tpu.enqueue_dma source(%dma_start3A_50 : memref<624x128xf32, #tpu.memory_space<hbm>>) target(%dma_start3A_47 : memref<624x128xf32, #tpu.memory_space<vmem_shared>>) target_semaphore(%run_scoped3A : memref<!tpu.dma_semaphore, #tpu.memory_space<semaphore_mem>>)
        %dma_wait3A_51 = arith.constant 0 : i32
        %dma_wait3A_52 = tpu.memref_slice %arg7[%multiple_of3A, %dma_wait3A_51] : memref<10000x128xf32, #tpu.memory_space<vmem_shared>> -> memref<624x128xf32, #tpu.memory_space<vmem_shared>>
        %dma_wait3A_53 = arith.constant 0 : i32
        %dma_wait3A_54 = arith.constant 0 : i32
        %dma_wait3A_55 = tpu.memref_slice %arg5[%dma_wait3A_53, %dma_wait3A_54] : memref<640x128xf32, #tpu.memory_space<hbm>> -> memref<624x128xf32, #tpu.memory_space<hbm>>
        tpu.wait_dma2 semaphore(%run_scoped3A : memref<!tpu.dma_semaphore, #tpu.memory_space<semaphore_mem>>) src(%dma_wait3A_55 : memref<624x128xf32, #tpu.memory_space<hbm>>) dst(%dma_wait3A_52 : memref<624x128xf32, #tpu.memory_space<vmem_shared>>)
        tpu.yield
      }) : () -> ()
    } else {
    }
    %eq3A = arith.constant 15 : i32
    %eq3A_7 = arith.cmpi eq, %arg1, %eq3A : i32
    %convert_element_type3A_8 = arith.extui %eq3A_7 : i1 to i32
    %cond3A_9 = arith.constant 0 : i32
    %cond3A_10 = arith.cmpi ne, %convert_element_type3A_8, %cond3A_9 : i32
    scf.if %cond3A_10 {
      "tpu.region"() ({
        %run_scoped3A = tpu.sem_alloc : memref<!tpu.dma_semaphore, #tpu.memory_space<semaphore_mem>>
        %dma_start3A_46 = arith.constant 9360 : i32
        %dma_start3A_47 = arith.constant 0 : i32
        %dma_start3A_48 = tpu.memref_slice %arg7[%dma_start3A_46, %dma_start3A_47] : memref<10000x128xf32, #tpu.memory_space<vmem_shared>> -> memref<640x128xf32, #tpu.memory_space<vmem_shared>>
        tpu.enqueue_dma source(%arg5 : memref<640x128xf32, #tpu.memory_space<hbm>>) target(%dma_start3A_48 : memref<640x128xf32, #tpu.memory_space<vmem_shared>>) target_semaphore(%run_scoped3A : memref<!tpu.dma_semaphore, #tpu.memory_space<semaphore_mem>>)
        %dma_wait3A_49 = arith.constant 9360 : i32
        %dma_wait3A_50 = arith.constant 0 : i32
        %dma_wait3A_51 = tpu.memref_slice %arg7[%dma_wait3A_49, %dma_wait3A_50] : memref<10000x128xf32, #tpu.memory_space<vmem_shared>> -> memref<640x128xf32, #tpu.memory_space<vmem_shared>>
        tpu.wait_dma2 semaphore(%run_scoped3A : memref<!tpu.dma_semaphore, #tpu.memory_space<semaphore_mem>>) src(%arg5 : memref<640x128xf32, #tpu.memory_space<hbm>>) dst(%dma_wait3A_51 : memref<640x128xf32, #tpu.memory_space<vmem_shared>>)
        tpu.yield
      }) : () -> ()
    } else {
    }
    %barrier3A = arith.constant 0 : index
    tpu.barrier barrier_id(%barrier3A)
    %dma_start3A = arith.constant 0 : i32
    %dma_start3A_11 = arith.constant 0 : i32
    %dma_start3A_12 = tpu.memref_slice %arg8[%dma_start3A, %dma_start3A_11] : memref<125x80xi32, #tpu.memory_space<vmem>> -> memref<1x80xi32, #tpu.memory_space<vmem>>
    %dma_start3A_13 = tpu.memref_squeeze %dma_start3A_12 : memref<1x80xi32, #tpu.memory_space<vmem>> -> memref<80xi32, #tpu.memory_space<vmem>>
    %dma_start3A_14 = arith.constant 0 : i32
    %dma_start3A_15 = arith.constant 0 : i32
    %dma_start3A_16 = tpu.memref_slice %arg2[%dma_start3A_14, %dma_start3A_15] : memref<10000x128xf32, #tpu.memory_space<hbm>> -> memref<10000x128xf32, #tpu.memory_space<hbm>>
    tpu.enqueue_indirect_dma source(%dma_start3A_16 : memref<10000x128xf32, #tpu.memory_space<hbm>>) target(%arg10 : memref<80x128xf32, #tpu.memory_space<vmem>>) offsets(%dma_start3A_13 : memref<80xi32, #tpu.memory_space<vmem>>) semaphore(%arg13 : memref<!tpu.dma_semaphore, #tpu.memory_space<semaphore_mem>>)
    %dma_start3A_17 = arith.constant 1 : i32
    %dma_start3A_18 = arith.constant 0 : i32
    %dma_start3A_19 = tpu.memref_slice %arg8[%dma_start3A_17, %dma_start3A_18] : memref<125x80xi32, #tpu.memory_space<vmem>> -> memref<1x80xi32, #tpu.memory_space<vmem>>
    %dma_start3A_20 = tpu.memref_squeeze %dma_start3A_19 : memref<1x80xi32, #tpu.memory_space<vmem>> -> memref<80xi32, #tpu.memory_space<vmem>>
    %dma_start3A_21 = arith.constant 0 : i32
    %dma_start3A_22 = arith.constant 0 : i32
    %dma_start3A_23 = tpu.memref_slice %arg2[%dma_start3A_21, %dma_start3A_22] : memref<10000x128xf32, #tpu.memory_space<hbm>> -> memref<10000x128xf32, #tpu.memory_space<hbm>>
    tpu.enqueue_indirect_dma source(%dma_start3A_23 : memref<10000x128xf32, #tpu.memory_space<hbm>>) target(%arg11 : memref<80x128xf32, #tpu.memory_space<vmem>>) offsets(%dma_start3A_20 : memref<80xi32, #tpu.memory_space<vmem>>) semaphore(%arg14 : memref<!tpu.dma_semaphore, #tpu.memory_space<semaphore_mem>>)
    %scan3A = arith.constant 0 : i32
    %scan3A_24 = arith.constant 0 : i32
    %scan3A_25 = arith.constant 125 : i32
    %scan3A_26 = arith.addi %scan3A_24, %scan3A_25 : i32
    %scan3A_27 = arith.constant 1 : i32
    scf.for %scan3A_46 = %scan3A_24 to %scan3A_26 step %scan3A_27  : i32 {
      %jit3A = arith.constant 3 : i32
      %eq3A_47 = arith.constant 0 : i32
      %eq3A_48 = arith.cmpi eq, %jit3A, %eq3A_47 : i32
      %jit3A_49 = arith.constant 1 : i32
      %select_n3A = arith.select %eq3A_48, %jit3A_49, %jit3A : i32
      %rem3A = arith.remsi %scan3A_46, %select_n3A : i32
      %ne3A = arith.constant 0 : i32
      %ne3A_50 = arith.cmpi ne, %rem3A, %ne3A : i32
      %lt3A_51 = arith.constant 0 : i32
      %lt3A_52 = arith.cmpi slt, %rem3A, %lt3A_51 : i32
      %lt3A_53 = arith.constant 0 : i32
      %lt3A_54 = arith.cmpi slt, %select_n3A, %lt3A_53 : i32
      %ne3A_55 = arith.xori %lt3A_52, %lt3A_54 : i1
      %and3A = arith.andi %ne3A_55, %ne3A_50 : i1
      %add3A_56 = arith.addi %rem3A, %select_n3A : i32
      %select_n3A_57 = arith.select %and3A, %add3A_56, %rem3A : i32
      %eq3A_58 = arith.constant 0 : i32
      %eq3A_59 = arith.cmpi eq, %select_n3A_57, %eq3A_58 : i32
      %convert_element_type3A_60 = arith.extui %eq3A_59 : i1 to i32
      %cond3A_61 = arith.constant 0 : i32
      %cond3A_62 = arith.cmpi ne, %convert_element_type3A_60, %cond3A_61 : i32
      scf.if %cond3A_62 {
        %dma_wait3A_265 = arith.constant 0 : i32
        %dma_wait3A_266 = tpu.memref_slice %arg8[%scan3A_46, %dma_wait3A_265] : memref<125x80xi32, #tpu.memory_space<vmem>> -> memref<1x80xi32, #tpu.memory_space<vmem>>
        %dma_wait3A_267 = tpu.memref_squeeze %dma_wait3A_266 : memref<1x80xi32, #tpu.memory_space<vmem>> -> memref<80xi32, #tpu.memory_space<vmem>>
        %dma_wait3A_268 = arith.constant 0 : i32
        %dma_wait3A_269 = arith.constant 0 : i32
        %dma_wait3A_270 = tpu.memref_slice %arg2[%dma_wait3A_268, %dma_wait3A_269] : memref<10000x128xf32, #tpu.memory_space<hbm>> -> memref<10000x128xf32, #tpu.memory_space<hbm>>
        tpu.wait_indirect_dma semaphore(%arg13 : memref<!tpu.dma_semaphore, #tpu.memory_space<semaphore_mem>>) src(%dma_wait3A_270 : memref<10000x128xf32, #tpu.memory_space<hbm>>) dst(%arg10 : memref<80x128xf32, #tpu.memory_space<vmem>>)
        %dma_start3A_271 = arith.constant 0 : i32
        %dma_start3A_272 = tpu.memref_slice %arg9[%scan3A_46, %dma_start3A_271] : memref<125x80xi32, #tpu.memory_space<vmem>> -> memref<1x80xi32, #tpu.memory_space<vmem>>
        %dma_start3A_273 = tpu.memref_squeeze %dma_start3A_272 : memref<1x80xi32, #tpu.memory_space<vmem>> -> memref<80xi32, #tpu.memory_space<vmem>>
        %dma_start3A_274 = arith.constant 0 : i32
        %dma_start3A_275 = arith.constant 0 : i32
        %dma_start3A_276 = tpu.memref_slice %arg7[%dma_start3A_274, %dma_start3A_275] : memref<10000x128xf32, #tpu.memory_space<vmem_shared>> -> memref<10000x128xf32, #tpu.memory_space<vmem_shared>>
        tpu.enqueue_indirect_dma source(%arg10 : memref<80x128xf32, #tpu.memory_space<vmem>>) target(%dma_start3A_276 : memref<10000x128xf32, #tpu.memory_space<vmem_shared>>) offsets(%dma_start3A_273 : memref<80xi32, #tpu.memory_space<vmem>>) semaphore(%arg16 : memref<!tpu.dma_semaphore, #tpu.memory_space<semaphore_mem>>) {add = true}
      } else {
      }
      %jit3A_63 = arith.constant 3 : i32
      %eq3A_64 = arith.constant 0 : i32
      %eq3A_65 = arith.cmpi eq, %jit3A_63, %eq3A_64 : i32
      %jit3A_66 = arith.constant 1 : i32
      %select_n3A_67 = arith.select %eq3A_65, %jit3A_66, %jit3A_63 : i32
      %rem3A_68 = arith.remsi %scan3A_46, %select_n3A_67 : i32
      %ne3A_69 = arith.constant 0 : i32
      %ne3A_70 = arith.cmpi ne, %rem3A_68, %ne3A_69 : i32
      %lt3A_71 = arith.constant 0 : i32
      %lt3A_72 = arith.cmpi slt, %rem3A_68, %lt3A_71 : i32
      %lt3A_73 = arith.constant 0 : i32
      %lt3A_74 = arith.cmpi slt, %select_n3A_67, %lt3A_73 : i32
      %ne3A_75 = arith.xori %lt3A_72, %lt3A_74 : i1
      %and3A_76 = arith.andi %ne3A_75, %ne3A_70 : i1
      %add3A_77 = arith.addi %rem3A_68, %select_n3A_67 : i32
      %select_n3A_78 = arith.select %and3A_76, %add3A_77, %rem3A_68 : i32
      %eq3A_79 = arith.constant 1 : i32
      %eq3A_80 = arith.cmpi eq, %select_n3A_78, %eq3A_79 : i32
      %convert_element_type3A_81 = arith.extui %eq3A_80 : i1 to i32
      %cond3A_82 = arith.constant 0 : i32
      %cond3A_83 = arith.cmpi ne, %convert_element_type3A_81, %cond3A_82 : i32
      scf.if %cond3A_83 {
        %dma_wait3A_265 = arith.constant 0 : i32
        %dma_wait3A_266 = tpu.memref_slice %arg8[%scan3A_46, %dma_wait3A_265] : memref<125x80xi32, #tpu.memory_space<vmem>> -> memref<1x80xi32, #tpu.memory_space<vmem>>
        %dma_wait3A_267 = tpu.memref_squeeze %dma_wait3A_266 : memref<1x80xi32, #tpu.memory_space<vmem>> -> memref<80xi32, #tpu.memory_space<vmem>>
        %dma_wait3A_268 = arith.constant 0 : i32
        %dma_wait3A_269 = arith.constant 0 : i32
        %dma_wait3A_270 = tpu.memref_slice %arg2[%dma_wait3A_268, %dma_wait3A_269] : memref<10000x128xf32, #tpu.memory_space<hbm>> -> memref<10000x128xf32, #tpu.memory_space<hbm>>
        tpu.wait_indirect_dma semaphore(%arg14 : memref<!tpu.dma_semaphore, #tpu.memory_space<semaphore_mem>>) src(%dma_wait3A_270 : memref<10000x128xf32, #tpu.memory_space<hbm>>) dst(%arg11 : memref<80x128xf32, #tpu.memory_space<vmem>>)
        %dma_start3A_271 = arith.constant 0 : i32
        %dma_start3A_272 = tpu.memref_slice %arg9[%scan3A_46, %dma_start3A_271] : memref<125x80xi32, #tpu.memory_space<vmem>> -> memref<1x80xi32, #tpu.memory_space<vmem>>
        %dma_start3A_273 = tpu.memref_squeeze %dma_start3A_272 : memref<1x80xi32, #tpu.memory_space<vmem>> -> memref<80xi32, #tpu.memory_space<vmem>>
        %dma_start3A_274 = arith.constant 0 : i32
        %dma_start3A_275 = arith.constant 0 : i32
        %dma_start3A_276 = tpu.memref_slice %arg7[%dma_start3A_274, %dma_start3A_275] : memref<10000x128xf32, #tpu.memory_space<vmem_shared>> -> memref<10000x128xf32, #tpu.memory_space<vmem_shared>>
        tpu.enqueue_indirect_dma source(%arg11 : memref<80x128xf32, #tpu.memory_space<vmem>>) target(%dma_start3A_276 : memref<10000x128xf32, #tpu.memory_space<vmem_shared>>) offsets(%dma_start3A_273 : memref<80xi32, #tpu.memory_space<vmem>>) semaphore(%arg17 : memref<!tpu.dma_semaphore, #tpu.memory_space<semaphore_mem>>) {add = true}
      } else {
      }
      %jit3A_84 = arith.constant 3 : i32
      %eq3A_85 = arith.constant 0 : i32
      %eq3A_86 = arith.cmpi eq, %jit3A_84, %eq3A_85 : i32
      %jit3A_87 = arith.constant 1 : i32
      %select_n3A_88 = arith.select %eq3A_86, %jit3A_87, %jit3A_84 : i32
      %rem3A_89 = arith.remsi %scan3A_46, %select_n3A_88 : i32
      %ne3A_90 = arith.constant 0 : i32
      %ne3A_91 = arith.cmpi ne, %rem3A_89, %ne3A_90 : i32
      %lt3A_92 = arith.constant 0 : i32
      %lt3A_93 = arith.cmpi slt, %rem3A_89, %lt3A_92 : i32
      %lt3A_94 = arith.constant 0 : i32
      %lt3A_95 = arith.cmpi slt, %select_n3A_88, %lt3A_94 : i32
      %ne3A_96 = arith.xori %lt3A_93, %lt3A_95 : i1
      %and3A_97 = arith.andi %ne3A_96, %ne3A_91 : i1
      %add3A_98 = arith.addi %rem3A_89, %select_n3A_88 : i32
      %select_n3A_99 = arith.select %and3A_97, %add3A_98, %rem3A_89 : i32
      %eq3A_100 = arith.constant 2 : i32
      %eq3A_101 = arith.cmpi eq, %select_n3A_99, %eq3A_100 : i32
      %convert_element_type3A_102 = arith.extui %eq3A_101 : i1 to i32
      %cond3A_103 = arith.constant 0 : i32
      %cond3A_104 = arith.cmpi ne, %convert_element_type3A_102, %cond3A_103 : i32
      scf.if %cond3A_104 {
        %dma_wait3A_265 = arith.constant 0 : i32
        %dma_wait3A_266 = tpu.memref_slice %arg8[%scan3A_46, %dma_wait3A_265] : memref<125x80xi32, #tpu.memory_space<vmem>> -> memref<1x80xi32, #tpu.memory_space<vmem>>
        %dma_wait3A_267 = tpu.memref_squeeze %dma_wait3A_266 : memref<1x80xi32, #tpu.memory_space<vmem>> -> memref<80xi32, #tpu.memory_space<vmem>>
        %dma_wait3A_268 = arith.constant 0 : i32
        %dma_wait3A_269 = arith.constant 0 : i32
        %dma_wait3A_270 = tpu.memref_slice %arg2[%dma_wait3A_268, %dma_wait3A_269] : memref<10000x128xf32, #tpu.memory_space<hbm>> -> memref<10000x128xf32, #tpu.memory_space<hbm>>
        tpu.wait_indirect_dma semaphore(%arg15 : memref<!tpu.dma_semaphore, #tpu.memory_space<semaphore_mem>>) src(%dma_wait3A_270 : memref<10000x128xf32, #tpu.memory_space<hbm>>) dst(%arg12 : memref<80x128xf32, #tpu.memory_space<vmem>>)
        %dma_start3A_271 = arith.constant 0 : i32
        %dma_start3A_272 = tpu.memref_slice %arg9[%scan3A_46, %dma_start3A_271] : memref<125x80xi32, #tpu.memory_space<vmem>> -> memref<1x80xi32, #tpu.memory_space<vmem>>
        %dma_start3A_273 = tpu.memref_squeeze %dma_start3A_272 : memref<1x80xi32, #tpu.memory_space<vmem>> -> memref<80xi32, #tpu.memory_space<vmem>>
        %dma_start3A_274 = arith.constant 0 : i32
        %dma_start3A_275 = arith.constant 0 : i32
        %dma_start3A_276 = tpu.memref_slice %arg7[%dma_start3A_274, %dma_start3A_275] : memref<10000x128xf32, #tpu.memory_space<vmem_shared>> -> memref<10000x128xf32, #tpu.memory_space<vmem_shared>>
        tpu.enqueue_indirect_dma source(%arg12 : memref<80x128xf32, #tpu.memory_space<vmem>>) target(%dma_start3A_276 : memref<10000x128xf32, #tpu.memory_space<vmem_shared>>) offsets(%dma_start3A_273 : memref<80xi32, #tpu.memory_space<vmem>>) semaphore(%arg18 : memref<!tpu.dma_semaphore, #tpu.memory_space<semaphore_mem>>) {add = true}
      } else {
      }
      %ge3A = arith.constant 1 : i32
      %ge3A_105 = arith.cmpi sge, %scan3A_46, %ge3A : i32
      %sub3A = arith.constant 1 : i32
      %sub3A_106 = arith.subi %scan3A_46, %sub3A : i32
      %jit3A_107 = arith.constant 3 : i32
      %eq3A_108 = arith.constant 0 : i32
      %eq3A_109 = arith.cmpi eq, %jit3A_107, %eq3A_108 : i32
      %jit3A_110 = arith.constant 1 : i32
      %select_n3A_111 = arith.select %eq3A_109, %jit3A_110, %jit3A_107 : i32
      %rem3A_112 = arith.remsi %sub3A_106, %select_n3A_111 : i32
      %ne3A_113 = arith.constant 0 : i32
      %ne3A_114 = arith.cmpi ne, %rem3A_112, %ne3A_113 : i32
      %lt3A_115 = arith.constant 0 : i32
      %lt3A_116 = arith.cmpi slt, %rem3A_112, %lt3A_115 : i32
      %lt3A_117 = arith.constant 0 : i32
      %lt3A_118 = arith.cmpi slt, %select_n3A_111, %lt3A_117 : i32
      %ne3A_119 = arith.xori %lt3A_116, %lt3A_118 : i1
      %and3A_120 = arith.andi %ne3A_119, %ne3A_114 : i1
      %add3A_121 = arith.addi %rem3A_112, %select_n3A_111 : i32
      %select_n3A_122 = arith.select %and3A_120, %add3A_121, %rem3A_112 : i32
      %eq3A_123 = arith.constant 0 : i32
      %eq3A_124 = arith.cmpi eq, %select_n3A_122, %eq3A_123 : i32
      %and3A_125 = arith.andi %ge3A_105, %eq3A_124 : i1
      %convert_element_type3A_126 = arith.extui %and3A_125 : i1 to i32
      %cond3A_127 = arith.constant 0 : i32
      %cond3A_128 = arith.cmpi ne, %convert_element_type3A_126, %cond3A_127 : i32
      scf.if %cond3A_128 {
        %dma_wait3A_265 = arith.constant 0 : i32
        %dma_wait3A_266 = arith.constant 0 : i32
        %dma_wait3A_267 = tpu.memref_slice %arg9[%dma_wait3A_265, %dma_wait3A_266] : memref<125x80xi32, #tpu.memory_space<vmem>> -> memref<1x80xi32, #tpu.memory_space<vmem>>
        %dma_wait3A_268 = tpu.memref_squeeze %dma_wait3A_267 : memref<1x80xi32, #tpu.memory_space<vmem>> -> memref<80xi32, #tpu.memory_space<vmem>>
        %dma_wait3A_269 = arith.constant 0 : i32
        %dma_wait3A_270 = arith.constant 0 : i32
        %dma_wait3A_271 = tpu.memref_slice %arg7[%dma_wait3A_269, %dma_wait3A_270] : memref<10000x128xf32, #tpu.memory_space<vmem_shared>> -> memref<10000x128xf32, #tpu.memory_space<vmem_shared>>
        tpu.wait_indirect_dma semaphore(%arg16 : memref<!tpu.dma_semaphore, #tpu.memory_space<semaphore_mem>>) src(%arg10 : memref<80x128xf32, #tpu.memory_space<vmem>>) dst(%dma_wait3A_271 : memref<10000x128xf32, #tpu.memory_space<vmem_shared>>)
      } else {
      }
      %ge3A_129 = arith.constant 1 : i32
      %ge3A_130 = arith.cmpi sge, %scan3A_46, %ge3A_129 : i32
      %sub3A_131 = arith.constant 1 : i32
      %sub3A_132 = arith.subi %scan3A_46, %sub3A_131 : i32
      %jit3A_133 = arith.constant 3 : i32
      %eq3A_134 = arith.constant 0 : i32
      %eq3A_135 = arith.cmpi eq, %jit3A_133, %eq3A_134 : i32
      %jit3A_136 = arith.constant 1 : i32
      %select_n3A_137 = arith.select %eq3A_135, %jit3A_136, %jit3A_133 : i32
      %rem3A_138 = arith.remsi %sub3A_132, %select_n3A_137 : i32
      %ne3A_139 = arith.constant 0 : i32
      %ne3A_140 = arith.cmpi ne, %rem3A_138, %ne3A_139 : i32
      %lt3A_141 = arith.constant 0 : i32
      %lt3A_142 = arith.cmpi slt, %rem3A_138, %lt3A_141 : i32
      %lt3A_143 = arith.constant 0 : i32
      %lt3A_144 = arith.cmpi slt, %select_n3A_137, %lt3A_143 : i32
      %ne3A_145 = arith.xori %lt3A_142, %lt3A_144 : i1
      %and3A_146 = arith.andi %ne3A_145, %ne3A_140 : i1
      %add3A_147 = arith.addi %rem3A_138, %select_n3A_137 : i32
      %select_n3A_148 = arith.select %and3A_146, %add3A_147, %rem3A_138 : i32
      %eq3A_149 = arith.constant 1 : i32
      %eq3A_150 = arith.cmpi eq, %select_n3A_148, %eq3A_149 : i32
      %and3A_151 = arith.andi %ge3A_130, %eq3A_150 : i1
      %convert_element_type3A_152 = arith.extui %and3A_151 : i1 to i32
      %cond3A_153 = arith.constant 0 : i32
      %cond3A_154 = arith.cmpi ne, %convert_element_type3A_152, %cond3A_153 : i32
      scf.if %cond3A_154 {
        %dma_wait3A_265 = arith.constant 0 : i32
        %dma_wait3A_266 = arith.constant 0 : i32
        %dma_wait3A_267 = tpu.memref_slice %arg9[%dma_wait3A_265, %dma_wait3A_266] : memref<125x80xi32, #tpu.memory_space<vmem>> -> memref<1x80xi32, #tpu.memory_space<vmem>>
        %dma_wait3A_268 = tpu.memref_squeeze %dma_wait3A_267 : memref<1x80xi32, #tpu.memory_space<vmem>> -> memref<80xi32, #tpu.memory_space<vmem>>
        %dma_wait3A_269 = arith.constant 0 : i32
        %dma_wait3A_270 = arith.constant 0 : i32
        %dma_wait3A_271 = tpu.memref_slice %arg7[%dma_wait3A_269, %dma_wait3A_270] : memref<10000x128xf32, #tpu.memory_space<vmem_shared>> -> memref<10000x128xf32, #tpu.memory_space<vmem_shared>>
        tpu.wait_indirect_dma semaphore(%arg17 : memref<!tpu.dma_semaphore, #tpu.memory_space<semaphore_mem>>) src(%arg11 : memref<80x128xf32, #tpu.memory_space<vmem>>) dst(%dma_wait3A_271 : memref<10000x128xf32, #tpu.memory_space<vmem_shared>>)
      } else {
      }
      %ge3A_155 = arith.constant 1 : i32
      %ge3A_156 = arith.cmpi sge, %scan3A_46, %ge3A_155 : i32
      %sub3A_157 = arith.constant 1 : i32
      %sub3A_158 = arith.subi %scan3A_46, %sub3A_157 : i32
      %jit3A_159 = arith.constant 3 : i32
      %eq3A_160 = arith.constant 0 : i32
      %eq3A_161 = arith.cmpi eq, %jit3A_159, %eq3A_160 : i32
      %jit3A_162 = arith.constant 1 : i32
      %select_n3A_163 = arith.select %eq3A_161, %jit3A_162, %jit3A_159 : i32
      %rem3A_164 = arith.remsi %sub3A_158, %select_n3A_163 : i32
      %ne3A_165 = arith.constant 0 : i32
      %ne3A_166 = arith.cmpi ne, %rem3A_164, %ne3A_165 : i32
      %lt3A_167 = arith.constant 0 : i32
      %lt3A_168 = arith.cmpi slt, %rem3A_164, %lt3A_167 : i32
      %lt3A_169 = arith.constant 0 : i32
      %lt3A_170 = arith.cmpi slt, %select_n3A_163, %lt3A_169 : i32
      %ne3A_171 = arith.xori %lt3A_168, %lt3A_170 : i1
      %and3A_172 = arith.andi %ne3A_171, %ne3A_166 : i1
      %add3A_173 = arith.addi %rem3A_164, %select_n3A_163 : i32
      %select_n3A_174 = arith.select %and3A_172, %add3A_173, %rem3A_164 : i32
      %eq3A_175 = arith.constant 2 : i32
      %eq3A_176 = arith.cmpi eq, %select_n3A_174, %eq3A_175 : i32
      %and3A_177 = arith.andi %ge3A_156, %eq3A_176 : i1
      %convert_element_type3A_178 = arith.extui %and3A_177 : i1 to i32
      %cond3A_179 = arith.constant 0 : i32
      %cond3A_180 = arith.cmpi ne, %convert_element_type3A_178, %cond3A_179 : i32
      scf.if %cond3A_180 {
        %dma_wait3A_265 = arith.constant 0 : i32
        %dma_wait3A_266 = arith.constant 0 : i32
        %dma_wait3A_267 = tpu.memref_slice %arg9[%dma_wait3A_265, %dma_wait3A_266] : memref<125x80xi32, #tpu.memory_space<vmem>> -> memref<1x80xi32, #tpu.memory_space<vmem>>
        %dma_wait3A_268 = tpu.memref_squeeze %dma_wait3A_267 : memref<1x80xi32, #tpu.memory_space<vmem>> -> memref<80xi32, #tpu.memory_space<vmem>>
        %dma_wait3A_269 = arith.constant 0 : i32
        %dma_wait3A_270 = arith.constant 0 : i32
        %dma_wait3A_271 = tpu.memref_slice %arg7[%dma_wait3A_269, %dma_wait3A_270] : memref<10000x128xf32, #tpu.memory_space<vmem_shared>> -> memref<10000x128xf32, #tpu.memory_space<vmem_shared>>
        tpu.wait_indirect_dma semaphore(%arg18 : memref<!tpu.dma_semaphore, #tpu.memory_space<semaphore_mem>>) src(%arg12 : memref<80x128xf32, #tpu.memory_space<vmem>>) dst(%dma_wait3A_271 : memref<10000x128xf32, #tpu.memory_space<vmem_shared>>)
      } else {
      }
      %add3A_181 = arith.constant 2 : i32
      %add3A_182 = arith.addi %scan3A_46, %add3A_181 : i32
      %lt3A_183 = arith.constant 125 : i32
      %lt3A_184 = arith.cmpi slt, %add3A_182, %lt3A_183 : i32
      %add3A_185 = arith.constant 2 : i32
      %add3A_186 = arith.addi %scan3A_46, %add3A_185 : i32
      %jit3A_187 = arith.constant 3 : i32
      %eq3A_188 = arith.constant 0 : i32
      %eq3A_189 = arith.cmpi eq, %jit3A_187, %eq3A_188 : i32
      %jit3A_190 = arith.constant 1 : i32
      %select_n3A_191 = arith.select %eq3A_189, %jit3A_190, %jit3A_187 : i32
      %rem3A_192 = arith.remsi %add3A_186, %select_n3A_191 : i32
      %ne3A_193 = arith.constant 0 : i32
      %ne3A_194 = arith.cmpi ne, %rem3A_192, %ne3A_193 : i32
      %lt3A_195 = arith.constant 0 : i32
      %lt3A_196 = arith.cmpi slt, %rem3A_192, %lt3A_195 : i32
      %lt3A_197 = arith.constant 0 : i32
      %lt3A_198 = arith.cmpi slt, %select_n3A_191, %lt3A_197 : i32
      %ne3A_199 = arith.xori %lt3A_196, %lt3A_198 : i1
      %and3A_200 = arith.andi %ne3A_199, %ne3A_194 : i1
      %add3A_201 = arith.addi %rem3A_192, %select_n3A_191 : i32
      %select_n3A_202 = arith.select %and3A_200, %add3A_201, %rem3A_192 : i32
      %eq3A_203 = arith.constant 0 : i32
      %eq3A_204 = arith.cmpi eq, %select_n3A_202, %eq3A_203 : i32
      %and3A_205 = arith.andi %lt3A_184, %eq3A_204 : i1
      %convert_element_type3A_206 = arith.extui %and3A_205 : i1 to i32
      %cond3A_207 = arith.constant 0 : i32
      %cond3A_208 = arith.cmpi ne, %convert_element_type3A_206, %cond3A_207 : i32
      scf.if %cond3A_208 {
        %add3A_265 = arith.constant 2 : i32
        %add3A_266 = arith.addi %scan3A_46, %add3A_265 : i32
        %dma_start3A_267 = arith.constant 0 : i32
        %dma_start3A_268 = tpu.memref_slice %arg8[%add3A_266, %dma_start3A_267] : memref<125x80xi32, #tpu.memory_space<vmem>> -> memref<1x80xi32, #tpu.memory_space<vmem>>
        %dma_start3A_269 = tpu.memref_squeeze %dma_start3A_268 : memref<1x80xi32, #tpu.memory_space<vmem>> -> memref<80xi32, #tpu.memory_space<vmem>>
        %dma_start3A_270 = arith.constant 0 : i32
        %dma_start3A_271 = arith.constant 0 : i32
        %dma_start3A_272 = tpu.memref_slice %arg2[%dma_start3A_270, %dma_start3A_271] : memref<10000x128xf32, #tpu.memory_space<hbm>> -> memref<10000x128xf32, #tpu.memory_space<hbm>>
        tpu.enqueue_indirect_dma source(%dma_start3A_272 : memref<10000x128xf32, #tpu.memory_space<hbm>>) target(%arg10 : memref<80x128xf32, #tpu.memory_space<vmem>>) offsets(%dma_start3A_269 : memref<80xi32, #tpu.memory_space<vmem>>) semaphore(%arg13 : memref<!tpu.dma_semaphore, #tpu.memory_space<semaphore_mem>>)
      } else {
      }
      %add3A_209 = arith.constant 2 : i32
      %add3A_210 = arith.addi %scan3A_46, %add3A_209 : i32
      %lt3A_211 = arith.constant 125 : i32
      %lt3A_212 = arith.cmpi slt, %add3A_210, %lt3A_211 : i32
      %add3A_213 = arith.constant 2 : i32
      %add3A_214 = arith.addi %scan3A_46, %add3A_213 : i32
      %jit3A_215 = arith.constant 3 : i32
      %eq3A_216 = arith.constant 0 : i32
      %eq3A_217 = arith.cmpi eq, %jit3A_215, %eq3A_216 : i32
      %jit3A_218 = arith.constant 1 : i32
      %select_n3A_219 = arith.select %eq3A_217, %jit3A_218, %jit3A_215 : i32
      %rem3A_220 = arith.remsi %add3A_214, %select_n3A_219 : i32
      %ne3A_221 = arith.constant 0 : i32
      %ne3A_222 = arith.cmpi ne, %rem3A_220, %ne3A_221 : i32
      %lt3A_223 = arith.constant 0 : i32
      %lt3A_224 = arith.cmpi slt, %rem3A_220, %lt3A_223 : i32
      %lt3A_225 = arith.constant 0 : i32
      %lt3A_226 = arith.cmpi slt, %select_n3A_219, %lt3A_225 : i32
      %ne3A_227 = arith.xori %lt3A_224, %lt3A_226 : i1
      %and3A_228 = arith.andi %ne3A_227, %ne3A_222 : i1
      %add3A_229 = arith.addi %rem3A_220, %select_n3A_219 : i32
      %select_n3A_230 = arith.select %and3A_228, %add3A_229, %rem3A_220 : i32
      %eq3A_231 = arith.constant 1 : i32
      %eq3A_232 = arith.cmpi eq, %select_n3A_230, %eq3A_231 : i32
      %and3A_233 = arith.andi %lt3A_212, %eq3A_232 : i1
      %convert_element_type3A_234 = arith.extui %and3A_233 : i1 to i32
      %cond3A_235 = arith.constant 0 : i32
      %cond3A_236 = arith.cmpi ne, %convert_element_type3A_234, %cond3A_235 : i32
      scf.if %cond3A_236 {
        %add3A_265 = arith.constant 2 : i32
        %add3A_266 = arith.addi %scan3A_46, %add3A_265 : i32
        %dma_start3A_267 = arith.constant 0 : i32
        %dma_start3A_268 = tpu.memref_slice %arg8[%add3A_266, %dma_start3A_267] : memref<125x80xi32, #tpu.memory_space<vmem>> -> memref<1x80xi32, #tpu.memory_space<vmem>>
        %dma_start3A_269 = tpu.memref_squeeze %dma_start3A_268 : memref<1x80xi32, #tpu.memory_space<vmem>> -> memref<80xi32, #tpu.memory_space<vmem>>
        %dma_start3A_270 = arith.constant 0 : i32
        %dma_start3A_271 = arith.constant 0 : i32
        %dma_start3A_272 = tpu.memref_slice %arg2[%dma_start3A_270, %dma_start3A_271] : memref<10000x128xf32, #tpu.memory_space<hbm>> -> memref<10000x128xf32, #tpu.memory_space<hbm>>
        tpu.enqueue_indirect_dma source(%dma_start3A_272 : memref<10000x128xf32, #tpu.memory_space<hbm>>) target(%arg11 : memref<80x128xf32, #tpu.memory_space<vmem>>) offsets(%dma_start3A_269 : memref<80xi32, #tpu.memory_space<vmem>>) semaphore(%arg14 : memref<!tpu.dma_semaphore, #tpu.memory_space<semaphore_mem>>)
      } else {
      }
      %add3A_237 = arith.constant 2 : i32
      %add3A_238 = arith.addi %scan3A_46, %add3A_237 : i32
      %lt3A_239 = arith.constant 125 : i32
      %lt3A_240 = arith.cmpi slt, %add3A_238, %lt3A_239 : i32
      %add3A_241 = arith.constant 2 : i32
      %add3A_242 = arith.addi %scan3A_46, %add3A_241 : i32
      %jit3A_243 = arith.constant 3 : i32
      %eq3A_244 = arith.constant 0 : i32
      %eq3A_245 = arith.cmpi eq, %jit3A_243, %eq3A_244 : i32
      %jit3A_246 = arith.constant 1 : i32
      %select_n3A_247 = arith.select %eq3A_245, %jit3A_246, %jit3A_243 : i32
      %rem3A_248 = arith.remsi %add3A_242, %select_n3A_247 : i32
      %ne3A_249 = arith.constant 0 : i32
      %ne3A_250 = arith.cmpi ne, %rem3A_248, %ne3A_249 : i32
      %lt3A_251 = arith.constant 0 : i32
      %lt3A_252 = arith.cmpi slt, %rem3A_248, %lt3A_251 : i32
      %lt3A_253 = arith.constant 0 : i32
      %lt3A_254 = arith.cmpi slt, %select_n3A_247, %lt3A_253 : i32
      %ne3A_255 = arith.xori %lt3A_252, %lt3A_254 : i1
      %and3A_256 = arith.andi %ne3A_255, %ne3A_250 : i1
      %add3A_257 = arith.addi %rem3A_248, %select_n3A_247 : i32
      %select_n3A_258 = arith.select %and3A_256, %add3A_257, %rem3A_248 : i32
      %eq3A_259 = arith.constant 2 : i32
      %eq3A_260 = arith.cmpi eq, %select_n3A_258, %eq3A_259 : i32
      %and3A_261 = arith.andi %lt3A_240, %eq3A_260 : i1
      %convert_element_type3A_262 = arith.extui %and3A_261 : i1 to i32
      %cond3A_263 = arith.constant 0 : i32
      %cond3A_264 = arith.cmpi ne, %convert_element_type3A_262, %cond3A_263 : i32
      scf.if %cond3A_264 {
        %add3A_265 = arith.constant 2 : i32
        %add3A_266 = arith.addi %scan3A_46, %add3A_265 : i32
        %dma_start3A_267 = arith.constant 0 : i32
        %dma_start3A_268 = tpu.memref_slice %arg8[%add3A_266, %dma_start3A_267] : memref<125x80xi32, #tpu.memory_space<vmem>> -> memref<1x80xi32, #tpu.memory_space<vmem>>
        %dma_start3A_269 = tpu.memref_squeeze %dma_start3A_268 : memref<1x80xi32, #tpu.memory_space<vmem>> -> memref<80xi32, #tpu.memory_space<vmem>>
        %dma_start3A_270 = arith.constant 0 : i32
        %dma_start3A_271 = arith.constant 0 : i32
        %dma_start3A_272 = tpu.memref_slice %arg2[%dma_start3A_270, %dma_start3A_271] : memref<10000x128xf32, #tpu.memory_space<hbm>> -> memref<10000x128xf32, #tpu.memory_space<hbm>>
        tpu.enqueue_indirect_dma source(%dma_start3A_272 : memref<10000x128xf32, #tpu.memory_space<hbm>>) target(%arg12 : memref<80x128xf32, #tpu.memory_space<vmem>>) offsets(%dma_start3A_269 : memref<80xi32, #tpu.memory_space<vmem>>) semaphore(%arg15 : memref<!tpu.dma_semaphore, #tpu.memory_space<semaphore_mem>>)
      } else {
      }
    }
    %scan3A_28 = arith.constant 125 : i32
    %dma_wait3A = arith.constant 0 : i32
    %dma_wait3A_29 = arith.constant 0 : i32
    %dma_wait3A_30 = tpu.memref_slice %arg9[%dma_wait3A, %dma_wait3A_29] : memref<125x80xi32, #tpu.memory_space<vmem>> -> memref<1x80xi32, #tpu.memory_space<vmem>>
    %dma_wait3A_31 = tpu.memref_squeeze %dma_wait3A_30 : memref<1x80xi32, #tpu.memory_space<vmem>> -> memref<80xi32, #tpu.memory_space<vmem>>
    %dma_wait3A_32 = arith.constant 0 : i32
    %dma_wait3A_33 = arith.constant 0 : i32
    %dma_wait3A_34 = tpu.memref_slice %arg7[%dma_wait3A_32, %dma_wait3A_33] : memref<10000x128xf32, #tpu.memory_space<vmem_shared>> -> memref<10000x128xf32, #tpu.memory_space<vmem_shared>>
    tpu.wait_indirect_dma semaphore(%arg17 : memref<!tpu.dma_semaphore, #tpu.memory_space<semaphore_mem>>) src(%arg11 : memref<80x128xf32, #tpu.memory_space<vmem>>) dst(%dma_wait3A_34 : memref<10000x128xf32, #tpu.memory_space<vmem_shared>>)
    %barrier3A_35 = arith.constant 0 : index
    tpu.barrier barrier_id(%barrier3A_35)
    %lt3A_36 = arith.constant 15 : i32
    %lt3A_37 = arith.cmpi slt, %arg1, %lt3A_36 : i32
    %convert_element_type3A_38 = arith.extui %lt3A_37 : i1 to i32
    %cond3A_39 = arith.constant 0 : i32
    %cond3A_40 = arith.cmpi ne, %convert_element_type3A_38, %cond3A_39 : i32
    scf.if %cond3A_40 {
      "tpu.region"() ({
        %run_scoped3A = tpu.sem_alloc : memref<!tpu.dma_semaphore, #tpu.memory_space<semaphore_mem>>
        %dma_start3A_46 = arith.constant 0 : i32
        %dma_start3A_47 = tpu.memref_slice %arg6[%arg0, %multiple_of3A, %dma_start3A_46] : memref<2x10000x128xf32, #tpu.memory_space<hbm>> -> memref<1x624x128xf32, #tpu.memory_space<hbm>>
        %dma_start3A_48 = tpu.memref_squeeze %dma_start3A_47 : memref<1x624x128xf32, #tpu.memory_space<hbm>> -> memref<624x128xf32, #tpu.memory_space<hbm>>
        %dma_start3A_49 = arith.constant 0 : i32
        %dma_start3A_50 = tpu.memref_slice %arg7[%multiple_of3A, %dma_start3A_49] : memref<10000x128xf32, #tpu.memory_space<vmem_shared>> -> memref<624x128xf32, #tpu.memory_space<vmem_shared>>
        tpu.enqueue_dma source(%dma_start3A_50 : memref<624x128xf32, #tpu.memory_space<vmem_shared>>) target(%dma_start3A_48 : memref<624x128xf32, #tpu.memory_space<hbm>>) target_semaphore(%run_scoped3A : memref<!tpu.dma_semaphore, #tpu.memory_space<semaphore_mem>>)
        %dma_wait3A_51 = arith.constant 0 : i32
        %dma_wait3A_52 = tpu.memref_slice %arg6[%arg0, %multiple_of3A, %dma_wait3A_51] : memref<2x10000x128xf32, #tpu.memory_space<hbm>> -> memref<1x624x128xf32, #tpu.memory_space<hbm>>
        %dma_wait3A_53 = tpu.memref_squeeze %dma_wait3A_52 : memref<1x624x128xf32, #tpu.memory_space<hbm>> -> memref<624x128xf32, #tpu.memory_space<hbm>>
        %dma_wait3A_54 = arith.constant 0 : i32
        %dma_wait3A_55 = tpu.memref_slice %arg7[%multiple_of3A, %dma_wait3A_54] : memref<10000x128xf32, #tpu.memory_space<vmem_shared>> -> memref<624x128xf32, #tpu.memory_space<vmem_shared>>
        tpu.wait_dma2 semaphore(%run_scoped3A : memref<!tpu.dma_semaphore, #tpu.memory_space<semaphore_mem>>) src(%dma_wait3A_55 : memref<624x128xf32, #tpu.memory_space<vmem_shared>>) dst(%dma_wait3A_53 : memref<624x128xf32, #tpu.memory_space<hbm>>)
        tpu.yield
      }) : () -> ()
    } else {
    }
    %eq3A_41 = arith.constant 15 : i32
    %eq3A_42 = arith.cmpi eq, %arg1, %eq3A_41 : i32
    %convert_element_type3A_43 = arith.extui %eq3A_42 : i1 to i32
    %cond3A_44 = arith.constant 0 : i32
    %cond3A_45 = arith.cmpi ne, %convert_element_type3A_43, %cond3A_44 : i32
    scf.if %cond3A_45 {
      "tpu.region"() ({
        %run_scoped3A = tpu.sem_alloc : memref<!tpu.dma_semaphore, #tpu.memory_space<semaphore_mem>>
        %dma_start3A_46 = arith.constant 9360 : i32
        %dma_start3A_47 = arith.constant 0 : i32
        %dma_start3A_48 = tpu.memref_slice %arg6[%arg0, %dma_start3A_46, %dma_start3A_47] : memref<2x10000x128xf32, #tpu.memory_space<hbm>> -> memref<1x640x128xf32, #tpu.memory_space<hbm>>
        %dma_start3A_49 = tpu.memref_squeeze %dma_start3A_48 : memref<1x640x128xf32, #tpu.memory_space<hbm>> -> memref<640x128xf32, #tpu.memory_space<hbm>>
        %dma_start3A_50 = arith.constant 9360 : i32
        %dma_start3A_51 = arith.constant 0 : i32
        %dma_start3A_52 = tpu.memref_slice %arg7[%dma_start3A_50, %dma_start3A_51] : memref<10000x128xf32, #tpu.memory_space<vmem_shared>> -> memref<640x128xf32, #tpu.memory_space<vmem_shared>>
        tpu.enqueue_dma source(%dma_start3A_52 : memref<640x128xf32, #tpu.memory_space<vmem_shared>>) target(%dma_start3A_49 : memref<640x128xf32, #tpu.memory_space<hbm>>) target_semaphore(%run_scoped3A : memref<!tpu.dma_semaphore, #tpu.memory_space<semaphore_mem>>)
        %dma_wait3A_53 = arith.constant 9360 : i32
        %dma_wait3A_54 = arith.constant 0 : i32
        %dma_wait3A_55 = tpu.memref_slice %arg6[%arg0, %dma_wait3A_53, %dma_wait3A_54] : memref<2x10000x128xf32, #tpu.memory_space<hbm>> -> memref<1x640x128xf32, #tpu.memory_space<hbm>>
        %dma_wait3A_56 = tpu.memref_squeeze %dma_wait3A_55 : memref<1x640x128xf32, #tpu.memory_space<hbm>> -> memref<640x128xf32, #tpu.memory_space<hbm>>
        %dma_wait3A_57 = arith.constant 9360 : i32
        %dma_wait3A_58 = arith.constant 0 : i32
        %dma_wait3A_59 = tpu.memref_slice %arg7[%dma_wait3A_57, %dma_wait3A_58] : memref<10000x128xf32, #tpu.memory_space<vmem_shared>> -> memref<640x128xf32, #tpu.memory_space<vmem_shared>>
        tpu.wait_dma2 semaphore(%run_scoped3A : memref<!tpu.dma_semaphore, #tpu.memory_space<semaphore_mem>>) src(%dma_wait3A_59 : memref<640x128xf32, #tpu.memory_space<vmem_shared>>) dst(%dma_wait3A_56 : memref<640x128xf32, #tpu.memory_space<hbm>>)
        tpu.yield
      }) : () -> ()
    } else {
    }
    return
  }
}

#map = affine_map<(d0, d1) -> (0, 0)>
#map1 = affine_map<(d0, d1) -> (0, 0, 0)>
module attributes {stable_mosaic.version = 14 : i64} {
  func.func @body(%arg0: i32, %arg1: i32, %arg2: memref<4000x80xi32, #tpu.memory_space<hbm>>, %arg3: memref<640x16xf32, #tpu.memory_space<hbm>>, %arg4: memref<80x16xf32, #tpu.memory_space<hbm>>, %arg5: memref<2x10000x16xf32, #tpu.memory_space<hbm>>, %arg6: memref<10000x16xf32, #tpu.memory_space<vmem_shared>>, %arg7: memref<125x80xi32, #tpu.memory_space<vmem>>, %arg8: memref<80x16xf32, #tpu.memory_space<vmem>>) attributes {dimension_semantics = [#tpu.dimension_semantics<core_parallel>, #tpu.dimension_semantics<subcore_parallel>], iteration_bounds = array<i64: 2, 16>, scalar_prefetch = 0 : i64, scratch_operands = 3 : i64, tpu.core_type = #tpu.core_type<sc_vector_subcore>, window_params = [{transform_indices = #map}, {transform_indices = #map}, {transform_indices = #map}, {transform_indices = #map1}]} {
    %mul3A = arith.constant 624 : i32
    %mul3A_0 = arith.muli %arg1, %mul3A : i32
    %multiple_of3A = tpu.assume_multiple %mul3A_0, 8 : i32
    %mul3A_1 = arith.constant 16 : i32
    %mul3A_2 = arith.muli %arg0, %mul3A_1 : i32
    %add3A = arith.addi %mul3A_2, %arg1 : i32
    %mul3A_3 = arith.constant 125 : i32
    %mul3A_4 = arith.muli %add3A, %mul3A_3 : i32
    "tpu.region"() ({
      %run_scoped3A = tpu.sem_alloc : memref<!tpu.dma_semaphore, #tpu.memory_space<semaphore_mem>>
      %dma_start3A = arith.constant 0 : i32
      %dma_start3A_27 = tpu.memref_slice %arg2[%mul3A_4, %dma_start3A] : memref<4000x80xi32, #tpu.memory_space<hbm>> -> memref<125x80xi32, #tpu.memory_space<hbm>>
      %dma_start3A_28 = arith.constant 0 : i32
      %dma_start3A_29 = tpu.memref_slice %arg2[%mul3A_4, %dma_start3A_28] : memref<4000x80xi32, #tpu.memory_space<hbm>> -> memref<125x80xi32, #tpu.memory_space<hbm>>
      tpu.enqueue_dma source(%dma_start3A_29 : memref<125x80xi32, #tpu.memory_space<hbm>>) target(%arg7 : memref<125x80xi32, #tpu.memory_space<vmem>>) target_semaphore(%run_scoped3A : memref<!tpu.dma_semaphore, #tpu.memory_space<semaphore_mem>>)
      %dma_wait3A = arith.constant 0 : i32
      %dma_wait3A_30 = tpu.memref_slice %arg2[%mul3A_4, %dma_wait3A] : memref<4000x80xi32, #tpu.memory_space<hbm>> -> memref<125x80xi32, #tpu.memory_space<hbm>>
      %dma_wait3A_31 = arith.constant 0 : i32
      %dma_wait3A_32 = tpu.memref_slice %arg2[%mul3A_4, %dma_wait3A_31] : memref<4000x80xi32, #tpu.memory_space<hbm>> -> memref<125x80xi32, #tpu.memory_space<hbm>>
      tpu.wait_dma2 semaphore(%run_scoped3A : memref<!tpu.dma_semaphore, #tpu.memory_space<semaphore_mem>>) src(%dma_wait3A_32 : memref<125x80xi32, #tpu.memory_space<hbm>>) dst(%arg7 : memref<125x80xi32, #tpu.memory_space<vmem>>)
      tpu.yield
    }) : () -> ()
    "tpu.region"() ({
      %run_scoped3A = tpu.sem_alloc : memref<!tpu.dma_semaphore, #tpu.memory_space<semaphore_mem>>
      tpu.enqueue_dma source(%arg4 : memref<80x16xf32, #tpu.memory_space<hbm>>) target(%arg8 : memref<80x16xf32, #tpu.memory_space<vmem>>) target_semaphore(%run_scoped3A : memref<!tpu.dma_semaphore, #tpu.memory_space<semaphore_mem>>)
      tpu.wait_dma2 semaphore(%run_scoped3A : memref<!tpu.dma_semaphore, #tpu.memory_space<semaphore_mem>>) src(%arg4 : memref<80x16xf32, #tpu.memory_space<hbm>>) dst(%arg8 : memref<80x16xf32, #tpu.memory_space<vmem>>)
      tpu.yield
    }) : () -> ()
    %lt3A = arith.constant 15 : i32
    %lt3A_5 = arith.cmpi slt, %arg1, %lt3A : i32
    %convert_element_type3A = arith.extui %lt3A_5 : i1 to i32
    %cond3A = arith.constant 0 : i32
    %cond3A_6 = arith.cmpi ne, %convert_element_type3A, %cond3A : i32
    scf.if %cond3A_6 {
      "tpu.region"() ({
        %run_scoped3A = tpu.sem_alloc : memref<!tpu.dma_semaphore, #tpu.memory_space<semaphore_mem>>
        %dma_start3A = arith.constant 0 : i32
        %dma_start3A_27 = tpu.memref_slice %arg6[%multiple_of3A, %dma_start3A] : memref<10000x16xf32, #tpu.memory_space<vmem_shared>> -> memref<624x16xf32, #tpu.memory_space<vmem_shared>>
        %dma_start3A_28 = arith.constant 0 : i32
        %dma_start3A_29 = arith.constant 0 : i32
        %dma_start3A_30 = tpu.memref_slice %arg3[%dma_start3A_28, %dma_start3A_29] : memref<640x16xf32, #tpu.memory_space<hbm>> -> memref<624x16xf32, #tpu.memory_space<hbm>>
        tpu.enqueue_dma source(%dma_start3A_30 : memref<624x16xf32, #tpu.memory_space<hbm>>) target(%dma_start3A_27 : memref<624x16xf32, #tpu.memory_space<vmem_shared>>) target_semaphore(%run_scoped3A : memref<!tpu.dma_semaphore, #tpu.memory_space<semaphore_mem>>)
        %dma_wait3A = arith.constant 0 : i32
        %dma_wait3A_31 = tpu.memref_slice %arg6[%multiple_of3A, %dma_wait3A] : memref<10000x16xf32, #tpu.memory_space<vmem_shared>> -> memref<624x16xf32, #tpu.memory_space<vmem_shared>>
        %dma_wait3A_32 = arith.constant 0 : i32
        %dma_wait3A_33 = arith.constant 0 : i32
        %dma_wait3A_34 = tpu.memref_slice %arg3[%dma_wait3A_32, %dma_wait3A_33] : memref<640x16xf32, #tpu.memory_space<hbm>> -> memref<624x16xf32, #tpu.memory_space<hbm>>
        tpu.wait_dma2 semaphore(%run_scoped3A : memref<!tpu.dma_semaphore, #tpu.memory_space<semaphore_mem>>) src(%dma_wait3A_34 : memref<624x16xf32, #tpu.memory_space<hbm>>) dst(%dma_wait3A_31 : memref<624x16xf32, #tpu.memory_space<vmem_shared>>)
        tpu.yield
      }) : () -> ()
    } else {
    }
    %eq3A = arith.constant 15 : i32
    %eq3A_7 = arith.cmpi eq, %arg1, %eq3A : i32
    %convert_element_type3A_8 = arith.extui %eq3A_7 : i1 to i32
    %cond3A_9 = arith.constant 0 : i32
    %cond3A_10 = arith.cmpi ne, %convert_element_type3A_8, %cond3A_9 : i32
    scf.if %cond3A_10 {
      "tpu.region"() ({
        %run_scoped3A = tpu.sem_alloc : memref<!tpu.dma_semaphore, #tpu.memory_space<semaphore_mem>>
        %dma_start3A = arith.constant 9360 : i32
        %dma_start3A_27 = arith.constant 0 : i32
        %dma_start3A_28 = tpu.memref_slice %arg6[%dma_start3A, %dma_start3A_27] : memref<10000x16xf32, #tpu.memory_space<vmem_shared>> -> memref<640x16xf32, #tpu.memory_space<vmem_shared>>
        tpu.enqueue_dma source(%arg3 : memref<640x16xf32, #tpu.memory_space<hbm>>) target(%dma_start3A_28 : memref<640x16xf32, #tpu.memory_space<vmem_shared>>) target_semaphore(%run_scoped3A : memref<!tpu.dma_semaphore, #tpu.memory_space<semaphore_mem>>)
        %dma_wait3A = arith.constant 9360 : i32
        %dma_wait3A_29 = arith.constant 0 : i32
        %dma_wait3A_30 = tpu.memref_slice %arg6[%dma_wait3A, %dma_wait3A_29] : memref<10000x16xf32, #tpu.memory_space<vmem_shared>> -> memref<640x16xf32, #tpu.memory_space<vmem_shared>>
        tpu.wait_dma2 semaphore(%run_scoped3A : memref<!tpu.dma_semaphore, #tpu.memory_space<semaphore_mem>>) src(%arg3 : memref<640x16xf32, #tpu.memory_space<hbm>>) dst(%dma_wait3A_30 : memref<640x16xf32, #tpu.memory_space<vmem_shared>>)
        tpu.yield
      }) : () -> ()
    } else {
    }
    %barrier3A = arith.constant 0 : index
    tpu.barrier barrier_id(%barrier3A)
    %scan3A = arith.constant 0 : i32
    %scan3A_11 = arith.constant 0 : i32
    %scan3A_12 = arith.constant 125 : i32
    %scan3A_13 = arith.addi %scan3A_11, %scan3A_12 : i32
    %scan3A_14 = arith.constant 1 : i32
    scf.for %scan3A_27 = %scan3A_11 to %scan3A_13 step %scan3A_14  : i32 {
      "tpu.region"() ({
        %run_scoped3A = tpu.sem_alloc : memref<!tpu.dma_semaphore, #tpu.memory_space<semaphore_mem>>
        %dma_start3A = arith.constant 0 : i32
        %dma_start3A_28 = tpu.memref_slice %arg7[%scan3A_27, %dma_start3A] : memref<125x80xi32, #tpu.memory_space<vmem>> -> memref<1x80xi32, #tpu.memory_space<vmem>>
        %dma_start3A_29 = tpu.memref_squeeze %dma_start3A_28 : memref<1x80xi32, #tpu.memory_space<vmem>> -> memref<80xi32, #tpu.memory_space<vmem>>
        %dma_start3A_30 = arith.constant 0 : i32
        %dma_start3A_31 = arith.constant 0 : i32
        %dma_start3A_32 = tpu.memref_slice %arg6[%dma_start3A_30, %dma_start3A_31] : memref<10000x16xf32, #tpu.memory_space<vmem_shared>> -> memref<10000x16xf32, #tpu.memory_space<vmem_shared>>
        tpu.enqueue_indirect_dma source(%arg8 : memref<80x16xf32, #tpu.memory_space<vmem>>) target(%dma_start3A_32 : memref<10000x16xf32, #tpu.memory_space<vmem_shared>>) offsets(%dma_start3A_29 : memref<80xi32, #tpu.memory_space<vmem>>) semaphore(%run_scoped3A : memref<!tpu.dma_semaphore, #tpu.memory_space<semaphore_mem>>) {add = true}
        %dma_wait3A = arith.constant 0 : i32
        %dma_wait3A_33 = tpu.memref_slice %arg7[%scan3A_27, %dma_wait3A] : memref<125x80xi32, #tpu.memory_space<vmem>> -> memref<1x80xi32, #tpu.memory_space<vmem>>
        %dma_wait3A_34 = tpu.memref_squeeze %dma_wait3A_33 : memref<1x80xi32, #tpu.memory_space<vmem>> -> memref<80xi32, #tpu.memory_space<vmem>>
        %dma_wait3A_35 = arith.constant 0 : i32
        %dma_wait3A_36 = arith.constant 0 : i32
        %dma_wait3A_37 = tpu.memref_slice %arg6[%dma_wait3A_35, %dma_wait3A_36] : memref<10000x16xf32, #tpu.memory_space<vmem_shared>> -> memref<10000x16xf32, #tpu.memory_space<vmem_shared>>
        tpu.wait_indirect_dma semaphore(%run_scoped3A : memref<!tpu.dma_semaphore, #tpu.memory_space<semaphore_mem>>) src(%arg8 : memref<80x16xf32, #tpu.memory_space<vmem>>) dst(%dma_wait3A_37 : memref<10000x16xf32, #tpu.memory_space<vmem_shared>>)
        tpu.yield
      }) : () -> ()
    }
    %scan3A_15 = arith.constant 125 : i32
    %barrier3A_16 = arith.constant 0 : index
    tpu.barrier barrier_id(%barrier3A_16)
    %lt3A_17 = arith.constant 15 : i32
    %lt3A_18 = arith.cmpi slt, %arg1, %lt3A_17 : i32
    %convert_element_type3A_19 = arith.extui %lt3A_18 : i1 to i32
    %cond3A_20 = arith.constant 0 : i32
    %cond3A_21 = arith.cmpi ne, %convert_element_type3A_19, %cond3A_20 : i32
    scf.if %cond3A_21 {
      "tpu.region"() ({
        %run_scoped3A = tpu.sem_alloc : memref<!tpu.dma_semaphore, #tpu.memory_space<semaphore_mem>>
        %dma_start3A = arith.constant 0 : i32
        %dma_start3A_27 = tpu.memref_slice %arg5[%arg0, %multiple_of3A, %dma_start3A] : memref<2x10000x16xf32, #tpu.memory_space<hbm>> -> memref<1x624x16xf32, #tpu.memory_space<hbm>>
        %dma_start3A_28 = tpu.memref_squeeze %dma_start3A_27 : memref<1x624x16xf32, #tpu.memory_space<hbm>> -> memref<624x16xf32, #tpu.memory_space<hbm>>
        %dma_start3A_29 = arith.constant 0 : i32
        %dma_start3A_30 = tpu.memref_slice %arg6[%multiple_of3A, %dma_start3A_29] : memref<10000x16xf32, #tpu.memory_space<vmem_shared>> -> memref<624x16xf32, #tpu.memory_space<vmem_shared>>
        tpu.enqueue_dma source(%dma_start3A_30 : memref<624x16xf32, #tpu.memory_space<vmem_shared>>) target(%dma_start3A_28 : memref<624x16xf32, #tpu.memory_space<hbm>>) target_semaphore(%run_scoped3A : memref<!tpu.dma_semaphore, #tpu.memory_space<semaphore_mem>>)
        %dma_wait3A = arith.constant 0 : i32
        %dma_wait3A_31 = tpu.memref_slice %arg5[%arg0, %multiple_of3A, %dma_wait3A] : memref<2x10000x16xf32, #tpu.memory_space<hbm>> -> memref<1x624x16xf32, #tpu.memory_space<hbm>>
        %dma_wait3A_32 = tpu.memref_squeeze %dma_wait3A_31 : memref<1x624x16xf32, #tpu.memory_space<hbm>> -> memref<624x16xf32, #tpu.memory_space<hbm>>
        %dma_wait3A_33 = arith.constant 0 : i32
        %dma_wait3A_34 = tpu.memref_slice %arg6[%multiple_of3A, %dma_wait3A_33] : memref<10000x16xf32, #tpu.memory_space<vmem_shared>> -> memref<624x16xf32, #tpu.memory_space<vmem_shared>>
        tpu.wait_dma2 semaphore(%run_scoped3A : memref<!tpu.dma_semaphore, #tpu.memory_space<semaphore_mem>>) src(%dma_wait3A_34 : memref<624x16xf32, #tpu.memory_space<vmem_shared>>) dst(%dma_wait3A_32 : memref<624x16xf32, #tpu.memory_space<hbm>>)
        tpu.yield
      }) : () -> ()
    } else {
    }
    %eq3A_22 = arith.constant 15 : i32
    %eq3A_23 = arith.cmpi eq, %arg1, %eq3A_22 : i32
    %convert_element_type3A_24 = arith.extui %eq3A_23 : i1 to i32
    %cond3A_25 = arith.constant 0 : i32
    %cond3A_26 = arith.cmpi ne, %convert_element_type3A_24, %cond3A_25 : i32
    scf.if %cond3A_26 {
      "tpu.region"() ({
        %run_scoped3A = tpu.sem_alloc : memref<!tpu.dma_semaphore, #tpu.memory_space<semaphore_mem>>
        %dma_start3A = arith.constant 9360 : i32
        %dma_start3A_27 = arith.constant 0 : i32
        %dma_start3A_28 = tpu.memref_slice %arg5[%arg0, %dma_start3A, %dma_start3A_27] : memref<2x10000x16xf32, #tpu.memory_space<hbm>> -> memref<1x640x16xf32, #tpu.memory_space<hbm>>
        %dma_start3A_29 = tpu.memref_squeeze %dma_start3A_28 : memref<1x640x16xf32, #tpu.memory_space<hbm>> -> memref<640x16xf32, #tpu.memory_space<hbm>>
        %dma_start3A_30 = arith.constant 9360 : i32
        %dma_start3A_31 = arith.constant 0 : i32
        %dma_start3A_32 = tpu.memref_slice %arg6[%dma_start3A_30, %dma_start3A_31] : memref<10000x16xf32, #tpu.memory_space<vmem_shared>> -> memref<640x16xf32, #tpu.memory_space<vmem_shared>>
        tpu.enqueue_dma source(%dma_start3A_32 : memref<640x16xf32, #tpu.memory_space<vmem_shared>>) target(%dma_start3A_29 : memref<640x16xf32, #tpu.memory_space<hbm>>) target_semaphore(%run_scoped3A : memref<!tpu.dma_semaphore, #tpu.memory_space<semaphore_mem>>)
        %dma_wait3A = arith.constant 9360 : i32
        %dma_wait3A_33 = arith.constant 0 : i32
        %dma_wait3A_34 = tpu.memref_slice %arg5[%arg0, %dma_wait3A, %dma_wait3A_33] : memref<2x10000x16xf32, #tpu.memory_space<hbm>> -> memref<1x640x16xf32, #tpu.memory_space<hbm>>
        %dma_wait3A_35 = tpu.memref_squeeze %dma_wait3A_34 : memref<1x640x16xf32, #tpu.memory_space<hbm>> -> memref<640x16xf32, #tpu.memory_space<hbm>>
        %dma_wait3A_36 = arith.constant 9360 : i32
        %dma_wait3A_37 = arith.constant 0 : i32
        %dma_wait3A_38 = tpu.memref_slice %arg6[%dma_wait3A_36, %dma_wait3A_37] : memref<10000x16xf32, #tpu.memory_space<vmem_shared>> -> memref<640x16xf32, #tpu.memory_space<vmem_shared>>
        tpu.wait_dma2 semaphore(%run_scoped3A : memref<!tpu.dma_semaphore, #tpu.memory_space<semaphore_mem>>) src(%dma_wait3A_38 : memref<640x16xf32, #tpu.memory_space<vmem_shared>>) dst(%dma_wait3A_35 : memref<640x16xf32, #tpu.memory_space<hbm>>)
        tpu.yield
      }) : () -> ()
    } else {
    }
    return
  }
}

#map = affine_map<(d0, d1) -> (0, 0)>
#map1 = affine_map<(d0, d1) -> (0, 0, 0)>
module attributes {stable_mosaic.version = 14 : i64} {
  func.func @body(%arg0: i32, %arg1: i32, %arg2: memref<10000x128xf32, #tpu.memory_space<hbm>>, %arg3: memref<4000x80xi32, #tpu.memory_space<hbm>>, %arg4: memref<4000x80xi32, #tpu.memory_space<hbm>>, %arg5: memref<640x128xf32, #tpu.memory_space<hbm>>, %arg6: memref<2x10000x128xf32, #tpu.memory_space<hbm>>, %arg7: memref<10000x128xf32, #tpu.memory_space<vmem_shared>>, %arg8: memref<125x80xi32, #tpu.memory_space<vmem>>, %arg9: memref<125x80xi32, #tpu.memory_space<vmem>>, %arg10: memref<80x128xf32, #tpu.memory_space<vmem>>, %arg11: memref<80x128xf32, #tpu.memory_space<vmem>>, %arg12: memref<80x128xf32, #tpu.memory_space<vmem>>, %arg13: memref<!tpu.dma_semaphore, #tpu.memory_space<semaphore_mem>>, %arg14: memref<!tpu.dma_semaphore, #tpu.memory_space<semaphore_mem>>, %arg15: memref<!tpu.dma_semaphore, #tpu.memory_space<semaphore_mem>>, %arg16: memref<!tpu.dma_semaphore, #tpu.memory_space<semaphore_mem>>, %arg17: memref<!tpu.dma_semaphore, #tpu.memory_space<semaphore_mem>>, %arg18: memref<!tpu.dma_semaphore, #tpu.memory_space<semaphore_mem>>) attributes {dimension_semantics = [#tpu.dimension_semantics<core_parallel>, #tpu.dimension_semantics<subcore_parallel>], iteration_bounds = array<i64: 2, 16>, scalar_prefetch = 0 : i64, scratch_operands = 12 : i64, tpu.core_type = #tpu.core_type<sc_vector_subcore>, window_params = [{transform_indices = #map}, {transform_indices = #map}, {transform_indices = #map}, {transform_indices = #map}, {transform_indices = #map1}]} {
    %mul3A = arith.constant 624 : i32
    %mul3A_0 = arith.muli %arg1, %mul3A : i32
    %multiple_of3A = tpu.assume_multiple %mul3A_0, 8 : i32
    %mul3A_1 = arith.constant 16 : i32
    %mul3A_2 = arith.muli %arg0, %mul3A_1 : i32
    %add3A = arith.addi %mul3A_2, %arg1 : i32
    %mul3A_3 = arith.constant 125 : i32
    %mul3A_4 = arith.muli %add3A, %mul3A_3 : i32
    "tpu.region"() ({
      %run_scoped3A = tpu.sem_alloc : memref<!tpu.dma_semaphore, #tpu.memory_space<semaphore_mem>>
      %dma_start3A_46 = arith.constant 0 : i32
      %dma_start3A_47 = tpu.memref_slice %arg3[%mul3A_4, %dma_start3A_46] : memref<4000x80xi32, #tpu.memory_space<hbm>> -> memref<125x80xi32, #tpu.memory_space<hbm>>
      %dma_start3A_48 = arith.constant 0 : i32
      %dma_start3A_49 = tpu.memref_slice %arg3[%mul3A_4, %dma_start3A_48] : memref<4000x80xi32, #tpu.memory_space<hbm>> -> memref<125x80xi32, #tpu.memory_space<hbm>>
      tpu.enqueue_dma source(%dma_start3A_49 : memref<125x80xi32, #tpu.memory_space<hbm>>) target(%arg8 : memref<125x80xi32, #tpu.memory_space<vmem>>) target_semaphore(%run_scoped3A : memref<!tpu.dma_semaphore, #tpu.memory_space<semaphore_mem>>)
      %dma_wait3A_50 = arith.constant 0 : i32
      %dma_wait3A_51 = tpu.memref_slice %arg3[%mul3A_4, %dma_wait3A_50] : memref<4000x80xi32, #tpu.memory_space<hbm>> -> memref<125x80xi32, #tpu.memory_space<hbm>>
      %dma_wait3A_52 = arith.constant 0 : i32
      %dma_wait3A_53 = tpu.memref_slice %arg3[%mul3A_4, %dma_wait3A_52] : memref<4000x80xi32, #tpu.memory_space<hbm>> -> memref<125x80xi32, #tpu.memory_space<hbm>>
      tpu.wait_dma2 semaphore(%run_scoped3A : memref<!tpu.dma_semaphore, #tpu.memory_space<semaphore_mem>>) src(%dma_wait3A_53 : memref<125x80xi32, #tpu.memory_space<hbm>>) dst(%arg8 : memref<125x80xi32, #tpu.memory_space<vmem>>)
      tpu.yield
    }) : () -> ()
    "tpu.region"() ({
      %run_scoped3A = tpu.sem_alloc : memref<!tpu.dma_semaphore, #tpu.memory_space<semaphore_mem>>
      %dma_start3A_46 = arith.constant 0 : i32
      %dma_start3A_47 = tpu.memref_slice %arg4[%mul3A_4, %dma_start3A_46] : memref<4000x80xi32, #tpu.memory_space<hbm>> -> memref<125x80xi32, #tpu.memory_space<hbm>>
      %dma_start3A_48 = arith.constant 0 : i32
      %dma_start3A_49 = tpu.memref_slice %arg4[%mul3A_4, %dma_start3A_48] : memref<4000x80xi32, #tpu.memory_space<hbm>> -> memref<125x80xi32, #tpu.memory_space<hbm>>
      tpu.enqueue_dma source(%dma_start3A_49 : memref<125x80xi32, #tpu.memory_space<hbm>>) target(%arg9 : memref<125x80xi32, #tpu.memory_space<vmem>>) target_semaphore(%run_scoped3A : memref<!tpu.dma_semaphore, #tpu.memory_space<semaphore_mem>>)
      %dma_wait3A_50 = arith.constant 0 : i32
      %dma_wait3A_51 = tpu.memref_slice %arg4[%mul3A_4, %dma_wait3A_50] : memref<4000x80xi32, #tpu.memory_space<hbm>> -> memref<125x80xi32, #tpu.memory_space<hbm>>
      %dma_wait3A_52 = arith.constant 0 : i32
      %dma_wait3A_53 = tpu.memref_slice %arg4[%mul3A_4, %dma_wait3A_52] : memref<4000x80xi32, #tpu.memory_space<hbm>> -> memref<125x80xi32, #tpu.memory_space<hbm>>
      tpu.wait_dma2 semaphore(%run_scoped3A : memref<!tpu.dma_semaphore, #tpu.memory_space<semaphore_mem>>) src(%dma_wait3A_53 : memref<125x80xi32, #tpu.memory_space<hbm>>) dst(%arg9 : memref<125x80xi32, #tpu.memory_space<vmem>>)
      tpu.yield
    }) : () -> ()
    %lt3A = arith.constant 15 : i32
    %lt3A_5 = arith.cmpi slt, %arg1, %lt3A : i32
    %convert_element_type3A = arith.extui %lt3A_5 : i1 to i32
    %cond3A = arith.constant 0 : i32
    %cond3A_6 = arith.cmpi ne, %convert_element_type3A, %cond3A : i32
    scf.if %cond3A_6 {
      "tpu.region"() ({
        %run_scoped3A = tpu.sem_alloc : memref<!tpu.dma_semaphore, #tpu.memory_space<semaphore_mem>>
        %dma_start3A_46 = arith.constant 0 : i32
        %dma_start3A_47 = tpu.memref_slice %arg7[%multiple_of3A, %dma_start3A_46] : memref<10000x128xf32, #tpu.memory_space<vmem_shared>> -> memref<624x128xf32, #tpu.memory_space<vmem_shared>>
        %dma_start3A_48 = arith.constant 0 : i32
        %dma_start3A_49 = arith.constant 0 : i32
        %dma_start3A_50 = tpu.memref_slice %arg5[%dma_start3A_48, %dma_start3A_49] : memref<640x128xf32, #tpu.memory_space<hbm>> -> memref<624x128xf32, #tpu.memory_space<hbm>>
        tpu.enqueue_dma source(%dma_start3A_50 : memref<624x128xf32, #tpu.memory_space<hbm>>) target(%dma_start3A_47 : memref<624x128xf32, #tpu.memory_space<vmem_shared>>) target_semaphore(%run_scoped3A : memref<!tpu.dma_semaphore, #tpu.memory_space<semaphore_mem>>)
        %dma_wait3A_51 = arith.constant 0 : i32
        %dma_wait3A_52 = tpu.memref_slice %arg7[%multiple_of3A, %dma_wait3A_51] : memref<10000x128xf32, #tpu.memory_space<vmem_shared>> -> memref<624x128xf32, #tpu.memory_space<vmem_shared>>
        %dma_wait3A_53 = arith.constant 0 : i32
        %dma_wait3A_54 = arith.constant 0 : i32
        %dma_wait3A_55 = tpu.memref_slice %arg5[%dma_wait3A_53, %dma_wait3A_54] : memref<640x128xf32, #tpu.memory_space<hbm>> -> memref<624x128xf32, #tpu.memory_space<hbm>>
        tpu.wait_dma2 semaphore(%run_scoped3A : memref<!tpu.dma_semaphore, #tpu.memory_space<semaphore_mem>>) src(%dma_wait3A_55 : memref<624x128xf32, #tpu.memory_space<hbm>>) dst(%dma_wait3A_52 : memref<624x128xf32, #tpu.memory_space<vmem_shared>>)
        tpu.yield
      }) : () -> ()
    } else {
    }
    %eq3A = arith.constant 15 : i32
    %eq3A_7 = arith.cmpi eq, %arg1, %eq3A : i32
    %convert_element_type3A_8 = arith.extui %eq3A_7 : i1 to i32
    %cond3A_9 = arith.constant 0 : i32
    %cond3A_10 = arith.cmpi ne, %convert_element_type3A_8, %cond3A_9 : i32
    scf.if %cond3A_10 {
      "tpu.region"() ({
        %run_scoped3A = tpu.sem_alloc : memref<!tpu.dma_semaphore, #tpu.memory_space<semaphore_mem>>
        %dma_start3A_46 = arith.constant 9360 : i32
        %dma_start3A_47 = arith.constant 0 : i32
        %dma_start3A_48 = tpu.memref_slice %arg7[%dma_start3A_46, %dma_start3A_47] : memref<10000x128xf32, #tpu.memory_space<vmem_shared>> -> memref<640x128xf32, #tpu.memory_space<vmem_shared>>
        tpu.enqueue_dma source(%arg5 : memref<640x128xf32, #tpu.memory_space<hbm>>) target(%dma_start3A_48 : memref<640x128xf32, #tpu.memory_space<vmem_shared>>) target_semaphore(%run_scoped3A : memref<!tpu.dma_semaphore, #tpu.memory_space<semaphore_mem>>)
        %dma_wait3A_49 = arith.constant 9360 : i32
        %dma_wait3A_50 = arith.constant 0 : i32
        %dma_wait3A_51 = tpu.memref_slice %arg7[%dma_wait3A_49, %dma_wait3A_50] : memref<10000x128xf32, #tpu.memory_space<vmem_shared>> -> memref<640x128xf32, #tpu.memory_space<vmem_shared>>
        tpu.wait_dma2 semaphore(%run_scoped3A : memref<!tpu.dma_semaphore, #tpu.memory_space<semaphore_mem>>) src(%arg5 : memref<640x128xf32, #tpu.memory_space<hbm>>) dst(%dma_wait3A_51 : memref<640x128xf32, #tpu.memory_space<vmem_shared>>)
        tpu.yield
      }) : () -> ()
    } else {
    }
    %barrier3A = arith.constant 0 : index
    tpu.barrier barrier_id(%barrier3A)
    %dma_start3A = arith.constant 0 : i32
    %dma_start3A_11 = arith.constant 0 : i32
    %dma_start3A_12 = tpu.memref_slice %arg8[%dma_start3A, %dma_start3A_11] : memref<125x80xi32, #tpu.memory_space<vmem>> -> memref<1x80xi32, #tpu.memory_space<vmem>>
    %dma_start3A_13 = tpu.memref_squeeze %dma_start3A_12 : memref<1x80xi32, #tpu.memory_space<vmem>> -> memref<80xi32, #tpu.memory_space<vmem>>
    %dma_start3A_14 = arith.constant 0 : i32
    %dma_start3A_15 = arith.constant 0 : i32
    %dma_start3A_16 = tpu.memref_slice %arg2[%dma_start3A_14, %dma_start3A_15] : memref<10000x128xf32, #tpu.memory_space<hbm>> -> memref<10000x128xf32, #tpu.memory_space<hbm>>
    tpu.enqueue_indirect_dma source(%dma_start3A_16 : memref<10000x128xf32, #tpu.memory_space<hbm>>) target(%arg10 : memref<80x128xf32, #tpu.memory_space<vmem>>) offsets(%dma_start3A_13 : memref<80xi32, #tpu.memory_space<vmem>>) semaphore(%arg13 : memref<!tpu.dma_semaphore, #tpu.memory_space<semaphore_mem>>)
    %dma_start3A_17 = arith.constant 1 : i32
    %dma_start3A_18 = arith.constant 0 : i32
    %dma_start3A_19 = tpu.memref_slice %arg8[%dma_start3A_17, %dma_start3A_18] : memref<125x80xi32, #tpu.memory_space<vmem>> -> memref<1x80xi32, #tpu.memory_space<vmem>>
    %dma_start3A_20 = tpu.memref_squeeze %dma_start3A_19 : memref<1x80xi32, #tpu.memory_space<vmem>> -> memref<80xi32, #tpu.memory_space<vmem>>
    %dma_start3A_21 = arith.constant 0 : i32
    %dma_start3A_22 = arith.constant 0 : i32
    %dma_start3A_23 = tpu.memref_slice %arg2[%dma_start3A_21, %dma_start3A_22] : memref<10000x128xf32, #tpu.memory_space<hbm>> -> memref<10000x128xf32, #tpu.memory_space<hbm>>
    tpu.enqueue_indirect_dma source(%dma_start3A_23 : memref<10000x128xf32, #tpu.memory_space<hbm>>) target(%arg11 : memref<80x128xf32, #tpu.memory_space<vmem>>) offsets(%dma_start3A_20 : memref<80xi32, #tpu.memory_space<vmem>>) semaphore(%arg14 : memref<!tpu.dma_semaphore, #tpu.memory_space<semaphore_mem>>)
    %scan3A = arith.constant 0 : i32
    %scan3A_24 = arith.constant 0 : i32
    %scan3A_25 = arith.constant 125 : i32
    %scan3A_26 = arith.addi %scan3A_24, %scan3A_25 : i32
    %scan3A_27 = arith.constant 1 : i32
    scf.for %scan3A_46 = %scan3A_24 to %scan3A_26 step %scan3A_27  : i32 {
      %jit3A = arith.constant 3 : i32
      %eq3A_47 = arith.constant 0 : i32
      %eq3A_48 = arith.cmpi eq, %jit3A, %eq3A_47 : i32
      %jit3A_49 = arith.constant 1 : i32
      %select_n3A = arith.select %eq3A_48, %jit3A_49, %jit3A : i32
      %rem3A = arith.remsi %scan3A_46, %select_n3A : i32
      %ne3A = arith.constant 0 : i32
      %ne3A_50 = arith.cmpi ne, %rem3A, %ne3A : i32
      %lt3A_51 = arith.constant 0 : i32
      %lt3A_52 = arith.cmpi slt, %rem3A, %lt3A_51 : i32
      %lt3A_53 = arith.constant 0 : i32
      %lt3A_54 = arith.cmpi slt, %select_n3A, %lt3A_53 : i32
      %ne3A_55 = arith.xori %lt3A_52, %lt3A_54 : i1
      %and3A = arith.andi %ne3A_55, %ne3A_50 : i1
      %add3A_56 = arith.addi %rem3A, %select_n3A : i32
      %select_n3A_57 = arith.select %and3A, %add3A_56, %rem3A : i32
      %eq3A_58 = arith.constant 0 : i32
      %eq3A_59 = arith.cmpi eq, %select_n3A_57, %eq3A_58 : i32
      %convert_element_type3A_60 = arith.extui %eq3A_59 : i1 to i32
      %cond3A_61 = arith.constant 0 : i32
      %cond3A_62 = arith.cmpi ne, %convert_element_type3A_60, %cond3A_61 : i32
      scf.if %cond3A_62 {
        %dma_wait3A_265 = arith.constant 0 : i32
        %dma_wait3A_266 = tpu.memref_slice %arg8[%scan3A_46, %dma_wait3A_265] : memref<125x80xi32, #tpu.memory_space<vmem>> -> memref<1x80xi32, #tpu.memory_space<vmem>>
        %dma_wait3A_267 = tpu.memref_squeeze %dma_wait3A_266 : memref<1x80xi32, #tpu.memory_space<vmem>> -> memref<80xi32, #tpu.memory_space<vmem>>
        %dma_wait3A_268 = arith.constant 0 : i32
        %dma_wait3A_269 = arith.constant 0 : i32
        %dma_wait3A_270 = tpu.memref_slice %arg2[%dma_wait3A_268, %dma_wait3A_269] : memref<10000x128xf32, #tpu.memory_space<hbm>> -> memref<10000x128xf32, #tpu.memory_space<hbm>>
        tpu.wait_indirect_dma semaphore(%arg13 : memref<!tpu.dma_semaphore, #tpu.memory_space<semaphore_mem>>) src(%dma_wait3A_270 : memref<10000x128xf32, #tpu.memory_space<hbm>>) dst(%arg10 : memref<80x128xf32, #tpu.memory_space<vmem>>)
        %dma_start3A_271 = arith.constant 0 : i32
        %dma_start3A_272 = tpu.memref_slice %arg9[%scan3A_46, %dma_start3A_271] : memref<125x80xi32, #tpu.memory_space<vmem>> -> memref<1x80xi32, #tpu.memory_space<vmem>>
        %dma_start3A_273 = tpu.memref_squeeze %dma_start3A_272 : memref<1x80xi32, #tpu.memory_space<vmem>> -> memref<80xi32, #tpu.memory_space<vmem>>
        %dma_start3A_274 = arith.constant 0 : i32
        %dma_start3A_275 = arith.constant 0 : i32
        %dma_start3A_276 = tpu.memref_slice %arg7[%dma_start3A_274, %dma_start3A_275] : memref<10000x128xf32, #tpu.memory_space<vmem_shared>> -> memref<10000x128xf32, #tpu.memory_space<vmem_shared>>
        tpu.enqueue_indirect_dma source(%arg10 : memref<80x128xf32, #tpu.memory_space<vmem>>) target(%dma_start3A_276 : memref<10000x128xf32, #tpu.memory_space<vmem_shared>>) offsets(%dma_start3A_273 : memref<80xi32, #tpu.memory_space<vmem>>) semaphore(%arg16 : memref<!tpu.dma_semaphore, #tpu.memory_space<semaphore_mem>>) {add = true}
      } else {
      }
      %jit3A_63 = arith.constant 3 : i32
      %eq3A_64 = arith.constant 0 : i32
      %eq3A_65 = arith.cmpi eq, %jit3A_63, %eq3A_64 : i32
      %jit3A_66 = arith.constant 1 : i32
      %select_n3A_67 = arith.select %eq3A_65, %jit3A_66, %jit3A_63 : i32
      %rem3A_68 = arith.remsi %scan3A_46, %select_n3A_67 : i32
      %ne3A_69 = arith.constant 0 : i32
      %ne3A_70 = arith.cmpi ne, %rem3A_68, %ne3A_69 : i32
      %lt3A_71 = arith.constant 0 : i32
      %lt3A_72 = arith.cmpi slt, %rem3A_68, %lt3A_71 : i32
      %lt3A_73 = arith.constant 0 : i32
      %lt3A_74 = arith.cmpi slt, %select_n3A_67, %lt3A_73 : i32
      %ne3A_75 = arith.xori %lt3A_72, %lt3A_74 : i1
      %and3A_76 = arith.andi %ne3A_75, %ne3A_70 : i1
      %add3A_77 = arith.addi %rem3A_68, %select_n3A_67 : i32
      %select_n3A_78 = arith.select %and3A_76, %add3A_77, %rem3A_68 : i32
      %eq3A_79 = arith.constant 1 : i32
      %eq3A_80 = arith.cmpi eq, %select_n3A_78, %eq3A_79 : i32
      %convert_element_type3A_81 = arith.extui %eq3A_80 : i1 to i32
      %cond3A_82 = arith.constant 0 : i32
      %cond3A_83 = arith.cmpi ne, %convert_element_type3A_81, %cond3A_82 : i32
      scf.if %cond3A_83 {
        %dma_wait3A_265 = arith.constant 0 : i32
        %dma_wait3A_266 = tpu.memref_slice %arg8[%scan3A_46, %dma_wait3A_265] : memref<125x80xi32, #tpu.memory_space<vmem>> -> memref<1x80xi32, #tpu.memory_space<vmem>>
        %dma_wait3A_267 = tpu.memref_squeeze %dma_wait3A_266 : memref<1x80xi32, #tpu.memory_space<vmem>> -> memref<80xi32, #tpu.memory_space<vmem>>
        %dma_wait3A_268 = arith.constant 0 : i32
        %dma_wait3A_269 = arith.constant 0 : i32
        %dma_wait3A_270 = tpu.memref_slice %arg2[%dma_wait3A_268, %dma_wait3A_269] : memref<10000x128xf32, #tpu.memory_space<hbm>> -> memref<10000x128xf32, #tpu.memory_space<hbm>>
        tpu.wait_indirect_dma semaphore(%arg14 : memref<!tpu.dma_semaphore, #tpu.memory_space<semaphore_mem>>) src(%dma_wait3A_270 : memref<10000x128xf32, #tpu.memory_space<hbm>>) dst(%arg11 : memref<80x128xf32, #tpu.memory_space<vmem>>)
        %dma_start3A_271 = arith.constant 0 : i32
        %dma_start3A_272 = tpu.memref_slice %arg9[%scan3A_46, %dma_start3A_271] : memref<125x80xi32, #tpu.memory_space<vmem>> -> memref<1x80xi32, #tpu.memory_space<vmem>>
        %dma_start3A_273 = tpu.memref_squeeze %dma_start3A_272 : memref<1x80xi32, #tpu.memory_space<vmem>> -> memref<80xi32, #tpu.memory_space<vmem>>
        %dma_start3A_274 = arith.constant 0 : i32
        %dma_start3A_275 = arith.constant 0 : i32
        %dma_start3A_276 = tpu.memref_slice %arg7[%dma_start3A_274, %dma_start3A_275] : memref<10000x128xf32, #tpu.memory_space<vmem_shared>> -> memref<10000x128xf32, #tpu.memory_space<vmem_shared>>
        tpu.enqueue_indirect_dma source(%arg11 : memref<80x128xf32, #tpu.memory_space<vmem>>) target(%dma_start3A_276 : memref<10000x128xf32, #tpu.memory_space<vmem_shared>>) offsets(%dma_start3A_273 : memref<80xi32, #tpu.memory_space<vmem>>) semaphore(%arg17 : memref<!tpu.dma_semaphore, #tpu.memory_space<semaphore_mem>>) {add = true}
      } else {
      }
      %jit3A_84 = arith.constant 3 : i32
      %eq3A_85 = arith.constant 0 : i32
      %eq3A_86 = arith.cmpi eq, %jit3A_84, %eq3A_85 : i32
      %jit3A_87 = arith.constant 1 : i32
      %select_n3A_88 = arith.select %eq3A_86, %jit3A_87, %jit3A_84 : i32
      %rem3A_89 = arith.remsi %scan3A_46, %select_n3A_88 : i32
      %ne3A_90 = arith.constant 0 : i32
      %ne3A_91 = arith.cmpi ne, %rem3A_89, %ne3A_90 : i32
      %lt3A_92 = arith.constant 0 : i32
      %lt3A_93 = arith.cmpi slt, %rem3A_89, %lt3A_92 : i32
      %lt3A_94 = arith.constant 0 : i32
      %lt3A_95 = arith.cmpi slt, %select_n3A_88, %lt3A_94 : i32
      %ne3A_96 = arith.xori %lt3A_93, %lt3A_95 : i1
      %and3A_97 = arith.andi %ne3A_96, %ne3A_91 : i1
      %add3A_98 = arith.addi %rem3A_89, %select_n3A_88 : i32
      %select_n3A_99 = arith.select %and3A_97, %add3A_98, %rem3A_89 : i32
      %eq3A_100 = arith.constant 2 : i32
      %eq3A_101 = arith.cmpi eq, %select_n3A_99, %eq3A_100 : i32
      %convert_element_type3A_102 = arith.extui %eq3A_101 : i1 to i32
      %cond3A_103 = arith.constant 0 : i32
      %cond3A_104 = arith.cmpi ne, %convert_element_type3A_102, %cond3A_103 : i32
      scf.if %cond3A_104 {
        %dma_wait3A_265 = arith.constant 0 : i32
        %dma_wait3A_266 = tpu.memref_slice %arg8[%scan3A_46, %dma_wait3A_265] : memref<125x80xi32, #tpu.memory_space<vmem>> -> memref<1x80xi32, #tpu.memory_space<vmem>>
        %dma_wait3A_267 = tpu.memref_squeeze %dma_wait3A_266 : memref<1x80xi32, #tpu.memory_space<vmem>> -> memref<80xi32, #tpu.memory_space<vmem>>
        %dma_wait3A_268 = arith.constant 0 : i32
        %dma_wait3A_269 = arith.constant 0 : i32
        %dma_wait3A_270 = tpu.memref_slice %arg2[%dma_wait3A_268, %dma_wait3A_269] : memref<10000x128xf32, #tpu.memory_space<hbm>> -> memref<10000x128xf32, #tpu.memory_space<hbm>>
        tpu.wait_indirect_dma semaphore(%arg15 : memref<!tpu.dma_semaphore, #tpu.memory_space<semaphore_mem>>) src(%dma_wait3A_270 : memref<10000x128xf32, #tpu.memory_space<hbm>>) dst(%arg12 : memref<80x128xf32, #tpu.memory_space<vmem>>)
        %dma_start3A_271 = arith.constant 0 : i32
        %dma_start3A_272 = tpu.memref_slice %arg9[%scan3A_46, %dma_start3A_271] : memref<125x80xi32, #tpu.memory_space<vmem>> -> memref<1x80xi32, #tpu.memory_space<vmem>>
        %dma_start3A_273 = tpu.memref_squeeze %dma_start3A_272 : memref<1x80xi32, #tpu.memory_space<vmem>> -> memref<80xi32, #tpu.memory_space<vmem>>
        %dma_start3A_274 = arith.constant 0 : i32
        %dma_start3A_275 = arith.constant 0 : i32
        %dma_start3A_276 = tpu.memref_slice %arg7[%dma_start3A_274, %dma_start3A_275] : memref<10000x128xf32, #tpu.memory_space<vmem_shared>> -> memref<10000x128xf32, #tpu.memory_space<vmem_shared>>
        tpu.enqueue_indirect_dma source(%arg12 : memref<80x128xf32, #tpu.memory_space<vmem>>) target(%dma_start3A_276 : memref<10000x128xf32, #tpu.memory_space<vmem_shared>>) offsets(%dma_start3A_273 : memref<80xi32, #tpu.memory_space<vmem>>) semaphore(%arg18 : memref<!tpu.dma_semaphore, #tpu.memory_space<semaphore_mem>>) {add = true}
      } else {
      }
      %ge3A = arith.constant 1 : i32
      %ge3A_105 = arith.cmpi sge, %scan3A_46, %ge3A : i32
      %sub3A = arith.constant 1 : i32
      %sub3A_106 = arith.subi %scan3A_46, %sub3A : i32
      %jit3A_107 = arith.constant 3 : i32
      %eq3A_108 = arith.constant 0 : i32
      %eq3A_109 = arith.cmpi eq, %jit3A_107, %eq3A_108 : i32
      %jit3A_110 = arith.constant 1 : i32
      %select_n3A_111 = arith.select %eq3A_109, %jit3A_110, %jit3A_107 : i32
      %rem3A_112 = arith.remsi %sub3A_106, %select_n3A_111 : i32
      %ne3A_113 = arith.constant 0 : i32
      %ne3A_114 = arith.cmpi ne, %rem3A_112, %ne3A_113 : i32
      %lt3A_115 = arith.constant 0 : i32
      %lt3A_116 = arith.cmpi slt, %rem3A_112, %lt3A_115 : i32
      %lt3A_117 = arith.constant 0 : i32
      %lt3A_118 = arith.cmpi slt, %select_n3A_111, %lt3A_117 : i32
      %ne3A_119 = arith.xori %lt3A_116, %lt3A_118 : i1
      %and3A_120 = arith.andi %ne3A_119, %ne3A_114 : i1
      %add3A_121 = arith.addi %rem3A_112, %select_n3A_111 : i32
      %select_n3A_122 = arith.select %and3A_120, %add3A_121, %rem3A_112 : i32
      %eq3A_123 = arith.constant 0 : i32
      %eq3A_124 = arith.cmpi eq, %select_n3A_122, %eq3A_123 : i32
      %and3A_125 = arith.andi %ge3A_105, %eq3A_124 : i1
      %convert_element_type3A_126 = arith.extui %and3A_125 : i1 to i32
      %cond3A_127 = arith.constant 0 : i32
      %cond3A_128 = arith.cmpi ne, %convert_element_type3A_126, %cond3A_127 : i32
      scf.if %cond3A_128 {
        %dma_wait3A_265 = arith.constant 0 : i32
        %dma_wait3A_266 = arith.constant 0 : i32
        %dma_wait3A_267 = tpu.memref_slice %arg9[%dma_wait3A_265, %dma_wait3A_266] : memref<125x80xi32, #tpu.memory_space<vmem>> -> memref<1x80xi32, #tpu.memory_space<vmem>>
        %dma_wait3A_268 = tpu.memref_squeeze %dma_wait3A_267 : memref<1x80xi32, #tpu.memory_space<vmem>> -> memref<80xi32, #tpu.memory_space<vmem>>
        %dma_wait3A_269 = arith.constant 0 : i32
        %dma_wait3A_270 = arith.constant 0 : i32
        %dma_wait3A_271 = tpu.memref_slice %arg7[%dma_wait3A_269, %dma_wait3A_270] : memref<10000x128xf32, #tpu.memory_space<vmem_shared>> -> memref<10000x128xf32, #tpu.memory_space<vmem_shared>>
        tpu.wait_indirect_dma semaphore(%arg16 : memref<!tpu.dma_semaphore, #tpu.memory_space<semaphore_mem>>) src(%arg10 : memref<80x128xf32, #tpu.memory_space<vmem>>) dst(%dma_wait3A_271 : memref<10000x128xf32, #tpu.memory_space<vmem_shared>>)
      } else {
      }
      %ge3A_129 = arith.constant 1 : i32
      %ge3A_130 = arith.cmpi sge, %scan3A_46, %ge3A_129 : i32
      %sub3A_131 = arith.constant 1 : i32
      %sub3A_132 = arith.subi %scan3A_46, %sub3A_131 : i32
      %jit3A_133 = arith.constant 3 : i32
      %eq3A_134 = arith.constant 0 : i32
      %eq3A_135 = arith.cmpi eq, %jit3A_133, %eq3A_134 : i32
      %jit3A_136 = arith.constant 1 : i32
      %select_n3A_137 = arith.select %eq3A_135, %jit3A_136, %jit3A_133 : i32
      %rem3A_138 = arith.remsi %sub3A_132, %select_n3A_137 : i32
      %ne3A_139 = arith.constant 0 : i32
      %ne3A_140 = arith.cmpi ne, %rem3A_138, %ne3A_139 : i32
      %lt3A_141 = arith.constant 0 : i32
      %lt3A_142 = arith.cmpi slt, %rem3A_138, %lt3A_141 : i32
      %lt3A_143 = arith.constant 0 : i32
      %lt3A_144 = arith.cmpi slt, %select_n3A_137, %lt3A_143 : i32
      %ne3A_145 = arith.xori %lt3A_142, %lt3A_144 : i1
      %and3A_146 = arith.andi %ne3A_145, %ne3A_140 : i1
      %add3A_147 = arith.addi %rem3A_138, %select_n3A_137 : i32
      %select_n3A_148 = arith.select %and3A_146, %add3A_147, %rem3A_138 : i32
      %eq3A_149 = arith.constant 1 : i32
      %eq3A_150 = arith.cmpi eq, %select_n3A_148, %eq3A_149 : i32
      %and3A_151 = arith.andi %ge3A_130, %eq3A_150 : i1
      %convert_element_type3A_152 = arith.extui %and3A_151 : i1 to i32
      %cond3A_153 = arith.constant 0 : i32
      %cond3A_154 = arith.cmpi ne, %convert_element_type3A_152, %cond3A_153 : i32
      scf.if %cond3A_154 {
        %dma_wait3A_265 = arith.constant 0 : i32
        %dma_wait3A_266 = arith.constant 0 : i32
        %dma_wait3A_267 = tpu.memref_slice %arg9[%dma_wait3A_265, %dma_wait3A_266] : memref<125x80xi32, #tpu.memory_space<vmem>> -> memref<1x80xi32, #tpu.memory_space<vmem>>
        %dma_wait3A_268 = tpu.memref_squeeze %dma_wait3A_267 : memref<1x80xi32, #tpu.memory_space<vmem>> -> memref<80xi32, #tpu.memory_space<vmem>>
        %dma_wait3A_269 = arith.constant 0 : i32
        %dma_wait3A_270 = arith.constant 0 : i32
        %dma_wait3A_271 = tpu.memref_slice %arg7[%dma_wait3A_269, %dma_wait3A_270] : memref<10000x128xf32, #tpu.memory_space<vmem_shared>> -> memref<10000x128xf32, #tpu.memory_space<vmem_shared>>
        tpu.wait_indirect_dma semaphore(%arg17 : memref<!tpu.dma_semaphore, #tpu.memory_space<semaphore_mem>>) src(%arg11 : memref<80x128xf32, #tpu.memory_space<vmem>>) dst(%dma_wait3A_271 : memref<10000x128xf32, #tpu.memory_space<vmem_shared>>)
      } else {
      }
      %ge3A_155 = arith.constant 1 : i32
      %ge3A_156 = arith.cmpi sge, %scan3A_46, %ge3A_155 : i32
      %sub3A_157 = arith.constant 1 : i32
      %sub3A_158 = arith.subi %scan3A_46, %sub3A_157 : i32
      %jit3A_159 = arith.constant 3 : i32
      %eq3A_160 = arith.constant 0 : i32
      %eq3A_161 = arith.cmpi eq, %jit3A_159, %eq3A_160 : i32
      %jit3A_162 = arith.constant 1 : i32
      %select_n3A_163 = arith.select %eq3A_161, %jit3A_162, %jit3A_159 : i32
      %rem3A_164 = arith.remsi %sub3A_158, %select_n3A_163 : i32
      %ne3A_165 = arith.constant 0 : i32
      %ne3A_166 = arith.cmpi ne, %rem3A_164, %ne3A_165 : i32
      %lt3A_167 = arith.constant 0 : i32
      %lt3A_168 = arith.cmpi slt, %rem3A_164, %lt3A_167 : i32
      %lt3A_169 = arith.constant 0 : i32
      %lt3A_170 = arith.cmpi slt, %select_n3A_163, %lt3A_169 : i32
      %ne3A_171 = arith.xori %lt3A_168, %lt3A_170 : i1
      %and3A_172 = arith.andi %ne3A_171, %ne3A_166 : i1
      %add3A_173 = arith.addi %rem3A_164, %select_n3A_163 : i32
      %select_n3A_174 = arith.select %and3A_172, %add3A_173, %rem3A_164 : i32
      %eq3A_175 = arith.constant 2 : i32
      %eq3A_176 = arith.cmpi eq, %select_n3A_174, %eq3A_175 : i32
      %and3A_177 = arith.andi %ge3A_156, %eq3A_176 : i1
      %convert_element_type3A_178 = arith.extui %and3A_177 : i1 to i32
      %cond3A_179 = arith.constant 0 : i32
      %cond3A_180 = arith.cmpi ne, %convert_element_type3A_178, %cond3A_179 : i32
      scf.if %cond3A_180 {
        %dma_wait3A_265 = arith.constant 0 : i32
        %dma_wait3A_266 = arith.constant 0 : i32
        %dma_wait3A_267 = tpu.memref_slice %arg9[%dma_wait3A_265, %dma_wait3A_266] : memref<125x80xi32, #tpu.memory_space<vmem>> -> memref<1x80xi32, #tpu.memory_space<vmem>>
        %dma_wait3A_268 = tpu.memref_squeeze %dma_wait3A_267 : memref<1x80xi32, #tpu.memory_space<vmem>> -> memref<80xi32, #tpu.memory_space<vmem>>
        %dma_wait3A_269 = arith.constant 0 : i32
        %dma_wait3A_270 = arith.constant 0 : i32
        %dma_wait3A_271 = tpu.memref_slice %arg7[%dma_wait3A_269, %dma_wait3A_270] : memref<10000x128xf32, #tpu.memory_space<vmem_shared>> -> memref<10000x128xf32, #tpu.memory_space<vmem_shared>>
        tpu.wait_indirect_dma semaphore(%arg18 : memref<!tpu.dma_semaphore, #tpu.memory_space<semaphore_mem>>) src(%arg12 : memref<80x128xf32, #tpu.memory_space<vmem>>) dst(%dma_wait3A_271 : memref<10000x128xf32, #tpu.memory_space<vmem_shared>>)
      } else {
      }
      %add3A_181 = arith.constant 2 : i32
      %add3A_182 = arith.addi %scan3A_46, %add3A_181 : i32
      %lt3A_183 = arith.constant 125 : i32
      %lt3A_184 = arith.cmpi slt, %add3A_182, %lt3A_183 : i32
      %add3A_185 = arith.constant 2 : i32
      %add3A_186 = arith.addi %scan3A_46, %add3A_185 : i32
      %jit3A_187 = arith.constant 3 : i32
      %eq3A_188 = arith.constant 0 : i32
      %eq3A_189 = arith.cmpi eq, %jit3A_187, %eq3A_188 : i32
      %jit3A_190 = arith.constant 1 : i32
      %select_n3A_191 = arith.select %eq3A_189, %jit3A_190, %jit3A_187 : i32
      %rem3A_192 = arith.remsi %add3A_186, %select_n3A_191 : i32
      %ne3A_193 = arith.constant 0 : i32
      %ne3A_194 = arith.cmpi ne, %rem3A_192, %ne3A_193 : i32
      %lt3A_195 = arith.constant 0 : i32
      %lt3A_196 = arith.cmpi slt, %rem3A_192, %lt3A_195 : i32
      %lt3A_197 = arith.constant 0 : i32
      %lt3A_198 = arith.cmpi slt, %select_n3A_191, %lt3A_197 : i32
      %ne3A_199 = arith.xori %lt3A_196, %lt3A_198 : i1
      %and3A_200 = arith.andi %ne3A_199, %ne3A_194 : i1
      %add3A_201 = arith.addi %rem3A_192, %select_n3A_191 : i32
      %select_n3A_202 = arith.select %and3A_200, %add3A_201, %rem3A_192 : i32
      %eq3A_203 = arith.constant 0 : i32
      %eq3A_204 = arith.cmpi eq, %select_n3A_202, %eq3A_203 : i32
      %and3A_205 = arith.andi %lt3A_184, %eq3A_204 : i1
      %convert_element_type3A_206 = arith.extui %and3A_205 : i1 to i32
      %cond3A_207 = arith.constant 0 : i32
      %cond3A_208 = arith.cmpi ne, %convert_element_type3A_206, %cond3A_207 : i32
      scf.if %cond3A_208 {
        %add3A_265 = arith.constant 2 : i32
        %add3A_266 = arith.addi %scan3A_46, %add3A_265 : i32
        %dma_start3A_267 = arith.constant 0 : i32
        %dma_start3A_268 = tpu.memref_slice %arg8[%add3A_266, %dma_start3A_267] : memref<125x80xi32, #tpu.memory_space<vmem>> -> memref<1x80xi32, #tpu.memory_space<vmem>>
        %dma_start3A_269 = tpu.memref_squeeze %dma_start3A_268 : memref<1x80xi32, #tpu.memory_space<vmem>> -> memref<80xi32, #tpu.memory_space<vmem>>
        %dma_start3A_270 = arith.constant 0 : i32
        %dma_start3A_271 = arith.constant 0 : i32
        %dma_start3A_272 = tpu.memref_slice %arg2[%dma_start3A_270, %dma_start3A_271] : memref<10000x128xf32, #tpu.memory_space<hbm>> -> memref<10000x128xf32, #tpu.memory_space<hbm>>
        tpu.enqueue_indirect_dma source(%dma_start3A_272 : memref<10000x128xf32, #tpu.memory_space<hbm>>) target(%arg10 : memref<80x128xf32, #tpu.memory_space<vmem>>) offsets(%dma_start3A_269 : memref<80xi32, #tpu.memory_space<vmem>>) semaphore(%arg13 : memref<!tpu.dma_semaphore, #tpu.memory_space<semaphore_mem>>)
      } else {
      }
      %add3A_209 = arith.constant 2 : i32
      %add3A_210 = arith.addi %scan3A_46, %add3A_209 : i32
      %lt3A_211 = arith.constant 125 : i32
      %lt3A_212 = arith.cmpi slt, %add3A_210, %lt3A_211 : i32
      %add3A_213 = arith.constant 2 : i32
      %add3A_214 = arith.addi %scan3A_46, %add3A_213 : i32
      %jit3A_215 = arith.constant 3 : i32
      %eq3A_216 = arith.constant 0 : i32
      %eq3A_217 = arith.cmpi eq, %jit3A_215, %eq3A_216 : i32
      %jit3A_218 = arith.constant 1 : i32
      %select_n3A_219 = arith.select %eq3A_217, %jit3A_218, %jit3A_215 : i32
      %rem3A_220 = arith.remsi %add3A_214, %select_n3A_219 : i32
      %ne3A_221 = arith.constant 0 : i32
      %ne3A_222 = arith.cmpi ne, %rem3A_220, %ne3A_221 : i32
      %lt3A_223 = arith.constant 0 : i32
      %lt3A_224 = arith.cmpi slt, %rem3A_220, %lt3A_223 : i32
      %lt3A_225 = arith.constant 0 : i32
      %lt3A_226 = arith.cmpi slt, %select_n3A_219, %lt3A_225 : i32
      %ne3A_227 = arith.xori %lt3A_224, %lt3A_226 : i1
      %and3A_228 = arith.andi %ne3A_227, %ne3A_222 : i1
      %add3A_229 = arith.addi %rem3A_220, %select_n3A_219 : i32
      %select_n3A_230 = arith.select %and3A_228, %add3A_229, %rem3A_220 : i32
      %eq3A_231 = arith.constant 1 : i32
      %eq3A_232 = arith.cmpi eq, %select_n3A_230, %eq3A_231 : i32
      %and3A_233 = arith.andi %lt3A_212, %eq3A_232 : i1
      %convert_element_type3A_234 = arith.extui %and3A_233 : i1 to i32
      %cond3A_235 = arith.constant 0 : i32
      %cond3A_236 = arith.cmpi ne, %convert_element_type3A_234, %cond3A_235 : i32
      scf.if %cond3A_236 {
        %add3A_265 = arith.constant 2 : i32
        %add3A_266 = arith.addi %scan3A_46, %add3A_265 : i32
        %dma_start3A_267 = arith.constant 0 : i32
        %dma_start3A_268 = tpu.memref_slice %arg8[%add3A_266, %dma_start3A_267] : memref<125x80xi32, #tpu.memory_space<vmem>> -> memref<1x80xi32, #tpu.memory_space<vmem>>
        %dma_start3A_269 = tpu.memref_squeeze %dma_start3A_268 : memref<1x80xi32, #tpu.memory_space<vmem>> -> memref<80xi32, #tpu.memory_space<vmem>>
        %dma_start3A_270 = arith.constant 0 : i32
        %dma_start3A_271 = arith.constant 0 : i32
        %dma_start3A_272 = tpu.memref_slice %arg2[%dma_start3A_270, %dma_start3A_271] : memref<10000x128xf32, #tpu.memory_space<hbm>> -> memref<10000x128xf32, #tpu.memory_space<hbm>>
        tpu.enqueue_indirect_dma source(%dma_start3A_272 : memref<10000x128xf32, #tpu.memory_space<hbm>>) target(%arg11 : memref<80x128xf32, #tpu.memory_space<vmem>>) offsets(%dma_start3A_269 : memref<80xi32, #tpu.memory_space<vmem>>) semaphore(%arg14 : memref<!tpu.dma_semaphore, #tpu.memory_space<semaphore_mem>>)
      } else {
      }
      %add3A_237 = arith.constant 2 : i32
      %add3A_238 = arith.addi %scan3A_46, %add3A_237 : i32
      %lt3A_239 = arith.constant 125 : i32
      %lt3A_240 = arith.cmpi slt, %add3A_238, %lt3A_239 : i32
      %add3A_241 = arith.constant 2 : i32
      %add3A_242 = arith.addi %scan3A_46, %add3A_241 : i32
      %jit3A_243 = arith.constant 3 : i32
      %eq3A_244 = arith.constant 0 : i32
      %eq3A_245 = arith.cmpi eq, %jit3A_243, %eq3A_244 : i32
      %jit3A_246 = arith.constant 1 : i32
      %select_n3A_247 = arith.select %eq3A_245, %jit3A_246, %jit3A_243 : i32
      %rem3A_248 = arith.remsi %add3A_242, %select_n3A_247 : i32
      %ne3A_249 = arith.constant 0 : i32
      %ne3A_250 = arith.cmpi ne, %rem3A_248, %ne3A_249 : i32
      %lt3A_251 = arith.constant 0 : i32
      %lt3A_252 = arith.cmpi slt, %rem3A_248, %lt3A_251 : i32
      %lt3A_253 = arith.constant 0 : i32
      %lt3A_254 = arith.cmpi slt, %select_n3A_247, %lt3A_253 : i32
      %ne3A_255 = arith.xori %lt3A_252, %lt3A_254 : i1
      %and3A_256 = arith.andi %ne3A_255, %ne3A_250 : i1
      %add3A_257 = arith.addi %rem3A_248, %select_n3A_247 : i32
      %select_n3A_258 = arith.select %and3A_256, %add3A_257, %rem3A_248 : i32
      %eq3A_259 = arith.constant 2 : i32
      %eq3A_260 = arith.cmpi eq, %select_n3A_258, %eq3A_259 : i32
      %and3A_261 = arith.andi %lt3A_240, %eq3A_260 : i1
      %convert_element_type3A_262 = arith.extui %and3A_261 : i1 to i32
      %cond3A_263 = arith.constant 0 : i32
      %cond3A_264 = arith.cmpi ne, %convert_element_type3A_262, %cond3A_263 : i32
      scf.if %cond3A_264 {
        %add3A_265 = arith.constant 2 : i32
        %add3A_266 = arith.addi %scan3A_46, %add3A_265 : i32
        %dma_start3A_267 = arith.constant 0 : i32
        %dma_start3A_268 = tpu.memref_slice %arg8[%add3A_266, %dma_start3A_267] : memref<125x80xi32, #tpu.memory_space<vmem>> -> memref<1x80xi32, #tpu.memory_space<vmem>>
        %dma_start3A_269 = tpu.memref_squeeze %dma_start3A_268 : memref<1x80xi32, #tpu.memory_space<vmem>> -> memref<80xi32, #tpu.memory_space<vmem>>
        %dma_start3A_270 = arith.constant 0 : i32
        %dma_start3A_271 = arith.constant 0 : i32
        %dma_start3A_272 = tpu.memref_slice %arg2[%dma_start3A_270, %dma_start3A_271] : memref<10000x128xf32, #tpu.memory_space<hbm>> -> memref<10000x128xf32, #tpu.memory_space<hbm>>
        tpu.enqueue_indirect_dma source(%dma_start3A_272 : memref<10000x128xf32, #tpu.memory_space<hbm>>) target(%arg12 : memref<80x128xf32, #tpu.memory_space<vmem>>) offsets(%dma_start3A_269 : memref<80xi32, #tpu.memory_space<vmem>>) semaphore(%arg15 : memref<!tpu.dma_semaphore, #tpu.memory_space<semaphore_mem>>)
      } else {
      }
    }
    %scan3A_28 = arith.constant 125 : i32
    %dma_wait3A = arith.constant 0 : i32
    %dma_wait3A_29 = arith.constant 0 : i32
    %dma_wait3A_30 = tpu.memref_slice %arg9[%dma_wait3A, %dma_wait3A_29] : memref<125x80xi32, #tpu.memory_space<vmem>> -> memref<1x80xi32, #tpu.memory_space<vmem>>
    %dma_wait3A_31 = tpu.memref_squeeze %dma_wait3A_30 : memref<1x80xi32, #tpu.memory_space<vmem>> -> memref<80xi32, #tpu.memory_space<vmem>>
    %dma_wait3A_32 = arith.constant 0 : i32
    %dma_wait3A_33 = arith.constant 0 : i32
    %dma_wait3A_34 = tpu.memref_slice %arg7[%dma_wait3A_32, %dma_wait3A_33] : memref<10000x128xf32, #tpu.memory_space<vmem_shared>> -> memref<10000x128xf32, #tpu.memory_space<vmem_shared>>
    tpu.wait_indirect_dma semaphore(%arg17 : memref<!tpu.dma_semaphore, #tpu.memory_space<semaphore_mem>>) src(%arg11 : memref<80x128xf32, #tpu.memory_space<vmem>>) dst(%dma_wait3A_34 : memref<10000x128xf32, #tpu.memory_space<vmem_shared>>)
    %barrier3A_35 = arith.constant 0 : index
    tpu.barrier barrier_id(%barrier3A_35)
    %lt3A_36 = arith.constant 15 : i32
    %lt3A_37 = arith.cmpi slt, %arg1, %lt3A_36 : i32
    %convert_element_type3A_38 = arith.extui %lt3A_37 : i1 to i32
    %cond3A_39 = arith.constant 0 : i32
    %cond3A_40 = arith.cmpi ne, %convert_element_type3A_38, %cond3A_39 : i32
    scf.if %cond3A_40 {
      "tpu.region"() ({
        %run_scoped3A = tpu.sem_alloc : memref<!tpu.dma_semaphore, #tpu.memory_space<semaphore_mem>>
        %dma_start3A_46 = arith.constant 0 : i32
        %dma_start3A_47 = tpu.memref_slice %arg6[%arg0, %multiple_of3A, %dma_start3A_46] : memref<2x10000x128xf32, #tpu.memory_space<hbm>> -> memref<1x624x128xf32, #tpu.memory_space<hbm>>
        %dma_start3A_48 = tpu.memref_squeeze %dma_start3A_47 : memref<1x624x128xf32, #tpu.memory_space<hbm>> -> memref<624x128xf32, #tpu.memory_space<hbm>>
        %dma_start3A_49 = arith.constant 0 : i32
        %dma_start3A_50 = tpu.memref_slice %arg7[%multiple_of3A, %dma_start3A_49] : memref<10000x128xf32, #tpu.memory_space<vmem_shared>> -> memref<624x128xf32, #tpu.memory_space<vmem_shared>>
        tpu.enqueue_dma source(%dma_start3A_50 : memref<624x128xf32, #tpu.memory_space<vmem_shared>>) target(%dma_start3A_48 : memref<624x128xf32, #tpu.memory_space<hbm>>) target_semaphore(%run_scoped3A : memref<!tpu.dma_semaphore, #tpu.memory_space<semaphore_mem>>)
        %dma_wait3A_51 = arith.constant 0 : i32
        %dma_wait3A_52 = tpu.memref_slice %arg6[%arg0, %multiple_of3A, %dma_wait3A_51] : memref<2x10000x128xf32, #tpu.memory_space<hbm>> -> memref<1x624x128xf32, #tpu.memory_space<hbm>>
        %dma_wait3A_53 = tpu.memref_squeeze %dma_wait3A_52 : memref<1x624x128xf32, #tpu.memory_space<hbm>> -> memref<624x128xf32, #tpu.memory_space<hbm>>
        %dma_wait3A_54 = arith.constant 0 : i32
        %dma_wait3A_55 = tpu.memref_slice %arg7[%multiple_of3A, %dma_wait3A_54] : memref<10000x128xf32, #tpu.memory_space<vmem_shared>> -> memref<624x128xf32, #tpu.memory_space<vmem_shared>>
        tpu.wait_dma2 semaphore(%run_scoped3A : memref<!tpu.dma_semaphore, #tpu.memory_space<semaphore_mem>>) src(%dma_wait3A_55 : memref<624x128xf32, #tpu.memory_space<vmem_shared>>) dst(%dma_wait3A_53 : memref<624x128xf32, #tpu.memory_space<hbm>>)
        tpu.yield
      }) : () -> ()
    } else {
    }
    %eq3A_41 = arith.constant 15 : i32
    %eq3A_42 = arith.cmpi eq, %arg1, %eq3A_41 : i32
    %convert_element_type3A_43 = arith.extui %eq3A_42 : i1 to i32
    %cond3A_44 = arith.constant 0 : i32
    %cond3A_45 = arith.cmpi ne, %convert_element_type3A_43, %cond3A_44 : i32
    scf.if %cond3A_45 {
      "tpu.region"() ({
        %run_scoped3A = tpu.sem_alloc : memref<!tpu.dma_semaphore, #tpu.memory_space<semaphore_mem>>
        %dma_start3A_46 = arith.constant 9360 : i32
        %dma_start3A_47 = arith.constant 0 : i32
        %dma_start3A_48 = tpu.memref_slice %arg6[%arg0, %dma_start3A_46, %dma_start3A_47] : memref<2x10000x128xf32, #tpu.memory_space<hbm>> -> memref<1x640x128xf32, #tpu.memory_space<hbm>>
        %dma_start3A_49 = tpu.memref_squeeze %dma_start3A_48 : memref<1x640x128xf32, #tpu.memory_space<hbm>> -> memref<640x128xf32, #tpu.memory_space<hbm>>
        %dma_start3A_50 = arith.constant 9360 : i32
        %dma_start3A_51 = arith.constant 0 : i32
        %dma_start3A_52 = tpu.memref_slice %arg7[%dma_start3A_50, %dma_start3A_51] : memref<10000x128xf32, #tpu.memory_space<vmem_shared>> -> memref<640x128xf32, #tpu.memory_space<vmem_shared>>
        tpu.enqueue_dma source(%dma_start3A_52 : memref<640x128xf32, #tpu.memory_space<vmem_shared>>) target(%dma_start3A_49 : memref<640x128xf32, #tpu.memory_space<hbm>>) target_semaphore(%run_scoped3A : memref<!tpu.dma_semaphore, #tpu.memory_space<semaphore_mem>>)
        %dma_wait3A_53 = arith.constant 9360 : i32
        %dma_wait3A_54 = arith.constant 0 : i32
        %dma_wait3A_55 = tpu.memref_slice %arg6[%arg0, %dma_wait3A_53, %dma_wait3A_54] : memref<2x10000x128xf32, #tpu.memory_space<hbm>> -> memref<1x640x128xf32, #tpu.memory_space<hbm>>
        %dma_wait3A_56 = tpu.memref_squeeze %dma_wait3A_55 : memref<1x640x128xf32, #tpu.memory_space<hbm>> -> memref<640x128xf32, #tpu.memory_space<hbm>>
        %dma_wait3A_57 = arith.constant 9360 : i32
        %dma_wait3A_58 = arith.constant 0 : i32
        %dma_wait3A_59 = tpu.memref_slice %arg7[%dma_wait3A_57, %dma_wait3A_58] : memref<10000x128xf32, #tpu.memory_space<vmem_shared>> -> memref<640x128xf32, #tpu.memory_space<vmem_shared>>
        tpu.wait_dma2 semaphore(%run_scoped3A : memref<!tpu.dma_semaphore, #tpu.memory_space<semaphore_mem>>) src(%dma_wait3A_59 : memref<640x128xf32, #tpu.memory_space<vmem_shared>>) dst(%dma_wait3A_56 : memref<640x128xf32, #tpu.memory_space<hbm>>)
        tpu.yield
      }) : () -> ()
    } else {
    }
    return
  }
}

#map = affine_map<(d0, d1) -> (0, 0)>
#map1 = affine_map<(d0, d1) -> (0, 0, 0)>
module attributes {stable_mosaic.version = 14 : i64} {
  func.func @body(%arg0: i32, %arg1: i32, %arg2: memref<10000x128xf32, #tpu.memory_space<hbm>>, %arg3: memref<4000x80xi32, #tpu.memory_space<hbm>>, %arg4: memref<4000x80xi32, #tpu.memory_space<hbm>>, %arg5: memref<640x128xf32, #tpu.memory_space<hbm>>, %arg6: memref<2x10000x128xf32, #tpu.memory_space<hbm>>, %arg7: memref<10000x128xf32, #tpu.memory_space<vmem_shared>>, %arg8: memref<125x80xi32, #tpu.memory_space<vmem>>, %arg9: memref<125x80xi32, #tpu.memory_space<vmem>>, %arg10: memref<80x128xf32, #tpu.memory_space<vmem>>, %arg11: memref<80x128xf32, #tpu.memory_space<vmem>>, %arg12: memref<80x128xf32, #tpu.memory_space<vmem>>, %arg13: memref<!tpu.dma_semaphore, #tpu.memory_space<semaphore_mem>>, %arg14: memref<!tpu.dma_semaphore, #tpu.memory_space<semaphore_mem>>, %arg15: memref<!tpu.dma_semaphore, #tpu.memory_space<semaphore_mem>>, %arg16: memref<!tpu.dma_semaphore, #tpu.memory_space<semaphore_mem>>, %arg17: memref<!tpu.dma_semaphore, #tpu.memory_space<semaphore_mem>>, %arg18: memref<!tpu.dma_semaphore, #tpu.memory_space<semaphore_mem>>) attributes {dimension_semantics = [#tpu.dimension_semantics<core_parallel>, #tpu.dimension_semantics<subcore_parallel>], iteration_bounds = array<i64: 2, 16>, scalar_prefetch = 0 : i64, scratch_operands = 12 : i64, tpu.core_type = #tpu.core_type<sc_vector_subcore>, window_params = [{transform_indices = #map}, {transform_indices = #map}, {transform_indices = #map}, {transform_indices = #map}, {transform_indices = #map1}]} {
    %mul3A = arith.constant 624 : i32
    %mul3A_0 = arith.muli %arg1, %mul3A : i32
    %multiple_of3A = tpu.assume_multiple %mul3A_0, 8 : i32
    %mul3A_1 = arith.constant 16 : i32
    %mul3A_2 = arith.muli %arg0, %mul3A_1 : i32
    %add3A = arith.addi %mul3A_2, %arg1 : i32
    %mul3A_3 = arith.constant 125 : i32
    %mul3A_4 = arith.muli %add3A, %mul3A_3 : i32
    "tpu.region"() ({
      %run_scoped3A = tpu.sem_alloc : memref<!tpu.dma_semaphore, #tpu.memory_space<semaphore_mem>>
      %dma_start3A_46 = arith.constant 0 : i32
      %dma_start3A_47 = tpu.memref_slice %arg3[%mul3A_4, %dma_start3A_46] : memref<4000x80xi32, #tpu.memory_space<hbm>> -> memref<125x80xi32, #tpu.memory_space<hbm>>
      %dma_start3A_48 = arith.constant 0 : i32
      %dma_start3A_49 = tpu.memref_slice %arg3[%mul3A_4, %dma_start3A_48] : memref<4000x80xi32, #tpu.memory_space<hbm>> -> memref<125x80xi32, #tpu.memory_space<hbm>>
      tpu.enqueue_dma source(%dma_start3A_49 : memref<125x80xi32, #tpu.memory_space<hbm>>) target(%arg8 : memref<125x80xi32, #tpu.memory_space<vmem>>) target_semaphore(%run_scoped3A : memref<!tpu.dma_semaphore, #tpu.memory_space<semaphore_mem>>)
      %dma_wait3A_50 = arith.constant 0 : i32
      %dma_wait3A_51 = tpu.memref_slice %arg3[%mul3A_4, %dma_wait3A_50] : memref<4000x80xi32, #tpu.memory_space<hbm>> -> memref<125x80xi32, #tpu.memory_space<hbm>>
      %dma_wait3A_52 = arith.constant 0 : i32
      %dma_wait3A_53 = tpu.memref_slice %arg3[%mul3A_4, %dma_wait3A_52] : memref<4000x80xi32, #tpu.memory_space<hbm>> -> memref<125x80xi32, #tpu.memory_space<hbm>>
      tpu.wait_dma2 semaphore(%run_scoped3A : memref<!tpu.dma_semaphore, #tpu.memory_space<semaphore_mem>>) src(%dma_wait3A_53 : memref<125x80xi32, #tpu.memory_space<hbm>>) dst(%arg8 : memref<125x80xi32, #tpu.memory_space<vmem>>)
      tpu.yield
    }) : () -> ()
    "tpu.region"() ({
      %run_scoped3A = tpu.sem_alloc : memref<!tpu.dma_semaphore, #tpu.memory_space<semaphore_mem>>
      %dma_start3A_46 = arith.constant 0 : i32
      %dma_start3A_47 = tpu.memref_slice %arg4[%mul3A_4, %dma_start3A_46] : memref<4000x80xi32, #tpu.memory_space<hbm>> -> memref<125x80xi32, #tpu.memory_space<hbm>>
      %dma_start3A_48 = arith.constant 0 : i32
      %dma_start3A_49 = tpu.memref_slice %arg4[%mul3A_4, %dma_start3A_48] : memref<4000x80xi32, #tpu.memory_space<hbm>> -> memref<125x80xi32, #tpu.memory_space<hbm>>
      tpu.enqueue_dma source(%dma_start3A_49 : memref<125x80xi32, #tpu.memory_space<hbm>>) target(%arg9 : memref<125x80xi32, #tpu.memory_space<vmem>>) target_semaphore(%run_scoped3A : memref<!tpu.dma_semaphore, #tpu.memory_space<semaphore_mem>>)
      %dma_wait3A_50 = arith.constant 0 : i32
      %dma_wait3A_51 = tpu.memref_slice %arg4[%mul3A_4, %dma_wait3A_50] : memref<4000x80xi32, #tpu.memory_space<hbm>> -> memref<125x80xi32, #tpu.memory_space<hbm>>
      %dma_wait3A_52 = arith.constant 0 : i32
      %dma_wait3A_53 = tpu.memref_slice %arg4[%mul3A_4, %dma_wait3A_52] : memref<4000x80xi32, #tpu.memory_space<hbm>> -> memref<125x80xi32, #tpu.memory_space<hbm>>
      tpu.wait_dma2 semaphore(%run_scoped3A : memref<!tpu.dma_semaphore, #tpu.memory_space<semaphore_mem>>) src(%dma_wait3A_53 : memref<125x80xi32, #tpu.memory_space<hbm>>) dst(%arg9 : memref<125x80xi32, #tpu.memory_space<vmem>>)
      tpu.yield
    }) : () -> ()
    %lt3A = arith.constant 15 : i32
    %lt3A_5 = arith.cmpi slt, %arg1, %lt3A : i32
    %convert_element_type3A = arith.extui %lt3A_5 : i1 to i32
    %cond3A = arith.constant 0 : i32
    %cond3A_6 = arith.cmpi ne, %convert_element_type3A, %cond3A : i32
    scf.if %cond3A_6 {
      "tpu.region"() ({
        %run_scoped3A = tpu.sem_alloc : memref<!tpu.dma_semaphore, #tpu.memory_space<semaphore_mem>>
        %dma_start3A_46 = arith.constant 0 : i32
        %dma_start3A_47 = tpu.memref_slice %arg7[%multiple_of3A, %dma_start3A_46] : memref<10000x128xf32, #tpu.memory_space<vmem_shared>> -> memref<624x128xf32, #tpu.memory_space<vmem_shared>>
        %dma_start3A_48 = arith.constant 0 : i32
        %dma_start3A_49 = arith.constant 0 : i32
        %dma_start3A_50 = tpu.memref_slice %arg5[%dma_start3A_48, %dma_start3A_49] : memref<640x128xf32, #tpu.memory_space<hbm>> -> memref<624x128xf32, #tpu.memory_space<hbm>>
        tpu.enqueue_dma source(%dma_start3A_50 : memref<624x128xf32, #tpu.memory_space<hbm>>) target(%dma_start3A_47 : memref<624x128xf32, #tpu.memory_space<vmem_shared>>) target_semaphore(%run_scoped3A : memref<!tpu.dma_semaphore, #tpu.memory_space<semaphore_mem>>)
        %dma_wait3A_51 = arith.constant 0 : i32
        %dma_wait3A_52 = tpu.memref_slice %arg7[%multiple_of3A, %dma_wait3A_51] : memref<10000x128xf32, #tpu.memory_space<vmem_shared>> -> memref<624x128xf32, #tpu.memory_space<vmem_shared>>
        %dma_wait3A_53 = arith.constant 0 : i32
        %dma_wait3A_54 = arith.constant 0 : i32
        %dma_wait3A_55 = tpu.memref_slice %arg5[%dma_wait3A_53, %dma_wait3A_54] : memref<640x128xf32, #tpu.memory_space<hbm>> -> memref<624x128xf32, #tpu.memory_space<hbm>>
        tpu.wait_dma2 semaphore(%run_scoped3A : memref<!tpu.dma_semaphore, #tpu.memory_space<semaphore_mem>>) src(%dma_wait3A_55 : memref<624x128xf32, #tpu.memory_space<hbm>>) dst(%dma_wait3A_52 : memref<624x128xf32, #tpu.memory_space<vmem_shared>>)
        tpu.yield
      }) : () -> ()
    } else {
    }
    %eq3A = arith.constant 15 : i32
    %eq3A_7 = arith.cmpi eq, %arg1, %eq3A : i32
    %convert_element_type3A_8 = arith.extui %eq3A_7 : i1 to i32
    %cond3A_9 = arith.constant 0 : i32
    %cond3A_10 = arith.cmpi ne, %convert_element_type3A_8, %cond3A_9 : i32
    scf.if %cond3A_10 {
      "tpu.region"() ({
        %run_scoped3A = tpu.sem_alloc : memref<!tpu.dma_semaphore, #tpu.memory_space<semaphore_mem>>
        %dma_start3A_46 = arith.constant 9360 : i32
        %dma_start3A_47 = arith.constant 0 : i32
        %dma_start3A_48 = tpu.memref_slice %arg7[%dma_start3A_46, %dma_start3A_47] : memref<10000x128xf32, #tpu.memory_space<vmem_shared>> -> memref<640x128xf32, #tpu.memory_space<vmem_shared>>
        tpu.enqueue_dma source(%arg5 : memref<640x128xf32, #tpu.memory_space<hbm>>) target(%dma_start3A_48 : memref<640x128xf32, #tpu.memory_space<vmem_shared>>) target_semaphore(%run_scoped3A : memref<!tpu.dma_semaphore, #tpu.memory_space<semaphore_mem>>)
        %dma_wait3A_49 = arith.constant 9360 : i32
        %dma_wait3A_50 = arith.constant 0 : i32
        %dma_wait3A_51 = tpu.memref_slice %arg7[%dma_wait3A_49, %dma_wait3A_50] : memref<10000x128xf32, #tpu.memory_space<vmem_shared>> -> memref<640x128xf32, #tpu.memory_space<vmem_shared>>
        tpu.wait_dma2 semaphore(%run_scoped3A : memref<!tpu.dma_semaphore, #tpu.memory_space<semaphore_mem>>) src(%arg5 : memref<640x128xf32, #tpu.memory_space<hbm>>) dst(%dma_wait3A_51 : memref<640x128xf32, #tpu.memory_space<vmem_shared>>)
        tpu.yield
      }) : () -> ()
    } else {
    }
    %barrier3A = arith.constant 0 : index
    tpu.barrier barrier_id(%barrier3A)
    %dma_start3A = arith.constant 0 : i32
    %dma_start3A_11 = arith.constant 0 : i32
    %dma_start3A_12 = tpu.memref_slice %arg8[%dma_start3A, %dma_start3A_11] : memref<125x80xi32, #tpu.memory_space<vmem>> -> memref<1x80xi32, #tpu.memory_space<vmem>>
    %dma_start3A_13 = tpu.memref_squeeze %dma_start3A_12 : memref<1x80xi32, #tpu.memory_space<vmem>> -> memref<80xi32, #tpu.memory_space<vmem>>
    %dma_start3A_14 = arith.constant 0 : i32
    %dma_start3A_15 = arith.constant 0 : i32
    %dma_start3A_16 = tpu.memref_slice %arg2[%dma_start3A_14, %dma_start3A_15] : memref<10000x128xf32, #tpu.memory_space<hbm>> -> memref<10000x128xf32, #tpu.memory_space<hbm>>
    tpu.enqueue_indirect_dma source(%dma_start3A_16 : memref<10000x128xf32, #tpu.memory_space<hbm>>) target(%arg10 : memref<80x128xf32, #tpu.memory_space<vmem>>) offsets(%dma_start3A_13 : memref<80xi32, #tpu.memory_space<vmem>>) semaphore(%arg13 : memref<!tpu.dma_semaphore, #tpu.memory_space<semaphore_mem>>)
    %dma_start3A_17 = arith.constant 1 : i32
    %dma_start3A_18 = arith.constant 0 : i32
    %dma_start3A_19 = tpu.memref_slice %arg8[%dma_start3A_17, %dma_start3A_18] : memref<125x80xi32, #tpu.memory_space<vmem>> -> memref<1x80xi32, #tpu.memory_space<vmem>>
    %dma_start3A_20 = tpu.memref_squeeze %dma_start3A_19 : memref<1x80xi32, #tpu.memory_space<vmem>> -> memref<80xi32, #tpu.memory_space<vmem>>
    %dma_start3A_21 = arith.constant 0 : i32
    %dma_start3A_22 = arith.constant 0 : i32
    %dma_start3A_23 = tpu.memref_slice %arg2[%dma_start3A_21, %dma_start3A_22] : memref<10000x128xf32, #tpu.memory_space<hbm>> -> memref<10000x128xf32, #tpu.memory_space<hbm>>
    tpu.enqueue_indirect_dma source(%dma_start3A_23 : memref<10000x128xf32, #tpu.memory_space<hbm>>) target(%arg11 : memref<80x128xf32, #tpu.memory_space<vmem>>) offsets(%dma_start3A_20 : memref<80xi32, #tpu.memory_space<vmem>>) semaphore(%arg14 : memref<!tpu.dma_semaphore, #tpu.memory_space<semaphore_mem>>)
    %scan3A = arith.constant 0 : i32
    %scan3A_24 = arith.constant 0 : i32
    %scan3A_25 = arith.constant 125 : i32
    %scan3A_26 = arith.addi %scan3A_24, %scan3A_25 : i32
    %scan3A_27 = arith.constant 1 : i32
    scf.for %scan3A_46 = %scan3A_24 to %scan3A_26 step %scan3A_27  : i32 {
      %jit3A = arith.constant 3 : i32
      %eq3A_47 = arith.constant 0 : i32
      %eq3A_48 = arith.cmpi eq, %jit3A, %eq3A_47 : i32
      %jit3A_49 = arith.constant 1 : i32
      %select_n3A = arith.select %eq3A_48, %jit3A_49, %jit3A : i32
      %rem3A = arith.remsi %scan3A_46, %select_n3A : i32
      %ne3A = arith.constant 0 : i32
      %ne3A_50 = arith.cmpi ne, %rem3A, %ne3A : i32
      %lt3A_51 = arith.constant 0 : i32
      %lt3A_52 = arith.cmpi slt, %rem3A, %lt3A_51 : i32
      %lt3A_53 = arith.constant 0 : i32
      %lt3A_54 = arith.cmpi slt, %select_n3A, %lt3A_53 : i32
      %ne3A_55 = arith.xori %lt3A_52, %lt3A_54 : i1
      %and3A = arith.andi %ne3A_55, %ne3A_50 : i1
      %add3A_56 = arith.addi %rem3A, %select_n3A : i32
      %select_n3A_57 = arith.select %and3A, %add3A_56, %rem3A : i32
      %eq3A_58 = arith.constant 0 : i32
      %eq3A_59 = arith.cmpi eq, %select_n3A_57, %eq3A_58 : i32
      %convert_element_type3A_60 = arith.extui %eq3A_59 : i1 to i32
      %cond3A_61 = arith.constant 0 : i32
      %cond3A_62 = arith.cmpi ne, %convert_element_type3A_60, %cond3A_61 : i32
      scf.if %cond3A_62 {
        %dma_wait3A_265 = arith.constant 0 : i32
        %dma_wait3A_266 = tpu.memref_slice %arg8[%scan3A_46, %dma_wait3A_265] : memref<125x80xi32, #tpu.memory_space<vmem>> -> memref<1x80xi32, #tpu.memory_space<vmem>>
        %dma_wait3A_267 = tpu.memref_squeeze %dma_wait3A_266 : memref<1x80xi32, #tpu.memory_space<vmem>> -> memref<80xi32, #tpu.memory_space<vmem>>
        %dma_wait3A_268 = arith.constant 0 : i32
        %dma_wait3A_269 = arith.constant 0 : i32
        %dma_wait3A_270 = tpu.memref_slice %arg2[%dma_wait3A_268, %dma_wait3A_269] : memref<10000x128xf32, #tpu.memory_space<hbm>> -> memref<10000x128xf32, #tpu.memory_space<hbm>>
        tpu.wait_indirect_dma semaphore(%arg13 : memref<!tpu.dma_semaphore, #tpu.memory_space<semaphore_mem>>) src(%dma_wait3A_270 : memref<10000x128xf32, #tpu.memory_space<hbm>>) dst(%arg10 : memref<80x128xf32, #tpu.memory_space<vmem>>)
        %dma_start3A_271 = arith.constant 0 : i32
        %dma_start3A_272 = tpu.memref_slice %arg9[%scan3A_46, %dma_start3A_271] : memref<125x80xi32, #tpu.memory_space<vmem>> -> memref<1x80xi32, #tpu.memory_space<vmem>>
        %dma_start3A_273 = tpu.memref_squeeze %dma_start3A_272 : memref<1x80xi32, #tpu.memory_space<vmem>> -> memref<80xi32, #tpu.memory_space<vmem>>
        %dma_start3A_274 = arith.constant 0 : i32
        %dma_start3A_275 = arith.constant 0 : i32
        %dma_start3A_276 = tpu.memref_slice %arg7[%dma_start3A_274, %dma_start3A_275] : memref<10000x128xf32, #tpu.memory_space<vmem_shared>> -> memref<10000x128xf32, #tpu.memory_space<vmem_shared>>
        tpu.enqueue_indirect_dma source(%arg10 : memref<80x128xf32, #tpu.memory_space<vmem>>) target(%dma_start3A_276 : memref<10000x128xf32, #tpu.memory_space<vmem_shared>>) offsets(%dma_start3A_273 : memref<80xi32, #tpu.memory_space<vmem>>) semaphore(%arg16 : memref<!tpu.dma_semaphore, #tpu.memory_space<semaphore_mem>>) {add = true}
      } else {
      }
      %jit3A_63 = arith.constant 3 : i32
      %eq3A_64 = arith.constant 0 : i32
      %eq3A_65 = arith.cmpi eq, %jit3A_63, %eq3A_64 : i32
      %jit3A_66 = arith.constant 1 : i32
      %select_n3A_67 = arith.select %eq3A_65, %jit3A_66, %jit3A_63 : i32
      %rem3A_68 = arith.remsi %scan3A_46, %select_n3A_67 : i32
      %ne3A_69 = arith.constant 0 : i32
      %ne3A_70 = arith.cmpi ne, %rem3A_68, %ne3A_69 : i32
      %lt3A_71 = arith.constant 0 : i32
      %lt3A_72 = arith.cmpi slt, %rem3A_68, %lt3A_71 : i32
      %lt3A_73 = arith.constant 0 : i32
      %lt3A_74 = arith.cmpi slt, %select_n3A_67, %lt3A_73 : i32
      %ne3A_75 = arith.xori %lt3A_72, %lt3A_74 : i1
      %and3A_76 = arith.andi %ne3A_75, %ne3A_70 : i1
      %add3A_77 = arith.addi %rem3A_68, %select_n3A_67 : i32
      %select_n3A_78 = arith.select %and3A_76, %add3A_77, %rem3A_68 : i32
      %eq3A_79 = arith.constant 1 : i32
      %eq3A_80 = arith.cmpi eq, %select_n3A_78, %eq3A_79 : i32
      %convert_element_type3A_81 = arith.extui %eq3A_80 : i1 to i32
      %cond3A_82 = arith.constant 0 : i32
      %cond3A_83 = arith.cmpi ne, %convert_element_type3A_81, %cond3A_82 : i32
      scf.if %cond3A_83 {
        %dma_wait3A_265 = arith.constant 0 : i32
        %dma_wait3A_266 = tpu.memref_slice %arg8[%scan3A_46, %dma_wait3A_265] : memref<125x80xi32, #tpu.memory_space<vmem>> -> memref<1x80xi32, #tpu.memory_space<vmem>>
        %dma_wait3A_267 = tpu.memref_squeeze %dma_wait3A_266 : memref<1x80xi32, #tpu.memory_space<vmem>> -> memref<80xi32, #tpu.memory_space<vmem>>
        %dma_wait3A_268 = arith.constant 0 : i32
        %dma_wait3A_269 = arith.constant 0 : i32
        %dma_wait3A_270 = tpu.memref_slice %arg2[%dma_wait3A_268, %dma_wait3A_269] : memref<10000x128xf32, #tpu.memory_space<hbm>> -> memref<10000x128xf32, #tpu.memory_space<hbm>>
        tpu.wait_indirect_dma semaphore(%arg14 : memref<!tpu.dma_semaphore, #tpu.memory_space<semaphore_mem>>) src(%dma_wait3A_270 : memref<10000x128xf32, #tpu.memory_space<hbm>>) dst(%arg11 : memref<80x128xf32, #tpu.memory_space<vmem>>)
        %dma_start3A_271 = arith.constant 0 : i32
        %dma_start3A_272 = tpu.memref_slice %arg9[%scan3A_46, %dma_start3A_271] : memref<125x80xi32, #tpu.memory_space<vmem>> -> memref<1x80xi32, #tpu.memory_space<vmem>>
        %dma_start3A_273 = tpu.memref_squeeze %dma_start3A_272 : memref<1x80xi32, #tpu.memory_space<vmem>> -> memref<80xi32, #tpu.memory_space<vmem>>
        %dma_start3A_274 = arith.constant 0 : i32
        %dma_start3A_275 = arith.constant 0 : i32
        %dma_start3A_276 = tpu.memref_slice %arg7[%dma_start3A_274, %dma_start3A_275] : memref<10000x128xf32, #tpu.memory_space<vmem_shared>> -> memref<10000x128xf32, #tpu.memory_space<vmem_shared>>
        tpu.enqueue_indirect_dma source(%arg11 : memref<80x128xf32, #tpu.memory_space<vmem>>) target(%dma_start3A_276 : memref<10000x128xf32, #tpu.memory_space<vmem_shared>>) offsets(%dma_start3A_273 : memref<80xi32, #tpu.memory_space<vmem>>) semaphore(%arg17 : memref<!tpu.dma_semaphore, #tpu.memory_space<semaphore_mem>>) {add = true}
      } else {
      }
      %jit3A_84 = arith.constant 3 : i32
      %eq3A_85 = arith.constant 0 : i32
      %eq3A_86 = arith.cmpi eq, %jit3A_84, %eq3A_85 : i32
      %jit3A_87 = arith.constant 1 : i32
      %select_n3A_88 = arith.select %eq3A_86, %jit3A_87, %jit3A_84 : i32
      %rem3A_89 = arith.remsi %scan3A_46, %select_n3A_88 : i32
      %ne3A_90 = arith.constant 0 : i32
      %ne3A_91 = arith.cmpi ne, %rem3A_89, %ne3A_90 : i32
      %lt3A_92 = arith.constant 0 : i32
      %lt3A_93 = arith.cmpi slt, %rem3A_89, %lt3A_92 : i32
      %lt3A_94 = arith.constant 0 : i32
      %lt3A_95 = arith.cmpi slt, %select_n3A_88, %lt3A_94 : i32
      %ne3A_96 = arith.xori %lt3A_93, %lt3A_95 : i1
      %and3A_97 = arith.andi %ne3A_96, %ne3A_91 : i1
      %add3A_98 = arith.addi %rem3A_89, %select_n3A_88 : i32
      %select_n3A_99 = arith.select %and3A_97, %add3A_98, %rem3A_89 : i32
      %eq3A_100 = arith.constant 2 : i32
      %eq3A_101 = arith.cmpi eq, %select_n3A_99, %eq3A_100 : i32
      %convert_element_type3A_102 = arith.extui %eq3A_101 : i1 to i32
      %cond3A_103 = arith.constant 0 : i32
      %cond3A_104 = arith.cmpi ne, %convert_element_type3A_102, %cond3A_103 : i32
      scf.if %cond3A_104 {
        %dma_wait3A_265 = arith.constant 0 : i32
        %dma_wait3A_266 = tpu.memref_slice %arg8[%scan3A_46, %dma_wait3A_265] : memref<125x80xi32, #tpu.memory_space<vmem>> -> memref<1x80xi32, #tpu.memory_space<vmem>>
        %dma_wait3A_267 = tpu.memref_squeeze %dma_wait3A_266 : memref<1x80xi32, #tpu.memory_space<vmem>> -> memref<80xi32, #tpu.memory_space<vmem>>
        %dma_wait3A_268 = arith.constant 0 : i32
        %dma_wait3A_269 = arith.constant 0 : i32
        %dma_wait3A_270 = tpu.memref_slice %arg2[%dma_wait3A_268, %dma_wait3A_269] : memref<10000x128xf32, #tpu.memory_space<hbm>> -> memref<10000x128xf32, #tpu.memory_space<hbm>>
        tpu.wait_indirect_dma semaphore(%arg15 : memref<!tpu.dma_semaphore, #tpu.memory_space<semaphore_mem>>) src(%dma_wait3A_270 : memref<10000x128xf32, #tpu.memory_space<hbm>>) dst(%arg12 : memref<80x128xf32, #tpu.memory_space<vmem>>)
        %dma_start3A_271 = arith.constant 0 : i32
        %dma_start3A_272 = tpu.memref_slice %arg9[%scan3A_46, %dma_start3A_271] : memref<125x80xi32, #tpu.memory_space<vmem>> -> memref<1x80xi32, #tpu.memory_space<vmem>>
        %dma_start3A_273 = tpu.memref_squeeze %dma_start3A_272 : memref<1x80xi32, #tpu.memory_space<vmem>> -> memref<80xi32, #tpu.memory_space<vmem>>
        %dma_start3A_274 = arith.constant 0 : i32
        %dma_start3A_275 = arith.constant 0 : i32
        %dma_start3A_276 = tpu.memref_slice %arg7[%dma_start3A_274, %dma_start3A_275] : memref<10000x128xf32, #tpu.memory_space<vmem_shared>> -> memref<10000x128xf32, #tpu.memory_space<vmem_shared>>
        tpu.enqueue_indirect_dma source(%arg12 : memref<80x128xf32, #tpu.memory_space<vmem>>) target(%dma_start3A_276 : memref<10000x128xf32, #tpu.memory_space<vmem_shared>>) offsets(%dma_start3A_273 : memref<80xi32, #tpu.memory_space<vmem>>) semaphore(%arg18 : memref<!tpu.dma_semaphore, #tpu.memory_space<semaphore_mem>>) {add = true}
      } else {
      }
      %ge3A = arith.constant 1 : i32
      %ge3A_105 = arith.cmpi sge, %scan3A_46, %ge3A : i32
      %sub3A = arith.constant 1 : i32
      %sub3A_106 = arith.subi %scan3A_46, %sub3A : i32
      %jit3A_107 = arith.constant 3 : i32
      %eq3A_108 = arith.constant 0 : i32
      %eq3A_109 = arith.cmpi eq, %jit3A_107, %eq3A_108 : i32
      %jit3A_110 = arith.constant 1 : i32
      %select_n3A_111 = arith.select %eq3A_109, %jit3A_110, %jit3A_107 : i32
      %rem3A_112 = arith.remsi %sub3A_106, %select_n3A_111 : i32
      %ne3A_113 = arith.constant 0 : i32
      %ne3A_114 = arith.cmpi ne, %rem3A_112, %ne3A_113 : i32
      %lt3A_115 = arith.constant 0 : i32
      %lt3A_116 = arith.cmpi slt, %rem3A_112, %lt3A_115 : i32
      %lt3A_117 = arith.constant 0 : i32
      %lt3A_118 = arith.cmpi slt, %select_n3A_111, %lt3A_117 : i32
      %ne3A_119 = arith.xori %lt3A_116, %lt3A_118 : i1
      %and3A_120 = arith.andi %ne3A_119, %ne3A_114 : i1
      %add3A_121 = arith.addi %rem3A_112, %select_n3A_111 : i32
      %select_n3A_122 = arith.select %and3A_120, %add3A_121, %rem3A_112 : i32
      %eq3A_123 = arith.constant 0 : i32
      %eq3A_124 = arith.cmpi eq, %select_n3A_122, %eq3A_123 : i32
      %and3A_125 = arith.andi %ge3A_105, %eq3A_124 : i1
      %convert_element_type3A_126 = arith.extui %and3A_125 : i1 to i32
      %cond3A_127 = arith.constant 0 : i32
      %cond3A_128 = arith.cmpi ne, %convert_element_type3A_126, %cond3A_127 : i32
      scf.if %cond3A_128 {
        %dma_wait3A_265 = arith.constant 0 : i32
        %dma_wait3A_266 = arith.constant 0 : i32
        %dma_wait3A_267 = tpu.memref_slice %arg9[%dma_wait3A_265, %dma_wait3A_266] : memref<125x80xi32, #tpu.memory_space<vmem>> -> memref<1x80xi32, #tpu.memory_space<vmem>>
        %dma_wait3A_268 = tpu.memref_squeeze %dma_wait3A_267 : memref<1x80xi32, #tpu.memory_space<vmem>> -> memref<80xi32, #tpu.memory_space<vmem>>
        %dma_wait3A_269 = arith.constant 0 : i32
        %dma_wait3A_270 = arith.constant 0 : i32
        %dma_wait3A_271 = tpu.memref_slice %arg7[%dma_wait3A_269, %dma_wait3A_270] : memref<10000x128xf32, #tpu.memory_space<vmem_shared>> -> memref<10000x128xf32, #tpu.memory_space<vmem_shared>>
        tpu.wait_indirect_dma semaphore(%arg16 : memref<!tpu.dma_semaphore, #tpu.memory_space<semaphore_mem>>) src(%arg10 : memref<80x128xf32, #tpu.memory_space<vmem>>) dst(%dma_wait3A_271 : memref<10000x128xf32, #tpu.memory_space<vmem_shared>>)
      } else {
      }
      %ge3A_129 = arith.constant 1 : i32
      %ge3A_130 = arith.cmpi sge, %scan3A_46, %ge3A_129 : i32
      %sub3A_131 = arith.constant 1 : i32
      %sub3A_132 = arith.subi %scan3A_46, %sub3A_131 : i32
      %jit3A_133 = arith.constant 3 : i32
      %eq3A_134 = arith.constant 0 : i32
      %eq3A_135 = arith.cmpi eq, %jit3A_133, %eq3A_134 : i32
      %jit3A_136 = arith.constant 1 : i32
      %select_n3A_137 = arith.select %eq3A_135, %jit3A_136, %jit3A_133 : i32
      %rem3A_138 = arith.remsi %sub3A_132, %select_n3A_137 : i32
      %ne3A_139 = arith.constant 0 : i32
      %ne3A_140 = arith.cmpi ne, %rem3A_138, %ne3A_139 : i32
      %lt3A_141 = arith.constant 0 : i32
      %lt3A_142 = arith.cmpi slt, %rem3A_138, %lt3A_141 : i32
      %lt3A_143 = arith.constant 0 : i32
      %lt3A_144 = arith.cmpi slt, %select_n3A_137, %lt3A_143 : i32
      %ne3A_145 = arith.xori %lt3A_142, %lt3A_144 : i1
      %and3A_146 = arith.andi %ne3A_145, %ne3A_140 : i1
      %add3A_147 = arith.addi %rem3A_138, %select_n3A_137 : i32
      %select_n3A_148 = arith.select %and3A_146, %add3A_147, %rem3A_138 : i32
      %eq3A_149 = arith.constant 1 : i32
      %eq3A_150 = arith.cmpi eq, %select_n3A_148, %eq3A_149 : i32
      %and3A_151 = arith.andi %ge3A_130, %eq3A_150 : i1
      %convert_element_type3A_152 = arith.extui %and3A_151 : i1 to i32
      %cond3A_153 = arith.constant 0 : i32
      %cond3A_154 = arith.cmpi ne, %convert_element_type3A_152, %cond3A_153 : i32
      scf.if %cond3A_154 {
        %dma_wait3A_265 = arith.constant 0 : i32
        %dma_wait3A_266 = arith.constant 0 : i32
        %dma_wait3A_267 = tpu.memref_slice %arg9[%dma_wait3A_265, %dma_wait3A_266] : memref<125x80xi32, #tpu.memory_space<vmem>> -> memref<1x80xi32, #tpu.memory_space<vmem>>
        %dma_wait3A_268 = tpu.memref_squeeze %dma_wait3A_267 : memref<1x80xi32, #tpu.memory_space<vmem>> -> memref<80xi32, #tpu.memory_space<vmem>>
        %dma_wait3A_269 = arith.constant 0 : i32
        %dma_wait3A_270 = arith.constant 0 : i32
        %dma_wait3A_271 = tpu.memref_slice %arg7[%dma_wait3A_269, %dma_wait3A_270] : memref<10000x128xf32, #tpu.memory_space<vmem_shared>> -> memref<10000x128xf32, #tpu.memory_space<vmem_shared>>
        tpu.wait_indirect_dma semaphore(%arg17 : memref<!tpu.dma_semaphore, #tpu.memory_space<semaphore_mem>>) src(%arg11 : memref<80x128xf32, #tpu.memory_space<vmem>>) dst(%dma_wait3A_271 : memref<10000x128xf32, #tpu.memory_space<vmem_shared>>)
      } else {
      }
      %ge3A_155 = arith.constant 1 : i32
      %ge3A_156 = arith.cmpi sge, %scan3A_46, %ge3A_155 : i32
      %sub3A_157 = arith.constant 1 : i32
      %sub3A_158 = arith.subi %scan3A_46, %sub3A_157 : i32
      %jit3A_159 = arith.constant 3 : i32
      %eq3A_160 = arith.constant 0 : i32
      %eq3A_161 = arith.cmpi eq, %jit3A_159, %eq3A_160 : i32
      %jit3A_162 = arith.constant 1 : i32
      %select_n3A_163 = arith.select %eq3A_161, %jit3A_162, %jit3A_159 : i32
      %rem3A_164 = arith.remsi %sub3A_158, %select_n3A_163 : i32
      %ne3A_165 = arith.constant 0 : i32
      %ne3A_166 = arith.cmpi ne, %rem3A_164, %ne3A_165 : i32
      %lt3A_167 = arith.constant 0 : i32
      %lt3A_168 = arith.cmpi slt, %rem3A_164, %lt3A_167 : i32
      %lt3A_169 = arith.constant 0 : i32
      %lt3A_170 = arith.cmpi slt, %select_n3A_163, %lt3A_169 : i32
      %ne3A_171 = arith.xori %lt3A_168, %lt3A_170 : i1
      %and3A_172 = arith.andi %ne3A_171, %ne3A_166 : i1
      %add3A_173 = arith.addi %rem3A_164, %select_n3A_163 : i32
      %select_n3A_174 = arith.select %and3A_172, %add3A_173, %rem3A_164 : i32
      %eq3A_175 = arith.constant 2 : i32
      %eq3A_176 = arith.cmpi eq, %select_n3A_174, %eq3A_175 : i32
      %and3A_177 = arith.andi %ge3A_156, %eq3A_176 : i1
      %convert_element_type3A_178 = arith.extui %and3A_177 : i1 to i32
      %cond3A_179 = arith.constant 0 : i32
      %cond3A_180 = arith.cmpi ne, %convert_element_type3A_178, %cond3A_179 : i32
      scf.if %cond3A_180 {
        %dma_wait3A_265 = arith.constant 0 : i32
        %dma_wait3A_266 = arith.constant 0 : i32
        %dma_wait3A_267 = tpu.memref_slice %arg9[%dma_wait3A_265, %dma_wait3A_266] : memref<125x80xi32, #tpu.memory_space<vmem>> -> memref<1x80xi32, #tpu.memory_space<vmem>>
        %dma_wait3A_268 = tpu.memref_squeeze %dma_wait3A_267 : memref<1x80xi32, #tpu.memory_space<vmem>> -> memref<80xi32, #tpu.memory_space<vmem>>
        %dma_wait3A_269 = arith.constant 0 : i32
        %dma_wait3A_270 = arith.constant 0 : i32
        %dma_wait3A_271 = tpu.memref_slice %arg7[%dma_wait3A_269, %dma_wait3A_270] : memref<10000x128xf32, #tpu.memory_space<vmem_shared>> -> memref<10000x128xf32, #tpu.memory_space<vmem_shared>>
        tpu.wait_indirect_dma semaphore(%arg18 : memref<!tpu.dma_semaphore, #tpu.memory_space<semaphore_mem>>) src(%arg12 : memref<80x128xf32, #tpu.memory_space<vmem>>) dst(%dma_wait3A_271 : memref<10000x128xf32, #tpu.memory_space<vmem_shared>>)
      } else {
      }
      %add3A_181 = arith.constant 2 : i32
      %add3A_182 = arith.addi %scan3A_46, %add3A_181 : i32
      %lt3A_183 = arith.constant 125 : i32
      %lt3A_184 = arith.cmpi slt, %add3A_182, %lt3A_183 : i32
      %add3A_185 = arith.constant 2 : i32
      %add3A_186 = arith.addi %scan3A_46, %add3A_185 : i32
      %jit3A_187 = arith.constant 3 : i32
      %eq3A_188 = arith.constant 0 : i32
      %eq3A_189 = arith.cmpi eq, %jit3A_187, %eq3A_188 : i32
      %jit3A_190 = arith.constant 1 : i32
      %select_n3A_191 = arith.select %eq3A_189, %jit3A_190, %jit3A_187 : i32
      %rem3A_192 = arith.remsi %add3A_186, %select_n3A_191 : i32
      %ne3A_193 = arith.constant 0 : i32
      %ne3A_194 = arith.cmpi ne, %rem3A_192, %ne3A_193 : i32
      %lt3A_195 = arith.constant 0 : i32
      %lt3A_196 = arith.cmpi slt, %rem3A_192, %lt3A_195 : i32
      %lt3A_197 = arith.constant 0 : i32
      %lt3A_198 = arith.cmpi slt, %select_n3A_191, %lt3A_197 : i32
      %ne3A_199 = arith.xori %lt3A_196, %lt3A_198 : i1
      %and3A_200 = arith.andi %ne3A_199, %ne3A_194 : i1
      %add3A_201 = arith.addi %rem3A_192, %select_n3A_191 : i32
      %select_n3A_202 = arith.select %and3A_200, %add3A_201, %rem3A_192 : i32
      %eq3A_203 = arith.constant 0 : i32
      %eq3A_204 = arith.cmpi eq, %select_n3A_202, %eq3A_203 : i32
      %and3A_205 = arith.andi %lt3A_184, %eq3A_204 : i1
      %convert_element_type3A_206 = arith.extui %and3A_205 : i1 to i32
      %cond3A_207 = arith.constant 0 : i32
      %cond3A_208 = arith.cmpi ne, %convert_element_type3A_206, %cond3A_207 : i32
      scf.if %cond3A_208 {
        %add3A_265 = arith.constant 2 : i32
        %add3A_266 = arith.addi %scan3A_46, %add3A_265 : i32
        %dma_start3A_267 = arith.constant 0 : i32
        %dma_start3A_268 = tpu.memref_slice %arg8[%add3A_266, %dma_start3A_267] : memref<125x80xi32, #tpu.memory_space<vmem>> -> memref<1x80xi32, #tpu.memory_space<vmem>>
        %dma_start3A_269 = tpu.memref_squeeze %dma_start3A_268 : memref<1x80xi32, #tpu.memory_space<vmem>> -> memref<80xi32, #tpu.memory_space<vmem>>
        %dma_start3A_270 = arith.constant 0 : i32
        %dma_start3A_271 = arith.constant 0 : i32
        %dma_start3A_272 = tpu.memref_slice %arg2[%dma_start3A_270, %dma_start3A_271] : memref<10000x128xf32, #tpu.memory_space<hbm>> -> memref<10000x128xf32, #tpu.memory_space<hbm>>
        tpu.enqueue_indirect_dma source(%dma_start3A_272 : memref<10000x128xf32, #tpu.memory_space<hbm>>) target(%arg10 : memref<80x128xf32, #tpu.memory_space<vmem>>) offsets(%dma_start3A_269 : memref<80xi32, #tpu.memory_space<vmem>>) semaphore(%arg13 : memref<!tpu.dma_semaphore, #tpu.memory_space<semaphore_mem>>)
      } else {
      }
      %add3A_209 = arith.constant 2 : i32
      %add3A_210 = arith.addi %scan3A_46, %add3A_209 : i32
      %lt3A_211 = arith.constant 125 : i32
      %lt3A_212 = arith.cmpi slt, %add3A_210, %lt3A_211 : i32
      %add3A_213 = arith.constant 2 : i32
      %add3A_214 = arith.addi %scan3A_46, %add3A_213 : i32
      %jit3A_215 = arith.constant 3 : i32
      %eq3A_216 = arith.constant 0 : i32
      %eq3A_217 = arith.cmpi eq, %jit3A_215, %eq3A_216 : i32
      %jit3A_218 = arith.constant 1 : i32
      %select_n3A_219 = arith.select %eq3A_217, %jit3A_218, %jit3A_215 : i32
      %rem3A_220 = arith.remsi %add3A_214, %select_n3A_219 : i32
      %ne3A_221 = arith.constant 0 : i32
      %ne3A_222 = arith.cmpi ne, %rem3A_220, %ne3A_221 : i32
      %lt3A_223 = arith.constant 0 : i32
      %lt3A_224 = arith.cmpi slt, %rem3A_220, %lt3A_223 : i32
      %lt3A_225 = arith.constant 0 : i32
      %lt3A_226 = arith.cmpi slt, %select_n3A_219, %lt3A_225 : i32
      %ne3A_227 = arith.xori %lt3A_224, %lt3A_226 : i1
      %and3A_228 = arith.andi %ne3A_227, %ne3A_222 : i1
      %add3A_229 = arith.addi %rem3A_220, %select_n3A_219 : i32
      %select_n3A_230 = arith.select %and3A_228, %add3A_229, %rem3A_220 : i32
      %eq3A_231 = arith.constant 1 : i32
      %eq3A_232 = arith.cmpi eq, %select_n3A_230, %eq3A_231 : i32
      %and3A_233 = arith.andi %lt3A_212, %eq3A_232 : i1
      %convert_element_type3A_234 = arith.extui %and3A_233 : i1 to i32
      %cond3A_235 = arith.constant 0 : i32
      %cond3A_236 = arith.cmpi ne, %convert_element_type3A_234, %cond3A_235 : i32
      scf.if %cond3A_236 {
        %add3A_265 = arith.constant 2 : i32
        %add3A_266 = arith.addi %scan3A_46, %add3A_265 : i32
        %dma_start3A_267 = arith.constant 0 : i32
        %dma_start3A_268 = tpu.memref_slice %arg8[%add3A_266, %dma_start3A_267] : memref<125x80xi32, #tpu.memory_space<vmem>> -> memref<1x80xi32, #tpu.memory_space<vmem>>
        %dma_start3A_269 = tpu.memref_squeeze %dma_start3A_268 : memref<1x80xi32, #tpu.memory_space<vmem>> -> memref<80xi32, #tpu.memory_space<vmem>>
        %dma_start3A_270 = arith.constant 0 : i32
        %dma_start3A_271 = arith.constant 0 : i32
        %dma_start3A_272 = tpu.memref_slice %arg2[%dma_start3A_270, %dma_start3A_271] : memref<10000x128xf32, #tpu.memory_space<hbm>> -> memref<10000x128xf32, #tpu.memory_space<hbm>>
        tpu.enqueue_indirect_dma source(%dma_start3A_272 : memref<10000x128xf32, #tpu.memory_space<hbm>>) target(%arg11 : memref<80x128xf32, #tpu.memory_space<vmem>>) offsets(%dma_start3A_269 : memref<80xi32, #tpu.memory_space<vmem>>) semaphore(%arg14 : memref<!tpu.dma_semaphore, #tpu.memory_space<semaphore_mem>>)
      } else {
      }
      %add3A_237 = arith.constant 2 : i32
      %add3A_238 = arith.addi %scan3A_46, %add3A_237 : i32
      %lt3A_239 = arith.constant 125 : i32
      %lt3A_240 = arith.cmpi slt, %add3A_238, %lt3A_239 : i32
      %add3A_241 = arith.constant 2 : i32
      %add3A_242 = arith.addi %scan3A_46, %add3A_241 : i32
      %jit3A_243 = arith.constant 3 : i32
      %eq3A_244 = arith.constant 0 : i32
      %eq3A_245 = arith.cmpi eq, %jit3A_243, %eq3A_244 : i32
      %jit3A_246 = arith.constant 1 : i32
      %select_n3A_247 = arith.select %eq3A_245, %jit3A_246, %jit3A_243 : i32
      %rem3A_248 = arith.remsi %add3A_242, %select_n3A_247 : i32
      %ne3A_249 = arith.constant 0 : i32
      %ne3A_250 = arith.cmpi ne, %rem3A_248, %ne3A_249 : i32
      %lt3A_251 = arith.constant 0 : i32
      %lt3A_252 = arith.cmpi slt, %rem3A_248, %lt3A_251 : i32
      %lt3A_253 = arith.constant 0 : i32
      %lt3A_254 = arith.cmpi slt, %select_n3A_247, %lt3A_253 : i32
      %ne3A_255 = arith.xori %lt3A_252, %lt3A_254 : i1
      %and3A_256 = arith.andi %ne3A_255, %ne3A_250 : i1
      %add3A_257 = arith.addi %rem3A_248, %select_n3A_247 : i32
      %select_n3A_258 = arith.select %and3A_256, %add3A_257, %rem3A_248 : i32
      %eq3A_259 = arith.constant 2 : i32
      %eq3A_260 = arith.cmpi eq, %select_n3A_258, %eq3A_259 : i32
      %and3A_261 = arith.andi %lt3A_240, %eq3A_260 : i1
      %convert_element_type3A_262 = arith.extui %and3A_261 : i1 to i32
      %cond3A_263 = arith.constant 0 : i32
      %cond3A_264 = arith.cmpi ne, %convert_element_type3A_262, %cond3A_263 : i32
      scf.if %cond3A_264 {
        %add3A_265 = arith.constant 2 : i32
        %add3A_266 = arith.addi %scan3A_46, %add3A_265 : i32
        %dma_start3A_267 = arith.constant 0 : i32
        %dma_start3A_268 = tpu.memref_slice %arg8[%add3A_266, %dma_start3A_267] : memref<125x80xi32, #tpu.memory_space<vmem>> -> memref<1x80xi32, #tpu.memory_space<vmem>>
        %dma_start3A_269 = tpu.memref_squeeze %dma_start3A_268 : memref<1x80xi32, #tpu.memory_space<vmem>> -> memref<80xi32, #tpu.memory_space<vmem>>
        %dma_start3A_270 = arith.constant 0 : i32
        %dma_start3A_271 = arith.constant 0 : i32
        %dma_start3A_272 = tpu.memref_slice %arg2[%dma_start3A_270, %dma_start3A_271] : memref<10000x128xf32, #tpu.memory_space<hbm>> -> memref<10000x128xf32, #tpu.memory_space<hbm>>
        tpu.enqueue_indirect_dma source(%dma_start3A_272 : memref<10000x128xf32, #tpu.memory_space<hbm>>) target(%arg12 : memref<80x128xf32, #tpu.memory_space<vmem>>) offsets(%dma_start3A_269 : memref<80xi32, #tpu.memory_space<vmem>>) semaphore(%arg15 : memref<!tpu.dma_semaphore, #tpu.memory_space<semaphore_mem>>)
      } else {
      }
    }
    %scan3A_28 = arith.constant 125 : i32
    %dma_wait3A = arith.constant 0 : i32
    %dma_wait3A_29 = arith.constant 0 : i32
    %dma_wait3A_30 = tpu.memref_slice %arg9[%dma_wait3A, %dma_wait3A_29] : memref<125x80xi32, #tpu.memory_space<vmem>> -> memref<1x80xi32, #tpu.memory_space<vmem>>
    %dma_wait3A_31 = tpu.memref_squeeze %dma_wait3A_30 : memref<1x80xi32, #tpu.memory_space<vmem>> -> memref<80xi32, #tpu.memory_space<vmem>>
    %dma_wait3A_32 = arith.constant 0 : i32
    %dma_wait3A_33 = arith.constant 0 : i32
    %dma_wait3A_34 = tpu.memref_slice %arg7[%dma_wait3A_32, %dma_wait3A_33] : memref<10000x128xf32, #tpu.memory_space<vmem_shared>> -> memref<10000x128xf32, #tpu.memory_space<vmem_shared>>
    tpu.wait_indirect_dma semaphore(%arg17 : memref<!tpu.dma_semaphore, #tpu.memory_space<semaphore_mem>>) src(%arg11 : memref<80x128xf32, #tpu.memory_space<vmem>>) dst(%dma_wait3A_34 : memref<10000x128xf32, #tpu.memory_space<vmem_shared>>)
    %barrier3A_35 = arith.constant 0 : index
    tpu.barrier barrier_id(%barrier3A_35)
    %lt3A_36 = arith.constant 15 : i32
    %lt3A_37 = arith.cmpi slt, %arg1, %lt3A_36 : i32
    %convert_element_type3A_38 = arith.extui %lt3A_37 : i1 to i32
    %cond3A_39 = arith.constant 0 : i32
    %cond3A_40 = arith.cmpi ne, %convert_element_type3A_38, %cond3A_39 : i32
    scf.if %cond3A_40 {
      "tpu.region"() ({
        %run_scoped3A = tpu.sem_alloc : memref<!tpu.dma_semaphore, #tpu.memory_space<semaphore_mem>>
        %dma_start3A_46 = arith.constant 0 : i32
        %dma_start3A_47 = tpu.memref_slice %arg6[%arg0, %multiple_of3A, %dma_start3A_46] : memref<2x10000x128xf32, #tpu.memory_space<hbm>> -> memref<1x624x128xf32, #tpu.memory_space<hbm>>
        %dma_start3A_48 = tpu.memref_squeeze %dma_start3A_47 : memref<1x624x128xf32, #tpu.memory_space<hbm>> -> memref<624x128xf32, #tpu.memory_space<hbm>>
        %dma_start3A_49 = arith.constant 0 : i32
        %dma_start3A_50 = tpu.memref_slice %arg7[%multiple_of3A, %dma_start3A_49] : memref<10000x128xf32, #tpu.memory_space<vmem_shared>> -> memref<624x128xf32, #tpu.memory_space<vmem_shared>>
        tpu.enqueue_dma source(%dma_start3A_50 : memref<624x128xf32, #tpu.memory_space<vmem_shared>>) target(%dma_start3A_48 : memref<624x128xf32, #tpu.memory_space<hbm>>) target_semaphore(%run_scoped3A : memref<!tpu.dma_semaphore, #tpu.memory_space<semaphore_mem>>)
        %dma_wait3A_51 = arith.constant 0 : i32
        %dma_wait3A_52 = tpu.memref_slice %arg6[%arg0, %multiple_of3A, %dma_wait3A_51] : memref<2x10000x128xf32, #tpu.memory_space<hbm>> -> memref<1x624x128xf32, #tpu.memory_space<hbm>>
        %dma_wait3A_53 = tpu.memref_squeeze %dma_wait3A_52 : memref<1x624x128xf32, #tpu.memory_space<hbm>> -> memref<624x128xf32, #tpu.memory_space<hbm>>
        %dma_wait3A_54 = arith.constant 0 : i32
        %dma_wait3A_55 = tpu.memref_slice %arg7[%multiple_of3A, %dma_wait3A_54] : memref<10000x128xf32, #tpu.memory_space<vmem_shared>> -> memref<624x128xf32, #tpu.memory_space<vmem_shared>>
        tpu.wait_dma2 semaphore(%run_scoped3A : memref<!tpu.dma_semaphore, #tpu.memory_space<semaphore_mem>>) src(%dma_wait3A_55 : memref<624x128xf32, #tpu.memory_space<vmem_shared>>) dst(%dma_wait3A_53 : memref<624x128xf32, #tpu.memory_space<hbm>>)
        tpu.yield
      }) : () -> ()
    } else {
    }
    %eq3A_41 = arith.constant 15 : i32
    %eq3A_42 = arith.cmpi eq, %arg1, %eq3A_41 : i32
    %convert_element_type3A_43 = arith.extui %eq3A_42 : i1 to i32
    %cond3A_44 = arith.constant 0 : i32
    %cond3A_45 = arith.cmpi ne, %convert_element_type3A_43, %cond3A_44 : i32
    scf.if %cond3A_45 {
      "tpu.region"() ({
        %run_scoped3A = tpu.sem_alloc : memref<!tpu.dma_semaphore, #tpu.memory_space<semaphore_mem>>
        %dma_start3A_46 = arith.constant 9360 : i32
        %dma_start3A_47 = arith.constant 0 : i32
        %dma_start3A_48 = tpu.memref_slice %arg6[%arg0, %dma_start3A_46, %dma_start3A_47] : memref<2x10000x128xf32, #tpu.memory_space<hbm>> -> memref<1x640x128xf32, #tpu.memory_space<hbm>>
        %dma_start3A_49 = tpu.memref_squeeze %dma_start3A_48 : memref<1x640x128xf32, #tpu.memory_space<hbm>> -> memref<640x128xf32, #tpu.memory_space<hbm>>
        %dma_start3A_50 = arith.constant 9360 : i32
        %dma_start3A_51 = arith.constant 0 : i32
        %dma_start3A_52 = tpu.memref_slice %arg7[%dma_start3A_50, %dma_start3A_51] : memref<10000x128xf32, #tpu.memory_space<vmem_shared>> -> memref<640x128xf32, #tpu.memory_space<vmem_shared>>
        tpu.enqueue_dma source(%dma_start3A_52 : memref<640x128xf32, #tpu.memory_space<vmem_shared>>) target(%dma_start3A_49 : memref<640x128xf32, #tpu.memory_space<hbm>>) target_semaphore(%run_scoped3A : memref<!tpu.dma_semaphore, #tpu.memory_space<semaphore_mem>>)
        %dma_wait3A_53 = arith.constant 9360 : i32
        %dma_wait3A_54 = arith.constant 0 : i32
        %dma_wait3A_55 = tpu.memref_slice %arg6[%arg0, %dma_wait3A_53, %dma_wait3A_54] : memref<2x10000x128xf32, #tpu.memory_space<hbm>> -> memref<1x640x128xf32, #tpu.memory_space<hbm>>
        %dma_wait3A_56 = tpu.memref_squeeze %dma_wait3A_55 : memref<1x640x128xf32, #tpu.memory_space<hbm>> -> memref<640x128xf32, #tpu.memory_space<hbm>>
        %dma_wait3A_57 = arith.constant 9360 : i32
        %dma_wait3A_58 = arith.constant 0 : i32
        %dma_wait3A_59 = tpu.memref_slice %arg7[%dma_wait3A_57, %dma_wait3A_58] : memref<10000x128xf32, #tpu.memory_space<vmem_shared>> -> memref<640x128xf32, #tpu.memory_space<vmem_shared>>
        tpu.wait_dma2 semaphore(%run_scoped3A : memref<!tpu.dma_semaphore, #tpu.memory_space<semaphore_mem>>) src(%dma_wait3A_59 : memref<640x128xf32, #tpu.memory_space<vmem_shared>>) dst(%dma_wait3A_56 : memref<640x128xf32, #tpu.memory_space<hbm>>)
        tpu.yield
      }) : () -> ()
    } else {
    }
    return
  }
}

#map = affine_map<(d0, d1) -> (0, 0)>
#map1 = affine_map<(d0, d1) -> (0, 0, 0)>
module attributes {stable_mosaic.version = 14 : i64} {
  func.func @body(%arg0: i32, %arg1: i32, %arg2: memref<10000x128xf32, #tpu.memory_space<hbm>>, %arg3: memref<4000x80xi32, #tpu.memory_space<hbm>>, %arg4: memref<4000x80xi32, #tpu.memory_space<hbm>>, %arg5: memref<640x128xf32, #tpu.memory_space<hbm>>, %arg6: memref<2x10000x128xf32, #tpu.memory_space<hbm>>, %arg7: memref<10000x128xf32, #tpu.memory_space<vmem_shared>>, %arg8: memref<125x80xi32, #tpu.memory_space<vmem>>, %arg9: memref<125x80xi32, #tpu.memory_space<vmem>>, %arg10: memref<80x128xf32, #tpu.memory_space<vmem>>, %arg11: memref<80x128xf32, #tpu.memory_space<vmem>>, %arg12: memref<80x128xf32, #tpu.memory_space<vmem>>, %arg13: memref<!tpu.dma_semaphore, #tpu.memory_space<semaphore_mem>>, %arg14: memref<!tpu.dma_semaphore, #tpu.memory_space<semaphore_mem>>, %arg15: memref<!tpu.dma_semaphore, #tpu.memory_space<semaphore_mem>>, %arg16: memref<!tpu.dma_semaphore, #tpu.memory_space<semaphore_mem>>, %arg17: memref<!tpu.dma_semaphore, #tpu.memory_space<semaphore_mem>>, %arg18: memref<!tpu.dma_semaphore, #tpu.memory_space<semaphore_mem>>) attributes {dimension_semantics = [#tpu.dimension_semantics<core_parallel>, #tpu.dimension_semantics<subcore_parallel>], iteration_bounds = array<i64: 2, 16>, scalar_prefetch = 0 : i64, scratch_operands = 12 : i64, tpu.core_type = #tpu.core_type<sc_vector_subcore>, window_params = [{transform_indices = #map}, {transform_indices = #map}, {transform_indices = #map}, {transform_indices = #map}, {transform_indices = #map1}]} {
    %mul3A = arith.constant 624 : i32
    %mul3A_0 = arith.muli %arg1, %mul3A : i32
    %multiple_of3A = tpu.assume_multiple %mul3A_0, 8 : i32
    %mul3A_1 = arith.constant 16 : i32
    %mul3A_2 = arith.muli %arg0, %mul3A_1 : i32
    %add3A = arith.addi %mul3A_2, %arg1 : i32
    %mul3A_3 = arith.constant 125 : i32
    %mul3A_4 = arith.muli %add3A, %mul3A_3 : i32
    "tpu.region"() ({
      %run_scoped3A = tpu.sem_alloc : memref<!tpu.dma_semaphore, #tpu.memory_space<semaphore_mem>>
      %dma_start3A_46 = arith.constant 0 : i32
      %dma_start3A_47 = tpu.memref_slice %arg3[%mul3A_4, %dma_start3A_46] : memref<4000x80xi32, #tpu.memory_space<hbm>> -> memref<125x80xi32, #tpu.memory_space<hbm>>
      %dma_start3A_48 = arith.constant 0 : i32
      %dma_start3A_49 = tpu.memref_slice %arg3[%mul3A_4, %dma_start3A_48] : memref<4000x80xi32, #tpu.memory_space<hbm>> -> memref<125x80xi32, #tpu.memory_space<hbm>>
      tpu.enqueue_dma source(%dma_start3A_49 : memref<125x80xi32, #tpu.memory_space<hbm>>) target(%arg8 : memref<125x80xi32, #tpu.memory_space<vmem>>) target_semaphore(%run_scoped3A : memref<!tpu.dma_semaphore, #tpu.memory_space<semaphore_mem>>)
      %dma_wait3A_50 = arith.constant 0 : i32
      %dma_wait3A_51 = tpu.memref_slice %arg3[%mul3A_4, %dma_wait3A_50] : memref<4000x80xi32, #tpu.memory_space<hbm>> -> memref<125x80xi32, #tpu.memory_space<hbm>>
      %dma_wait3A_52 = arith.constant 0 : i32
      %dma_wait3A_53 = tpu.memref_slice %arg3[%mul3A_4, %dma_wait3A_52] : memref<4000x80xi32, #tpu.memory_space<hbm>> -> memref<125x80xi32, #tpu.memory_space<hbm>>
      tpu.wait_dma2 semaphore(%run_scoped3A : memref<!tpu.dma_semaphore, #tpu.memory_space<semaphore_mem>>) src(%dma_wait3A_53 : memref<125x80xi32, #tpu.memory_space<hbm>>) dst(%arg8 : memref<125x80xi32, #tpu.memory_space<vmem>>)
      tpu.yield
    }) : () -> ()
    "tpu.region"() ({
      %run_scoped3A = tpu.sem_alloc : memref<!tpu.dma_semaphore, #tpu.memory_space<semaphore_mem>>
      %dma_start3A_46 = arith.constant 0 : i32
      %dma_start3A_47 = tpu.memref_slice %arg4[%mul3A_4, %dma_start3A_46] : memref<4000x80xi32, #tpu.memory_space<hbm>> -> memref<125x80xi32, #tpu.memory_space<hbm>>
      %dma_start3A_48 = arith.constant 0 : i32
      %dma_start3A_49 = tpu.memref_slice %arg4[%mul3A_4, %dma_start3A_48] : memref<4000x80xi32, #tpu.memory_space<hbm>> -> memref<125x80xi32, #tpu.memory_space<hbm>>
      tpu.enqueue_dma source(%dma_start3A_49 : memref<125x80xi32, #tpu.memory_space<hbm>>) target(%arg9 : memref<125x80xi32, #tpu.memory_space<vmem>>) target_semaphore(%run_scoped3A : memref<!tpu.dma_semaphore, #tpu.memory_space<semaphore_mem>>)
      %dma_wait3A_50 = arith.constant 0 : i32
      %dma_wait3A_51 = tpu.memref_slice %arg4[%mul3A_4, %dma_wait3A_50] : memref<4000x80xi32, #tpu.memory_space<hbm>> -> memref<125x80xi32, #tpu.memory_space<hbm>>
      %dma_wait3A_52 = arith.constant 0 : i32
      %dma_wait3A_53 = tpu.memref_slice %arg4[%mul3A_4, %dma_wait3A_52] : memref<4000x80xi32, #tpu.memory_space<hbm>> -> memref<125x80xi32, #tpu.memory_space<hbm>>
      tpu.wait_dma2 semaphore(%run_scoped3A : memref<!tpu.dma_semaphore, #tpu.memory_space<semaphore_mem>>) src(%dma_wait3A_53 : memref<125x80xi32, #tpu.memory_space<hbm>>) dst(%arg9 : memref<125x80xi32, #tpu.memory_space<vmem>>)
      tpu.yield
    }) : () -> ()
    %lt3A = arith.constant 15 : i32
    %lt3A_5 = arith.cmpi slt, %arg1, %lt3A : i32
    %convert_element_type3A = arith.extui %lt3A_5 : i1 to i32
    %cond3A = arith.constant 0 : i32
    %cond3A_6 = arith.cmpi ne, %convert_element_type3A, %cond3A : i32
    scf.if %cond3A_6 {
      "tpu.region"() ({
        %run_scoped3A = tpu.sem_alloc : memref<!tpu.dma_semaphore, #tpu.memory_space<semaphore_mem>>
        %dma_start3A_46 = arith.constant 0 : i32
        %dma_start3A_47 = tpu.memref_slice %arg7[%multiple_of3A, %dma_start3A_46] : memref<10000x128xf32, #tpu.memory_space<vmem_shared>> -> memref<624x128xf32, #tpu.memory_space<vmem_shared>>
        %dma_start3A_48 = arith.constant 0 : i32
        %dma_start3A_49 = arith.constant 0 : i32
        %dma_start3A_50 = tpu.memref_slice %arg5[%dma_start3A_48, %dma_start3A_49] : memref<640x128xf32, #tpu.memory_space<hbm>> -> memref<624x128xf32, #tpu.memory_space<hbm>>
        tpu.enqueue_dma source(%dma_start3A_50 : memref<624x128xf32, #tpu.memory_space<hbm>>) target(%dma_start3A_47 : memref<624x128xf32, #tpu.memory_space<vmem_shared>>) target_semaphore(%run_scoped3A : memref<!tpu.dma_semaphore, #tpu.memory_space<semaphore_mem>>)
        %dma_wait3A_51 = arith.constant 0 : i32
        %dma_wait3A_52 = tpu.memref_slice %arg7[%multiple_of3A, %dma_wait3A_51] : memref<10000x128xf32, #tpu.memory_space<vmem_shared>> -> memref<624x128xf32, #tpu.memory_space<vmem_shared>>
        %dma_wait3A_53 = arith.constant 0 : i32
        %dma_wait3A_54 = arith.constant 0 : i32
        %dma_wait3A_55 = tpu.memref_slice %arg5[%dma_wait3A_53, %dma_wait3A_54] : memref<640x128xf32, #tpu.memory_space<hbm>> -> memref<624x128xf32, #tpu.memory_space<hbm>>
        tpu.wait_dma2 semaphore(%run_scoped3A : memref<!tpu.dma_semaphore, #tpu.memory_space<semaphore_mem>>) src(%dma_wait3A_55 : memref<624x128xf32, #tpu.memory_space<hbm>>) dst(%dma_wait3A_52 : memref<624x128xf32, #tpu.memory_space<vmem_shared>>)
        tpu.yield
      }) : () -> ()
    } else {
    }
    %eq3A = arith.constant 15 : i32
    %eq3A_7 = arith.cmpi eq, %arg1, %eq3A : i32
    %convert_element_type3A_8 = arith.extui %eq3A_7 : i1 to i32
    %cond3A_9 = arith.constant 0 : i32
    %cond3A_10 = arith.cmpi ne, %convert_element_type3A_8, %cond3A_9 : i32
    scf.if %cond3A_10 {
      "tpu.region"() ({
        %run_scoped3A = tpu.sem_alloc : memref<!tpu.dma_semaphore, #tpu.memory_space<semaphore_mem>>
        %dma_start3A_46 = arith.constant 9360 : i32
        %dma_start3A_47 = arith.constant 0 : i32
        %dma_start3A_48 = tpu.memref_slice %arg7[%dma_start3A_46, %dma_start3A_47] : memref<10000x128xf32, #tpu.memory_space<vmem_shared>> -> memref<640x128xf32, #tpu.memory_space<vmem_shared>>
        tpu.enqueue_dma source(%arg5 : memref<640x128xf32, #tpu.memory_space<hbm>>) target(%dma_start3A_48 : memref<640x128xf32, #tpu.memory_space<vmem_shared>>) target_semaphore(%run_scoped3A : memref<!tpu.dma_semaphore, #tpu.memory_space<semaphore_mem>>)
        %dma_wait3A_49 = arith.constant 9360 : i32
        %dma_wait3A_50 = arith.constant 0 : i32
        %dma_wait3A_51 = tpu.memref_slice %arg7[%dma_wait3A_49, %dma_wait3A_50] : memref<10000x128xf32, #tpu.memory_space<vmem_shared>> -> memref<640x128xf32, #tpu.memory_space<vmem_shared>>
        tpu.wait_dma2 semaphore(%run_scoped3A : memref<!tpu.dma_semaphore, #tpu.memory_space<semaphore_mem>>) src(%arg5 : memref<640x128xf32, #tpu.memory_space<hbm>>) dst(%dma_wait3A_51 : memref<640x128xf32, #tpu.memory_space<vmem_shared>>)
        tpu.yield
      }) : () -> ()
    } else {
    }
    %barrier3A = arith.constant 0 : index
    tpu.barrier barrier_id(%barrier3A)
    %dma_start3A = arith.constant 0 : i32
    %dma_start3A_11 = arith.constant 0 : i32
    %dma_start3A_12 = tpu.memref_slice %arg8[%dma_start3A, %dma_start3A_11] : memref<125x80xi32, #tpu.memory_space<vmem>> -> memref<1x80xi32, #tpu.memory_space<vmem>>
    %dma_start3A_13 = tpu.memref_squeeze %dma_start3A_12 : memref<1x80xi32, #tpu.memory_space<vmem>> -> memref<80xi32, #tpu.memory_space<vmem>>
    %dma_start3A_14 = arith.constant 0 : i32
    %dma_start3A_15 = arith.constant 0 : i32
    %dma_start3A_16 = tpu.memref_slice %arg2[%dma_start3A_14, %dma_start3A_15] : memref<10000x128xf32, #tpu.memory_space<hbm>> -> memref<10000x128xf32, #tpu.memory_space<hbm>>
    tpu.enqueue_indirect_dma source(%dma_start3A_16 : memref<10000x128xf32, #tpu.memory_space<hbm>>) target(%arg10 : memref<80x128xf32, #tpu.memory_space<vmem>>) offsets(%dma_start3A_13 : memref<80xi32, #tpu.memory_space<vmem>>) semaphore(%arg13 : memref<!tpu.dma_semaphore, #tpu.memory_space<semaphore_mem>>)
    %dma_start3A_17 = arith.constant 1 : i32
    %dma_start3A_18 = arith.constant 0 : i32
    %dma_start3A_19 = tpu.memref_slice %arg8[%dma_start3A_17, %dma_start3A_18] : memref<125x80xi32, #tpu.memory_space<vmem>> -> memref<1x80xi32, #tpu.memory_space<vmem>>
    %dma_start3A_20 = tpu.memref_squeeze %dma_start3A_19 : memref<1x80xi32, #tpu.memory_space<vmem>> -> memref<80xi32, #tpu.memory_space<vmem>>
    %dma_start3A_21 = arith.constant 0 : i32
    %dma_start3A_22 = arith.constant 0 : i32
    %dma_start3A_23 = tpu.memref_slice %arg2[%dma_start3A_21, %dma_start3A_22] : memref<10000x128xf32, #tpu.memory_space<hbm>> -> memref<10000x128xf32, #tpu.memory_space<hbm>>
    tpu.enqueue_indirect_dma source(%dma_start3A_23 : memref<10000x128xf32, #tpu.memory_space<hbm>>) target(%arg11 : memref<80x128xf32, #tpu.memory_space<vmem>>) offsets(%dma_start3A_20 : memref<80xi32, #tpu.memory_space<vmem>>) semaphore(%arg14 : memref<!tpu.dma_semaphore, #tpu.memory_space<semaphore_mem>>)
    %scan3A = arith.constant 0 : i32
    %scan3A_24 = arith.constant 0 : i32
    %scan3A_25 = arith.constant 125 : i32
    %scan3A_26 = arith.addi %scan3A_24, %scan3A_25 : i32
    %scan3A_27 = arith.constant 1 : i32
    scf.for %scan3A_46 = %scan3A_24 to %scan3A_26 step %scan3A_27  : i32 {
      %jit3A = arith.constant 3 : i32
      %eq3A_47 = arith.constant 0 : i32
      %eq3A_48 = arith.cmpi eq, %jit3A, %eq3A_47 : i32
      %jit3A_49 = arith.constant 1 : i32
      %select_n3A = arith.select %eq3A_48, %jit3A_49, %jit3A : i32
      %rem3A = arith.remsi %scan3A_46, %select_n3A : i32
      %ne3A = arith.constant 0 : i32
      %ne3A_50 = arith.cmpi ne, %rem3A, %ne3A : i32
      %lt3A_51 = arith.constant 0 : i32
      %lt3A_52 = arith.cmpi slt, %rem3A, %lt3A_51 : i32
      %lt3A_53 = arith.constant 0 : i32
      %lt3A_54 = arith.cmpi slt, %select_n3A, %lt3A_53 : i32
      %ne3A_55 = arith.xori %lt3A_52, %lt3A_54 : i1
      %and3A = arith.andi %ne3A_55, %ne3A_50 : i1
      %add3A_56 = arith.addi %rem3A, %select_n3A : i32
      %select_n3A_57 = arith.select %and3A, %add3A_56, %rem3A : i32
      %eq3A_58 = arith.constant 0 : i32
      %eq3A_59 = arith.cmpi eq, %select_n3A_57, %eq3A_58 : i32
      %convert_element_type3A_60 = arith.extui %eq3A_59 : i1 to i32
      %cond3A_61 = arith.constant 0 : i32
      %cond3A_62 = arith.cmpi ne, %convert_element_type3A_60, %cond3A_61 : i32
      scf.if %cond3A_62 {
        %dma_wait3A_265 = arith.constant 0 : i32
        %dma_wait3A_266 = tpu.memref_slice %arg8[%scan3A_46, %dma_wait3A_265] : memref<125x80xi32, #tpu.memory_space<vmem>> -> memref<1x80xi32, #tpu.memory_space<vmem>>
        %dma_wait3A_267 = tpu.memref_squeeze %dma_wait3A_266 : memref<1x80xi32, #tpu.memory_space<vmem>> -> memref<80xi32, #tpu.memory_space<vmem>>
        %dma_wait3A_268 = arith.constant 0 : i32
        %dma_wait3A_269 = arith.constant 0 : i32
        %dma_wait3A_270 = tpu.memref_slice %arg2[%dma_wait3A_268, %dma_wait3A_269] : memref<10000x128xf32, #tpu.memory_space<hbm>> -> memref<10000x128xf32, #tpu.memory_space<hbm>>
        tpu.wait_indirect_dma semaphore(%arg13 : memref<!tpu.dma_semaphore, #tpu.memory_space<semaphore_mem>>) src(%dma_wait3A_270 : memref<10000x128xf32, #tpu.memory_space<hbm>>) dst(%arg10 : memref<80x128xf32, #tpu.memory_space<vmem>>)
        %dma_start3A_271 = arith.constant 0 : i32
        %dma_start3A_272 = tpu.memref_slice %arg9[%scan3A_46, %dma_start3A_271] : memref<125x80xi32, #tpu.memory_space<vmem>> -> memref<1x80xi32, #tpu.memory_space<vmem>>
        %dma_start3A_273 = tpu.memref_squeeze %dma_start3A_272 : memref<1x80xi32, #tpu.memory_space<vmem>> -> memref<80xi32, #tpu.memory_space<vmem>>
        %dma_start3A_274 = arith.constant 0 : i32
        %dma_start3A_275 = arith.constant 0 : i32
        %dma_start3A_276 = tpu.memref_slice %arg7[%dma_start3A_274, %dma_start3A_275] : memref<10000x128xf32, #tpu.memory_space<vmem_shared>> -> memref<10000x128xf32, #tpu.memory_space<vmem_shared>>
        tpu.enqueue_indirect_dma source(%arg10 : memref<80x128xf32, #tpu.memory_space<vmem>>) target(%dma_start3A_276 : memref<10000x128xf32, #tpu.memory_space<vmem_shared>>) offsets(%dma_start3A_273 : memref<80xi32, #tpu.memory_space<vmem>>) semaphore(%arg16 : memref<!tpu.dma_semaphore, #tpu.memory_space<semaphore_mem>>) {add = true}
      } else {
      }
      %jit3A_63 = arith.constant 3 : i32
      %eq3A_64 = arith.constant 0 : i32
      %eq3A_65 = arith.cmpi eq, %jit3A_63, %eq3A_64 : i32
      %jit3A_66 = arith.constant 1 : i32
      %select_n3A_67 = arith.select %eq3A_65, %jit3A_66, %jit3A_63 : i32
      %rem3A_68 = arith.remsi %scan3A_46, %select_n3A_67 : i32
      %ne3A_69 = arith.constant 0 : i32
      %ne3A_70 = arith.cmpi ne, %rem3A_68, %ne3A_69 : i32
      %lt3A_71 = arith.constant 0 : i32
      %lt3A_72 = arith.cmpi slt, %rem3A_68, %lt3A_71 : i32
      %lt3A_73 = arith.constant 0 : i32
      %lt3A_74 = arith.cmpi slt, %select_n3A_67, %lt3A_73 : i32
      %ne3A_75 = arith.xori %lt3A_72, %lt3A_74 : i1
      %and3A_76 = arith.andi %ne3A_75, %ne3A_70 : i1
      %add3A_77 = arith.addi %rem3A_68, %select_n3A_67 : i32
      %select_n3A_78 = arith.select %and3A_76, %add3A_77, %rem3A_68 : i32
      %eq3A_79 = arith.constant 1 : i32
      %eq3A_80 = arith.cmpi eq, %select_n3A_78, %eq3A_79 : i32
      %convert_element_type3A_81 = arith.extui %eq3A_80 : i1 to i32
      %cond3A_82 = arith.constant 0 : i32
      %cond3A_83 = arith.cmpi ne, %convert_element_type3A_81, %cond3A_82 : i32
      scf.if %cond3A_83 {
        %dma_wait3A_265 = arith.constant 0 : i32
        %dma_wait3A_266 = tpu.memref_slice %arg8[%scan3A_46, %dma_wait3A_265] : memref<125x80xi32, #tpu.memory_space<vmem>> -> memref<1x80xi32, #tpu.memory_space<vmem>>
        %dma_wait3A_267 = tpu.memref_squeeze %dma_wait3A_266 : memref<1x80xi32, #tpu.memory_space<vmem>> -> memref<80xi32, #tpu.memory_space<vmem>>
        %dma_wait3A_268 = arith.constant 0 : i32
        %dma_wait3A_269 = arith.constant 0 : i32
        %dma_wait3A_270 = tpu.memref_slice %arg2[%dma_wait3A_268, %dma_wait3A_269] : memref<10000x128xf32, #tpu.memory_space<hbm>> -> memref<10000x128xf32, #tpu.memory_space<hbm>>
        tpu.wait_indirect_dma semaphore(%arg14 : memref<!tpu.dma_semaphore, #tpu.memory_space<semaphore_mem>>) src(%dma_wait3A_270 : memref<10000x128xf32, #tpu.memory_space<hbm>>) dst(%arg11 : memref<80x128xf32, #tpu.memory_space<vmem>>)
        %dma_start3A_271 = arith.constant 0 : i32
        %dma_start3A_272 = tpu.memref_slice %arg9[%scan3A_46, %dma_start3A_271] : memref<125x80xi32, #tpu.memory_space<vmem>> -> memref<1x80xi32, #tpu.memory_space<vmem>>
        %dma_start3A_273 = tpu.memref_squeeze %dma_start3A_272 : memref<1x80xi32, #tpu.memory_space<vmem>> -> memref<80xi32, #tpu.memory_space<vmem>>
        %dma_start3A_274 = arith.constant 0 : i32
        %dma_start3A_275 = arith.constant 0 : i32
        %dma_start3A_276 = tpu.memref_slice %arg7[%dma_start3A_274, %dma_start3A_275] : memref<10000x128xf32, #tpu.memory_space<vmem_shared>> -> memref<10000x128xf32, #tpu.memory_space<vmem_shared>>
        tpu.enqueue_indirect_dma source(%arg11 : memref<80x128xf32, #tpu.memory_space<vmem>>) target(%dma_start3A_276 : memref<10000x128xf32, #tpu.memory_space<vmem_shared>>) offsets(%dma_start3A_273 : memref<80xi32, #tpu.memory_space<vmem>>) semaphore(%arg17 : memref<!tpu.dma_semaphore, #tpu.memory_space<semaphore_mem>>) {add = true}
      } else {
      }
      %jit3A_84 = arith.constant 3 : i32
      %eq3A_85 = arith.constant 0 : i32
      %eq3A_86 = arith.cmpi eq, %jit3A_84, %eq3A_85 : i32
      %jit3A_87 = arith.constant 1 : i32
      %select_n3A_88 = arith.select %eq3A_86, %jit3A_87, %jit3A_84 : i32
      %rem3A_89 = arith.remsi %scan3A_46, %select_n3A_88 : i32
      %ne3A_90 = arith.constant 0 : i32
      %ne3A_91 = arith.cmpi ne, %rem3A_89, %ne3A_90 : i32
      %lt3A_92 = arith.constant 0 : i32
      %lt3A_93 = arith.cmpi slt, %rem3A_89, %lt3A_92 : i32
      %lt3A_94 = arith.constant 0 : i32
      %lt3A_95 = arith.cmpi slt, %select_n3A_88, %lt3A_94 : i32
      %ne3A_96 = arith.xori %lt3A_93, %lt3A_95 : i1
      %and3A_97 = arith.andi %ne3A_96, %ne3A_91 : i1
      %add3A_98 = arith.addi %rem3A_89, %select_n3A_88 : i32
      %select_n3A_99 = arith.select %and3A_97, %add3A_98, %rem3A_89 : i32
      %eq3A_100 = arith.constant 2 : i32
      %eq3A_101 = arith.cmpi eq, %select_n3A_99, %eq3A_100 : i32
      %convert_element_type3A_102 = arith.extui %eq3A_101 : i1 to i32
      %cond3A_103 = arith.constant 0 : i32
      %cond3A_104 = arith.cmpi ne, %convert_element_type3A_102, %cond3A_103 : i32
      scf.if %cond3A_104 {
        %dma_wait3A_265 = arith.constant 0 : i32
        %dma_wait3A_266 = tpu.memref_slice %arg8[%scan3A_46, %dma_wait3A_265] : memref<125x80xi32, #tpu.memory_space<vmem>> -> memref<1x80xi32, #tpu.memory_space<vmem>>
        %dma_wait3A_267 = tpu.memref_squeeze %dma_wait3A_266 : memref<1x80xi32, #tpu.memory_space<vmem>> -> memref<80xi32, #tpu.memory_space<vmem>>
        %dma_wait3A_268 = arith.constant 0 : i32
        %dma_wait3A_269 = arith.constant 0 : i32
        %dma_wait3A_270 = tpu.memref_slice %arg2[%dma_wait3A_268, %dma_wait3A_269] : memref<10000x128xf32, #tpu.memory_space<hbm>> -> memref<10000x128xf32, #tpu.memory_space<hbm>>
        tpu.wait_indirect_dma semaphore(%arg15 : memref<!tpu.dma_semaphore, #tpu.memory_space<semaphore_mem>>) src(%dma_wait3A_270 : memref<10000x128xf32, #tpu.memory_space<hbm>>) dst(%arg12 : memref<80x128xf32, #tpu.memory_space<vmem>>)
        %dma_start3A_271 = arith.constant 0 : i32
        %dma_start3A_272 = tpu.memref_slice %arg9[%scan3A_46, %dma_start3A_271] : memref<125x80xi32, #tpu.memory_space<vmem>> -> memref<1x80xi32, #tpu.memory_space<vmem>>
        %dma_start3A_273 = tpu.memref_squeeze %dma_start3A_272 : memref<1x80xi32, #tpu.memory_space<vmem>> -> memref<80xi32, #tpu.memory_space<vmem>>
        %dma_start3A_274 = arith.constant 0 : i32
        %dma_start3A_275 = arith.constant 0 : i32
        %dma_start3A_276 = tpu.memref_slice %arg7[%dma_start3A_274, %dma_start3A_275] : memref<10000x128xf32, #tpu.memory_space<vmem_shared>> -> memref<10000x128xf32, #tpu.memory_space<vmem_shared>>
        tpu.enqueue_indirect_dma source(%arg12 : memref<80x128xf32, #tpu.memory_space<vmem>>) target(%dma_start3A_276 : memref<10000x128xf32, #tpu.memory_space<vmem_shared>>) offsets(%dma_start3A_273 : memref<80xi32, #tpu.memory_space<vmem>>) semaphore(%arg18 : memref<!tpu.dma_semaphore, #tpu.memory_space<semaphore_mem>>) {add = true}
      } else {
      }
      %ge3A = arith.constant 1 : i32
      %ge3A_105 = arith.cmpi sge, %scan3A_46, %ge3A : i32
      %sub3A = arith.constant 1 : i32
      %sub3A_106 = arith.subi %scan3A_46, %sub3A : i32
      %jit3A_107 = arith.constant 3 : i32
      %eq3A_108 = arith.constant 0 : i32
      %eq3A_109 = arith.cmpi eq, %jit3A_107, %eq3A_108 : i32
      %jit3A_110 = arith.constant 1 : i32
      %select_n3A_111 = arith.select %eq3A_109, %jit3A_110, %jit3A_107 : i32
      %rem3A_112 = arith.remsi %sub3A_106, %select_n3A_111 : i32
      %ne3A_113 = arith.constant 0 : i32
      %ne3A_114 = arith.cmpi ne, %rem3A_112, %ne3A_113 : i32
      %lt3A_115 = arith.constant 0 : i32
      %lt3A_116 = arith.cmpi slt, %rem3A_112, %lt3A_115 : i32
      %lt3A_117 = arith.constant 0 : i32
      %lt3A_118 = arith.cmpi slt, %select_n3A_111, %lt3A_117 : i32
      %ne3A_119 = arith.xori %lt3A_116, %lt3A_118 : i1
      %and3A_120 = arith.andi %ne3A_119, %ne3A_114 : i1
      %add3A_121 = arith.addi %rem3A_112, %select_n3A_111 : i32
      %select_n3A_122 = arith.select %and3A_120, %add3A_121, %rem3A_112 : i32
      %eq3A_123 = arith.constant 0 : i32
      %eq3A_124 = arith.cmpi eq, %select_n3A_122, %eq3A_123 : i32
      %and3A_125 = arith.andi %ge3A_105, %eq3A_124 : i1
      %convert_element_type3A_126 = arith.extui %and3A_125 : i1 to i32
      %cond3A_127 = arith.constant 0 : i32
      %cond3A_128 = arith.cmpi ne, %convert_element_type3A_126, %cond3A_127 : i32
      scf.if %cond3A_128 {
        %dma_wait3A_265 = arith.constant 0 : i32
        %dma_wait3A_266 = arith.constant 0 : i32
        %dma_wait3A_267 = tpu.memref_slice %arg9[%dma_wait3A_265, %dma_wait3A_266] : memref<125x80xi32, #tpu.memory_space<vmem>> -> memref<1x80xi32, #tpu.memory_space<vmem>>
        %dma_wait3A_268 = tpu.memref_squeeze %dma_wait3A_267 : memref<1x80xi32, #tpu.memory_space<vmem>> -> memref<80xi32, #tpu.memory_space<vmem>>
        %dma_wait3A_269 = arith.constant 0 : i32
        %dma_wait3A_270 = arith.constant 0 : i32
        %dma_wait3A_271 = tpu.memref_slice %arg7[%dma_wait3A_269, %dma_wait3A_270] : memref<10000x128xf32, #tpu.memory_space<vmem_shared>> -> memref<10000x128xf32, #tpu.memory_space<vmem_shared>>
        tpu.wait_indirect_dma semaphore(%arg16 : memref<!tpu.dma_semaphore, #tpu.memory_space<semaphore_mem>>) src(%arg10 : memref<80x128xf32, #tpu.memory_space<vmem>>) dst(%dma_wait3A_271 : memref<10000x128xf32, #tpu.memory_space<vmem_shared>>)
      } else {
      }
      %ge3A_129 = arith.constant 1 : i32
      %ge3A_130 = arith.cmpi sge, %scan3A_46, %ge3A_129 : i32
      %sub3A_131 = arith.constant 1 : i32
      %sub3A_132 = arith.subi %scan3A_46, %sub3A_131 : i32
      %jit3A_133 = arith.constant 3 : i32
      %eq3A_134 = arith.constant 0 : i32
      %eq3A_135 = arith.cmpi eq, %jit3A_133, %eq3A_134 : i32
      %jit3A_136 = arith.constant 1 : i32
      %select_n3A_137 = arith.select %eq3A_135, %jit3A_136, %jit3A_133 : i32
      %rem3A_138 = arith.remsi %sub3A_132, %select_n3A_137 : i32
      %ne3A_139 = arith.constant 0 : i32
      %ne3A_140 = arith.cmpi ne, %rem3A_138, %ne3A_139 : i32
      %lt3A_141 = arith.constant 0 : i32
      %lt3A_142 = arith.cmpi slt, %rem3A_138, %lt3A_141 : i32
      %lt3A_143 = arith.constant 0 : i32
      %lt3A_144 = arith.cmpi slt, %select_n3A_137, %lt3A_143 : i32
      %ne3A_145 = arith.xori %lt3A_142, %lt3A_144 : i1
      %and3A_146 = arith.andi %ne3A_145, %ne3A_140 : i1
      %add3A_147 = arith.addi %rem3A_138, %select_n3A_137 : i32
      %select_n3A_148 = arith.select %and3A_146, %add3A_147, %rem3A_138 : i32
      %eq3A_149 = arith.constant 1 : i32
      %eq3A_150 = arith.cmpi eq, %select_n3A_148, %eq3A_149 : i32
      %and3A_151 = arith.andi %ge3A_130, %eq3A_150 : i1
      %convert_element_type3A_152 = arith.extui %and3A_151 : i1 to i32
      %cond3A_153 = arith.constant 0 : i32
      %cond3A_154 = arith.cmpi ne, %convert_element_type3A_152, %cond3A_153 : i32
      scf.if %cond3A_154 {
        %dma_wait3A_265 = arith.constant 0 : i32
        %dma_wait3A_266 = arith.constant 0 : i32
        %dma_wait3A_267 = tpu.memref_slice %arg9[%dma_wait3A_265, %dma_wait3A_266] : memref<125x80xi32, #tpu.memory_space<vmem>> -> memref<1x80xi32, #tpu.memory_space<vmem>>
        %dma_wait3A_268 = tpu.memref_squeeze %dma_wait3A_267 : memref<1x80xi32, #tpu.memory_space<vmem>> -> memref<80xi32, #tpu.memory_space<vmem>>
        %dma_wait3A_269 = arith.constant 0 : i32
        %dma_wait3A_270 = arith.constant 0 : i32
        %dma_wait3A_271 = tpu.memref_slice %arg7[%dma_wait3A_269, %dma_wait3A_270] : memref<10000x128xf32, #tpu.memory_space<vmem_shared>> -> memref<10000x128xf32, #tpu.memory_space<vmem_shared>>
        tpu.wait_indirect_dma semaphore(%arg17 : memref<!tpu.dma_semaphore, #tpu.memory_space<semaphore_mem>>) src(%arg11 : memref<80x128xf32, #tpu.memory_space<vmem>>) dst(%dma_wait3A_271 : memref<10000x128xf32, #tpu.memory_space<vmem_shared>>)
      } else {
      }
      %ge3A_155 = arith.constant 1 : i32
      %ge3A_156 = arith.cmpi sge, %scan3A_46, %ge3A_155 : i32
      %sub3A_157 = arith.constant 1 : i32
      %sub3A_158 = arith.subi %scan3A_46, %sub3A_157 : i32
      %jit3A_159 = arith.constant 3 : i32
      %eq3A_160 = arith.constant 0 : i32
      %eq3A_161 = arith.cmpi eq, %jit3A_159, %eq3A_160 : i32
      %jit3A_162 = arith.constant 1 : i32
      %select_n3A_163 = arith.select %eq3A_161, %jit3A_162, %jit3A_159 : i32
      %rem3A_164 = arith.remsi %sub3A_158, %select_n3A_163 : i32
      %ne3A_165 = arith.constant 0 : i32
      %ne3A_166 = arith.cmpi ne, %rem3A_164, %ne3A_165 : i32
      %lt3A_167 = arith.constant 0 : i32
      %lt3A_168 = arith.cmpi slt, %rem3A_164, %lt3A_167 : i32
      %lt3A_169 = arith.constant 0 : i32
      %lt3A_170 = arith.cmpi slt, %select_n3A_163, %lt3A_169 : i32
      %ne3A_171 = arith.xori %lt3A_168, %lt3A_170 : i1
      %and3A_172 = arith.andi %ne3A_171, %ne3A_166 : i1
      %add3A_173 = arith.addi %rem3A_164, %select_n3A_163 : i32
      %select_n3A_174 = arith.select %and3A_172, %add3A_173, %rem3A_164 : i32
      %eq3A_175 = arith.constant 2 : i32
      %eq3A_176 = arith.cmpi eq, %select_n3A_174, %eq3A_175 : i32
      %and3A_177 = arith.andi %ge3A_156, %eq3A_176 : i1
      %convert_element_type3A_178 = arith.extui %and3A_177 : i1 to i32
      %cond3A_179 = arith.constant 0 : i32
      %cond3A_180 = arith.cmpi ne, %convert_element_type3A_178, %cond3A_179 : i32
      scf.if %cond3A_180 {
        %dma_wait3A_265 = arith.constant 0 : i32
        %dma_wait3A_266 = arith.constant 0 : i32
        %dma_wait3A_267 = tpu.memref_slice %arg9[%dma_wait3A_265, %dma_wait3A_266] : memref<125x80xi32, #tpu.memory_space<vmem>> -> memref<1x80xi32, #tpu.memory_space<vmem>>
        %dma_wait3A_268 = tpu.memref_squeeze %dma_wait3A_267 : memref<1x80xi32, #tpu.memory_space<vmem>> -> memref<80xi32, #tpu.memory_space<vmem>>
        %dma_wait3A_269 = arith.constant 0 : i32
        %dma_wait3A_270 = arith.constant 0 : i32
        %dma_wait3A_271 = tpu.memref_slice %arg7[%dma_wait3A_269, %dma_wait3A_270] : memref<10000x128xf32, #tpu.memory_space<vmem_shared>> -> memref<10000x128xf32, #tpu.memory_space<vmem_shared>>
        tpu.wait_indirect_dma semaphore(%arg18 : memref<!tpu.dma_semaphore, #tpu.memory_space<semaphore_mem>>) src(%arg12 : memref<80x128xf32, #tpu.memory_space<vmem>>) dst(%dma_wait3A_271 : memref<10000x128xf32, #tpu.memory_space<vmem_shared>>)
      } else {
      }
      %add3A_181 = arith.constant 2 : i32
      %add3A_182 = arith.addi %scan3A_46, %add3A_181 : i32
      %lt3A_183 = arith.constant 125 : i32
      %lt3A_184 = arith.cmpi slt, %add3A_182, %lt3A_183 : i32
      %add3A_185 = arith.constant 2 : i32
      %add3A_186 = arith.addi %scan3A_46, %add3A_185 : i32
      %jit3A_187 = arith.constant 3 : i32
      %eq3A_188 = arith.constant 0 : i32
      %eq3A_189 = arith.cmpi eq, %jit3A_187, %eq3A_188 : i32
      %jit3A_190 = arith.constant 1 : i32
      %select_n3A_191 = arith.select %eq3A_189, %jit3A_190, %jit3A_187 : i32
      %rem3A_192 = arith.remsi %add3A_186, %select_n3A_191 : i32
      %ne3A_193 = arith.constant 0 : i32
      %ne3A_194 = arith.cmpi ne, %rem3A_192, %ne3A_193 : i32
      %lt3A_195 = arith.constant 0 : i32
      %lt3A_196 = arith.cmpi slt, %rem3A_192, %lt3A_195 : i32
      %lt3A_197 = arith.constant 0 : i32
      %lt3A_198 = arith.cmpi slt, %select_n3A_191, %lt3A_197 : i32
      %ne3A_199 = arith.xori %lt3A_196, %lt3A_198 : i1
      %and3A_200 = arith.andi %ne3A_199, %ne3A_194 : i1
      %add3A_201 = arith.addi %rem3A_192, %select_n3A_191 : i32
      %select_n3A_202 = arith.select %and3A_200, %add3A_201, %rem3A_192 : i32
      %eq3A_203 = arith.constant 0 : i32
      %eq3A_204 = arith.cmpi eq, %select_n3A_202, %eq3A_203 : i32
      %and3A_205 = arith.andi %lt3A_184, %eq3A_204 : i1
      %convert_element_type3A_206 = arith.extui %and3A_205 : i1 to i32
      %cond3A_207 = arith.constant 0 : i32
      %cond3A_208 = arith.cmpi ne, %convert_element_type3A_206, %cond3A_207 : i32
      scf.if %cond3A_208 {
        %add3A_265 = arith.constant 2 : i32
        %add3A_266 = arith.addi %scan3A_46, %add3A_265 : i32
        %dma_start3A_267 = arith.constant 0 : i32
        %dma_start3A_268 = tpu.memref_slice %arg8[%add3A_266, %dma_start3A_267] : memref<125x80xi32, #tpu.memory_space<vmem>> -> memref<1x80xi32, #tpu.memory_space<vmem>>
        %dma_start3A_269 = tpu.memref_squeeze %dma_start3A_268 : memref<1x80xi32, #tpu.memory_space<vmem>> -> memref<80xi32, #tpu.memory_space<vmem>>
        %dma_start3A_270 = arith.constant 0 : i32
        %dma_start3A_271 = arith.constant 0 : i32
        %dma_start3A_272 = tpu.memref_slice %arg2[%dma_start3A_270, %dma_start3A_271] : memref<10000x128xf32, #tpu.memory_space<hbm>> -> memref<10000x128xf32, #tpu.memory_space<hbm>>
        tpu.enqueue_indirect_dma source(%dma_start3A_272 : memref<10000x128xf32, #tpu.memory_space<hbm>>) target(%arg10 : memref<80x128xf32, #tpu.memory_space<vmem>>) offsets(%dma_start3A_269 : memref<80xi32, #tpu.memory_space<vmem>>) semaphore(%arg13 : memref<!tpu.dma_semaphore, #tpu.memory_space<semaphore_mem>>)
      } else {
      }
      %add3A_209 = arith.constant 2 : i32
      %add3A_210 = arith.addi %scan3A_46, %add3A_209 : i32
      %lt3A_211 = arith.constant 125 : i32
      %lt3A_212 = arith.cmpi slt, %add3A_210, %lt3A_211 : i32
      %add3A_213 = arith.constant 2 : i32
      %add3A_214 = arith.addi %scan3A_46, %add3A_213 : i32
      %jit3A_215 = arith.constant 3 : i32
      %eq3A_216 = arith.constant 0 : i32
      %eq3A_217 = arith.cmpi eq, %jit3A_215, %eq3A_216 : i32
      %jit3A_218 = arith.constant 1 : i32
      %select_n3A_219 = arith.select %eq3A_217, %jit3A_218, %jit3A_215 : i32
      %rem3A_220 = arith.remsi %add3A_214, %select_n3A_219 : i32
      %ne3A_221 = arith.constant 0 : i32
      %ne3A_222 = arith.cmpi ne, %rem3A_220, %ne3A_221 : i32
      %lt3A_223 = arith.constant 0 : i32
      %lt3A_224 = arith.cmpi slt, %rem3A_220, %lt3A_223 : i32
      %lt3A_225 = arith.constant 0 : i32
      %lt3A_226 = arith.cmpi slt, %select_n3A_219, %lt3A_225 : i32
      %ne3A_227 = arith.xori %lt3A_224, %lt3A_226 : i1
      %and3A_228 = arith.andi %ne3A_227, %ne3A_222 : i1
      %add3A_229 = arith.addi %rem3A_220, %select_n3A_219 : i32
      %select_n3A_230 = arith.select %and3A_228, %add3A_229, %rem3A_220 : i32
      %eq3A_231 = arith.constant 1 : i32
      %eq3A_232 = arith.cmpi eq, %select_n3A_230, %eq3A_231 : i32
      %and3A_233 = arith.andi %lt3A_212, %eq3A_232 : i1
      %convert_element_type3A_234 = arith.extui %and3A_233 : i1 to i32
      %cond3A_235 = arith.constant 0 : i32
      %cond3A_236 = arith.cmpi ne, %convert_element_type3A_234, %cond3A_235 : i32
      scf.if %cond3A_236 {
        %add3A_265 = arith.constant 2 : i32
        %add3A_266 = arith.addi %scan3A_46, %add3A_265 : i32
        %dma_start3A_267 = arith.constant 0 : i32
        %dma_start3A_268 = tpu.memref_slice %arg8[%add3A_266, %dma_start3A_267] : memref<125x80xi32, #tpu.memory_space<vmem>> -> memref<1x80xi32, #tpu.memory_space<vmem>>
        %dma_start3A_269 = tpu.memref_squeeze %dma_start3A_268 : memref<1x80xi32, #tpu.memory_space<vmem>> -> memref<80xi32, #tpu.memory_space<vmem>>
        %dma_start3A_270 = arith.constant 0 : i32
        %dma_start3A_271 = arith.constant 0 : i32
        %dma_start3A_272 = tpu.memref_slice %arg2[%dma_start3A_270, %dma_start3A_271] : memref<10000x128xf32, #tpu.memory_space<hbm>> -> memref<10000x128xf32, #tpu.memory_space<hbm>>
        tpu.enqueue_indirect_dma source(%dma_start3A_272 : memref<10000x128xf32, #tpu.memory_space<hbm>>) target(%arg11 : memref<80x128xf32, #tpu.memory_space<vmem>>) offsets(%dma_start3A_269 : memref<80xi32, #tpu.memory_space<vmem>>) semaphore(%arg14 : memref<!tpu.dma_semaphore, #tpu.memory_space<semaphore_mem>>)
      } else {
      }
      %add3A_237 = arith.constant 2 : i32
      %add3A_238 = arith.addi %scan3A_46, %add3A_237 : i32
      %lt3A_239 = arith.constant 125 : i32
      %lt3A_240 = arith.cmpi slt, %add3A_238, %lt3A_239 : i32
      %add3A_241 = arith.constant 2 : i32
      %add3A_242 = arith.addi %scan3A_46, %add3A_241 : i32
      %jit3A_243 = arith.constant 3 : i32
      %eq3A_244 = arith.constant 0 : i32
      %eq3A_245 = arith.cmpi eq, %jit3A_243, %eq3A_244 : i32
      %jit3A_246 = arith.constant 1 : i32
      %select_n3A_247 = arith.select %eq3A_245, %jit3A_246, %jit3A_243 : i32
      %rem3A_248 = arith.remsi %add3A_242, %select_n3A_247 : i32
      %ne3A_249 = arith.constant 0 : i32
      %ne3A_250 = arith.cmpi ne, %rem3A_248, %ne3A_249 : i32
      %lt3A_251 = arith.constant 0 : i32
      %lt3A_252 = arith.cmpi slt, %rem3A_248, %lt3A_251 : i32
      %lt3A_253 = arith.constant 0 : i32
      %lt3A_254 = arith.cmpi slt, %select_n3A_247, %lt3A_253 : i32
      %ne3A_255 = arith.xori %lt3A_252, %lt3A_254 : i1
      %and3A_256 = arith.andi %ne3A_255, %ne3A_250 : i1
      %add3A_257 = arith.addi %rem3A_248, %select_n3A_247 : i32
      %select_n3A_258 = arith.select %and3A_256, %add3A_257, %rem3A_248 : i32
      %eq3A_259 = arith.constant 2 : i32
      %eq3A_260 = arith.cmpi eq, %select_n3A_258, %eq3A_259 : i32
      %and3A_261 = arith.andi %lt3A_240, %eq3A_260 : i1
      %convert_element_type3A_262 = arith.extui %and3A_261 : i1 to i32
      %cond3A_263 = arith.constant 0 : i32
      %cond3A_264 = arith.cmpi ne, %convert_element_type3A_262, %cond3A_263 : i32
      scf.if %cond3A_264 {
        %add3A_265 = arith.constant 2 : i32
        %add3A_266 = arith.addi %scan3A_46, %add3A_265 : i32
        %dma_start3A_267 = arith.constant 0 : i32
        %dma_start3A_268 = tpu.memref_slice %arg8[%add3A_266, %dma_start3A_267] : memref<125x80xi32, #tpu.memory_space<vmem>> -> memref<1x80xi32, #tpu.memory_space<vmem>>
        %dma_start3A_269 = tpu.memref_squeeze %dma_start3A_268 : memref<1x80xi32, #tpu.memory_space<vmem>> -> memref<80xi32, #tpu.memory_space<vmem>>
        %dma_start3A_270 = arith.constant 0 : i32
        %dma_start3A_271 = arith.constant 0 : i32
        %dma_start3A_272 = tpu.memref_slice %arg2[%dma_start3A_270, %dma_start3A_271] : memref<10000x128xf32, #tpu.memory_space<hbm>> -> memref<10000x128xf32, #tpu.memory_space<hbm>>
        tpu.enqueue_indirect_dma source(%dma_start3A_272 : memref<10000x128xf32, #tpu.memory_space<hbm>>) target(%arg12 : memref<80x128xf32, #tpu.memory_space<vmem>>) offsets(%dma_start3A_269 : memref<80xi32, #tpu.memory_space<vmem>>) semaphore(%arg15 : memref<!tpu.dma_semaphore, #tpu.memory_space<semaphore_mem>>)
      } else {
      }
    }
    %scan3A_28 = arith.constant 125 : i32
    %dma_wait3A = arith.constant 0 : i32
    %dma_wait3A_29 = arith.constant 0 : i32
    %dma_wait3A_30 = tpu.memref_slice %arg9[%dma_wait3A, %dma_wait3A_29] : memref<125x80xi32, #tpu.memory_space<vmem>> -> memref<1x80xi32, #tpu.memory_space<vmem>>
    %dma_wait3A_31 = tpu.memref_squeeze %dma_wait3A_30 : memref<1x80xi32, #tpu.memory_space<vmem>> -> memref<80xi32, #tpu.memory_space<vmem>>
    %dma_wait3A_32 = arith.constant 0 : i32
    %dma_wait3A_33 = arith.constant 0 : i32
    %dma_wait3A_34 = tpu.memref_slice %arg7[%dma_wait3A_32, %dma_wait3A_33] : memref<10000x128xf32, #tpu.memory_space<vmem_shared>> -> memref<10000x128xf32, #tpu.memory_space<vmem_shared>>
    tpu.wait_indirect_dma semaphore(%arg17 : memref<!tpu.dma_semaphore, #tpu.memory_space<semaphore_mem>>) src(%arg11 : memref<80x128xf32, #tpu.memory_space<vmem>>) dst(%dma_wait3A_34 : memref<10000x128xf32, #tpu.memory_space<vmem_shared>>)
    %barrier3A_35 = arith.constant 0 : index
    tpu.barrier barrier_id(%barrier3A_35)
    %lt3A_36 = arith.constant 15 : i32
    %lt3A_37 = arith.cmpi slt, %arg1, %lt3A_36 : i32
    %convert_element_type3A_38 = arith.extui %lt3A_37 : i1 to i32
    %cond3A_39 = arith.constant 0 : i32
    %cond3A_40 = arith.cmpi ne, %convert_element_type3A_38, %cond3A_39 : i32
    scf.if %cond3A_40 {
      "tpu.region"() ({
        %run_scoped3A = tpu.sem_alloc : memref<!tpu.dma_semaphore, #tpu.memory_space<semaphore_mem>>
        %dma_start3A_46 = arith.constant 0 : i32
        %dma_start3A_47 = tpu.memref_slice %arg6[%arg0, %multiple_of3A, %dma_start3A_46] : memref<2x10000x128xf32, #tpu.memory_space<hbm>> -> memref<1x624x128xf32, #tpu.memory_space<hbm>>
        %dma_start3A_48 = tpu.memref_squeeze %dma_start3A_47 : memref<1x624x128xf32, #tpu.memory_space<hbm>> -> memref<624x128xf32, #tpu.memory_space<hbm>>
        %dma_start3A_49 = arith.constant 0 : i32
        %dma_start3A_50 = tpu.memref_slice %arg7[%multiple_of3A, %dma_start3A_49] : memref<10000x128xf32, #tpu.memory_space<vmem_shared>> -> memref<624x128xf32, #tpu.memory_space<vmem_shared>>
        tpu.enqueue_dma source(%dma_start3A_50 : memref<624x128xf32, #tpu.memory_space<vmem_shared>>) target(%dma_start3A_48 : memref<624x128xf32, #tpu.memory_space<hbm>>) target_semaphore(%run_scoped3A : memref<!tpu.dma_semaphore, #tpu.memory_space<semaphore_mem>>)
        %dma_wait3A_51 = arith.constant 0 : i32
        %dma_wait3A_52 = tpu.memref_slice %arg6[%arg0, %multiple_of3A, %dma_wait3A_51] : memref<2x10000x128xf32, #tpu.memory_space<hbm>> -> memref<1x624x128xf32, #tpu.memory_space<hbm>>
        %dma_wait3A_53 = tpu.memref_squeeze %dma_wait3A_52 : memref<1x624x128xf32, #tpu.memory_space<hbm>> -> memref<624x128xf32, #tpu.memory_space<hbm>>
        %dma_wait3A_54 = arith.constant 0 : i32
        %dma_wait3A_55 = tpu.memref_slice %arg7[%multiple_of3A, %dma_wait3A_54] : memref<10000x128xf32, #tpu.memory_space<vmem_shared>> -> memref<624x128xf32, #tpu.memory_space<vmem_shared>>
        tpu.wait_dma2 semaphore(%run_scoped3A : memref<!tpu.dma_semaphore, #tpu.memory_space<semaphore_mem>>) src(%dma_wait3A_55 : memref<624x128xf32, #tpu.memory_space<vmem_shared>>) dst(%dma_wait3A_53 : memref<624x128xf32, #tpu.memory_space<hbm>>)
        tpu.yield
      }) : () -> ()
    } else {
    }
    %eq3A_41 = arith.constant 15 : i32
    %eq3A_42 = arith.cmpi eq, %arg1, %eq3A_41 : i32
    %convert_element_type3A_43 = arith.extui %eq3A_42 : i1 to i32
    %cond3A_44 = arith.constant 0 : i32
    %cond3A_45 = arith.cmpi ne, %convert_element_type3A_43, %cond3A_44 : i32
    scf.if %cond3A_45 {
      "tpu.region"() ({
        %run_scoped3A = tpu.sem_alloc : memref<!tpu.dma_semaphore, #tpu.memory_space<semaphore_mem>>
        %dma_start3A_46 = arith.constant 9360 : i32
        %dma_start3A_47 = arith.constant 0 : i32
        %dma_start3A_48 = tpu.memref_slice %arg6[%arg0, %dma_start3A_46, %dma_start3A_47] : memref<2x10000x128xf32, #tpu.memory_space<hbm>> -> memref<1x640x128xf32, #tpu.memory_space<hbm>>
        %dma_start3A_49 = tpu.memref_squeeze %dma_start3A_48 : memref<1x640x128xf32, #tpu.memory_space<hbm>> -> memref<640x128xf32, #tpu.memory_space<hbm>>
        %dma_start3A_50 = arith.constant 9360 : i32
        %dma_start3A_51 = arith.constant 0 : i32
        %dma_start3A_52 = tpu.memref_slice %arg7[%dma_start3A_50, %dma_start3A_51] : memref<10000x128xf32, #tpu.memory_space<vmem_shared>> -> memref<640x128xf32, #tpu.memory_space<vmem_shared>>
        tpu.enqueue_dma source(%dma_start3A_52 : memref<640x128xf32, #tpu.memory_space<vmem_shared>>) target(%dma_start3A_49 : memref<640x128xf32, #tpu.memory_space<hbm>>) target_semaphore(%run_scoped3A : memref<!tpu.dma_semaphore, #tpu.memory_space<semaphore_mem>>)
        %dma_wait3A_53 = arith.constant 9360 : i32
        %dma_wait3A_54 = arith.constant 0 : i32
        %dma_wait3A_55 = tpu.memref_slice %arg6[%arg0, %dma_wait3A_53, %dma_wait3A_54] : memref<2x10000x128xf32, #tpu.memory_space<hbm>> -> memref<1x640x128xf32, #tpu.memory_space<hbm>>
        %dma_wait3A_56 = tpu.memref_squeeze %dma_wait3A_55 : memref<1x640x128xf32, #tpu.memory_space<hbm>> -> memref<640x128xf32, #tpu.memory_space<hbm>>
        %dma_wait3A_57 = arith.constant 9360 : i32
        %dma_wait3A_58 = arith.constant 0 : i32
        %dma_wait3A_59 = tpu.memref_slice %arg7[%dma_wait3A_57, %dma_wait3A_58] : memref<10000x128xf32, #tpu.memory_space<vmem_shared>> -> memref<640x128xf32, #tpu.memory_space<vmem_shared>>
        tpu.wait_dma2 semaphore(%run_scoped3A : memref<!tpu.dma_semaphore, #tpu.memory_space<semaphore_mem>>) src(%dma_wait3A_59 : memref<640x128xf32, #tpu.memory_space<vmem_shared>>) dst(%dma_wait3A_56 : memref<640x128xf32, #tpu.memory_space<hbm>>)
        tpu.yield
      }) : () -> ()
    } else {
    }
    return
  }
}

#map = affine_map<(d0, d1) -> (0, 0)>
#map1 = affine_map<(d0, d1) -> (0, 0, 0)>
module attributes {stable_mosaic.version = 14 : i64} {
  func.func @body(%arg0: i32, %arg1: i32, %arg2: memref<10000x128xf32, #tpu.memory_space<hbm>>, %arg3: memref<4000x80xi32, #tpu.memory_space<hbm>>, %arg4: memref<4000x80xi32, #tpu.memory_space<hbm>>, %arg5: memref<640x128xf32, #tpu.memory_space<hbm>>, %arg6: memref<2x10000x128xf32, #tpu.memory_space<hbm>>, %arg7: memref<10000x128xf32, #tpu.memory_space<vmem_shared>>, %arg8: memref<125x80xi32, #tpu.memory_space<vmem>>, %arg9: memref<125x80xi32, #tpu.memory_space<vmem>>, %arg10: memref<80x128xf32, #tpu.memory_space<vmem>>, %arg11: memref<80x128xf32, #tpu.memory_space<vmem>>, %arg12: memref<80x128xf32, #tpu.memory_space<vmem>>, %arg13: memref<!tpu.dma_semaphore, #tpu.memory_space<semaphore_mem>>, %arg14: memref<!tpu.dma_semaphore, #tpu.memory_space<semaphore_mem>>, %arg15: memref<!tpu.dma_semaphore, #tpu.memory_space<semaphore_mem>>, %arg16: memref<!tpu.dma_semaphore, #tpu.memory_space<semaphore_mem>>, %arg17: memref<!tpu.dma_semaphore, #tpu.memory_space<semaphore_mem>>, %arg18: memref<!tpu.dma_semaphore, #tpu.memory_space<semaphore_mem>>) attributes {dimension_semantics = [#tpu.dimension_semantics<core_parallel>, #tpu.dimension_semantics<subcore_parallel>], iteration_bounds = array<i64: 2, 16>, scalar_prefetch = 0 : i64, scratch_operands = 12 : i64, tpu.core_type = #tpu.core_type<sc_vector_subcore>, window_params = [{transform_indices = #map}, {transform_indices = #map}, {transform_indices = #map}, {transform_indices = #map}, {transform_indices = #map1}]} {
    %mul3A = arith.constant 624 : i32
    %mul3A_0 = arith.muli %arg1, %mul3A : i32
    %multiple_of3A = tpu.assume_multiple %mul3A_0, 8 : i32
    %mul3A_1 = arith.constant 16 : i32
    %mul3A_2 = arith.muli %arg0, %mul3A_1 : i32
    %add3A = arith.addi %mul3A_2, %arg1 : i32
    %mul3A_3 = arith.constant 125 : i32
    %mul3A_4 = arith.muli %add3A, %mul3A_3 : i32
    "tpu.region"() ({
      %run_scoped3A = tpu.sem_alloc : memref<!tpu.dma_semaphore, #tpu.memory_space<semaphore_mem>>
      %dma_start3A_46 = arith.constant 0 : i32
      %dma_start3A_47 = tpu.memref_slice %arg3[%mul3A_4, %dma_start3A_46] : memref<4000x80xi32, #tpu.memory_space<hbm>> -> memref<125x80xi32, #tpu.memory_space<hbm>>
      %dma_start3A_48 = arith.constant 0 : i32
      %dma_start3A_49 = tpu.memref_slice %arg3[%mul3A_4, %dma_start3A_48] : memref<4000x80xi32, #tpu.memory_space<hbm>> -> memref<125x80xi32, #tpu.memory_space<hbm>>
      tpu.enqueue_dma source(%dma_start3A_49 : memref<125x80xi32, #tpu.memory_space<hbm>>) target(%arg8 : memref<125x80xi32, #tpu.memory_space<vmem>>) target_semaphore(%run_scoped3A : memref<!tpu.dma_semaphore, #tpu.memory_space<semaphore_mem>>)
      %dma_wait3A_50 = arith.constant 0 : i32
      %dma_wait3A_51 = tpu.memref_slice %arg3[%mul3A_4, %dma_wait3A_50] : memref<4000x80xi32, #tpu.memory_space<hbm>> -> memref<125x80xi32, #tpu.memory_space<hbm>>
      %dma_wait3A_52 = arith.constant 0 : i32
      %dma_wait3A_53 = tpu.memref_slice %arg3[%mul3A_4, %dma_wait3A_52] : memref<4000x80xi32, #tpu.memory_space<hbm>> -> memref<125x80xi32, #tpu.memory_space<hbm>>
      tpu.wait_dma2 semaphore(%run_scoped3A : memref<!tpu.dma_semaphore, #tpu.memory_space<semaphore_mem>>) src(%dma_wait3A_53 : memref<125x80xi32, #tpu.memory_space<hbm>>) dst(%arg8 : memref<125x80xi32, #tpu.memory_space<vmem>>)
      tpu.yield
    }) : () -> ()
    "tpu.region"() ({
      %run_scoped3A = tpu.sem_alloc : memref<!tpu.dma_semaphore, #tpu.memory_space<semaphore_mem>>
      %dma_start3A_46 = arith.constant 0 : i32
      %dma_start3A_47 = tpu.memref_slice %arg4[%mul3A_4, %dma_start3A_46] : memref<4000x80xi32, #tpu.memory_space<hbm>> -> memref<125x80xi32, #tpu.memory_space<hbm>>
      %dma_start3A_48 = arith.constant 0 : i32
      %dma_start3A_49 = tpu.memref_slice %arg4[%mul3A_4, %dma_start3A_48] : memref<4000x80xi32, #tpu.memory_space<hbm>> -> memref<125x80xi32, #tpu.memory_space<hbm>>
      tpu.enqueue_dma source(%dma_start3A_49 : memref<125x80xi32, #tpu.memory_space<hbm>>) target(%arg9 : memref<125x80xi32, #tpu.memory_space<vmem>>) target_semaphore(%run_scoped3A : memref<!tpu.dma_semaphore, #tpu.memory_space<semaphore_mem>>)
      %dma_wait3A_50 = arith.constant 0 : i32
      %dma_wait3A_51 = tpu.memref_slice %arg4[%mul3A_4, %dma_wait3A_50] : memref<4000x80xi32, #tpu.memory_space<hbm>> -> memref<125x80xi32, #tpu.memory_space<hbm>>
      %dma_wait3A_52 = arith.constant 0 : i32
      %dma_wait3A_53 = tpu.memref_slice %arg4[%mul3A_4, %dma_wait3A_52] : memref<4000x80xi32, #tpu.memory_space<hbm>> -> memref<125x80xi32, #tpu.memory_space<hbm>>
      tpu.wait_dma2 semaphore(%run_scoped3A : memref<!tpu.dma_semaphore, #tpu.memory_space<semaphore_mem>>) src(%dma_wait3A_53 : memref<125x80xi32, #tpu.memory_space<hbm>>) dst(%arg9 : memref<125x80xi32, #tpu.memory_space<vmem>>)
      tpu.yield
    }) : () -> ()
    %lt3A = arith.constant 15 : i32
    %lt3A_5 = arith.cmpi slt, %arg1, %lt3A : i32
    %convert_element_type3A = arith.extui %lt3A_5 : i1 to i32
    %cond3A = arith.constant 0 : i32
    %cond3A_6 = arith.cmpi ne, %convert_element_type3A, %cond3A : i32
    scf.if %cond3A_6 {
      "tpu.region"() ({
        %run_scoped3A = tpu.sem_alloc : memref<!tpu.dma_semaphore, #tpu.memory_space<semaphore_mem>>
        %dma_start3A_46 = arith.constant 0 : i32
        %dma_start3A_47 = tpu.memref_slice %arg7[%multiple_of3A, %dma_start3A_46] : memref<10000x128xf32, #tpu.memory_space<vmem_shared>> -> memref<624x128xf32, #tpu.memory_space<vmem_shared>>
        %dma_start3A_48 = arith.constant 0 : i32
        %dma_start3A_49 = arith.constant 0 : i32
        %dma_start3A_50 = tpu.memref_slice %arg5[%dma_start3A_48, %dma_start3A_49] : memref<640x128xf32, #tpu.memory_space<hbm>> -> memref<624x128xf32, #tpu.memory_space<hbm>>
        tpu.enqueue_dma source(%dma_start3A_50 : memref<624x128xf32, #tpu.memory_space<hbm>>) target(%dma_start3A_47 : memref<624x128xf32, #tpu.memory_space<vmem_shared>>) target_semaphore(%run_scoped3A : memref<!tpu.dma_semaphore, #tpu.memory_space<semaphore_mem>>)
        %dma_wait3A_51 = arith.constant 0 : i32
        %dma_wait3A_52 = tpu.memref_slice %arg7[%multiple_of3A, %dma_wait3A_51] : memref<10000x128xf32, #tpu.memory_space<vmem_shared>> -> memref<624x128xf32, #tpu.memory_space<vmem_shared>>
        %dma_wait3A_53 = arith.constant 0 : i32
        %dma_wait3A_54 = arith.constant 0 : i32
        %dma_wait3A_55 = tpu.memref_slice %arg5[%dma_wait3A_53, %dma_wait3A_54] : memref<640x128xf32, #tpu.memory_space<hbm>> -> memref<624x128xf32, #tpu.memory_space<hbm>>
        tpu.wait_dma2 semaphore(%run_scoped3A : memref<!tpu.dma_semaphore, #tpu.memory_space<semaphore_mem>>) src(%dma_wait3A_55 : memref<624x128xf32, #tpu.memory_space<hbm>>) dst(%dma_wait3A_52 : memref<624x128xf32, #tpu.memory_space<vmem_shared>>)
        tpu.yield
      }) : () -> ()
    } else {
    }
    %eq3A = arith.constant 15 : i32
    %eq3A_7 = arith.cmpi eq, %arg1, %eq3A : i32
    %convert_element_type3A_8 = arith.extui %eq3A_7 : i1 to i32
    %cond3A_9 = arith.constant 0 : i32
    %cond3A_10 = arith.cmpi ne, %convert_element_type3A_8, %cond3A_9 : i32
    scf.if %cond3A_10 {
      "tpu.region"() ({
        %run_scoped3A = tpu.sem_alloc : memref<!tpu.dma_semaphore, #tpu.memory_space<semaphore_mem>>
        %dma_start3A_46 = arith.constant 9360 : i32
        %dma_start3A_47 = arith.constant 0 : i32
        %dma_start3A_48 = tpu.memref_slice %arg7[%dma_start3A_46, %dma_start3A_47] : memref<10000x128xf32, #tpu.memory_space<vmem_shared>> -> memref<640x128xf32, #tpu.memory_space<vmem_shared>>
        tpu.enqueue_dma source(%arg5 : memref<640x128xf32, #tpu.memory_space<hbm>>) target(%dma_start3A_48 : memref<640x128xf32, #tpu.memory_space<vmem_shared>>) target_semaphore(%run_scoped3A : memref<!tpu.dma_semaphore, #tpu.memory_space<semaphore_mem>>)
        %dma_wait3A_49 = arith.constant 9360 : i32
        %dma_wait3A_50 = arith.constant 0 : i32
        %dma_wait3A_51 = tpu.memref_slice %arg7[%dma_wait3A_49, %dma_wait3A_50] : memref<10000x128xf32, #tpu.memory_space<vmem_shared>> -> memref<640x128xf32, #tpu.memory_space<vmem_shared>>
        tpu.wait_dma2 semaphore(%run_scoped3A : memref<!tpu.dma_semaphore, #tpu.memory_space<semaphore_mem>>) src(%arg5 : memref<640x128xf32, #tpu.memory_space<hbm>>) dst(%dma_wait3A_51 : memref<640x128xf32, #tpu.memory_space<vmem_shared>>)
        tpu.yield
      }) : () -> ()
    } else {
    }
    %barrier3A = arith.constant 0 : index
    tpu.barrier barrier_id(%barrier3A)
    %dma_start3A = arith.constant 0 : i32
    %dma_start3A_11 = arith.constant 0 : i32
    %dma_start3A_12 = tpu.memref_slice %arg8[%dma_start3A, %dma_start3A_11] : memref<125x80xi32, #tpu.memory_space<vmem>> -> memref<1x80xi32, #tpu.memory_space<vmem>>
    %dma_start3A_13 = tpu.memref_squeeze %dma_start3A_12 : memref<1x80xi32, #tpu.memory_space<vmem>> -> memref<80xi32, #tpu.memory_space<vmem>>
    %dma_start3A_14 = arith.constant 0 : i32
    %dma_start3A_15 = arith.constant 0 : i32
    %dma_start3A_16 = tpu.memref_slice %arg2[%dma_start3A_14, %dma_start3A_15] : memref<10000x128xf32, #tpu.memory_space<hbm>> -> memref<10000x128xf32, #tpu.memory_space<hbm>>
    tpu.enqueue_indirect_dma source(%dma_start3A_16 : memref<10000x128xf32, #tpu.memory_space<hbm>>) target(%arg10 : memref<80x128xf32, #tpu.memory_space<vmem>>) offsets(%dma_start3A_13 : memref<80xi32, #tpu.memory_space<vmem>>) semaphore(%arg13 : memref<!tpu.dma_semaphore, #tpu.memory_space<semaphore_mem>>)
    %dma_start3A_17 = arith.constant 1 : i32
    %dma_start3A_18 = arith.constant 0 : i32
    %dma_start3A_19 = tpu.memref_slice %arg8[%dma_start3A_17, %dma_start3A_18] : memref<125x80xi32, #tpu.memory_space<vmem>> -> memref<1x80xi32, #tpu.memory_space<vmem>>
    %dma_start3A_20 = tpu.memref_squeeze %dma_start3A_19 : memref<1x80xi32, #tpu.memory_space<vmem>> -> memref<80xi32, #tpu.memory_space<vmem>>
    %dma_start3A_21 = arith.constant 0 : i32
    %dma_start3A_22 = arith.constant 0 : i32
    %dma_start3A_23 = tpu.memref_slice %arg2[%dma_start3A_21, %dma_start3A_22] : memref<10000x128xf32, #tpu.memory_space<hbm>> -> memref<10000x128xf32, #tpu.memory_space<hbm>>
    tpu.enqueue_indirect_dma source(%dma_start3A_23 : memref<10000x128xf32, #tpu.memory_space<hbm>>) target(%arg11 : memref<80x128xf32, #tpu.memory_space<vmem>>) offsets(%dma_start3A_20 : memref<80xi32, #tpu.memory_space<vmem>>) semaphore(%arg14 : memref<!tpu.dma_semaphore, #tpu.memory_space<semaphore_mem>>)
    %scan3A = arith.constant 0 : i32
    %scan3A_24 = arith.constant 0 : i32
    %scan3A_25 = arith.constant 125 : i32
    %scan3A_26 = arith.addi %scan3A_24, %scan3A_25 : i32
    %scan3A_27 = arith.constant 1 : i32
    scf.for %scan3A_46 = %scan3A_24 to %scan3A_26 step %scan3A_27  : i32 {
      %jit3A = arith.constant 3 : i32
      %eq3A_47 = arith.constant 0 : i32
      %eq3A_48 = arith.cmpi eq, %jit3A, %eq3A_47 : i32
      %jit3A_49 = arith.constant 1 : i32
      %select_n3A = arith.select %eq3A_48, %jit3A_49, %jit3A : i32
      %rem3A = arith.remsi %scan3A_46, %select_n3A : i32
      %ne3A = arith.constant 0 : i32
      %ne3A_50 = arith.cmpi ne, %rem3A, %ne3A : i32
      %lt3A_51 = arith.constant 0 : i32
      %lt3A_52 = arith.cmpi slt, %rem3A, %lt3A_51 : i32
      %lt3A_53 = arith.constant 0 : i32
      %lt3A_54 = arith.cmpi slt, %select_n3A, %lt3A_53 : i32
      %ne3A_55 = arith.xori %lt3A_52, %lt3A_54 : i1
      %and3A = arith.andi %ne3A_55, %ne3A_50 : i1
      %add3A_56 = arith.addi %rem3A, %select_n3A : i32
      %select_n3A_57 = arith.select %and3A, %add3A_56, %rem3A : i32
      %eq3A_58 = arith.constant 0 : i32
      %eq3A_59 = arith.cmpi eq, %select_n3A_57, %eq3A_58 : i32
      %convert_element_type3A_60 = arith.extui %eq3A_59 : i1 to i32
      %cond3A_61 = arith.constant 0 : i32
      %cond3A_62 = arith.cmpi ne, %convert_element_type3A_60, %cond3A_61 : i32
      scf.if %cond3A_62 {
        %dma_wait3A_265 = arith.constant 0 : i32
        %dma_wait3A_266 = tpu.memref_slice %arg8[%scan3A_46, %dma_wait3A_265] : memref<125x80xi32, #tpu.memory_space<vmem>> -> memref<1x80xi32, #tpu.memory_space<vmem>>
        %dma_wait3A_267 = tpu.memref_squeeze %dma_wait3A_266 : memref<1x80xi32, #tpu.memory_space<vmem>> -> memref<80xi32, #tpu.memory_space<vmem>>
        %dma_wait3A_268 = arith.constant 0 : i32
        %dma_wait3A_269 = arith.constant 0 : i32
        %dma_wait3A_270 = tpu.memref_slice %arg2[%dma_wait3A_268, %dma_wait3A_269] : memref<10000x128xf32, #tpu.memory_space<hbm>> -> memref<10000x128xf32, #tpu.memory_space<hbm>>
        tpu.wait_indirect_dma semaphore(%arg13 : memref<!tpu.dma_semaphore, #tpu.memory_space<semaphore_mem>>) src(%dma_wait3A_270 : memref<10000x128xf32, #tpu.memory_space<hbm>>) dst(%arg10 : memref<80x128xf32, #tpu.memory_space<vmem>>)
        %dma_start3A_271 = arith.constant 0 : i32
        %dma_start3A_272 = tpu.memref_slice %arg9[%scan3A_46, %dma_start3A_271] : memref<125x80xi32, #tpu.memory_space<vmem>> -> memref<1x80xi32, #tpu.memory_space<vmem>>
        %dma_start3A_273 = tpu.memref_squeeze %dma_start3A_272 : memref<1x80xi32, #tpu.memory_space<vmem>> -> memref<80xi32, #tpu.memory_space<vmem>>
        %dma_start3A_274 = arith.constant 0 : i32
        %dma_start3A_275 = arith.constant 0 : i32
        %dma_start3A_276 = tpu.memref_slice %arg7[%dma_start3A_274, %dma_start3A_275] : memref<10000x128xf32, #tpu.memory_space<vmem_shared>> -> memref<10000x128xf32, #tpu.memory_space<vmem_shared>>
        tpu.enqueue_indirect_dma source(%arg10 : memref<80x128xf32, #tpu.memory_space<vmem>>) target(%dma_start3A_276 : memref<10000x128xf32, #tpu.memory_space<vmem_shared>>) offsets(%dma_start3A_273 : memref<80xi32, #tpu.memory_space<vmem>>) semaphore(%arg16 : memref<!tpu.dma_semaphore, #tpu.memory_space<semaphore_mem>>) {add = true}
      } else {
      }
      %jit3A_63 = arith.constant 3 : i32
      %eq3A_64 = arith.constant 0 : i32
      %eq3A_65 = arith.cmpi eq, %jit3A_63, %eq3A_64 : i32
      %jit3A_66 = arith.constant 1 : i32
      %select_n3A_67 = arith.select %eq3A_65, %jit3A_66, %jit3A_63 : i32
      %rem3A_68 = arith.remsi %scan3A_46, %select_n3A_67 : i32
      %ne3A_69 = arith.constant 0 : i32
      %ne3A_70 = arith.cmpi ne, %rem3A_68, %ne3A_69 : i32
      %lt3A_71 = arith.constant 0 : i32
      %lt3A_72 = arith.cmpi slt, %rem3A_68, %lt3A_71 : i32
      %lt3A_73 = arith.constant 0 : i32
      %lt3A_74 = arith.cmpi slt, %select_n3A_67, %lt3A_73 : i32
      %ne3A_75 = arith.xori %lt3A_72, %lt3A_74 : i1
      %and3A_76 = arith.andi %ne3A_75, %ne3A_70 : i1
      %add3A_77 = arith.addi %rem3A_68, %select_n3A_67 : i32
      %select_n3A_78 = arith.select %and3A_76, %add3A_77, %rem3A_68 : i32
      %eq3A_79 = arith.constant 1 : i32
      %eq3A_80 = arith.cmpi eq, %select_n3A_78, %eq3A_79 : i32
      %convert_element_type3A_81 = arith.extui %eq3A_80 : i1 to i32
      %cond3A_82 = arith.constant 0 : i32
      %cond3A_83 = arith.cmpi ne, %convert_element_type3A_81, %cond3A_82 : i32
      scf.if %cond3A_83 {
        %dma_wait3A_265 = arith.constant 0 : i32
        %dma_wait3A_266 = tpu.memref_slice %arg8[%scan3A_46, %dma_wait3A_265] : memref<125x80xi32, #tpu.memory_space<vmem>> -> memref<1x80xi32, #tpu.memory_space<vmem>>
        %dma_wait3A_267 = tpu.memref_squeeze %dma_wait3A_266 : memref<1x80xi32, #tpu.memory_space<vmem>> -> memref<80xi32, #tpu.memory_space<vmem>>
        %dma_wait3A_268 = arith.constant 0 : i32
        %dma_wait3A_269 = arith.constant 0 : i32
        %dma_wait3A_270 = tpu.memref_slice %arg2[%dma_wait3A_268, %dma_wait3A_269] : memref<10000x128xf32, #tpu.memory_space<hbm>> -> memref<10000x128xf32, #tpu.memory_space<hbm>>
        tpu.wait_indirect_dma semaphore(%arg14 : memref<!tpu.dma_semaphore, #tpu.memory_space<semaphore_mem>>) src(%dma_wait3A_270 : memref<10000x128xf32, #tpu.memory_space<hbm>>) dst(%arg11 : memref<80x128xf32, #tpu.memory_space<vmem>>)
        %dma_start3A_271 = arith.constant 0 : i32
        %dma_start3A_272 = tpu.memref_slice %arg9[%scan3A_46, %dma_start3A_271] : memref<125x80xi32, #tpu.memory_space<vmem>> -> memref<1x80xi32, #tpu.memory_space<vmem>>
        %dma_start3A_273 = tpu.memref_squeeze %dma_start3A_272 : memref<1x80xi32, #tpu.memory_space<vmem>> -> memref<80xi32, #tpu.memory_space<vmem>>
        %dma_start3A_274 = arith.constant 0 : i32
        %dma_start3A_275 = arith.constant 0 : i32
        %dma_start3A_276 = tpu.memref_slice %arg7[%dma_start3A_274, %dma_start3A_275] : memref<10000x128xf32, #tpu.memory_space<vmem_shared>> -> memref<10000x128xf32, #tpu.memory_space<vmem_shared>>
        tpu.enqueue_indirect_dma source(%arg11 : memref<80x128xf32, #tpu.memory_space<vmem>>) target(%dma_start3A_276 : memref<10000x128xf32, #tpu.memory_space<vmem_shared>>) offsets(%dma_start3A_273 : memref<80xi32, #tpu.memory_space<vmem>>) semaphore(%arg17 : memref<!tpu.dma_semaphore, #tpu.memory_space<semaphore_mem>>) {add = true}
      } else {
      }
      %jit3A_84 = arith.constant 3 : i32
      %eq3A_85 = arith.constant 0 : i32
      %eq3A_86 = arith.cmpi eq, %jit3A_84, %eq3A_85 : i32
      %jit3A_87 = arith.constant 1 : i32
      %select_n3A_88 = arith.select %eq3A_86, %jit3A_87, %jit3A_84 : i32
      %rem3A_89 = arith.remsi %scan3A_46, %select_n3A_88 : i32
      %ne3A_90 = arith.constant 0 : i32
      %ne3A_91 = arith.cmpi ne, %rem3A_89, %ne3A_90 : i32
      %lt3A_92 = arith.constant 0 : i32
      %lt3A_93 = arith.cmpi slt, %rem3A_89, %lt3A_92 : i32
      %lt3A_94 = arith.constant 0 : i32
      %lt3A_95 = arith.cmpi slt, %select_n3A_88, %lt3A_94 : i32
      %ne3A_96 = arith.xori %lt3A_93, %lt3A_95 : i1
      %and3A_97 = arith.andi %ne3A_96, %ne3A_91 : i1
      %add3A_98 = arith.addi %rem3A_89, %select_n3A_88 : i32
      %select_n3A_99 = arith.select %and3A_97, %add3A_98, %rem3A_89 : i32
      %eq3A_100 = arith.constant 2 : i32
      %eq3A_101 = arith.cmpi eq, %select_n3A_99, %eq3A_100 : i32
      %convert_element_type3A_102 = arith.extui %eq3A_101 : i1 to i32
      %cond3A_103 = arith.constant 0 : i32
      %cond3A_104 = arith.cmpi ne, %convert_element_type3A_102, %cond3A_103 : i32
      scf.if %cond3A_104 {
        %dma_wait3A_265 = arith.constant 0 : i32
        %dma_wait3A_266 = tpu.memref_slice %arg8[%scan3A_46, %dma_wait3A_265] : memref<125x80xi32, #tpu.memory_space<vmem>> -> memref<1x80xi32, #tpu.memory_space<vmem>>
        %dma_wait3A_267 = tpu.memref_squeeze %dma_wait3A_266 : memref<1x80xi32, #tpu.memory_space<vmem>> -> memref<80xi32, #tpu.memory_space<vmem>>
        %dma_wait3A_268 = arith.constant 0 : i32
        %dma_wait3A_269 = arith.constant 0 : i32
        %dma_wait3A_270 = tpu.memref_slice %arg2[%dma_wait3A_268, %dma_wait3A_269] : memref<10000x128xf32, #tpu.memory_space<hbm>> -> memref<10000x128xf32, #tpu.memory_space<hbm>>
        tpu.wait_indirect_dma semaphore(%arg15 : memref<!tpu.dma_semaphore, #tpu.memory_space<semaphore_mem>>) src(%dma_wait3A_270 : memref<10000x128xf32, #tpu.memory_space<hbm>>) dst(%arg12 : memref<80x128xf32, #tpu.memory_space<vmem>>)
        %dma_start3A_271 = arith.constant 0 : i32
        %dma_start3A_272 = tpu.memref_slice %arg9[%scan3A_46, %dma_start3A_271] : memref<125x80xi32, #tpu.memory_space<vmem>> -> memref<1x80xi32, #tpu.memory_space<vmem>>
        %dma_start3A_273 = tpu.memref_squeeze %dma_start3A_272 : memref<1x80xi32, #tpu.memory_space<vmem>> -> memref<80xi32, #tpu.memory_space<vmem>>
        %dma_start3A_274 = arith.constant 0 : i32
        %dma_start3A_275 = arith.constant 0 : i32
        %dma_start3A_276 = tpu.memref_slice %arg7[%dma_start3A_274, %dma_start3A_275] : memref<10000x128xf32, #tpu.memory_space<vmem_shared>> -> memref<10000x128xf32, #tpu.memory_space<vmem_shared>>
        tpu.enqueue_indirect_dma source(%arg12 : memref<80x128xf32, #tpu.memory_space<vmem>>) target(%dma_start3A_276 : memref<10000x128xf32, #tpu.memory_space<vmem_shared>>) offsets(%dma_start3A_273 : memref<80xi32, #tpu.memory_space<vmem>>) semaphore(%arg18 : memref<!tpu.dma_semaphore, #tpu.memory_space<semaphore_mem>>) {add = true}
      } else {
      }
      %ge3A = arith.constant 1 : i32
      %ge3A_105 = arith.cmpi sge, %scan3A_46, %ge3A : i32
      %sub3A = arith.constant 1 : i32
      %sub3A_106 = arith.subi %scan3A_46, %sub3A : i32
      %jit3A_107 = arith.constant 3 : i32
      %eq3A_108 = arith.constant 0 : i32
      %eq3A_109 = arith.cmpi eq, %jit3A_107, %eq3A_108 : i32
      %jit3A_110 = arith.constant 1 : i32
      %select_n3A_111 = arith.select %eq3A_109, %jit3A_110, %jit3A_107 : i32
      %rem3A_112 = arith.remsi %sub3A_106, %select_n3A_111 : i32
      %ne3A_113 = arith.constant 0 : i32
      %ne3A_114 = arith.cmpi ne, %rem3A_112, %ne3A_113 : i32
      %lt3A_115 = arith.constant 0 : i32
      %lt3A_116 = arith.cmpi slt, %rem3A_112, %lt3A_115 : i32
      %lt3A_117 = arith.constant 0 : i32
      %lt3A_118 = arith.cmpi slt, %select_n3A_111, %lt3A_117 : i32
      %ne3A_119 = arith.xori %lt3A_116, %lt3A_118 : i1
      %and3A_120 = arith.andi %ne3A_119, %ne3A_114 : i1
      %add3A_121 = arith.addi %rem3A_112, %select_n3A_111 : i32
      %select_n3A_122 = arith.select %and3A_120, %add3A_121, %rem3A_112 : i32
      %eq3A_123 = arith.constant 0 : i32
      %eq3A_124 = arith.cmpi eq, %select_n3A_122, %eq3A_123 : i32
      %and3A_125 = arith.andi %ge3A_105, %eq3A_124 : i1
      %convert_element_type3A_126 = arith.extui %and3A_125 : i1 to i32
      %cond3A_127 = arith.constant 0 : i32
      %cond3A_128 = arith.cmpi ne, %convert_element_type3A_126, %cond3A_127 : i32
      scf.if %cond3A_128 {
        %dma_wait3A_265 = arith.constant 0 : i32
        %dma_wait3A_266 = arith.constant 0 : i32
        %dma_wait3A_267 = tpu.memref_slice %arg9[%dma_wait3A_265, %dma_wait3A_266] : memref<125x80xi32, #tpu.memory_space<vmem>> -> memref<1x80xi32, #tpu.memory_space<vmem>>
        %dma_wait3A_268 = tpu.memref_squeeze %dma_wait3A_267 : memref<1x80xi32, #tpu.memory_space<vmem>> -> memref<80xi32, #tpu.memory_space<vmem>>
        %dma_wait3A_269 = arith.constant 0 : i32
        %dma_wait3A_270 = arith.constant 0 : i32
        %dma_wait3A_271 = tpu.memref_slice %arg7[%dma_wait3A_269, %dma_wait3A_270] : memref<10000x128xf32, #tpu.memory_space<vmem_shared>> -> memref<10000x128xf32, #tpu.memory_space<vmem_shared>>
        tpu.wait_indirect_dma semaphore(%arg16 : memref<!tpu.dma_semaphore, #tpu.memory_space<semaphore_mem>>) src(%arg10 : memref<80x128xf32, #tpu.memory_space<vmem>>) dst(%dma_wait3A_271 : memref<10000x128xf32, #tpu.memory_space<vmem_shared>>)
      } else {
      }
      %ge3A_129 = arith.constant 1 : i32
      %ge3A_130 = arith.cmpi sge, %scan3A_46, %ge3A_129 : i32
      %sub3A_131 = arith.constant 1 : i32
      %sub3A_132 = arith.subi %scan3A_46, %sub3A_131 : i32
      %jit3A_133 = arith.constant 3 : i32
      %eq3A_134 = arith.constant 0 : i32
      %eq3A_135 = arith.cmpi eq, %jit3A_133, %eq3A_134 : i32
      %jit3A_136 = arith.constant 1 : i32
      %select_n3A_137 = arith.select %eq3A_135, %jit3A_136, %jit3A_133 : i32
      %rem3A_138 = arith.remsi %sub3A_132, %select_n3A_137 : i32
      %ne3A_139 = arith.constant 0 : i32
      %ne3A_140 = arith.cmpi ne, %rem3A_138, %ne3A_139 : i32
      %lt3A_141 = arith.constant 0 : i32
      %lt3A_142 = arith.cmpi slt, %rem3A_138, %lt3A_141 : i32
      %lt3A_143 = arith.constant 0 : i32
      %lt3A_144 = arith.cmpi slt, %select_n3A_137, %lt3A_143 : i32
      %ne3A_145 = arith.xori %lt3A_142, %lt3A_144 : i1
      %and3A_146 = arith.andi %ne3A_145, %ne3A_140 : i1
      %add3A_147 = arith.addi %rem3A_138, %select_n3A_137 : i32
      %select_n3A_148 = arith.select %and3A_146, %add3A_147, %rem3A_138 : i32
      %eq3A_149 = arith.constant 1 : i32
      %eq3A_150 = arith.cmpi eq, %select_n3A_148, %eq3A_149 : i32
      %and3A_151 = arith.andi %ge3A_130, %eq3A_150 : i1
      %convert_element_type3A_152 = arith.extui %and3A_151 : i1 to i32
      %cond3A_153 = arith.constant 0 : i32
      %cond3A_154 = arith.cmpi ne, %convert_element_type3A_152, %cond3A_153 : i32
      scf.if %cond3A_154 {
        %dma_wait3A_265 = arith.constant 0 : i32
        %dma_wait3A_266 = arith.constant 0 : i32
        %dma_wait3A_267 = tpu.memref_slice %arg9[%dma_wait3A_265, %dma_wait3A_266] : memref<125x80xi32, #tpu.memory_space<vmem>> -> memref<1x80xi32, #tpu.memory_space<vmem>>
        %dma_wait3A_268 = tpu.memref_squeeze %dma_wait3A_267 : memref<1x80xi32, #tpu.memory_space<vmem>> -> memref<80xi32, #tpu.memory_space<vmem>>
        %dma_wait3A_269 = arith.constant 0 : i32
        %dma_wait3A_270 = arith.constant 0 : i32
        %dma_wait3A_271 = tpu.memref_slice %arg7[%dma_wait3A_269, %dma_wait3A_270] : memref<10000x128xf32, #tpu.memory_space<vmem_shared>> -> memref<10000x128xf32, #tpu.memory_space<vmem_shared>>
        tpu.wait_indirect_dma semaphore(%arg17 : memref<!tpu.dma_semaphore, #tpu.memory_space<semaphore_mem>>) src(%arg11 : memref<80x128xf32, #tpu.memory_space<vmem>>) dst(%dma_wait3A_271 : memref<10000x128xf32, #tpu.memory_space<vmem_shared>>)
      } else {
      }
      %ge3A_155 = arith.constant 1 : i32
      %ge3A_156 = arith.cmpi sge, %scan3A_46, %ge3A_155 : i32
      %sub3A_157 = arith.constant 1 : i32
      %sub3A_158 = arith.subi %scan3A_46, %sub3A_157 : i32
      %jit3A_159 = arith.constant 3 : i32
      %eq3A_160 = arith.constant 0 : i32
      %eq3A_161 = arith.cmpi eq, %jit3A_159, %eq3A_160 : i32
      %jit3A_162 = arith.constant 1 : i32
      %select_n3A_163 = arith.select %eq3A_161, %jit3A_162, %jit3A_159 : i32
      %rem3A_164 = arith.remsi %sub3A_158, %select_n3A_163 : i32
      %ne3A_165 = arith.constant 0 : i32
      %ne3A_166 = arith.cmpi ne, %rem3A_164, %ne3A_165 : i32
      %lt3A_167 = arith.constant 0 : i32
      %lt3A_168 = arith.cmpi slt, %rem3A_164, %lt3A_167 : i32
      %lt3A_169 = arith.constant 0 : i32
      %lt3A_170 = arith.cmpi slt, %select_n3A_163, %lt3A_169 : i32
      %ne3A_171 = arith.xori %lt3A_168, %lt3A_170 : i1
      %and3A_172 = arith.andi %ne3A_171, %ne3A_166 : i1
      %add3A_173 = arith.addi %rem3A_164, %select_n3A_163 : i32
      %select_n3A_174 = arith.select %and3A_172, %add3A_173, %rem3A_164 : i32
      %eq3A_175 = arith.constant 2 : i32
      %eq3A_176 = arith.cmpi eq, %select_n3A_174, %eq3A_175 : i32
      %and3A_177 = arith.andi %ge3A_156, %eq3A_176 : i1
      %convert_element_type3A_178 = arith.extui %and3A_177 : i1 to i32
      %cond3A_179 = arith.constant 0 : i32
      %cond3A_180 = arith.cmpi ne, %convert_element_type3A_178, %cond3A_179 : i32
      scf.if %cond3A_180 {
        %dma_wait3A_265 = arith.constant 0 : i32
        %dma_wait3A_266 = arith.constant 0 : i32
        %dma_wait3A_267 = tpu.memref_slice %arg9[%dma_wait3A_265, %dma_wait3A_266] : memref<125x80xi32, #tpu.memory_space<vmem>> -> memref<1x80xi32, #tpu.memory_space<vmem>>
        %dma_wait3A_268 = tpu.memref_squeeze %dma_wait3A_267 : memref<1x80xi32, #tpu.memory_space<vmem>> -> memref<80xi32, #tpu.memory_space<vmem>>
        %dma_wait3A_269 = arith.constant 0 : i32
        %dma_wait3A_270 = arith.constant 0 : i32
        %dma_wait3A_271 = tpu.memref_slice %arg7[%dma_wait3A_269, %dma_wait3A_270] : memref<10000x128xf32, #tpu.memory_space<vmem_shared>> -> memref<10000x128xf32, #tpu.memory_space<vmem_shared>>
        tpu.wait_indirect_dma semaphore(%arg18 : memref<!tpu.dma_semaphore, #tpu.memory_space<semaphore_mem>>) src(%arg12 : memref<80x128xf32, #tpu.memory_space<vmem>>) dst(%dma_wait3A_271 : memref<10000x128xf32, #tpu.memory_space<vmem_shared>>)
      } else {
      }
      %add3A_181 = arith.constant 2 : i32
      %add3A_182 = arith.addi %scan3A_46, %add3A_181 : i32
      %lt3A_183 = arith.constant 125 : i32
      %lt3A_184 = arith.cmpi slt, %add3A_182, %lt3A_183 : i32
      %add3A_185 = arith.constant 2 : i32
      %add3A_186 = arith.addi %scan3A_46, %add3A_185 : i32
      %jit3A_187 = arith.constant 3 : i32
      %eq3A_188 = arith.constant 0 : i32
      %eq3A_189 = arith.cmpi eq, %jit3A_187, %eq3A_188 : i32
      %jit3A_190 = arith.constant 1 : i32
      %select_n3A_191 = arith.select %eq3A_189, %jit3A_190, %jit3A_187 : i32
      %rem3A_192 = arith.remsi %add3A_186, %select_n3A_191 : i32
      %ne3A_193 = arith.constant 0 : i32
      %ne3A_194 = arith.cmpi ne, %rem3A_192, %ne3A_193 : i32
      %lt3A_195 = arith.constant 0 : i32
      %lt3A_196 = arith.cmpi slt, %rem3A_192, %lt3A_195 : i32
      %lt3A_197 = arith.constant 0 : i32
      %lt3A_198 = arith.cmpi slt, %select_n3A_191, %lt3A_197 : i32
      %ne3A_199 = arith.xori %lt3A_196, %lt3A_198 : i1
      %and3A_200 = arith.andi %ne3A_199, %ne3A_194 : i1
      %add3A_201 = arith.addi %rem3A_192, %select_n3A_191 : i32
      %select_n3A_202 = arith.select %and3A_200, %add3A_201, %rem3A_192 : i32
      %eq3A_203 = arith.constant 0 : i32
      %eq3A_204 = arith.cmpi eq, %select_n3A_202, %eq3A_203 : i32
      %and3A_205 = arith.andi %lt3A_184, %eq3A_204 : i1
      %convert_element_type3A_206 = arith.extui %and3A_205 : i1 to i32
      %cond3A_207 = arith.constant 0 : i32
      %cond3A_208 = arith.cmpi ne, %convert_element_type3A_206, %cond3A_207 : i32
      scf.if %cond3A_208 {
        %add3A_265 = arith.constant 2 : i32
        %add3A_266 = arith.addi %scan3A_46, %add3A_265 : i32
        %dma_start3A_267 = arith.constant 0 : i32
        %dma_start3A_268 = tpu.memref_slice %arg8[%add3A_266, %dma_start3A_267] : memref<125x80xi32, #tpu.memory_space<vmem>> -> memref<1x80xi32, #tpu.memory_space<vmem>>
        %dma_start3A_269 = tpu.memref_squeeze %dma_start3A_268 : memref<1x80xi32, #tpu.memory_space<vmem>> -> memref<80xi32, #tpu.memory_space<vmem>>
        %dma_start3A_270 = arith.constant 0 : i32
        %dma_start3A_271 = arith.constant 0 : i32
        %dma_start3A_272 = tpu.memref_slice %arg2[%dma_start3A_270, %dma_start3A_271] : memref<10000x128xf32, #tpu.memory_space<hbm>> -> memref<10000x128xf32, #tpu.memory_space<hbm>>
        tpu.enqueue_indirect_dma source(%dma_start3A_272 : memref<10000x128xf32, #tpu.memory_space<hbm>>) target(%arg10 : memref<80x128xf32, #tpu.memory_space<vmem>>) offsets(%dma_start3A_269 : memref<80xi32, #tpu.memory_space<vmem>>) semaphore(%arg13 : memref<!tpu.dma_semaphore, #tpu.memory_space<semaphore_mem>>)
      } else {
      }
      %add3A_209 = arith.constant 2 : i32
      %add3A_210 = arith.addi %scan3A_46, %add3A_209 : i32
      %lt3A_211 = arith.constant 125 : i32
      %lt3A_212 = arith.cmpi slt, %add3A_210, %lt3A_211 : i32
      %add3A_213 = arith.constant 2 : i32
      %add3A_214 = arith.addi %scan3A_46, %add3A_213 : i32
      %jit3A_215 = arith.constant 3 : i32
      %eq3A_216 = arith.constant 0 : i32
      %eq3A_217 = arith.cmpi eq, %jit3A_215, %eq3A_216 : i32
      %jit3A_218 = arith.constant 1 : i32
      %select_n3A_219 = arith.select %eq3A_217, %jit3A_218, %jit3A_215 : i32
      %rem3A_220 = arith.remsi %add3A_214, %select_n3A_219 : i32
      %ne3A_221 = arith.constant 0 : i32
      %ne3A_222 = arith.cmpi ne, %rem3A_220, %ne3A_221 : i32
      %lt3A_223 = arith.constant 0 : i32
      %lt3A_224 = arith.cmpi slt, %rem3A_220, %lt3A_223 : i32
      %lt3A_225 = arith.constant 0 : i32
      %lt3A_226 = arith.cmpi slt, %select_n3A_219, %lt3A_225 : i32
      %ne3A_227 = arith.xori %lt3A_224, %lt3A_226 : i1
      %and3A_228 = arith.andi %ne3A_227, %ne3A_222 : i1
      %add3A_229 = arith.addi %rem3A_220, %select_n3A_219 : i32
      %select_n3A_230 = arith.select %and3A_228, %add3A_229, %rem3A_220 : i32
      %eq3A_231 = arith.constant 1 : i32
      %eq3A_232 = arith.cmpi eq, %select_n3A_230, %eq3A_231 : i32
      %and3A_233 = arith.andi %lt3A_212, %eq3A_232 : i1
      %convert_element_type3A_234 = arith.extui %and3A_233 : i1 to i32
      %cond3A_235 = arith.constant 0 : i32
      %cond3A_236 = arith.cmpi ne, %convert_element_type3A_234, %cond3A_235 : i32
      scf.if %cond3A_236 {
        %add3A_265 = arith.constant 2 : i32
        %add3A_266 = arith.addi %scan3A_46, %add3A_265 : i32
        %dma_start3A_267 = arith.constant 0 : i32
        %dma_start3A_268 = tpu.memref_slice %arg8[%add3A_266, %dma_start3A_267] : memref<125x80xi32, #tpu.memory_space<vmem>> -> memref<1x80xi32, #tpu.memory_space<vmem>>
        %dma_start3A_269 = tpu.memref_squeeze %dma_start3A_268 : memref<1x80xi32, #tpu.memory_space<vmem>> -> memref<80xi32, #tpu.memory_space<vmem>>
        %dma_start3A_270 = arith.constant 0 : i32
        %dma_start3A_271 = arith.constant 0 : i32
        %dma_start3A_272 = tpu.memref_slice %arg2[%dma_start3A_270, %dma_start3A_271] : memref<10000x128xf32, #tpu.memory_space<hbm>> -> memref<10000x128xf32, #tpu.memory_space<hbm>>
        tpu.enqueue_indirect_dma source(%dma_start3A_272 : memref<10000x128xf32, #tpu.memory_space<hbm>>) target(%arg11 : memref<80x128xf32, #tpu.memory_space<vmem>>) offsets(%dma_start3A_269 : memref<80xi32, #tpu.memory_space<vmem>>) semaphore(%arg14 : memref<!tpu.dma_semaphore, #tpu.memory_space<semaphore_mem>>)
      } else {
      }
      %add3A_237 = arith.constant 2 : i32
      %add3A_238 = arith.addi %scan3A_46, %add3A_237 : i32
      %lt3A_239 = arith.constant 125 : i32
      %lt3A_240 = arith.cmpi slt, %add3A_238, %lt3A_239 : i32
      %add3A_241 = arith.constant 2 : i32
      %add3A_242 = arith.addi %scan3A_46, %add3A_241 : i32
      %jit3A_243 = arith.constant 3 : i32
      %eq3A_244 = arith.constant 0 : i32
      %eq3A_245 = arith.cmpi eq, %jit3A_243, %eq3A_244 : i32
      %jit3A_246 = arith.constant 1 : i32
      %select_n3A_247 = arith.select %eq3A_245, %jit3A_246, %jit3A_243 : i32
      %rem3A_248 = arith.remsi %add3A_242, %select_n3A_247 : i32
      %ne3A_249 = arith.constant 0 : i32
      %ne3A_250 = arith.cmpi ne, %rem3A_248, %ne3A_249 : i32
      %lt3A_251 = arith.constant 0 : i32
      %lt3A_252 = arith.cmpi slt, %rem3A_248, %lt3A_251 : i32
      %lt3A_253 = arith.constant 0 : i32
      %lt3A_254 = arith.cmpi slt, %select_n3A_247, %lt3A_253 : i32
      %ne3A_255 = arith.xori %lt3A_252, %lt3A_254 : i1
      %and3A_256 = arith.andi %ne3A_255, %ne3A_250 : i1
      %add3A_257 = arith.addi %rem3A_248, %select_n3A_247 : i32
      %select_n3A_258 = arith.select %and3A_256, %add3A_257, %rem3A_248 : i32
      %eq3A_259 = arith.constant 2 : i32
      %eq3A_260 = arith.cmpi eq, %select_n3A_258, %eq3A_259 : i32
      %and3A_261 = arith.andi %lt3A_240, %eq3A_260 : i1
      %convert_element_type3A_262 = arith.extui %and3A_261 : i1 to i32
      %cond3A_263 = arith.constant 0 : i32
      %cond3A_264 = arith.cmpi ne, %convert_element_type3A_262, %cond3A_263 : i32
      scf.if %cond3A_264 {
        %add3A_265 = arith.constant 2 : i32
        %add3A_266 = arith.addi %scan3A_46, %add3A_265 : i32
        %dma_start3A_267 = arith.constant 0 : i32
        %dma_start3A_268 = tpu.memref_slice %arg8[%add3A_266, %dma_start3A_267] : memref<125x80xi32, #tpu.memory_space<vmem>> -> memref<1x80xi32, #tpu.memory_space<vmem>>
        %dma_start3A_269 = tpu.memref_squeeze %dma_start3A_268 : memref<1x80xi32, #tpu.memory_space<vmem>> -> memref<80xi32, #tpu.memory_space<vmem>>
        %dma_start3A_270 = arith.constant 0 : i32
        %dma_start3A_271 = arith.constant 0 : i32
        %dma_start3A_272 = tpu.memref_slice %arg2[%dma_start3A_270, %dma_start3A_271] : memref<10000x128xf32, #tpu.memory_space<hbm>> -> memref<10000x128xf32, #tpu.memory_space<hbm>>
        tpu.enqueue_indirect_dma source(%dma_start3A_272 : memref<10000x128xf32, #tpu.memory_space<hbm>>) target(%arg12 : memref<80x128xf32, #tpu.memory_space<vmem>>) offsets(%dma_start3A_269 : memref<80xi32, #tpu.memory_space<vmem>>) semaphore(%arg15 : memref<!tpu.dma_semaphore, #tpu.memory_space<semaphore_mem>>)
      } else {
      }
    }
    %scan3A_28 = arith.constant 125 : i32
    %dma_wait3A = arith.constant 0 : i32
    %dma_wait3A_29 = arith.constant 0 : i32
    %dma_wait3A_30 = tpu.memref_slice %arg9[%dma_wait3A, %dma_wait3A_29] : memref<125x80xi32, #tpu.memory_space<vmem>> -> memref<1x80xi32, #tpu.memory_space<vmem>>
    %dma_wait3A_31 = tpu.memref_squeeze %dma_wait3A_30 : memref<1x80xi32, #tpu.memory_space<vmem>> -> memref<80xi32, #tpu.memory_space<vmem>>
    %dma_wait3A_32 = arith.constant 0 : i32
    %dma_wait3A_33 = arith.constant 0 : i32
    %dma_wait3A_34 = tpu.memref_slice %arg7[%dma_wait3A_32, %dma_wait3A_33] : memref<10000x128xf32, #tpu.memory_space<vmem_shared>> -> memref<10000x128xf32, #tpu.memory_space<vmem_shared>>
    tpu.wait_indirect_dma semaphore(%arg17 : memref<!tpu.dma_semaphore, #tpu.memory_space<semaphore_mem>>) src(%arg11 : memref<80x128xf32, #tpu.memory_space<vmem>>) dst(%dma_wait3A_34 : memref<10000x128xf32, #tpu.memory_space<vmem_shared>>)
    %barrier3A_35 = arith.constant 0 : index
    tpu.barrier barrier_id(%barrier3A_35)
    %lt3A_36 = arith.constant 15 : i32
    %lt3A_37 = arith.cmpi slt, %arg1, %lt3A_36 : i32
    %convert_element_type3A_38 = arith.extui %lt3A_37 : i1 to i32
    %cond3A_39 = arith.constant 0 : i32
    %cond3A_40 = arith.cmpi ne, %convert_element_type3A_38, %cond3A_39 : i32
    scf.if %cond3A_40 {
      "tpu.region"() ({
        %run_scoped3A = tpu.sem_alloc : memref<!tpu.dma_semaphore, #tpu.memory_space<semaphore_mem>>
        %dma_start3A_46 = arith.constant 0 : i32
        %dma_start3A_47 = tpu.memref_slice %arg6[%arg0, %multiple_of3A, %dma_start3A_46] : memref<2x10000x128xf32, #tpu.memory_space<hbm>> -> memref<1x624x128xf32, #tpu.memory_space<hbm>>
        %dma_start3A_48 = tpu.memref_squeeze %dma_start3A_47 : memref<1x624x128xf32, #tpu.memory_space<hbm>> -> memref<624x128xf32, #tpu.memory_space<hbm>>
        %dma_start3A_49 = arith.constant 0 : i32
        %dma_start3A_50 = tpu.memref_slice %arg7[%multiple_of3A, %dma_start3A_49] : memref<10000x128xf32, #tpu.memory_space<vmem_shared>> -> memref<624x128xf32, #tpu.memory_space<vmem_shared>>
        tpu.enqueue_dma source(%dma_start3A_50 : memref<624x128xf32, #tpu.memory_space<vmem_shared>>) target(%dma_start3A_48 : memref<624x128xf32, #tpu.memory_space<hbm>>) target_semaphore(%run_scoped3A : memref<!tpu.dma_semaphore, #tpu.memory_space<semaphore_mem>>)
        %dma_wait3A_51 = arith.constant 0 : i32
        %dma_wait3A_52 = tpu.memref_slice %arg6[%arg0, %multiple_of3A, %dma_wait3A_51] : memref<2x10000x128xf32, #tpu.memory_space<hbm>> -> memref<1x624x128xf32, #tpu.memory_space<hbm>>
        %dma_wait3A_53 = tpu.memref_squeeze %dma_wait3A_52 : memref<1x624x128xf32, #tpu.memory_space<hbm>> -> memref<624x128xf32, #tpu.memory_space<hbm>>
        %dma_wait3A_54 = arith.constant 0 : i32
        %dma_wait3A_55 = tpu.memref_slice %arg7[%multiple_of3A, %dma_wait3A_54] : memref<10000x128xf32, #tpu.memory_space<vmem_shared>> -> memref<624x128xf32, #tpu.memory_space<vmem_shared>>
        tpu.wait_dma2 semaphore(%run_scoped3A : memref<!tpu.dma_semaphore, #tpu.memory_space<semaphore_mem>>) src(%dma_wait3A_55 : memref<624x128xf32, #tpu.memory_space<vmem_shared>>) dst(%dma_wait3A_53 : memref<624x128xf32, #tpu.memory_space<hbm>>)
        tpu.yield
      }) : () -> ()
    } else {
    }
    %eq3A_41 = arith.constant 15 : i32
    %eq3A_42 = arith.cmpi eq, %arg1, %eq3A_41 : i32
    %convert_element_type3A_43 = arith.extui %eq3A_42 : i1 to i32
    %cond3A_44 = arith.constant 0 : i32
    %cond3A_45 = arith.cmpi ne, %convert_element_type3A_43, %cond3A_44 : i32
    scf.if %cond3A_45 {
      "tpu.region"() ({
        %run_scoped3A = tpu.sem_alloc : memref<!tpu.dma_semaphore, #tpu.memory_space<semaphore_mem>>
        %dma_start3A_46 = arith.constant 9360 : i32
        %dma_start3A_47 = arith.constant 0 : i32
        %dma_start3A_48 = tpu.memref_slice %arg6[%arg0, %dma_start3A_46, %dma_start3A_47] : memref<2x10000x128xf32, #tpu.memory_space<hbm>> -> memref<1x640x128xf32, #tpu.memory_space<hbm>>
        %dma_start3A_49 = tpu.memref_squeeze %dma_start3A_48 : memref<1x640x128xf32, #tpu.memory_space<hbm>> -> memref<640x128xf32, #tpu.memory_space<hbm>>
        %dma_start3A_50 = arith.constant 9360 : i32
        %dma_start3A_51 = arith.constant 0 : i32
        %dma_start3A_52 = tpu.memref_slice %arg7[%dma_start3A_50, %dma_start3A_51] : memref<10000x128xf32, #tpu.memory_space<vmem_shared>> -> memref<640x128xf32, #tpu.memory_space<vmem_shared>>
        tpu.enqueue_dma source(%dma_start3A_52 : memref<640x128xf32, #tpu.memory_space<vmem_shared>>) target(%dma_start3A_49 : memref<640x128xf32, #tpu.memory_space<hbm>>) target_semaphore(%run_scoped3A : memref<!tpu.dma_semaphore, #tpu.memory_space<semaphore_mem>>)
        %dma_wait3A_53 = arith.constant 9360 : i32
        %dma_wait3A_54 = arith.constant 0 : i32
        %dma_wait3A_55 = tpu.memref_slice %arg6[%arg0, %dma_wait3A_53, %dma_wait3A_54] : memref<2x10000x128xf32, #tpu.memory_space<hbm>> -> memref<1x640x128xf32, #tpu.memory_space<hbm>>
        %dma_wait3A_56 = tpu.memref_squeeze %dma_wait3A_55 : memref<1x640x128xf32, #tpu.memory_space<hbm>> -> memref<640x128xf32, #tpu.memory_space<hbm>>
        %dma_wait3A_57 = arith.constant 9360 : i32
        %dma_wait3A_58 = arith.constant 0 : i32
        %dma_wait3A_59 = tpu.memref_slice %arg7[%dma_wait3A_57, %dma_wait3A_58] : memref<10000x128xf32, #tpu.memory_space<vmem_shared>> -> memref<640x128xf32, #tpu.memory_space<vmem_shared>>
        tpu.wait_dma2 semaphore(%run_scoped3A : memref<!tpu.dma_semaphore, #tpu.memory_space<semaphore_mem>>) src(%dma_wait3A_59 : memref<640x128xf32, #tpu.memory_space<vmem_shared>>) dst(%dma_wait3A_56 : memref<640x128xf32, #tpu.memory_space<hbm>>)
        tpu.yield
      }) : () -> ()
    } else {
    }
    return
  }
}

module attributes {stable_mosaic.version = 14 : i64} {
  func.func @_tc_prologue_body(%arg0: i32, %arg1: memref<1x1xf32, #tpu.memory_space<smem>>, %arg2: memref<1000x128xf32, #tpu.memory_space<vmem>>, %arg3: memref<1000x128xf32, #tpu.memory_space<vmem>>, %arg4: memref<128x128xf32, #tpu.memory_space<vmem>>, %arg5: memref<1x128xf32, #tpu.memory_space<vmem>>, %arg6: memref<1000x128xf32, #tpu.memory_space<vmem>>, %arg7: memref<1000x128xf32, #tpu.memory_space<vmem>>) attributes {dimension_semantics = [#tpu.dimension_semantics<arbitrary>], iteration_bounds = array<i64: 10>, scalar_prefetch = 0 : i64, scratch_operands = 0 : i64, tpu.core_type = #tpu.core_type<tc>, window_params = [{transform_indices = @transform_0, window_bounds = array<i64: 1, 1>}, {transform_indices = @transform_1, window_bounds = array<i64: 1000, 128>}, {transform_indices = @transform_2, window_bounds = array<i64: 1000, 128>}, {pipeline_mode = #tpu.pipeline_mode<synchronous>, transform_indices = @transform_3, window_bounds = array<i64: 128, 128>}, {pipeline_mode = #tpu.pipeline_mode<synchronous>, transform_indices = @transform_4, window_bounds = array<i64: 1, 128>}, {transform_indices = @transform_5, window_bounds = array<i64: 1000, 128>}, {transform_indices = @transform_6, window_bounds = array<i64: 1000, 128>}]} {
    %get3A = arith.constant 0 : index
    %get3A_0 = arith.constant 0 : index
    %get3A_1 = memref.load %arg1[%get3A, %get3A_0] : memref<1x1xf32, #tpu.memory_space<smem>>
    %sqrt3A = math.sqrt %get3A_1 : f32
    %get3A_2 = arith.constant 0 : index
    %get3A_3 = arith.constant 0 : index
    %get3A_4 = vector.load %arg2[%get3A_2, %get3A_3] : memref<1000x128xf32, #tpu.memory_space<vmem>>, vector<1000x128xf32>
    %mul3A = arith.mulf %get3A_4, %get3A_4 : vector<1000x128xf32>
    %reduce_sum3A = arith.constant dense<0.000000e+00> : vector<1000xf32>
    %reduce_sum3A_5 = vector.multi_reduction <add>, %mul3A, %reduce_sum3A [1] : vector<1000x128xf32> to vector<1000xf32>
    %broadcast_in_dim3A = vector.shape_cast %reduce_sum3A_5 : vector<1000xf32> to vector<1000x1xf32>
    %sqrt3A_6 = math.sqrt %broadcast_in_dim3A : vector<1000x1xf32>
    %mul3A_7 = vector.broadcast %sqrt3A : f32 to vector<1000x1xf32>
    %mul3A_8 = arith.mulf %mul3A_7, %sqrt3A_6 : vector<1000x1xf32>
    %add3A = arith.constant 1.000000e+00 : f32
    %add3A_9 = vector.broadcast %add3A : f32 to vector<1000x1xf32>
    %add3A_10 = arith.addf %add3A_9, %mul3A_8 : vector<1000x1xf32>
    %mul3A_11 = vector.broadcast %sqrt3A : f32 to vector<1000x1xf32>
    %mul3A_12 = arith.mulf %mul3A_11, %sqrt3A_6 : vector<1000x1xf32>
    %sub3A = arith.constant 1.000000e+00 : f32
    %sub3A_13 = vector.broadcast %sub3A : f32 to vector<1000x1xf32>
    %sub3A_14 = arith.subf %sub3A_13, %mul3A_12 : vector<1000x1xf32>
    %div3A = arith.divf %add3A_10, %sub3A_14 : vector<1000x1xf32>
    %log3A = math.log %div3A : vector<1000x1xf32>
    %mul3A_15 = arith.constant 5.000000e-01 : f32
    %mul3A_16 = vector.broadcast %mul3A_15 : f32 to vector<1000x1xf32>
    %mul3A_17 = arith.mulf %mul3A_16, %log3A : vector<1000x1xf32>
    %div3A_18 = arith.constant 2.000000e+00 : f32
    %div3A_19 = arith.divf %div3A_18, %sqrt3A : f32
    %mul3A_20 = vector.broadcast %div3A_19 : f32 to vector<1000x1xf32>
    %mul3A_21 = arith.mulf %mul3A_20, %mul3A_17 : vector<1000x1xf32>
    %mul3A_22 = vector.broadcast %mul3A_21 : vector<1000x1xf32> to vector<1000x128xf32>
    %mul3A_23 = arith.mulf %mul3A_22, %get3A_4 : vector<1000x128xf32>
    %div3A_24 = vector.broadcast %sqrt3A_6 : vector<1000x1xf32> to vector<1000x128xf32>
    %div3A_25 = arith.divf %mul3A_23, %div3A_24 : vector<1000x128xf32>
    %swap3A = arith.constant 0 : index
    %swap3A_26 = arith.constant 0 : index
    %swap3A_27 = vector.load %arg6[%swap3A, %swap3A_26] : memref<1000x128xf32, #tpu.memory_space<vmem>>, vector<1000x128xf32>
    tpu.vector_store %arg6[%swap3A, %swap3A_26], %div3A_25 {strides = array<i32>} : memref<1000x128xf32, #tpu.memory_space<vmem>>, vector<1000x128xf32>,
    %get3A_28 = arith.constant 0 : index
    %get3A_29 = arith.constant 0 : index
    %get3A_30 = vector.load %arg3[%get3A_28, %get3A_29] : memref<1000x128xf32, #tpu.memory_space<vmem>>, vector<1000x128xf32>
    %get3A_31 = arith.constant 0 : index
    %get3A_32 = arith.constant 0 : index
    %get3A_33 = vector.load %arg4[%get3A_31, %get3A_32] : memref<128x128xf32, #tpu.memory_space<vmem>>, vector<128x128xf32>
    %get3A_34 = arith.constant 0 : index
    %get3A_35 = arith.constant 0 : index
    %get3A_36 = vector.load %arg5[%get3A_34, %get3A_35] : memref<1x128xf32, #tpu.memory_space<vmem>>, vector<1x128xf32>
    %mul3A_37 = arith.mulf %get3A_30, %get3A_30 : vector<1000x128xf32>
    %reduce_sum3A_38 = arith.constant dense<0.000000e+00> : vector<1000xf32>
    %reduce_sum3A_39 = vector.multi_reduction <add>, %mul3A_37, %reduce_sum3A_38 [1] : vector<1000x128xf32> to vector<1000xf32>
    %broadcast_in_dim3A_40 = vector.shape_cast %reduce_sum3A_39 : vector<1000xf32> to vector<1000x1xf32>
    %sqrt3A_41 = math.sqrt %broadcast_in_dim3A_40 : vector<1000x1xf32>
    %max3A = arith.constant 9.99999996E-13 : f32
    %max3A_42 = vector.broadcast %max3A : f32 to vector<1000x1xf32>
    %max3A_43 = arith.maximumf %sqrt3A_41, %max3A_42 : vector<1000x1xf32>
    %div3A_44 = vector.broadcast %max3A_43 : vector<1000x1xf32> to vector<1000x128xf32>
    %div3A_45 = arith.divf %get3A_30, %div3A_44 : vector<1000x128xf32>
    %dot_general3A = arith.constant dense<0.000000e+00> : vector<1000x128xf32>
    %dot_general3A_46 = tpu.matmul %div3A_45, %get3A_33, %dot_general3A {dimension_numbers = #tpu.dot_dimension_numbers<[1], [1], [0], [0], [0, 0, 1, 0], [], []>, transpose_lhs_hint = false} : vector<1000x128xf32>, vector<128x128xf32>, vector<1000x128xf32> -> vector<1000x128xf32>
    %add3A_47 = vector.broadcast %get3A_36 : vector<1x128xf32> to vector<1000x128xf32>
    %add3A_48 = arith.addf %dot_general3A_46, %add3A_47 : vector<1000x128xf32>
    %mul3A_49 = arith.mulf %add3A_48, %add3A_48 : vector<1000x128xf32>
    %reduce_sum3A_50 = arith.constant dense<0.000000e+00> : vector<1000xf32>
    %reduce_sum3A_51 = vector.multi_reduction <add>, %mul3A_49, %reduce_sum3A_50 [1] : vector<1000x128xf32> to vector<1000xf32>
    %broadcast_in_dim3A_52 = vector.shape_cast %reduce_sum3A_51 : vector<1000xf32> to vector<1000x1xf32>
    %sqrt3A_53 = math.sqrt %broadcast_in_dim3A_52 : vector<1000x1xf32>
    %max3A_54 = arith.constant 9.99999996E-13 : f32
    %max3A_55 = vector.broadcast %max3A_54 : f32 to vector<1000x1xf32>
    %max3A_56 = arith.maximumf %sqrt3A_53, %max3A_55 : vector<1000x1xf32>
    %div3A_57 = vector.broadcast %max3A_56 : vector<1000x1xf32> to vector<1000x128xf32>
    %div3A_58 = arith.divf %add3A_48, %div3A_57 : vector<1000x128xf32>
    %swap3A_59 = arith.constant 0 : index
    %swap3A_60 = arith.constant 0 : index
    %swap3A_61 = vector.load %arg7[%swap3A_59, %swap3A_60] : memref<1000x128xf32, #tpu.memory_space<vmem>>, vector<1000x128xf32>
    tpu.vector_store %arg7[%swap3A_59, %swap3A_60], %div3A_58 {strides = array<i32>} : memref<1000x128xf32, #tpu.memory_space<vmem>>, vector<1000x128xf32>,
    return
  }
  func.func @transform_0(%arg0: i32) -> (i32, i32) {
    %c0_i32 = arith.constant 0 : i32
    %c0_i32_0 = arith.constant 0 : i32
    %c0_i32_1 = arith.constant 0 : i32
    return %c0_i32, %c0_i32_0 : i32, i32
  }
  func.func @transform_1(%arg0: i32) -> (i32, i32) {
    %c0_i32 = arith.constant 0 : i32
    %c0_i32_0 = arith.constant 0 : i32
    return %arg0, %c0_i32 : i32, i32
  }
  func.func @transform_2(%arg0: i32) -> (i32, i32) {
    %c0_i32 = arith.constant 0 : i32
    %c0_i32_0 = arith.constant 0 : i32
    return %arg0, %c0_i32 : i32, i32
  }
  func.func @transform_3(%arg0: i32) -> (i32, i32) {
    %c0_i32 = arith.constant 0 : i32
    %c0_i32_0 = arith.constant 0 : i32
    %c0_i32_1 = arith.constant 0 : i32
    return %c0_i32, %c0_i32_0 : i32, i32
  }
  func.func @transform_4(%arg0: i32) -> (i32, i32) {
    %c0_i32 = arith.constant 0 : i32
    %c0_i32_0 = arith.constant 0 : i32
    %c0_i32_1 = arith.constant 0 : i32
    return %c0_i32, %c0_i32_0 : i32, i32
  }
  func.func @transform_5(%arg0: i32) -> (i32, i32) {
    %c0_i32 = arith.constant 0 : i32
    %c0_i32_0 = arith.constant 0 : i32
    return %arg0, %c0_i32 : i32, i32
  }
  func.func @transform_6(%arg0: i32) -> (i32, i32) {
    %c0_i32 = arith.constant 0 : i32
    %c0_i32_0 = arith.constant 0 : i32
    return %arg0, %c0_i32 : i32, i32
  }
}

module attributes {stable_mosaic.version = 14 : i64} {
  func.func @_tc_mid_body(%arg0: i32, %arg1: memref<1x1xf32, #tpu.memory_space<smem>>, %arg2: memref<2x1000x128xf32, #tpu.memory_space<vmem>>, %arg3: memref<2x1000x128xf32, #tpu.memory_space<vmem>>, %arg4: memref<2x1000x128xf32, #tpu.memory_space<vmem>>, %arg5: memref<2x1000x16xf32, #tpu.memory_space<vmem>>, %arg6: memref<128x128xf32, #tpu.memory_space<vmem>>, %arg7: memref<1x128xf32, #tpu.memory_space<vmem>>, %arg8: memref<128x128xf32, #tpu.memory_space<vmem>>, %arg9: memref<1x128xf32, #tpu.memory_space<vmem>>, %arg10: memref<128x128xf32, #tpu.memory_space<vmem>>, %arg11: memref<1x128xf32, #tpu.memory_space<vmem>>, %arg12: memref<1000x128xf32, #tpu.memory_space<vmem>>, %arg13: memref<1000x128xf32, #tpu.memory_space<vmem>>, %arg14: memref<1000x128xf32, #tpu.memory_space<vmem>>) attributes {dimension_semantics = [#tpu.dimension_semantics<arbitrary>], iteration_bounds = array<i64: 10>, scalar_prefetch = 0 : i64, scratch_operands = 0 : i64, tpu.core_type = #tpu.core_type<tc>, window_params = [{transform_indices = @transform_0, window_bounds = array<i64: 1, 1>}, {transform_indices = @transform_1, window_bounds = array<i64: 2, 1000, 128>}, {transform_indices = @transform_2, window_bounds = array<i64: 2, 1000, 128>}, {transform_indices = @transform_3, window_bounds = array<i64: 2, 1000, 128>}, {transform_indices = @transform_4, window_bounds = array<i64: 2, 1000, 16>}, {pipeline_mode = #tpu.pipeline_mode<synchronous>, transform_indices = @transform_5, window_bounds = array<i64: 128, 128>}, {pipeline_mode = #tpu.pipeline_mode<synchronous>, transform_indices = @transform_6, window_bounds = array<i64: 1, 128>}, {pipeline_mode = #tpu.pipeline_mode<synchronous>, transform_indices = @transform_7, window_bounds = array<i64: 128, 128>}, {pipeline_mode = #tpu.pipeline_mode<synchronous>, transform_indices = @transform_8, window_bounds = array<i64: 1, 128>}, {pipeline_mode = #tpu.pipeline_mode<synchronous>, transform_indices = @transform_9, window_bounds = array<i64: 128, 128>}, {pipeline_mode = #tpu.pipeline_mode<synchronous>, transform_indices = @transform_10, window_bounds = array<i64: 1, 128>}, {transform_indices = @transform_11, window_bounds = array<i64: 1000, 128>}, {transform_indices = @transform_12, window_bounds = array<i64: 1000, 128>}, {transform_indices = @transform_13, window_bounds = array<i64: 1000, 128>}]} {
    %get3A = arith.constant 0 : index
    %get3A_0 = arith.constant 0 : index
    %get3A_1 = arith.constant 0 : index
    %get3A_2 = vector.load %arg5[%get3A, %get3A_0, %get3A_1] : memref<2x1000x16xf32, #tpu.memory_space<vmem>>, vector<1x1000x1xf32>
    %get3A_3 = vector.shape_cast %get3A_2 : vector<1x1000x1xf32> to vector<1000x1xf32>
    %get3A_4 = arith.constant 1 : index
    %get3A_5 = arith.constant 0 : index
    %get3A_6 = arith.constant 0 : index
    %get3A_7 = vector.load %arg5[%get3A_4, %get3A_5, %get3A_6] : memref<2x1000x16xf32, #tpu.memory_space<vmem>>, vector<1x1000x1xf32>
    %get3A_8 = vector.shape_cast %get3A_7 : vector<1x1000x1xf32> to vector<1000x1xf32>
    %add3A = arith.addf %get3A_3, %get3A_8 : vector<1000x1xf32>
    %get3A_9 = arith.constant 0 : index
    %get3A_10 = arith.constant 0 : index
    %get3A_11 = arith.constant 0 : index
    %get3A_12 = vector.load %arg2[%get3A_9, %get3A_10, %get3A_11] : memref<2x1000x128xf32, #tpu.memory_space<vmem>>, vector<1x1000x128xf32>
    %get3A_13 = vector.shape_cast %get3A_12 : vector<1x1000x128xf32> to vector<1000x128xf32>
    %get3A_14 = arith.constant 1 : index
    %get3A_15 = arith.constant 0 : index
    %get3A_16 = arith.constant 0 : index
    %get3A_17 = vector.load %arg2[%get3A_14, %get3A_15, %get3A_16] : memref<2x1000x128xf32, #tpu.memory_space<vmem>>, vector<1x1000x128xf32>
    %get3A_18 = vector.shape_cast %get3A_17 : vector<1x1000x128xf32> to vector<1000x128xf32>
    %add3A_19 = arith.addf %get3A_13, %get3A_18 : vector<1000x128xf32>
    %get3A_20 = arith.constant 0 : index
    %get3A_21 = arith.constant 0 : index
    %get3A_22 = arith.constant 0 : index
    %get3A_23 = vector.load %arg3[%get3A_20, %get3A_21, %get3A_22] : memref<2x1000x128xf32, #tpu.memory_space<vmem>>, vector<1x1000x128xf32>
    %get3A_24 = vector.shape_cast %get3A_23 : vector<1x1000x128xf32> to vector<1000x128xf32>
    %get3A_25 = arith.constant 1 : index
    %get3A_26 = arith.constant 0 : index
    %get3A_27 = arith.constant 0 : index
    %get3A_28 = vector.load %arg3[%get3A_25, %get3A_26, %get3A_27] : memref<2x1000x128xf32, #tpu.memory_space<vmem>>, vector<1x1000x128xf32>
    %get3A_29 = vector.shape_cast %get3A_28 : vector<1x1000x128xf32> to vector<1000x128xf32>
    %add3A_30 = arith.addf %get3A_24, %get3A_29 : vector<1000x128xf32>
    %get3A_31 = arith.constant 0 : index
    %get3A_32 = arith.constant 0 : index
    %get3A_33 = arith.constant 0 : index
    %get3A_34 = vector.load %arg4[%get3A_31, %get3A_32, %get3A_33] : memref<2x1000x128xf32, #tpu.memory_space<vmem>>, vector<1x1000x128xf32>
    %get3A_35 = vector.shape_cast %get3A_34 : vector<1x1000x128xf32> to vector<1000x128xf32>
    %get3A_36 = arith.constant 1 : index
    %get3A_37 = arith.constant 0 : index
    %get3A_38 = arith.constant 0 : index
    %get3A_39 = vector.load %arg4[%get3A_36, %get3A_37, %get3A_38] : memref<2x1000x128xf32, #tpu.memory_space<vmem>>, vector<1x1000x128xf32>
    %get3A_40 = vector.shape_cast %get3A_39 : vector<1x1000x128xf32> to vector<1000x128xf32>
    %add3A_41 = arith.addf %get3A_35, %get3A_40 : vector<1000x128xf32>
    %get3A_42 = arith.constant 0 : index
    %get3A_43 = arith.constant 0 : index
    %get3A_44 = memref.load %arg1[%get3A_42, %get3A_43] : memref<1x1xf32, #tpu.memory_space<smem>>
    %sqrt3A = math.sqrt %get3A_44 : f32
    %max3A = arith.constant 1.000000e+00 : f32
    %max3A_45 = vector.broadcast %max3A : f32 to vector<1000x1xf32>
    %max3A_46 = arith.maximumf %add3A, %max3A_45 : vector<1000x1xf32>
    %div3A = arith.constant 1.000000e+00 : f32
    %div3A_47 = vector.broadcast %div3A : f32 to vector<1000x1xf32>
    %div3A_48 = arith.divf %div3A_47, %max3A_46 : vector<1000x1xf32>
    %min3A = arith.constant 1.000000e+00 : f32
    %min3A_49 = vector.broadcast %min3A : f32 to vector<1000x1xf32>
    %min3A_50 = arith.minimumf %add3A, %min3A_49 : vector<1000x1xf32>
    %mul3A = vector.broadcast %div3A_48 : vector<1000x1xf32> to vector<1000x128xf32>
    %mul3A_51 = arith.mulf %add3A_19, %mul3A : vector<1000x128xf32>
    %get3A_52 = arith.constant 0 : index
    %get3A_53 = arith.constant 0 : index
    %get3A_54 = vector.load %arg6[%get3A_52, %get3A_53] : memref<128x128xf32, #tpu.memory_space<vmem>>, vector<128x128xf32>
    %dot_general3A = arith.constant dense<0.000000e+00> : vector<1000x128xf32>
    %dot_general3A_55 = tpu.matmul %mul3A_51, %get3A_54, %dot_general3A {dimension_numbers = #tpu.dot_dimension_numbers<[1], [1], [0], [0], [0, 0, 1, 0], [], []>, transpose_lhs_hint = false} : vector<1000x128xf32>, vector<128x128xf32>, vector<1000x128xf32> -> vector<1000x128xf32>
    %get3A_56 = arith.constant 0 : index
    %get3A_57 = arith.constant 0 : index
    %get3A_58 = vector.load %arg7[%get3A_56, %get3A_57] : memref<1x128xf32, #tpu.memory_space<vmem>>, vector<1x128xf32>
    %mul3A_59 = vector.broadcast %get3A_58 : vector<1x128xf32> to vector<1000x128xf32>
    %mul3A_60 = vector.broadcast %min3A_50 : vector<1000x1xf32> to vector<1000x128xf32>
    %mul3A_61 = arith.mulf %mul3A_59, %mul3A_60 : vector<1000x128xf32>
    %add3A_62 = arith.addf %dot_general3A_55, %mul3A_61 : vector<1000x128xf32>
    %ge3A = arith.constant 0.000000e+00 : f32
    %ge3A_63 = vector.broadcast %ge3A : f32 to vector<1000x128xf32>
    %ge3A_64 = arith.cmpf oge, %add3A_62, %ge3A_63 : vector<1000x128xf32>
    %mul3A_65 = arith.constant 2.000000e-01 : f32
    %mul3A_66 = vector.broadcast %mul3A_65 : f32 to vector<1000x128xf32>
    %mul3A_67 = arith.mulf %mul3A_66, %add3A_62 : vector<1000x128xf32>
    %select_n3A = arith.select %ge3A_64, %add3A_62, %mul3A_67 : vector<1000x128xi1>, vector<1000x128xf32>
    %mul3A_68 = vector.broadcast %div3A_48 : vector<1000x1xf32> to vector<1000x128xf32>
    %mul3A_69 = arith.mulf %add3A_30, %mul3A_68 : vector<1000x128xf32>
    %get3A_70 = arith.constant 0 : index
    %get3A_71 = arith.constant 0 : index
    %get3A_72 = vector.load %arg8[%get3A_70, %get3A_71] : memref<128x128xf32, #tpu.memory_space<vmem>>, vector<128x128xf32>
    %dot_general3A_73 = arith.constant dense<0.000000e+00> : vector<1000x128xf32>
    %dot_general3A_74 = tpu.matmul %mul3A_69, %get3A_72, %dot_general3A_73 {dimension_numbers = #tpu.dot_dimension_numbers<[1], [1], [0], [0], [0, 0, 1, 0], [], []>, transpose_lhs_hint = false} : vector<1000x128xf32>, vector<128x128xf32>, vector<1000x128xf32> -> vector<1000x128xf32>
    %get3A_75 = arith.constant 0 : index
    %get3A_76 = arith.constant 0 : index
    %get3A_77 = vector.load %arg9[%get3A_75, %get3A_76] : memref<1x128xf32, #tpu.memory_space<vmem>>, vector<1x128xf32>
    %mul3A_78 = vector.broadcast %get3A_77 : vector<1x128xf32> to vector<1000x128xf32>
    %mul3A_79 = vector.broadcast %min3A_50 : vector<1000x1xf32> to vector<1000x128xf32>
    %mul3A_80 = arith.mulf %mul3A_78, %mul3A_79 : vector<1000x128xf32>
    %add3A_81 = arith.addf %dot_general3A_74, %mul3A_80 : vector<1000x128xf32>
    %mul3A_82 = arith.mulf %add3A_81, %add3A_81 : vector<1000x128xf32>
    %reduce_sum3A = arith.constant dense<0.000000e+00> : vector<1000xf32>
    %reduce_sum3A_83 = vector.multi_reduction <add>, %mul3A_82, %reduce_sum3A [1] : vector<1000x128xf32> to vector<1000xf32>
    %broadcast_in_dim3A = vector.shape_cast %reduce_sum3A_83 : vector<1000xf32> to vector<1000x1xf32>
    %sqrt3A_84 = math.sqrt %broadcast_in_dim3A : vector<1000x1xf32>
    %mul3A_85 = vector.broadcast %sqrt3A : f32 to vector<1000x1xf32>
    %mul3A_86 = arith.mulf %mul3A_85, %sqrt3A_84 : vector<1000x1xf32>
    %mul3A_87 = arith.constant 5.000000e-01 : f32
    %mul3A_88 = vector.broadcast %mul3A_87 : f32 to vector<1000x1xf32>
    %mul3A_89 = arith.mulf %mul3A_86, %mul3A_88 : vector<1000x1xf32>
    %tanh3A = math.tanh %mul3A_89 : vector<1000x1xf32>
    %mul3A_90 = vector.broadcast %tanh3A : vector<1000x1xf32> to vector<1000x128xf32>
    %mul3A_91 = arith.mulf %mul3A_90, %add3A_81 : vector<1000x128xf32>
    %mul3A_92 = vector.broadcast %sqrt3A : f32 to vector<1000x1xf32>
    %mul3A_93 = arith.mulf %mul3A_92, %sqrt3A_84 : vector<1000x1xf32>
    %div3A_94 = vector.broadcast %mul3A_93 : vector<1000x1xf32> to vector<1000x128xf32>
    %div3A_95 = arith.divf %mul3A_91, %div3A_94 : vector<1000x128xf32>
    %mul3A_96 = vector.broadcast %div3A_48 : vector<1000x1xf32> to vector<1000x128xf32>
    %mul3A_97 = arith.mulf %add3A_41, %mul3A_96 : vector<1000x128xf32>
    %mul3A_98 = arith.mulf %mul3A_97, %mul3A_97 : vector<1000x128xf32>
    %reduce_sum3A_99 = arith.constant dense<0.000000e+00> : vector<1000xf32>
    %reduce_sum3A_100 = vector.multi_reduction <add>, %mul3A_98, %reduce_sum3A_99 [1] : vector<1000x128xf32> to vector<1000xf32>
    %broadcast_in_dim3A_101 = vector.shape_cast %reduce_sum3A_100 : vector<1000xf32> to vector<1000x1xf32>
    %sqrt3A_102 = math.sqrt %broadcast_in_dim3A_101 : vector<1000x1xf32>
    %max3A_103 = arith.constant 9.99999996E-13 : f32
    %max3A_104 = vector.broadcast %max3A_103 : f32 to vector<1000x1xf32>
    %max3A_105 = arith.maximumf %sqrt3A_102, %max3A_104 : vector<1000x1xf32>
    %div3A_106 = vector.broadcast %max3A_105 : vector<1000x1xf32> to vector<1000x128xf32>
    %div3A_107 = arith.divf %mul3A_97, %div3A_106 : vector<1000x128xf32>
    %get3A_108 = arith.constant 0 : index
    %get3A_109 = arith.constant 0 : index
    %get3A_110 = memref.load %arg1[%get3A_108, %get3A_109] : memref<1x1xf32, #tpu.memory_space<smem>>
    %sqrt3A_111 = math.sqrt %get3A_110 : f32
    %swap3A = arith.constant 0 : index
    %swap3A_112 = arith.constant 0 : index
    %swap3A_113 = vector.load %arg12[%swap3A, %swap3A_112] : memref<1000x128xf32, #tpu.memory_space<vmem>>, vector<1000x128xf32>
    tpu.vector_store %arg12[%swap3A, %swap3A_112], %select_n3A {strides = array<i32>} : memref<1000x128xf32, #tpu.memory_space<vmem>>, vector<1000x128xf32>,
    %mul3A_114 = arith.mulf %div3A_95, %div3A_95 : vector<1000x128xf32>
    %reduce_sum3A_115 = arith.constant dense<0.000000e+00> : vector<1000xf32>
    %reduce_sum3A_116 = vector.multi_reduction <add>, %mul3A_114, %reduce_sum3A_115 [1] : vector<1000x128xf32> to vector<1000xf32>
    %broadcast_in_dim3A_117 = vector.shape_cast %reduce_sum3A_116 : vector<1000xf32> to vector<1000x1xf32>
    %sqrt3A_118 = math.sqrt %broadcast_in_dim3A_117 : vector<1000x1xf32>
    %mul3A_119 = vector.broadcast %sqrt3A_111 : f32 to vector<1000x1xf32>
    %mul3A_120 = arith.mulf %mul3A_119, %sqrt3A_118 : vector<1000x1xf32>
    %add3A_121 = arith.constant 1.000000e+00 : f32
    %add3A_122 = vector.broadcast %add3A_121 : f32 to vector<1000x1xf32>
    %add3A_123 = arith.addf %add3A_122, %mul3A_120 : vector<1000x1xf32>
    %mul3A_124 = vector.broadcast %sqrt3A_111 : f32 to vector<1000x1xf32>
    %mul3A_125 = arith.mulf %mul3A_124, %sqrt3A_118 : vector<1000x1xf32>
    %sub3A = arith.constant 1.000000e+00 : f32
    %sub3A_126 = vector.broadcast %sub3A : f32 to vector<1000x1xf32>
    %sub3A_127 = arith.subf %sub3A_126, %mul3A_125 : vector<1000x1xf32>
    %div3A_128 = arith.divf %add3A_123, %sub3A_127 : vector<1000x1xf32>
    %log3A = math.log %div3A_128 : vector<1000x1xf32>
    %mul3A_129 = arith.constant 5.000000e-01 : f32
    %mul3A_130 = vector.broadcast %mul3A_129 : f32 to vector<1000x1xf32>
    %mul3A_131 = arith.mulf %mul3A_130, %log3A : vector<1000x1xf32>
    %div3A_132 = arith.constant 2.000000e+00 : f32
    %div3A_133 = arith.divf %div3A_132, %sqrt3A_111 : f32
    %mul3A_134 = vector.broadcast %div3A_133 : f32 to vector<1000x1xf32>
    %mul3A_135 = arith.mulf %mul3A_134, %mul3A_131 : vector<1000x1xf32>
    %mul3A_136 = vector.broadcast %mul3A_135 : vector<1000x1xf32> to vector<1000x128xf32>
    %mul3A_137 = arith.mulf %mul3A_136, %div3A_95 : vector<1000x128xf32>
    %div3A_138 = vector.broadcast %sqrt3A_118 : vector<1000x1xf32> to vector<1000x128xf32>
    %div3A_139 = arith.divf %mul3A_137, %div3A_138 : vector<1000x128xf32>
    %swap3A_140 = arith.constant 0 : index
    %swap3A_141 = arith.constant 0 : index
    %swap3A_142 = vector.load %arg13[%swap3A_140, %swap3A_141] : memref<1000x128xf32, #tpu.memory_space<vmem>>, vector<1000x128xf32>
    tpu.vector_store %arg13[%swap3A_140, %swap3A_141], %div3A_139 {strides = array<i32>} : memref<1000x128xf32, #tpu.memory_space<vmem>>, vector<1000x128xf32>,
    %get3A_143 = arith.constant 0 : index
    %get3A_144 = arith.constant 0 : index
    %get3A_145 = vector.load %arg10[%get3A_143, %get3A_144] : memref<128x128xf32, #tpu.memory_space<vmem>>, vector<128x128xf32>
    %get3A_146 = arith.constant 0 : index
    %get3A_147 = arith.constant 0 : index
    %get3A_148 = vector.load %arg11[%get3A_146, %get3A_147] : memref<1x128xf32, #tpu.memory_space<vmem>>, vector<1x128xf32>
    %mul3A_149 = arith.mulf %div3A_107, %div3A_107 : vector<1000x128xf32>
    %reduce_sum3A_150 = arith.constant dense<0.000000e+00> : vector<1000xf32>
    %reduce_sum3A_151 = vector.multi_reduction <add>, %mul3A_149, %reduce_sum3A_150 [1] : vector<1000x128xf32> to vector<1000xf32>
    %broadcast_in_dim3A_152 = vector.shape_cast %reduce_sum3A_151 : vector<1000xf32> to vector<1000x1xf32>
    %sqrt3A_153 = math.sqrt %broadcast_in_dim3A_152 : vector<1000x1xf32>
    %max3A_154 = arith.constant 9.99999996E-13 : f32
    %max3A_155 = vector.broadcast %max3A_154 : f32 to vector<1000x1xf32>
    %max3A_156 = arith.maximumf %sqrt3A_153, %max3A_155 : vector<1000x1xf32>
    %div3A_157 = vector.broadcast %max3A_156 : vector<1000x1xf32> to vector<1000x128xf32>
    %div3A_158 = arith.divf %div3A_107, %div3A_157 : vector<1000x128xf32>
    %dot_general3A_159 = arith.constant dense<0.000000e+00> : vector<1000x128xf32>
    %dot_general3A_160 = tpu.matmul %div3A_158, %get3A_145, %dot_general3A_159 {dimension_numbers = #tpu.dot_dimension_numbers<[1], [1], [0], [0], [0, 0, 1, 0], [], []>, transpose_lhs_hint = false} : vector<1000x128xf32>, vector<128x128xf32>, vector<1000x128xf32> -> vector<1000x128xf32>
    %add3A_161 = vector.broadcast %get3A_148 : vector<1x128xf32> to vector<1000x128xf32>
    %add3A_162 = arith.addf %dot_general3A_160, %add3A_161 : vector<1000x128xf32>
    %mul3A_163 = arith.mulf %add3A_162, %add3A_162 : vector<1000x128xf32>
    %reduce_sum3A_164 = arith.constant dense<0.000000e+00> : vector<1000xf32>
    %reduce_sum3A_165 = vector.multi_reduction <add>, %mul3A_163, %reduce_sum3A_164 [1] : vector<1000x128xf32> to vector<1000xf32>
    %broadcast_in_dim3A_166 = vector.shape_cast %reduce_sum3A_165 : vector<1000xf32> to vector<1000x1xf32>
    %sqrt3A_167 = math.sqrt %broadcast_in_dim3A_166 : vector<1000x1xf32>
    %max3A_168 = arith.constant 9.99999996E-13 : f32
    %max3A_169 = vector.broadcast %max3A_168 : f32 to vector<1000x1xf32>
    %max3A_170 = arith.maximumf %sqrt3A_167, %max3A_169 : vector<1000x1xf32>
    %div3A_171 = vector.broadcast %max3A_170 : vector<1000x1xf32> to vector<1000x128xf32>
    %div3A_172 = arith.divf %add3A_162, %div3A_171 : vector<1000x128xf32>
    %swap3A_173 = arith.constant 0 : index
    %swap3A_174 = arith.constant 0 : index
    %swap3A_175 = vector.load %arg14[%swap3A_173, %swap3A_174] : memref<1000x128xf32, #tpu.memory_space<vmem>>, vector<1000x128xf32>
    tpu.vector_store %arg14[%swap3A_173, %swap3A_174], %div3A_172 {strides = array<i32>} : memref<1000x128xf32, #tpu.memory_space<vmem>>, vector<1000x128xf32>,
    return
  }
  func.func @transform_0(%arg0: i32) -> (i32, i32) {
    %c0_i32 = arith.constant 0 : i32
    %c0_i32_0 = arith.constant 0 : i32
    %c0_i32_1 = arith.constant 0 : i32
    return %c0_i32, %c0_i32_0 : i32, i32
  }
  func.func @transform_1(%arg0: i32) -> (i32, i32, i32) {
    %c0_i32 = arith.constant 0 : i32
    %c0_i32_0 = arith.constant 0 : i32
    %c0_i32_1 = arith.constant 0 : i32
    return %c0_i32, %arg0, %c0_i32_0 : i32, i32, i32
  }
  func.func @transform_2(%arg0: i32) -> (i32, i32, i32) {
    %c0_i32 = arith.constant 0 : i32
    %c0_i32_0 = arith.constant 0 : i32
    %c0_i32_1 = arith.constant 0 : i32
    return %c0_i32, %arg0, %c0_i32_0 : i32, i32, i32
  }
  func.func @transform_3(%arg0: i32) -> (i32, i32, i32) {
    %c0_i32 = arith.constant 0 : i32
    %c0_i32_0 = arith.constant 0 : i32
    %c0_i32_1 = arith.constant 0 : i32
    return %c0_i32, %arg0, %c0_i32_0 : i32, i32, i32
  }
  func.func @transform_4(%arg0: i32) -> (i32, i32, i32) {
    %c0_i32 = arith.constant 0 : i32
    %c0_i32_0 = arith.constant 0 : i32
    %c0_i32_1 = arith.constant 0 : i32
    return %c0_i32, %arg0, %c0_i32_0 : i32, i32, i32
  }
  func.func @transform_5(%arg0: i32) -> (i32, i32) {
    %c0_i32 = arith.constant 0 : i32
    %c0_i32_0 = arith.constant 0 : i32
    %c0_i32_1 = arith.constant 0 : i32
    return %c0_i32, %c0_i32_0 : i32, i32
  }
  func.func @transform_6(%arg0: i32) -> (i32, i32) {
    %c0_i32 = arith.constant 0 : i32
    %c0_i32_0 = arith.constant 0 : i32
    %c0_i32_1 = arith.constant 0 : i32
    return %c0_i32, %c0_i32_0 : i32, i32
  }
  func.func @transform_7(%arg0: i32) -> (i32, i32) {
    %c0_i32 = arith.constant 0 : i32
    %c0_i32_0 = arith.constant 0 : i32
    %c0_i32_1 = arith.constant 0 : i32
    return %c0_i32, %c0_i32_0 : i32, i32
  }
  func.func @transform_8(%arg0: i32) -> (i32, i32) {
    %c0_i32 = arith.constant 0 : i32
    %c0_i32_0 = arith.constant 0 : i32
    %c0_i32_1 = arith.constant 0 : i32
    return %c0_i32, %c0_i32_0 : i32, i32
  }
  func.func @transform_9(%arg0: i32) -> (i32, i32) {
    %c0_i32 = arith.constant 0 : i32
    %c0_i32_0 = arith.constant 0 : i32
    %c0_i32_1 = arith.constant 0 : i32
    return %c0_i32, %c0_i32_0 : i32, i32
  }
  func.func @transform_10(%arg0: i32) -> (i32, i32) {
    %c0_i32 = arith.constant 0 : i32
    %c0_i32_0 = arith.constant 0 : i32
    %c0_i32_1 = arith.constant 0 : i32
    return %c0_i32, %c0_i32_0 : i32, i32
  }
  func.func @transform_11(%arg0: i32) -> (i32, i32) {
    %c0_i32 = arith.constant 0 : i32
    %c0_i32_0 = arith.constant 0 : i32
    return %arg0, %c0_i32 : i32, i32
  }
  func.func @transform_12(%arg0: i32) -> (i32, i32) {
    %c0_i32 = arith.constant 0 : i32
    %c0_i32_0 = arith.constant 0 : i32
    return %arg0, %c0_i32 : i32, i32
  }
  func.func @transform_13(%arg0: i32) -> (i32, i32) {
    %c0_i32 = arith.constant 0 : i32
    %c0_i32_0 = arith.constant 0 : i32
    return %arg0, %c0_i32 : i32, i32
  }
}

module attributes {stable_mosaic.version = 14 : i64} {
  func.func @_tc_epilogue_body(%arg0: i32, %arg1: memref<1x1xf32, #tpu.memory_space<smem>>, %arg2: memref<2x1000x128xf32, #tpu.memory_space<vmem>>, %arg3: memref<2x1000x128xf32, #tpu.memory_space<vmem>>, %arg4: memref<2x1000x128xf32, #tpu.memory_space<vmem>>, %arg5: memref<2x1000x16xf32, #tpu.memory_space<vmem>>, %arg6: memref<128x128xf32, #tpu.memory_space<vmem>>, %arg7: memref<1x128xf32, #tpu.memory_space<vmem>>, %arg8: memref<128x128xf32, #tpu.memory_space<vmem>>, %arg9: memref<1x128xf32, #tpu.memory_space<vmem>>, %arg10: memref<1000x128xf32, #tpu.memory_space<vmem>>, %arg11: memref<1000x128xf32, #tpu.memory_space<vmem>>, %arg12: memref<1000x128xf32, #tpu.memory_space<vmem>>) attributes {dimension_semantics = [#tpu.dimension_semantics<arbitrary>], iteration_bounds = array<i64: 10>, scalar_prefetch = 0 : i64, scratch_operands = 0 : i64, tpu.core_type = #tpu.core_type<tc>, window_params = [{transform_indices = @transform_0, window_bounds = array<i64: 1, 1>}, {transform_indices = @transform_1, window_bounds = array<i64: 2, 1000, 128>}, {transform_indices = @transform_2, window_bounds = array<i64: 2, 1000, 128>}, {transform_indices = @transform_3, window_bounds = array<i64: 2, 1000, 128>}, {transform_indices = @transform_4, window_bounds = array<i64: 2, 1000, 16>}, {pipeline_mode = #tpu.pipeline_mode<synchronous>, transform_indices = @transform_5, window_bounds = array<i64: 128, 128>}, {pipeline_mode = #tpu.pipeline_mode<synchronous>, transform_indices = @transform_6, window_bounds = array<i64: 1, 128>}, {pipeline_mode = #tpu.pipeline_mode<synchronous>, transform_indices = @transform_7, window_bounds = array<i64: 128, 128>}, {pipeline_mode = #tpu.pipeline_mode<synchronous>, transform_indices = @transform_8, window_bounds = array<i64: 1, 128>}, {transform_indices = @transform_9, window_bounds = array<i64: 1000, 128>}, {transform_indices = @transform_10, window_bounds = array<i64: 1000, 128>}, {transform_indices = @transform_11, window_bounds = array<i64: 1000, 128>}]} {
    %get3A = arith.constant 0 : index
    %get3A_0 = arith.constant 0 : index
    %get3A_1 = arith.constant 0 : index
    %get3A_2 = vector.load %arg5[%get3A, %get3A_0, %get3A_1] : memref<2x1000x16xf32, #tpu.memory_space<vmem>>, vector<1x1000x1xf32>
    %get3A_3 = vector.shape_cast %get3A_2 : vector<1x1000x1xf32> to vector<1000x1xf32>
    %get3A_4 = arith.constant 1 : index
    %get3A_5 = arith.constant 0 : index
    %get3A_6 = arith.constant 0 : index
    %get3A_7 = vector.load %arg5[%get3A_4, %get3A_5, %get3A_6] : memref<2x1000x16xf32, #tpu.memory_space<vmem>>, vector<1x1000x1xf32>
    %get3A_8 = vector.shape_cast %get3A_7 : vector<1x1000x1xf32> to vector<1000x1xf32>
    %add3A = arith.addf %get3A_3, %get3A_8 : vector<1000x1xf32>
    %get3A_9 = arith.constant 0 : index
    %get3A_10 = arith.constant 0 : index
    %get3A_11 = arith.constant 0 : index
    %get3A_12 = vector.load %arg2[%get3A_9, %get3A_10, %get3A_11] : memref<2x1000x128xf32, #tpu.memory_space<vmem>>, vector<1x1000x128xf32>
    %get3A_13 = vector.shape_cast %get3A_12 : vector<1x1000x128xf32> to vector<1000x128xf32>
    %get3A_14 = arith.constant 1 : index
    %get3A_15 = arith.constant 0 : index
    %get3A_16 = arith.constant 0 : index
    %get3A_17 = vector.load %arg2[%get3A_14, %get3A_15, %get3A_16] : memref<2x1000x128xf32, #tpu.memory_space<vmem>>, vector<1x1000x128xf32>
    %get3A_18 = vector.shape_cast %get3A_17 : vector<1x1000x128xf32> to vector<1000x128xf32>
    %add3A_19 = arith.addf %get3A_13, %get3A_18 : vector<1000x128xf32>
    %get3A_20 = arith.constant 0 : index
    %get3A_21 = arith.constant 0 : index
    %get3A_22 = arith.constant 0 : index
    %get3A_23 = vector.load %arg3[%get3A_20, %get3A_21, %get3A_22] : memref<2x1000x128xf32, #tpu.memory_space<vmem>>, vector<1x1000x128xf32>
    %get3A_24 = vector.shape_cast %get3A_23 : vector<1x1000x128xf32> to vector<1000x128xf32>
    %get3A_25 = arith.constant 1 : index
    %get3A_26 = arith.constant 0 : index
    %get3A_27 = arith.constant 0 : index
    %get3A_28 = vector.load %arg3[%get3A_25, %get3A_26, %get3A_27] : memref<2x1000x128xf32, #tpu.memory_space<vmem>>, vector<1x1000x128xf32>
    %get3A_29 = vector.shape_cast %get3A_28 : vector<1x1000x128xf32> to vector<1000x128xf32>
    %add3A_30 = arith.addf %get3A_24, %get3A_29 : vector<1000x128xf32>
    %get3A_31 = arith.constant 0 : index
    %get3A_32 = arith.constant 0 : index
    %get3A_33 = arith.constant 0 : index
    %get3A_34 = vector.load %arg4[%get3A_31, %get3A_32, %get3A_33] : memref<2x1000x128xf32, #tpu.memory_space<vmem>>, vector<1x1000x128xf32>
    %get3A_35 = vector.shape_cast %get3A_34 : vector<1x1000x128xf32> to vector<1000x128xf32>
    %get3A_36 = arith.constant 1 : index
    %get3A_37 = arith.constant 0 : index
    %get3A_38 = arith.constant 0 : index
    %get3A_39 = vector.load %arg4[%get3A_36, %get3A_37, %get3A_38] : memref<2x1000x128xf32, #tpu.memory_space<vmem>>, vector<1x1000x128xf32>
    %get3A_40 = vector.shape_cast %get3A_39 : vector<1x1000x128xf32> to vector<1000x128xf32>
    %add3A_41 = arith.addf %get3A_35, %get3A_40 : vector<1000x128xf32>
    %get3A_42 = arith.constant 0 : index
    %get3A_43 = arith.constant 0 : index
    %get3A_44 = memref.load %arg1[%get3A_42, %get3A_43] : memref<1x1xf32, #tpu.memory_space<smem>>
    %sqrt3A = math.sqrt %get3A_44 : f32
    %max3A = arith.constant 1.000000e+00 : f32
    %max3A_45 = vector.broadcast %max3A : f32 to vector<1000x1xf32>
    %max3A_46 = arith.maximumf %add3A, %max3A_45 : vector<1000x1xf32>
    %div3A = arith.constant 1.000000e+00 : f32
    %div3A_47 = vector.broadcast %div3A : f32 to vector<1000x1xf32>
    %div3A_48 = arith.divf %div3A_47, %max3A_46 : vector<1000x1xf32>
    %min3A = arith.constant 1.000000e+00 : f32
    %min3A_49 = vector.broadcast %min3A : f32 to vector<1000x1xf32>
    %min3A_50 = arith.minimumf %add3A, %min3A_49 : vector<1000x1xf32>
    %mul3A = vector.broadcast %div3A_48 : vector<1000x1xf32> to vector<1000x128xf32>
    %mul3A_51 = arith.mulf %add3A_19, %mul3A : vector<1000x128xf32>
    %get3A_52 = arith.constant 0 : index
    %get3A_53 = arith.constant 0 : index
    %get3A_54 = vector.load %arg6[%get3A_52, %get3A_53] : memref<128x128xf32, #tpu.memory_space<vmem>>, vector<128x128xf32>
    %dot_general3A = arith.constant dense<0.000000e+00> : vector<1000x128xf32>
    %dot_general3A_55 = tpu.matmul %mul3A_51, %get3A_54, %dot_general3A {dimension_numbers = #tpu.dot_dimension_numbers<[1], [1], [0], [0], [0, 0, 1, 0], [], []>, transpose_lhs_hint = false} : vector<1000x128xf32>, vector<128x128xf32>, vector<1000x128xf32> -> vector<1000x128xf32>
    %get3A_56 = arith.constant 0 : index
    %get3A_57 = arith.constant 0 : index
    %get3A_58 = vector.load %arg7[%get3A_56, %get3A_57] : memref<1x128xf32, #tpu.memory_space<vmem>>, vector<1x128xf32>
    %mul3A_59 = vector.broadcast %get3A_58 : vector<1x128xf32> to vector<1000x128xf32>
    %mul3A_60 = vector.broadcast %min3A_50 : vector<1000x1xf32> to vector<1000x128xf32>
    %mul3A_61 = arith.mulf %mul3A_59, %mul3A_60 : vector<1000x128xf32>
    %add3A_62 = arith.addf %dot_general3A_55, %mul3A_61 : vector<1000x128xf32>
    %ge3A = arith.constant 0.000000e+00 : f32
    %ge3A_63 = vector.broadcast %ge3A : f32 to vector<1000x128xf32>
    %ge3A_64 = arith.cmpf oge, %add3A_62, %ge3A_63 : vector<1000x128xf32>
    %mul3A_65 = arith.constant 2.000000e-01 : f32
    %mul3A_66 = vector.broadcast %mul3A_65 : f32 to vector<1000x128xf32>
    %mul3A_67 = arith.mulf %mul3A_66, %add3A_62 : vector<1000x128xf32>
    %select_n3A = arith.select %ge3A_64, %add3A_62, %mul3A_67 : vector<1000x128xi1>, vector<1000x128xf32>
    %mul3A_68 = vector.broadcast %div3A_48 : vector<1000x1xf32> to vector<1000x128xf32>
    %mul3A_69 = arith.mulf %add3A_30, %mul3A_68 : vector<1000x128xf32>
    %get3A_70 = arith.constant 0 : index
    %get3A_71 = arith.constant 0 : index
    %get3A_72 = vector.load %arg8[%get3A_70, %get3A_71] : memref<128x128xf32, #tpu.memory_space<vmem>>, vector<128x128xf32>
    %dot_general3A_73 = arith.constant dense<0.000000e+00> : vector<1000x128xf32>
    %dot_general3A_74 = tpu.matmul %mul3A_69, %get3A_72, %dot_general3A_73 {dimension_numbers = #tpu.dot_dimension_numbers<[1], [1], [0], [0], [0, 0, 1, 0], [], []>, transpose_lhs_hint = false} : vector<1000x128xf32>, vector<128x128xf32>, vector<1000x128xf32> -> vector<1000x128xf32>
    %get3A_75 = arith.constant 0 : index
    %get3A_76 = arith.constant 0 : index
    %get3A_77 = vector.load %arg9[%get3A_75, %get3A_76] : memref<1x128xf32, #tpu.memory_space<vmem>>, vector<1x128xf32>
    %mul3A_78 = vector.broadcast %get3A_77 : vector<1x128xf32> to vector<1000x128xf32>
    %mul3A_79 = vector.broadcast %min3A_50 : vector<1000x1xf32> to vector<1000x128xf32>
    %mul3A_80 = arith.mulf %mul3A_78, %mul3A_79 : vector<1000x128xf32>
    %add3A_81 = arith.addf %dot_general3A_74, %mul3A_80 : vector<1000x128xf32>
    %mul3A_82 = arith.mulf %add3A_81, %add3A_81 : vector<1000x128xf32>
    %reduce_sum3A = arith.constant dense<0.000000e+00> : vector<1000xf32>
    %reduce_sum3A_83 = vector.multi_reduction <add>, %mul3A_82, %reduce_sum3A [1] : vector<1000x128xf32> to vector<1000xf32>
    %broadcast_in_dim3A = vector.shape_cast %reduce_sum3A_83 : vector<1000xf32> to vector<1000x1xf32>
    %sqrt3A_84 = math.sqrt %broadcast_in_dim3A : vector<1000x1xf32>
    %mul3A_85 = vector.broadcast %sqrt3A : f32 to vector<1000x1xf32>
    %mul3A_86 = arith.mulf %mul3A_85, %sqrt3A_84 : vector<1000x1xf32>
    %mul3A_87 = arith.constant 5.000000e-01 : f32
    %mul3A_88 = vector.broadcast %mul3A_87 : f32 to vector<1000x1xf32>
    %mul3A_89 = arith.mulf %mul3A_86, %mul3A_88 : vector<1000x1xf32>
    %tanh3A = math.tanh %mul3A_89 : vector<1000x1xf32>
    %mul3A_90 = vector.broadcast %tanh3A : vector<1000x1xf32> to vector<1000x128xf32>
    %mul3A_91 = arith.mulf %mul3A_90, %add3A_81 : vector<1000x128xf32>
    %mul3A_92 = vector.broadcast %sqrt3A : f32 to vector<1000x1xf32>
    %mul3A_93 = arith.mulf %mul3A_92, %sqrt3A_84 : vector<1000x1xf32>
    %div3A_94 = vector.broadcast %mul3A_93 : vector<1000x1xf32> to vector<1000x128xf32>
    %div3A_95 = arith.divf %mul3A_91, %div3A_94 : vector<1000x128xf32>
    %mul3A_96 = vector.broadcast %div3A_48 : vector<1000x1xf32> to vector<1000x128xf32>
    %mul3A_97 = arith.mulf %add3A_41, %mul3A_96 : vector<1000x128xf32>
    %mul3A_98 = arith.mulf %mul3A_97, %mul3A_97 : vector<1000x128xf32>
    %reduce_sum3A_99 = arith.constant dense<0.000000e+00> : vector<1000xf32>
    %reduce_sum3A_100 = vector.multi_reduction <add>, %mul3A_98, %reduce_sum3A_99 [1] : vector<1000x128xf32> to vector<1000xf32>
    %broadcast_in_dim3A_101 = vector.shape_cast %reduce_sum3A_100 : vector<1000xf32> to vector<1000x1xf32>
    %sqrt3A_102 = math.sqrt %broadcast_in_dim3A_101 : vector<1000x1xf32>
    %max3A_103 = arith.constant 9.99999996E-13 : f32
    %max3A_104 = vector.broadcast %max3A_103 : f32 to vector<1000x1xf32>
    %max3A_105 = arith.maximumf %sqrt3A_102, %max3A_104 : vector<1000x1xf32>
    %div3A_106 = vector.broadcast %max3A_105 : vector<1000x1xf32> to vector<1000x128xf32>
    %div3A_107 = arith.divf %mul3A_97, %div3A_106 : vector<1000x128xf32>
    %swap3A = arith.constant 0 : index
    %swap3A_108 = arith.constant 0 : index
    %swap3A_109 = vector.load %arg10[%swap3A, %swap3A_108] : memref<1000x128xf32, #tpu.memory_space<vmem>>, vector<1000x128xf32>
    tpu.vector_store %arg10[%swap3A, %swap3A_108], %select_n3A {strides = array<i32>} : memref<1000x128xf32, #tpu.memory_space<vmem>>, vector<1000x128xf32>,
    %swap3A_110 = arith.constant 0 : index
    %swap3A_111 = arith.constant 0 : index
    %swap3A_112 = vector.load %arg11[%swap3A_110, %swap3A_111] : memref<1000x128xf32, #tpu.memory_space<vmem>>, vector<1000x128xf32>
    tpu.vector_store %arg11[%swap3A_110, %swap3A_111], %div3A_95 {strides = array<i32>} : memref<1000x128xf32, #tpu.memory_space<vmem>>, vector<1000x128xf32>,
    %swap3A_113 = arith.constant 0 : index
    %swap3A_114 = arith.constant 0 : index
    %swap3A_115 = vector.load %arg12[%swap3A_113, %swap3A_114] : memref<1000x128xf32, #tpu.memory_space<vmem>>, vector<1000x128xf32>
    tpu.vector_store %arg12[%swap3A_113, %swap3A_114], %div3A_107 {strides = array<i32>} : memref<1000x128xf32, #tpu.memory_space<vmem>>, vector<1000x128xf32>,
    return
  }
  func.func @transform_0(%arg0: i32) -> (i32, i32) {
    %c0_i32 = arith.constant 0 : i32
    %c0_i32_0 = arith.constant 0 : i32
    %c0_i32_1 = arith.constant 0 : i32
    return %c0_i32, %c0_i32_0 : i32, i32
  }
  func.func @transform_1(%arg0: i32) -> (i32, i32, i32) {
    %c0_i32 = arith.constant 0 : i32
    %c0_i32_0 = arith.constant 0 : i32
    %c0_i32_1 = arith.constant 0 : i32
    return %c0_i32, %arg0, %c0_i32_0 : i32, i32, i32
  }
  func.func @transform_2(%arg0: i32) -> (i32, i32, i32) {
    %c0_i32 = arith.constant 0 : i32
    %c0_i32_0 = arith.constant 0 : i32
    %c0_i32_1 = arith.constant 0 : i32
    return %c0_i32, %arg0, %c0_i32_0 : i32, i32, i32
  }
  func.func @transform_3(%arg0: i32) -> (i32, i32, i32) {
    %c0_i32 = arith.constant 0 : i32
    %c0_i32_0 = arith.constant 0 : i32
    %c0_i32_1 = arith.constant 0 : i32
    return %c0_i32, %arg0, %c0_i32_0 : i32, i32, i32
  }
  func.func @transform_4(%arg0: i32) -> (i32, i32, i32) {
    %c0_i32 = arith.constant 0 : i32
    %c0_i32_0 = arith.constant 0 : i32
    %c0_i32_1 = arith.constant 0 : i32
    return %c0_i32, %arg0, %c0_i32_0 : i32, i32, i32
  }
  func.func @transform_5(%arg0: i32) -> (i32, i32) {
    %c0_i32 = arith.constant 0 : i32
    %c0_i32_0 = arith.constant 0 : i32
    %c0_i32_1 = arith.constant 0 : i32
    return %c0_i32, %c0_i32_0 : i32, i32
  }
  func.func @transform_6(%arg0: i32) -> (i32, i32) {
    %c0_i32 = arith.constant 0 : i32
    %c0_i32_0 = arith.constant 0 : i32
    %c0_i32_1 = arith.constant 0 : i32
    return %c0_i32, %c0_i32_0 : i32, i32
  }
  func.func @transform_7(%arg0: i32) -> (i32, i32) {
    %c0_i32 = arith.constant 0 : i32
    %c0_i32_0 = arith.constant 0 : i32
    %c0_i32_1 = arith.constant 0 : i32
    return %c0_i32, %c0_i32_0 : i32, i32
  }
  func.func @transform_8(%arg0: i32) -> (i32, i32) {
    %c0_i32 = arith.constant 0 : i32
    %c0_i32_0 = arith.constant 0 : i32
    %c0_i32_1 = arith.constant 0 : i32
    return %c0_i32, %c0_i32_0 : i32, i32
  }
  func.func @transform_9(%arg0: i32) -> (i32, i32) {
    %c0_i32 = arith.constant 0 : i32
    %c0_i32_0 = arith.constant 0 : i32
    return %arg0, %c0_i32 : i32, i32
  }
  func.func @transform_10(%arg0: i32) -> (i32, i32) {
    %c0_i32 = arith.constant 0 : i32
    %c0_i32_0 = arith.constant 0 : i32
    return %arg0, %c0_i32 : i32, i32
  }
  func.func @transform_11(%arg0: i32) -> (i32, i32) {
    %c0_i32 = arith.constant 0 : i32
    %c0_i32_0 = arith.constant 0 : i32
    return %arg0, %c0_i32 : i32, i32
  }
}

</mosaic_0001>

<sc_bundles>
// kernel: kernel.12.cloned.1.call-start
scs
__scs_entry_jumppad:
0x0: {  	(pc) =	sbr.rel $0x88, $3  }
0x1: {  	(tag) =	ssettag $0x0;
	lr =	simm.s32 $0x1  }
0x2: {  	[smem:$0x3F96] =	sst lr;
	_ =	strace $0xD0000000  }
0x3: {  	_ = 	snop  }
0x4: {  	_ = 	snop  }
0x5: {  	_ = 	snop  }
0x6: {  	_ = 	snop  }
0x7: {  	_ = 	snop  }
__scs_overlays_trampoline_lowered:
0x8: {  	[smem:$0x3FA5] =	sst s0  }
0x9: {  	[smem:$0x3FA6] =	sst s1  }
0xa: {  	[smem:$0x3FA7] =	sst s2  }
0xb: {  	[smem:$0x3FA8] =	sst s3  }
0xc: {  	[smem:$0x3FA9] =	sst s4  }
0xd: {  	[smem:$0x3FAA] =	sst s5  }
0xe: {  	[smem:$0x3FAB] =	sst s6  }
0xf: {  	[smem:$0x3FAC] =	sst s7  }
0x10: {  	[smem:$0x3FAD] =	sst s8  }
0x11: {  	[smem:$0x3FAE] =	sst s9;
	s0 =	simm.s32 @!p0 $0x0  }
0x12: {  	s1 =	sld [smem:$0x3F94];
	s0 =	simm.s32 @p0 $0x1  }
0x13: {  	[smem:$0x3FAF] =	sst s0;
	s0 =	simm.s32 @!p1 $0x0  }
0x14: {  	s2 =	sld [smem:$0x3F93];
	s0 =	simm.s32 @p1 $0x1  }
0x15: {  	[smem:$0x3FB0] =	sst s0;
	s0 =	simm.s32 @!p2 $0x0  }
0x16: {  	s3 =	sld [smem:$0x3FDB];
	s0 =	simm.s32 @p2 $0x1  }
0x17: {  	s4 =	simm.s32 $0x1BF5;
	[smem:$0x3FB2] =	sst s0  }
0x18: {  	s0 =	sld [smem:$0x3F95];
	_ =	swait.ge [sflag:s4], $0x0  }
0x19: {  	s7 =	sld [smem:$0x3F96]  }
0x1a: {  	s8 =	sadd.s32 $0xFFFFE003, lr  }
0x1b: {  	s9 =	sadd.s32 $0xFFFFFEF7, lr;
	s5 =	simm.s32 $0xFFFFFFFF;
	p2 =	slt.u32 s8, $0xFFFFF086  }
0x1c: {  	p1 =	slt.u32 s9, $0xF7A;
	s5 =	simm.s32 @!p2 $0x0  }
0x1d: {  	s5 =	simm.s32 @p1 $0x1;
	p0 =	seq.s32 s7, s2  }
0x1e: {  	s7 =	smul.u32 @!p0 $0xF7A, s2;
	p2 =	seq.s32 @!p0 s5, $0x0  }
0x1f: {  	s9 =	smul.u32 $0xF7A, s1;
	s8 =	simm.s32 @!p0 $0x1BF5;
	p2 =	por !p2, p0  }
0x20: {  	[sflag:s8] =	ssyncset.s32 @!p0 $0xFFFFF086;
	s6 =	sadd.s32 @!p0 s3, s7;
	s7 =	simm.s32 @!p0 $0x108  }
0x21: {  	s3 =	sadd.s32 s3, s9;
	s6 =	sadd.s32 @!p0 $0x88, s6;
	s7 =	simm.s32 @p2 $0x1082  }
0x22: {  	[simem:s7], [sflag:s8] =	dma.local @!p0 [hbm:s6], $0xF7A  }
0x23: {  	s9 =	sor.u32 $0xD0000000, s2;
	s6 =	simm.s32 $0x108;
	_ =	swait.ge @!p0 [sflag:s8], $0x0  }
0x24: {  	s3 =	sadd.s32 $0x88, s3;
	s6 =	simm.s32 @!p1 $0x1082;
	[sflag:s4] =	ssyncset.s32 $0xFFFFF086  }
0x25: {  	[simem:s6], [sflag:s4] =	dma.local [hbm:s3], $0xF7A  }
0x26: {  	[smem:$0x3F96] =	sst s1;
	(tag) =	ssettag s2;
	_ =	strace s9  }
0x27: {  	s1 =	sld [smem:$0x3FA6]  }
0x28: {  	s2 =	sld [smem:$0x3FA7]  }
0x29: {  	s4 =	sld [smem:$0x3FA9]  }
0x2a: {  	p0 =	seq.s32 s5, $0x0;
	s5 =	sld [smem:$0x3FAA]  }
0x2b: {  	s6 =	sld [smem:$0x3FAB]  }
0x2c: {  	s7 =	sld [smem:$0x3FAC]  }
0x2d: {  	s3 =	simm.s32 $0x108;
	s8 =	sld [smem:$0x3FAD]  }
0x2e: {  	s3 =	simm.s32 @!p0 $0x1082;
	s9 =	sld [smem:$0x3FAE]  }
0x2f: {  	lr =	sadd.s32 s0, s3;
	s0 =	sld [smem:$0x3FA5]  }
0x30: {  	s3 =	sld [smem:$0x3FA8]  }
0x31: {  	[smem:$0x3FB1] =	sst s10  }
0x32: {  	s10 =	sld [smem:$0x3FAF];
	_ =	sdelay $0x3  }
0x33: {  	p0 =	seq.s32 s10, $0x1;
	s10 =	sld [smem:$0x3FB1];
	_ =	sdelay $0x3  }
0x34: {  	[smem:$0x3FB1] =	sst s10  }
0x35: {  	s10 =	sld [smem:$0x3FB0];
	_ =	sdelay $0x3  }
0x36: {  	p1 =	seq.s32 s10, $0x1;
	s10 =	sld [smem:$0x3FB1];
	_ =	sdelay $0x3  }
0x37: {  	[smem:$0x3FB1] =	sst s10  }
0x38: {  	s10 =	sld [smem:$0x3FB2]  }
0x39: {  	_ = 	snop;
	(pc) =	sbr.ind lr, $3  }
0x3a: {  	_ = 	snop  }
0x3b: {  	_ = 	snop  }
0x3c: {  	p2 =	seq.s32 s10, $0x1;
	s10 =	sld [smem:$0x3FB1]  }
0x3d: {  	_ =	shalt  }
0x3e: {  	_ =	shalt  }
0x3f: {  	_ =	shalt  }
0x40: {  	_ =	shalt  }
0x41: {  	_ =	shalt  }
0x42: {  	_ =	shalt  }
0x43: {  	_ =	shalt  }
0x44: {  	_ =	shalt  }
0x45: {  	_ =	shalt  }
0x46: {  	_ =	shalt  }
0x47: {  	_ =	shalt  }
0x48: {  	_ =	shalt  }
0x49: {  	_ =	shalt  }
0x4a: {  	_ =	shalt  }
0x4b: {  	_ =	shalt  }
0x4c: {  	_ =	shalt  }
0x4d: {  	_ =	shalt  }
0x4e: {  	_ =	shalt  }
0x4f: {  	_ =	shalt  }
0x50: {  	_ =	shalt  }
0x51: {  	_ =	shalt  }
0x52: {  	_ =	shalt  }
0x53: {  	_ =	shalt  }
0x54: {  	_ =	shalt  }
0x55: {  	_ =	shalt  }
0x56: {  	_ =	shalt  }
0x57: {  	_ =	shalt  }
0x58: {  	_ =	shalt  }
0x59: {  	_ =	shalt  }
0x5a: {  	_ =	shalt  }
0x5b: {  	_ =	shalt  }
0x5c: {  	_ =	shalt  }
0x5d: {  	_ =	shalt  }
0x5e: {  	_ =	shalt  }
0x5f: {  	_ =	shalt  }
0x60: {  	_ =	shalt  }
0x61: {  	_ =	shalt  }
0x62: {  	_ =	shalt  }
0x63: {  	_ =	shalt  }
0x64: {  	_ =	shalt  }
0x65: {  	_ =	shalt  }
0x66: {  	_ =	shalt  }
0x67: {  	_ =	shalt  }
0x68: {  	_ =	shalt  }
0x69: {  	_ =	shalt  }
0x6a: {  	_ =	shalt  }
0x6b: {  	_ =	shalt  }
0x6c: {  	_ =	shalt  }
0x6d: {  	_ =	shalt  }
0x6e: {  	_ =	shalt  }
0x6f: {  	_ =	shalt  }
0x70: {  	_ =	shalt  }
0x71: {  	_ =	shalt  }
0x72: {  	_ =	shalt  }
0x73: {  	_ =	shalt  }
0x74: {  	_ =	shalt  }
0x75: {  	_ =	shalt  }
0x76: {  	_ =	shalt  }
0x77: {  	_ =	shalt  }
0x78: {  	_ =	shalt  }
0x79: {  	_ =	shalt  }
0x7a: {  	_ =	shalt  }
0x7b: {  	_ =	shalt  }
0x7c: {  	_ =	shalt  }
0x7d: {  	_ =	shalt  }
0x7e: {  	_ =	shalt  }
0x7f: {  	_ =	shalt  }
0x80: {  	_ =	shalt  }
0x81: {  	_ =	shalt  }
0x82: {  	_ =	shalt  }
0x83: {  	_ =	shalt  }
0x84: {  	_ =	shalt  }
0x85: {  	_ =	shalt  }
0x86: {  	_ =	shalt  }
0x87: {  	_ =	shalt  }
.Lfunc_end0:
.L_simem_size_0:
called_computation_lowered:
.L_overlay_start_0:
0x88: {  	s2 =	sld [smem:$0x3FD9]  }
0x89: {  	s3 =	sld [smem:$0x3FFE];
	_ =	sdelay $0x1  }
0x8a: {  	s1 =	srdreg.scid  }
0x8b: {  	s0 =	sand.u32 $0x1, s1  }
0x8c: {  	s14 =	sshll.u32 s0, $0xA;
	s2 =	sadd.s32 s3, s2  }
0x8d: {  	s2 =	sadd.s32 s2, s14  }
0x8e: {  	[smem:$0x3FBD] =	sst s2  }
0x8f: {  	_ = 	snop  }
0x90: {  	s2 =	sld [smem:$0x3FD0];
	_ =	sdelay $0x2  }
0x91: {  	s15 =	simm.s32 $0xD;
	s4 =	simm.s32 $0x10  }
0x92: {  	[smem:s4], [sflag:s15] =	dma.local [hbm:s2], $0x1  }
0x93: {  	_ =	swait.eq [sflag:s15], $0x1  }
0x94: {  	[sflag:s15] =	ssyncset.done $0x0  }
0x95: {  	[sflag:s15] =	ssyncadd.s32 $0xFFFFFFFF  }
0x96: {  	s16 =	sld [smem:$0x10];
	(tm) =	ssettm $0x1  }
0x97: {  	s17 =	sld [smem:$0x3FFB];
	_ =	sdelay $0x3  }
0x98: {  	_ =	strace s17  }
0x99: {  	s3 =	sld [smem:$0x3FFC];
	_ =	sdelay $0x3  }
0x9a: {  	_ =	strace s3  }
0x9b: {  	s3 =	sld [smem:$0x3FFD];
	_ =	sdelay $0x3  }
0x9c: {  	_ =	strace s3  }
0x9d: {  	_ =	strace $0x8FFFFFFF  }
0x9e: {  	s18 =	sld [smem:$0x3FDB];
	_ =	sdelay $0x1  }
0x9f: {  	s19 =	simm.s32 $_scs_section_size  }
0xa0: {  	s5 =	simm.s32 $_size__tile_overlayer_lowered;
	s6 =	simm.s32 $_tile_overlayer_lowered  }
0xa1: {  	s22 =	simm.s32 $0x1BFF;
	s21 =	sshll.u32 s6, $0x1;
	s3 =	sadd.s32 s19, s18  }
0xa2: {  	s7 =	simm.s32 $0x0;
	s20 =	sshll.u32 s5, $0x1;
	s5 =	sadd.s32 s21, s3  }
0xa3: {  	[timem:s7], [sflag:s22] =	dma.local [hbm:s5], s20  }
0xa4: {  	_ =	swait.ge [sflag:s22], s20  }
0xa5: {  	s4 =	ssub.s32 $0x0, s20;
	[sflag:s22] =	ssyncset.done $0x0  }
0xa6: {  	[sflag:s22] =	ssyncadd.s32 s4;
	_ =	sdelay $0x1  }
0xa7: {  	s23 =	simm.s32 $0x1B8B  }
0xa8: {  	_ =	swait.ge [sflag:s23], $0x1  }
0xa9: {  	[sflag:s23] =	ssyncset.done $0x0  }
0xaa: {  	s25 =	simm.s32 $0x1B8E;
	s24 =	sld [smem:$0x3FFE];
	[sflag:s23] =	ssyncadd.s32 $0xFFFFFFFF  }
0xab: {  	s26 =	simm.s32 $execute0_lowered;
	[smem:$0x3FD2] =	sst s25  }
0xac: {  	s5 =	sshll.u32 s26, $0x1;
	_ =	strace $0x80000046;
	[dreg:$0x1] =	wrdreg $0xFFFFFFFF  }
0xad: {  	s28 =	simm.s32 $_size_execute0_lowered;
	s3 =	sadd.s32 s3, s5;
	[dreg:$0x0] =	wrdreg $0x0  }
0xae: {  	s5 =	sshll.u32 s28, $0x1;
	[dreg:$0x2] =	wrdreg s3  }
0xaf: {  	[dreg:$0x3] =	wrdreg s5  }
0xb0: {  	[dreg:$0x4] =	wrdreg $0xC0  }
0xb1: {  	_ =	task [dreg:s7], $0x5FFFF  }
0xb2: {  	[dreg:$0x1] =	wrdreg $0xFFFFFFFF  }
0xb3: {  	[dreg:$0x0] =	wrdreg $0x60  }
0xb4: {  	[dreg:$0x2] =	wrdreg s24  }
0xb5: {  	[dreg:$0x3] =	wrdreg s16  }
0xb6: {  	[dreg:$0x4] =	wrdreg $0x0  }
0xb7: {  	[dreg:$0x5] =	wrdreg $0x9  }
0xb8: {  	_ =	task.clear_ibuf [dreg:s7], $0x6FFFF;
	_ =	strace $0x90000046  }
0xb9: {  	s29 =	simm.s32 $0x9;
	_ =	strace $0x80000048  }
0xba: {  	_ =	swait.ge [sflag:s29], $0x1  }
0xbb: {  	[sflag:s29] =	ssyncadd.s32 $0xFFFFFFFF  }
0xbc: {  	_ =	strace $0x90000048  }
0xbd: {  	_ =	sfence  }
0xbe: {  	s30 =	sld [smem:$0x0];
	_ =	sdelay $0x2  }
0xbf: {  	s31 =	sshll.u32 s1, $0xD;
	s1 =	sshrl.u32 s1, $0x2  }
0xc0: {  	s3 =	sand.u32 $0x4000, s31;
	s1 =	sadd.s32 s1, s30  }
0xc1: {  	s0 =	sor.u32 s3, s0;
	s1 =	sshll.u32 s1, $0x11  }
0xc2: {  	s0 =	sor.u32 s1, s0  }
0xc3: {  	s0 =	sadd.s32 $0x8F2B, s0  }
0xc4: {  	[sflag:s0] =	ssyncadd.remote.s32 $0x1  }
0xc5: {  	_ =	sfence.sel $0xFFFF  }
0xc6: {  	[dreg:$0x0] =	wrdreg $0xFFFFFFFF;
	(pc) =	sbr.abs _section_cstart, $3  }
0xc7: {  	[dreg:$0x1] =	wrdreg $0xFFFFFFFF  }
0xc8: {  	_ =	task.clear_ibuf [dreg:s7], $0x2FFFF;
	_ =	strace $0x9FFFFFFF  }
0xc9: {  	(tm) =	ssettm $0x7FFFFFFF  }
tec
execute0_lowered:
.L_overlay_start_1:
0x0: {  	(tag) =	ssettag $0x1  }
0x1: {  	s5 =	rddreg [dreg:$0x0]  }
0x2: {  	s0 =	srdreg.scid;
	s7 =	rddreg [dreg:$0x1]  }
0x3: {  	s2 =	rddreg [dreg:$0x2];
	s3 =	simm.s32 $0x0;
	s16 =	simm.s32 $0x50  }
0x4: {  	s18 =	simm.s32 $0x0;
	s6 =	sand.u32 $0x1, s0;
	s0 =	stileid.u32  }
0x5: {  	[smem:$0x7FF] =	sst s3;
	s13 =	sadd.s32 $0x24900, s2;
	s9 =	smul.u32 $0x9C00, s0  }
0x6: {  	s1 =	sshll.u32 s6, $0x4;
	s10 =	ssub.s32 $0x2, s6;
	s11 =	smul.u32 $0x27100, s6  }
0x7: {  	s12 =	smul.u32 $0x2700, s0;
	p0 =	seq.s32 s0, $0xF;
	s4 =	sor.u32 s0, s1  }
0x8: {  	s1 =	rddreg [dreg:$0x3];
	_ =	strace $0x80000047;
	s28 =	sshrl.u32 s10, $0x1  }
0x9: {  	s14 =	sshll.u32 @!p0 s0, $0x6;
	s13 =	sshrl.u32 @p0 s13, $0x3;
	s4 =	smul.u32 $0x4E2, s4  }
0xa: {  	s10 =	ssub.s32 s10, s28;
	s29 =	sshrl.u32 s9, $0x2;
	s30 =	sadd.s32 s12, s11  }
0xb: {  	s31 =	sshrl.u32 s11, $0x3;
	s17 =	sadd.s32 s12, s2;
	s11 =	simm.s32 $0x1  }
0xc: {  	s12 =	simm.s32 $0x4E20;
	s14 =	sor.u32 @!p0 $0x1C01, s14;
	s15 =	sadd.s32 s29, s2  }
0xd: {  	s9 =	sadd.s32 s7, s31;
	s17 =	sshrl.u32 @!p0 s17, $0x3;
	s8 =	sadd.s32 s4, s5  }
0xe: {  	s4 =	sadd.s32 $0x17E00, s5;
	s6 =	sadd.s32 $0x4200, s8;
	s8 =	sshrl.u32 s30, $0x3  }
0xf: {  	s5 =	sadd.s32 $0x18400, s5;
	s15 =	sshrl.u32 @!p0 s15, $0x3;
	s7 =	sadd.s32 s7, s8  }
0x10: {  	s8 =	sadd.s32 $0x4920, s9;
	s9 =	smax.u32 s10, $0x1;
	s10 =	simm.s32 $0x2710  }
.LBB2_1:
0x11: {  	[tilespmem:s10], [sflag:$0x1] =	stream.linear.gather [hbm4b:s6+s3], $0x2710, $0x38;
	[tilespmem:$0x5320] =	vst v63  }
0x12: {  	_ =	swait.ge [sflag:s11], $0x2710  }
0x13: {  	[sflag:s11] =	ssyncset.done $0x0  }
0x14: {  	[sflag:s11] =	ssyncadd.s32 $0xFFFFD8F0  }
0x15: {  	[tilespmem:s12], [sflag:$0x1] =	stream.linear.gather [hbm4b:s5+s3], $0x500, $0x38;
	[tilespmem:$0x5320] =	vst v63  }
0x16: {  	_ =	swait.ge [sflag:s11], $0x500  }
0x17: {  	[sflag:s11] =	ssyncset.done $0x0  }
0x18: {  	s19 =	simm.s32 @p0 $0x1FC1;
	[sflag:s11] =	ssyncadd.s32 $0xFFFFFB00  }
0x19: {  	[spmem:s13], [sflag:s19] =	dma.local @p0 [hbm:s4], $0x500  }
0x1a: {  	s19 =	simm.s32 @p0 $0x1  }
0x1b: {  	_ =	swait.ge @p0 [sflag:s19], $0x500  }
0x1c: {  	[sflag:s19] =	ssyncset.done @p0 $0x0  }
0x1d: {  	[sflag:s19] =	ssyncadd.s32 @p0 $0xFFFFFB00;
	s19 =	simm.s32 @!p0 $0x1  }
0x1e: {  	[spmem:s15], [sflag:s14] =	dma.local @!p0 [hbm:s4], $0x4E0  }
0x1f: {  	_ =	swait.ge @!p0 [sflag:s19], $0x4E0  }
0x20: {  	[sflag:s19] =	ssyncset.done @!p0 $0x0  }
0x21: {  	[sflag:s19] =	ssyncadd.s32 @!p0 $0xFFFFFB20  }
0x22: {  	s31 =	simm.s32 $0x2710;
	[bflag:$0x0] =	sbarrier.arrive $0xFFFF  }
0x23: {  	[spmem:s2] =	stream.indirect.scatter.add.f32 [tilespmem:s12], [sflag:$0x1], $0x10, s31, s16, $0xb8;
	[tilespmem:$0x5320] =	vst v63  }
0x24: {  	s19 =	simm.s32 $0x140;
	_ =	swait.ge [sflag:s11], $0x500  }
.LBB2_2:
0x25: {  	s20 =	sshra.s32 s19, $0x2;
	[sflag:s11] =	ssyncset.done $0x0;
	p1 =	sne.s32 s19, $0x9B00  }
.Ltmp0:
0x26: {  	s20 =	sadd.s32 $0x2710, s20;
	[sflag:s11] =	ssyncadd.s32 $0xFFFFFB00;
	(pc) =	sbr.rel @p1 .LBB2_2-.Ltmp0, $3  }
0x27: {  	[spmem:s2] =	stream.indirect.scatter.add.f32 [tilespmem:s12], [sflag:$0x1], $0x10, s20, s16, $0xb8;
	[tilespmem:$0x5320] =	vst v63  }
0x28: {  	s19 =	sadd.s32 $0x140, s19;
	_ =	sdelay $0x1  }
0x29: {  	_ =	swait.ge [sflag:s11], $0x500  }
0x2a: {  	[sflag:s11] =	ssyncset.done $0x0  }
0x2b: {  	[sflag:s11] =	ssyncadd.s32 $0xFFFFFB00  }
0x2c: {  	s19 =	simm.s32 @p0 $0x1FC1;
	[bflag:$0x0] =	sbarrier.arrive $0xFFFF  }
0x2d: {  	[hbm:s8], [sflag:s19] =	dma.local @p0 [spmem:s13], $0x500  }
0x2e: {  	s19 =	simm.s32 @p0 $0x1  }
0x2f: {  	s18 =	sadd.s32 $0x1, s18;
	_ =	swait.ge @p0 [sflag:s19], $0x500  }
0x30: {  	p1 =	sne.s32 s18, s9;
	[sflag:s19] =	ssyncset.done @p0 $0x0  }
.Ltmp1:
0x31: {  	[sflag:s19] =	ssyncadd.s32 @p0 $0xFFFFFB00;
	s19 =	simm.s32 @!p0 $0x1;
	(pc) =	sbr.rel @p1 .LBB2_1-.Ltmp1, $4  }
0x32: {  	[hbm:s7], [sflag:s14] =	dma.local @!p0 [spmem:s17], $0x4E0  }
0x33: {  	_ =	swait.ge @!p0 [sflag:s19], $0x4E0  }
0x34: {  	[sflag:s19] =	ssyncset.done @!p0 $0x0  }
0x35: {  	[sflag:s19] =	ssyncadd.s32 @!p0 $0xFFFFFB20  }
0x36: {  	_ =	sfence.sel $0x180000  }
0x37: {  	[bflag:$0x0] =	sbarrier.arrive $0xFFFF  }
0x38: {  	p0 =	sne.s32 s0, $0x0;
	_ =	strace $0x90000047  }
0x39: {  	s0 =	sadd.s32 @!p0 $0x100000, s1;
	[bflag:$0x2] =	sbarrier.arrive $0xFFFF  }
0x3a: {  	[sflag:s0] =	ssyncadd.tile.s32 @!p0 $0x1;
	_ =	shalt  }
.Lfunc_end2:
_tile_overlayer_lowered:
.L_overlay_start_2:
0x3b: {  	(tag) =	ssettag $0x2  }
0x3c: {  	s0 =	rddreg [dreg:$0x0];
	s2 =	stileid.u32  }
0x3d: {  	s1 =	rddreg [dreg:$0x1];
	p0 =	sne.s32 s2, $0x0  }
0x3e: {  	s3 =	rddreg [dreg:$0x2];
	[bflag:$0x3] =	sbarrier.arrive $0xFFFF;
	s2 =	simm.s32 @!p0 $0x1C01  }
0x3f: {  	[timem:s3], [sflag:s2] =	dma.local @!p0 [hbm:s0], s1  }
0x40: {  	s0 =	simm.s32 @!p0 $0x1  }
0x41: {  	_ =	swait.ge @!p0 [sflag:s0], s1  }
0x42: {  	s1 =	ssub.s32 @!p0 $0x0, s1;
	[sflag:s0] =	ssyncset.done @!p0 $0x0  }
0x43: {  	[sflag:s0] =	ssyncadd.s32 @!p0 s1  }
0x44: {  	[bflag:$0x3] =	sbarrier.arrive $0xFFFF  }
0x45: {  	_ =	shalt  }

// kernel: kernel.15.cloned.1.call-start
scs
__scs_entry_jumppad:
0x0: {  	(pc) =	sbr.rel $0x88, $3  }
0x1: {  	(tag) =	ssettag $0x0;
	lr =	simm.s32 $0x1  }
0x2: {  	[smem:$0x3F96] =	sst lr;
	_ =	strace $0xD0000000  }
0x3: {  	_ = 	snop  }
0x4: {  	_ = 	snop  }
0x5: {  	_ = 	snop  }
0x6: {  	_ = 	snop  }
0x7: {  	_ = 	snop  }
__scs_overlays_trampoline_lowered:
0x8: {  	[smem:$0x3FA5] =	sst s0  }
0x9: {  	[smem:$0x3FA6] =	sst s1  }
0xa: {  	[smem:$0x3FA7] =	sst s2  }
0xb: {  	[smem:$0x3FA8] =	sst s3  }
0xc: {  	[smem:$0x3FA9] =	sst s4  }
0xd: {  	[smem:$0x3FAA] =	sst s5  }
0xe: {  	[smem:$0x3FAB] =	sst s6  }
0xf: {  	[smem:$0x3FAC] =	sst s7  }
0x10: {  	[smem:$0x3FAD] =	sst s8  }
0x11: {  	[smem:$0x3FAE] =	sst s9;
	s0 =	simm.s32 @!p0 $0x0  }
0x12: {  	s1 =	sld [smem:$0x3F94];
	s0 =	simm.s32 @p0 $0x1  }
0x13: {  	[smem:$0x3FAF] =	sst s0;
	s0 =	simm.s32 @!p1 $0x0  }
0x14: {  	s2 =	sld [smem:$0x3F93];
	s0 =	simm.s32 @p1 $0x1  }
0x15: {  	[smem:$0x3FB0] =	sst s0;
	s0 =	simm.s32 @!p2 $0x0  }
0x16: {  	s3 =	sld [smem:$0x3FDB];
	s0 =	simm.s32 @p2 $0x1  }
0x17: {  	s4 =	simm.s32 $0x1BF5;
	[smem:$0x3FB2] =	sst s0  }
0x18: {  	s0 =	sld [smem:$0x3F95];
	_ =	swait.ge [sflag:s4], $0x0  }
0x19: {  	s7 =	sld [smem:$0x3F96]  }
0x1a: {  	s8 =	sadd.s32 $0xFFFFE003, lr  }
0x1b: {  	s9 =	sadd.s32 $0xFFFFFEF7, lr;
	s5 =	simm.s32 $0xFFFFFFFF;
	p2 =	slt.u32 s8, $0xFFFFF086  }
0x1c: {  	p1 =	slt.u32 s9, $0xF7A;
	s5 =	simm.s32 @!p2 $0x0  }
0x1d: {  	s5 =	simm.s32 @p1 $0x1;
	p0 =	seq.s32 s7, s2  }
0x1e: {  	s7 =	smul.u32 @!p0 $0xF7A, s2;
	p2 =	seq.s32 @!p0 s5, $0x0  }
0x1f: {  	s9 =	smul.u32 $0xF7A, s1;
	s8 =	simm.s32 @!p0 $0x1BF5;
	p2 =	por !p2, p0  }
0x20: {  	[sflag:s8] =	ssyncset.s32 @!p0 $0xFFFFF086;
	s6 =	sadd.s32 @!p0 s3, s7;
	s7 =	simm.s32 @!p0 $0x108  }
0x21: {  	s3 =	sadd.s32 s3, s9;
	s6 =	sadd.s32 @!p0 $0x88, s6;
	s7 =	simm.s32 @p2 $0x1082  }
0x22: {  	[simem:s7], [sflag:s8] =	dma.local @!p0 [hbm:s6], $0xF7A  }
0x23: {  	s9 =	sor.u32 $0xD0000000, s2;
	s6 =	simm.s32 $0x108;
	_ =	swait.ge @!p0 [sflag:s8], $0x0  }
0x24: {  	s3 =	sadd.s32 $0x88, s3;
	s6 =	simm.s32 @!p1 $0x1082;
	[sflag:s4] =	ssyncset.s32 $0xFFFFF086  }
0x25: {  	[simem:s6], [sflag:s4] =	dma.local [hbm:s3], $0xF7A  }
0x26: {  	[smem:$0x3F96] =	sst s1;
	(tag) =	ssettag s2;
	_ =	strace s9  }
0x27: {  	s1 =	sld [smem:$0x3FA6]  }
0x28: {  	s2 =	sld [smem:$0x3FA7]  }
0x29: {  	s4 =	sld [smem:$0x3FA9]  }
0x2a: {  	p0 =	seq.s32 s5, $0x0;
	s5 =	sld [smem:$0x3FAA]  }
0x2b: {  	s6 =	sld [smem:$0x3FAB]  }
0x2c: {  	s7 =	sld [smem:$0x3FAC]  }
0x2d: {  	s3 =	simm.s32 $0x108;
	s8 =	sld [smem:$0x3FAD]  }
0x2e: {  	s3 =	simm.s32 @!p0 $0x1082;
	s9 =	sld [smem:$0x3FAE]  }
0x2f: {  	lr =	sadd.s32 s0, s3;
	s0 =	sld [smem:$0x3FA5]  }
0x30: {  	s3 =	sld [smem:$0x3FA8]  }
0x31: {  	[smem:$0x3FB1] =	sst s10  }
0x32: {  	s10 =	sld [smem:$0x3FAF];
	_ =	sdelay $0x3  }
0x33: {  	p0 =	seq.s32 s10, $0x1;
	s10 =	sld [smem:$0x3FB1];
	_ =	sdelay $0x3  }
0x34: {  	[smem:$0x3FB1] =	sst s10  }
0x35: {  	s10 =	sld [smem:$0x3FB0];
	_ =	sdelay $0x3  }
0x36: {  	p1 =	seq.s32 s10, $0x1;
	s10 =	sld [smem:$0x3FB1];
	_ =	sdelay $0x3  }
0x37: {  	[smem:$0x3FB1] =	sst s10  }
0x38: {  	s10 =	sld [smem:$0x3FB2]  }
0x39: {  	_ = 	snop;
	(pc) =	sbr.ind lr, $3  }
0x3a: {  	_ = 	snop  }
0x3b: {  	_ = 	snop  }
0x3c: {  	p2 =	seq.s32 s10, $0x1;
	s10 =	sld [smem:$0x3FB1]  }
0x3d: {  	_ =	shalt  }
0x3e: {  	_ =	shalt  }
0x3f: {  	_ =	shalt  }
0x40: {  	_ =	shalt  }
0x41: {  	_ =	shalt  }
0x42: {  	_ =	shalt  }
0x43: {  	_ =	shalt  }
0x44: {  	_ =	shalt  }
0x45: {  	_ =	shalt  }
0x46: {  	_ =	shalt  }
0x47: {  	_ =	shalt  }
0x48: {  	_ =	shalt  }
0x49: {  	_ =	shalt  }
0x4a: {  	_ =	shalt  }
0x4b: {  	_ =	shalt  }
0x4c: {  	_ =	shalt  }
0x4d: {  	_ =	shalt  }
0x4e: {  	_ =	shalt  }
0x4f: {  	_ =	shalt  }
0x50: {  	_ =	shalt  }
0x51: {  	_ =	shalt  }
0x52: {  	_ =	shalt  }
0x53: {  	_ =	shalt  }
0x54: {  	_ =	shalt  }
0x55: {  	_ =	shalt  }
0x56: {  	_ =	shalt  }
0x57: {  	_ =	shalt  }
0x58: {  	_ =	shalt  }
0x59: {  	_ =	shalt  }
0x5a: {  	_ =	shalt  }
0x5b: {  	_ =	shalt  }
0x5c: {  	_ =	shalt  }
0x5d: {  	_ =	shalt  }
0x5e: {  	_ =	shalt  }
0x5f: {  	_ =	shalt  }
0x60: {  	_ =	shalt  }
0x61: {  	_ =	shalt  }
0x62: {  	_ =	shalt  }
0x63: {  	_ =	shalt  }
0x64: {  	_ =	shalt  }
0x65: {  	_ =	shalt  }
0x66: {  	_ =	shalt  }
0x67: {  	_ =	shalt  }
0x68: {  	_ =	shalt  }
0x69: {  	_ =	shalt  }
0x6a: {  	_ =	shalt  }
0x6b: {  	_ =	shalt  }
0x6c: {  	_ =	shalt  }
0x6d: {  	_ =	shalt  }
0x6e: {  	_ =	shalt  }
0x6f: {  	_ =	shalt  }
0x70: {  	_ =	shalt  }
0x71: {  	_ =	shalt  }
0x72: {  	_ =	shalt  }
0x73: {  	_ =	shalt  }
0x74: {  	_ =	shalt  }
0x75: {  	_ =	shalt  }
0x76: {  	_ =	shalt  }
0x77: {  	_ =	shalt  }
0x78: {  	_ =	shalt  }
0x79: {  	_ =	shalt  }
0x7a: {  	_ =	shalt  }
0x7b: {  	_ =	shalt  }
0x7c: {  	_ =	shalt  }
0x7d: {  	_ =	shalt  }
0x7e: {  	_ =	shalt  }
0x7f: {  	_ =	shalt  }
0x80: {  	_ =	shalt  }
0x81: {  	_ =	shalt  }
0x82: {  	_ =	shalt  }
0x83: {  	_ =	shalt  }
0x84: {  	_ =	shalt  }
0x85: {  	_ =	shalt  }
0x86: {  	_ =	shalt  }
0x87: {  	_ =	shalt  }
.Lfunc_end0:
.L_simem_size_0:
called_computation.1_lowered:
.L_overlay_start_0:
0x88: {  	s2 =	sld [smem:$0x3FD9]  }
0x89: {  	s3 =	sld [smem:$0x3FFE];
	_ =	sdelay $0x1  }
0x8a: {  	s1 =	srdreg.scid  }
0x8b: {  	s0 =	sand.u32 $0x1, s1  }
0x8c: {  	s17 =	sshll.u32 s0, $0xA;
	s2 =	sadd.s32 s3, s2  }
0x8d: {  	s2 =	sadd.s32 s2, s17  }
0x8e: {  	[smem:$0x3FBD] =	sst s2  }
0x8f: {  	_ = 	snop  }
0x90: {  	s18 =	sld [smem:$0x3FC9];
	(tm) =	ssettm $0x1  }
0x91: {  	s19 =	sld [smem:$0x3FFB];
	_ =	sdelay $0x3  }
0x92: {  	_ =	strace s19  }
0x93: {  	s2 =	sld [smem:$0x3FFC];
	_ =	sdelay $0x3  }
0x94: {  	_ =	strace s2  }
0x95: {  	s2 =	sld [smem:$0x3FFD];
	_ =	sdelay $0x3  }
0x96: {  	_ =	strace s2  }
0x97: {  	_ =	strace $0x8FFFFFFF  }
0x98: {  	s20 =	sld [smem:$0x3FDB];
	_ =	sdelay $0x1  }
0x99: {  	s4 =	simm.s32 $_scs_section_size  }
0x9a: {  	s5 =	simm.s32 $_size__tile_overlayer_lowered;
	s6 =	simm.s32 $_tile_overlayer_lowered  }
0x9b: {  	s7 =	simm.s32 $0x1BFF;
	s21 =	sshll.u32 s6, $0x1;
	s4 =	sadd.s32 s4, s20  }
0x9c: {  	s22 =	simm.s32 $0x0;
	s5 =	sshll.u32 s5, $0x1;
	s6 =	sadd.s32 s21, s4  }
0x9d: {  	[timem:s22], [sflag:s7] =	dma.local [hbm:s6], s5  }
0x9e: {  	_ =	swait.ge [sflag:s7], s5  }
0x9f: {  	s5 =	ssub.s32 $0x0, s5;
	[sflag:s7] =	ssyncset.done $0x0  }
0xa0: {  	[sflag:s7] =	ssyncadd.s32 s5;
	_ =	sdelay $0x1  }
0xa1: {  	s23 =	simm.s32 $0x1B8B  }
0xa2: {  	_ =	swait.ge [sflag:s23], $0x1  }
0xa3: {  	[sflag:s23] =	ssyncset.done $0x0  }
0xa4: {  	[sflag:s23] =	ssyncadd.s32 $0xFFFFFFFF  }
0xa5: {  	s5 =	sld [smem:$0x0]  }
0xa6: {  	s6 =	sand.u32 $0xFFFFFFFE, s1  }
0xa7: {  	p0 =	sne.s32 s1, s6  }
0xa8: {  	s6 =	sshll.u32 @p0 s6, $0xE  }
0xa9: {  	s6 =	sadd.s32 @p0 $0x11B8D, s6;
	s7 =	sshll.u32 @p0 s5, $0x11  }
0xaa: {  	s6 =	sor.u32 @p0 s7, s6  }
0xab: {  	[sflag:s6] =	ssyncadd.remote.s32 @p0 $0x1;
	_ =	sdelay $0x1  }
0xac: {  	s6 =	simm.s32 @p0 $0x1B8D  }
0xad: {  	_ =	swait.eq @p0 [sflag:s6], $0x1  }
0xae: {  	[sflag:s6] =	ssyncadd.s32 @p0 $0xFFFFFFFF  }
0xaf: {  	s7 =	sshll.u32 @!p0 s1, $0xE  }
0xb0: {  	s7 =	sor.u32 @!p0 $0x4000, s7;
	s6 =	simm.s32 @!p0 $0x1B8D  }
0xb1: {  	s5 =	sshll.u32 @!p0 s5, $0x11;
	s7 =	sadd.s32 @!p0 $0x11B8D, s7;
	_ =	swait.eq @!p0 [sflag:s6], $0x1  }
0xb2: {  	s5 =	sor.u32 @!p0 s5, s7;
	[sflag:s6] =	ssyncadd.s32 @!p0 $0xFFFFFFFF  }
0xb3: {  	s25 =	simm.s32 $0x1B8E;
	s24 =	sld [smem:$0x3FFE];
	[sflag:s5] =	ssyncadd.remote.s32 @!p0 $0x1  }
0xb4: {  	s26 =	simm.s32 $execute0_lowered;
	[smem:$0x3FD2] =	sst s25  }
0xb5: {  	s6 =	sshll.u32 s26, $0x1;
	_ =	strace $0x8000004F;
	[dreg:$0x1] =	wrdreg $0xFFFFFFFF  }
0xb6: {  	s28 =	simm.s32 $_size_execute0_lowered;
	s4 =	sadd.s32 s4, s6;
	[dreg:$0x0] =	wrdreg $0x0  }
0xb7: {  	s6 =	sshll.u32 s28, $0x1;
	[dreg:$0x2] =	wrdreg s4  }
0xb8: {  	[dreg:$0x3] =	wrdreg s6  }
0xb9: {  	[dreg:$0x4] =	wrdreg $0xC0  }
0xba: {  	_ =	task [dreg:s22], $0x5FFFF  }
0xbb: {  	[dreg:$0x1] =	wrdreg $0xFFFFFFFF  }
0xbc: {  	[dreg:$0x0] =	wrdreg $0x60  }
0xbd: {  	[dreg:$0x2] =	wrdreg s18  }
0xbe: {  	[dreg:$0x3] =	wrdreg s24  }
0xbf: {  	[dreg:$0x4] =	wrdreg $0x0  }
0xc0: {  	[dreg:$0x5] =	wrdreg $0xA  }
0xc1: {  	_ =	task.clear_ibuf [dreg:s22], $0x6FFFF;
	_ =	strace $0x9000004F  }
0xc2: {  	s29 =	simm.s32 $0xA;
	_ =	strace $0x80000051  }
0xc3: {  	_ =	swait.ge [sflag:s29], $0x1  }
0xc4: {  	[sflag:s29] =	ssyncadd.s32 $0xFFFFFFFF  }
0xc5: {  	_ =	strace $0x90000051  }
0xc6: {  	_ =	sfence  }
0xc7: {  	s30 =	sld [smem:$0x0];
	_ =	sdelay $0x2  }
0xc8: {  	s31 =	sshll.u32 s1, $0xD;
	s1 =	sshrl.u32 s1, $0x2  }
0xc9: {  	s4 =	sand.u32 $0x4000, s31;
	s1 =	sadd.s32 s1, s30  }
0xca: {  	s0 =	sor.u32 s4, s0;
	s1 =	sshll.u32 s1, $0x11  }
0xcb: {  	s0 =	sor.u32 s1, s0  }
0xcc: {  	s0 =	sadd.s32 $0x8F2B, s0  }
0xcd: {  	[sflag:s0] =	ssyncadd.remote.s32 $0x1  }
0xce: {  	_ =	sfence.sel $0xFFFF  }
0xcf: {  	[dreg:$0x0] =	wrdreg $0xFFFFFFFF;
	(pc) =	sbr.abs _section_cstart, $3  }
0xd0: {  	[dreg:$0x1] =	wrdreg $0xFFFFFFFF  }
0xd1: {  	_ =	task.clear_ibuf [dreg:s22], $0x2FFFF;
	_ =	strace $0x9FFFFFFF  }
0xd2: {  	(tm) =	ssettm $0x7FFFFFFF  }
0xd3: {  	_ =	shalt  }
tec
execute0_lowered:
.L_overlay_start_1:
0x0: {  	(tag) =	ssettag $0x1  }
0x1: {  	s1 =	rddreg [dreg:$0x0]  }
0x2: {  	s6 =	rddreg [dreg:$0x1]  }
0x3: {  	s0 =	srdreg.scid;
	s3 =	rddreg [dreg:$0x2];
	s17 =	simm.s32 $0x50  }
0x4: {  	s18 =	simm.s32 $0x186A0;
	s19 =	simm.s32 $0x138D0;
	s20 =	simm.s32 $0x1AEA0  }
0x5: {  	s21 =	simm.s32 $0x3;
	s22 =	simm.s32 $0x1D6A0;
	s23 =	simm.s32 $0x5  }
0x6: {  	s25 =	simm.s32 $0x2;
	s2 =	sand.u32 $0x1, s0;
	s0 =	stileid.u32  }
0x7: {  	s26 =	simm.s32 $0x1;
	s28 =	simm.s32 $0x0;
	s8 =	smul.u32 $0x4E000, s0  }
0x8: {  	s4 =	sshll.u32 s2, $0x4;
	s9 =	ssub.s32 $0x2, s2;
	s2 =	smul.u32 $0x138800, s2  }
0x9: {  	s10 =	sadd.s32 $0xB7400, s6;
	s14 =	sadd.s32 $0x124800, s3;
	s11 =	smul.u32 $0x13800, s0  }
0xa: {  	p0 =	seq.s32 s0, $0xF;
	s5 =	sor.u32 s0, s4;
	s4 =	simm.s32 $0x0  }
0xb: {  	s30 =	sshrl.u32 s9, $0x1;
	s14 =	sshrl.u32 @p0 s14, $0x3;
	s5 =	smul.u32 $0x4E2, s5  }
0xc: {  	[smem:$0x7FF] =	sst s4;
	s12 =	ssub.s32 s9, s30;
	s8 =	sshrl.u32 s8, $0x2  }
0xd: {  	s31 =	sadd.s32 s11, s2;
	s2 =	sshrl.u32 s2, $0x3;
	s24 =	sadd.s32 s11, s3  }
0xe: {  	s11 =	simm.s32 $0x13880;
	_ =	strace $0x80000050;
	s16 =	sadd.s32 s8, s3  }
.Ltmp0:
0xf: {  	s8 =	sshrl.u32 s31, $0x3;
	s2 =	sadd.s32 s10, s2;
	(pc) =	sbr.rel .LBB2_1-.Ltmp0, $4  }
0x10: {  	s24 =	sshrl.u32 @!p0 s24, $0x3;
	s7 =	sadd.s32 s5, s6;
	s5 =	sadd.s32 $0x18800, s6  }
0x11: {  	s8 =	sadd.s32 s10, s8;
	s9 =	sadd.s32 $0x24900, s2;
	s10 =	smax.u32 s12, $0x1  }
0x12: {  	s12 =	simm.s32 $0x7;
	s2 =	sshll.u32 @!p0 s0, $0x6;
	s16 =	sshrl.u32 @!p0 s16, $0x3  }
0x13: {  	s6 =	sadd.s32 $0xE000, s7;
	s7 =	sadd.s32 $0x4200, s7;
	s15 =	sor.u32 @!p0 $0x1C07, s2  }
.LBB2_13:
0x14: {  	_ =	swait.ge [sflag:s23], $0x2800  }
0x15: {  	[sflag:s23] =	ssyncset.done $0x0  }
0x16: {  	[sflag:s23] =	ssyncadd.s32 $0xFFFFD800  }
0x17: {  	s0 =	simm.s32 @p0 $0x1FC7;
	[bflag:$0x0] =	sbarrier.arrive $0xFFFF  }
0x18: {  	[hbm:s9], [sflag:s0] =	dma.local @p0 [spmem:s14], $0x2800  }
0x19: {  	s0 =	simm.s32 @p0 $0x7  }
0x1a: {  	s28 =	sadd.s32 $0x1, s28;
	_ =	swait.ge @p0 [sflag:s0], $0x2800  }
0x1b: {  	p1 =	sne.s32 s28, s10;
	[sflag:s0] =	ssyncset.done @p0 $0x0  }
.Ltmp1:
0x1c: {  	[sflag:s0] =	ssyncadd.s32 @p0 $0xFFFFD800;
	s0 =	simm.s32 @!p0 $0x7;
	(pc) =	sbr.rel @!p1 .LBB2_14-.Ltmp1, $4  }
0x1d: {  	[hbm:s8], [sflag:s15] =	dma.local @!p0 [spmem:s24], $0x2700  }
0x1e: {  	_ =	swait.ge @!p0 [sflag:s0], $0x2700  }
0x1f: {  	[sflag:s0] =	ssyncset.done @!p0 $0x0  }
0x20: {  	[sflag:s0] =	ssyncadd.s32 @!p0 $0xFFFFD900  }
.LBB2_1:
0x21: {  	[tilespmem:s11], [sflag:$0x7] =	stream.linear.gather [hbm4b:s6+s4], $0x2710, $0x38;
	[tilespmem:$0x1FEA0] =	vst v63  }
0x22: {  	_ =	swait.ge [sflag:s12], $0x2710  }
0x23: {  	[sflag:s12] =	ssyncset.done $0x0  }
0x24: {  	s0 =	simm.s32 $0x15F90;
	[sflag:s12] =	ssyncadd.s32 $0xFFFFD8F0  }
0x25: {  	[tilespmem:s0], [sflag:$0x7] =	stream.linear.gather [hbm4b:s7+s4], $0x2710, $0x38;
	[tilespmem:$0x1FEA0] =	vst v63  }
0x26: {  	_ =	swait.ge [sflag:s12], $0x2710  }
0x27: {  	[sflag:s12] =	ssyncset.done $0x0  }
0x28: {  	s2 =	simm.s32 @p0 $0x1FC7;
	[sflag:s12] =	ssyncadd.s32 $0xFFFFD8F0  }
0x29: {  	[spmem:s14], [sflag:s2] =	dma.local @p0 [hbm:s5], $0x2800  }
0x2a: {  	s2 =	simm.s32 @p0 $0x7  }
0x2b: {  	_ =	swait.ge @p0 [sflag:s2], $0x2800  }
0x2c: {  	[sflag:s2] =	ssyncset.done @p0 $0x0  }
0x2d: {  	[sflag:s2] =	ssyncadd.s32 @p0 $0xFFFFD800;
	s2 =	simm.s32 @!p0 $0x7  }
0x2e: {  	[spmem:s16], [sflag:s15] =	dma.local @!p0 [hbm:s5], $0x2700  }
0x2f: {  	_ =	swait.ge @!p0 [sflag:s2], $0x2700  }
0x30: {  	[sflag:s2] =	ssyncset.done @!p0 $0x0  }
.Ltmp2:
0x31: {  	[sflag:s2] =	ssyncadd.s32 @!p0 $0xFFFFD900;
	(pc) =	sbr.rel .LBB2_2-.Ltmp2, $4  }
0x32: {  	[bflag:$0x0] =	sbarrier.arrive $0xFFFF  }
0x33: {  	[tilespmem:s18], [sflag:$0x1] =	stream.indirect.gather [hbm4b:s1+s17], $0x80, s11, s17, $0xb8;
	[tilespmem:$0x1FEA0] =	vst v63  }
0x34: {  	s29 =	simm.s32 $0x13920;
	s30 =	simm.s32 $0x15F90;
	s31 =	simm.s32 $0x0  }
0x35: {  	[tilespmem:s20], [sflag:$0x2] =	stream.indirect.gather [hbm4b:s1+s17], $0x80, s19, s17, $0xb8;
	[tilespmem:$0x1FEA0] =	vst v63  }
.LBB2_8:
0x36: {  	[tilespmem:s18], [sflag:$0x1] =	stream.indirect.gather [hbm4b:s1+s17], $0x80, s29, s17, $0xb8;
	[tilespmem:$0x1FEA0] =	vst v63  }
.LBB2_12:
0x37: {  	s31 =	sadd.s32 $0x1, s31  }
0x38: {  	p1 =	sne.s32 s31, $0x7D  }
.Ltmp3:
0x39: {  	_ = 	snop;
	(pc) =	sbr.rel @!p1 .LBB2_13-.Ltmp3, $2  }
0x3a: {  	_ =	sdelay $0x2  }
0x3b: {  	s30 =	sadd.s32 $0x50, s30;
	s29 =	sadd.s32 $0x50, s29  }
.LBB2_2:
0x3c: {  	s2 =	smul.u32 $0xAB, s31;
	_ =	sdelay $0x1  }
0x3d: {  	s2 =	sshrl.u32 s2, $0x9  }
0x3e: {  	s2 =	sand.u32 $0x7F, s2  }
0x3f: {  	s2 =	smul.u32 $0x3, s2;
	_ =	sdelay $0x1  }
0x40: {  	s2 =	ssub.s32 s31, s2  }
0x41: {  	s2 =	sand.u32 $0xFF, s2  }
0x42: {  	p1 =	seq.s32 s2, $0x2  }
.Ltmp4:
0x43: {  	_ = 	snop;
	(pc) =	sbr.rel @p1 .LBB2_4-.Ltmp4, $1  }
0x44: {  	_ =	sdelay $0x3  }
0x45: {  	p1 =	seq.s32 s2, $0x1  }
0x46: {  	_ =	swait.ge @p1 [sflag:s25], $0x2800  }
0x47: {  	[sflag:s25] =	ssyncset.done @p1 $0x0  }
0x48: {  	[sflag:s25] =	ssyncadd.s32 @p1 $0xFFFFD800  }
0x49: {  	[spmem:s3] =	stream.indirect.scatter.add.f32 @p1 [tilespmem:s20], [sflag:$0x5], $0x80, s30, s17, $0xb8;
	[tilespmem:$0x1FEA0] =	vst v63  }
.Ltmp5:
0x4a: {  	_ = 	snop;
	(pc) =	sbr.rel .LBB2_5-.Ltmp5, $4  }
0x4b: {  	_ =	swait.ge @!p1 [sflag:s26], $0x2800  }
0x4c: {  	[sflag:s26] =	ssyncset.done @!p1 $0x0  }
0x4d: {  	[sflag:s26] =	ssyncadd.s32 @!p1 $0xFFFFD800  }
0x4e: {  	[spmem:s3] =	stream.indirect.scatter.add.f32 @!p1 [tilespmem:s18], [sflag:$0x4], $0x80, s30, s17, $0xb8;
	[tilespmem:$0x1FEA0] =	vst v63  }
.LBB2_4:
0x4f: {  	_ =	swait.ge [sflag:s21], $0x2800  }
0x50: {  	[sflag:s21] =	ssyncset.done $0x0  }
0x51: {  	[sflag:s21] =	ssyncadd.s32 $0xFFFFD800  }
0x52: {  	[spmem:s3] =	stream.indirect.scatter.add.f32 [tilespmem:s22], [sflag:$0x6], $0x80, s30, s17, $0xb8;
	[tilespmem:$0x1FEA0] =	vst v63  }
.LBB2_5:
0x53: {  	s2 =	sadd.s32 $0xFFFFFFFF, s31  }
0x54: {  	s0 =	sshll.u32 s2, $0x18  }
0x55: {  	s0 =	sshra.s32 s0, $0x18  }
0x56: {  	s0 =	smul.u32 $0x56, s0;
	_ =	sdelay $0x1  }
0x57: {  	s13 =	sshrl.u32 s0, $0x1F;
	s0 =	sshrl.u32 s0, $0x8  }
0x58: {  	s0 =	sadd.s32 s13, s0  }
0x59: {  	s0 =	smul.u32 $0x3, s0;
	_ =	sdelay $0x1  }
0x5a: {  	s0 =	ssub.s32 s2, s0  }
0x5b: {  	s0 =	sshll.u32 s0, $0x18  }
0x5c: {  	s0 =	sshra.s32 s0, $0x18  }
0x5d: {  	p1 =	slt.s32 s0, $0x0;
	s2 =	sadd.s32 $0x3, s0  }
0x5e: {  	p2 =	seq.s32 s31, $0x0;
	s0 =	smov.u32 @p1 s2  }
0x5f: {  	p1 =	seq.s32 @!p2 s0, $0x0  }
0x60: {  	p1 =	por p2, !p1  }
0x61: {  	p2 =	seq.s32 @p1 s31, $0x0  }
0x62: {  	p3 =	por p2, !p1  }
0x63: {  	p3 =	seq.s32 @!p3 s0, $0x1  }
0x64: {  	p2 =	por @p1 p2, !p3  }
0x65: {  	p2 =	por !p1, !p2  }
0x66: {  	p3 =	seq.s32 @!p2 s31, $0x0  }
0x67: {  	p4 =	por p3, p2  }
0x68: {  	p4 =	sne.s32 @!p4 s0, $0x2  }
0x69: {  	p3 =	por @!p2 p3, p4  }
0x6a: {  	p3 =	por p2, !p3  }
.Ltmp6:
0x6b: {  	_ = 	snop;
	(pc) =	sbr.rel @!p3 .LBB2_7-.Ltmp6, $1  }
0x6c: {  	_ =	sdelay $0x3  }
0x6d: {  	s0 =	simm.s32 $0x4  }
0x6e: {  	s0 =	simm.s32 @p1 $0x5  }
0x6f: {  	s0 =	simm.s32 @!p2 $0x6  }
0x70: {  	_ =	swait.ge [sflag:s0], $0x2800  }
0x71: {  	[sflag:s0] =	ssyncset.done $0x0  }
0x72: {  	[sflag:s0] =	ssyncadd.s32 $0xFFFFD800  }
.LBB2_7:
0x73: {  	s0 =	sadd.s32 $0x2, s31  }
0x74: {  	s2 =	smul.u32 $0xAB, s0;
	_ =	sdelay $0x1  }
0x75: {  	s2 =	sshrl.u32 s2, $0x9  }
0x76: {  	s2 =	sand.u32 $0x7F, s2  }
0x77: {  	s2 =	smul.u32 $0x3, s2;
	_ =	sdelay $0x1  }
0x78: {  	p1 =	sgt.u32 s31, $0x7A;
	s0 =	ssub.s32 s0, s2  }
0x79: {  	s2 =	sand.u32 @!p1 $0xFF, s0  }
0x7a: {  	p2 =	sne.s32 @!p1 s2, $0x0  }
0x7b: {  	p2 =	por p1, p2  }
.Ltmp7:
0x7c: {  	_ = 	snop;
	(pc) =	sbr.rel @!p2 .LBB2_8-.Ltmp7, $1  }
0x7d: {  	_ =	sdelay $0x3  }
0x7e: {  	p2 =	sne.s32 @!p1 s2, $0x1  }
0x7f: {  	p2 =	por p1, p2  }
.Ltmp8:
0x80: {  	_ = 	snop;
	(pc) =	sbr.rel @p2 .LBB2_11-.Ltmp8, $1  }
0x81: {  	_ =	sdelay $0x3  }
.Ltmp9:
0x82: {  	(pc) =	sbr.rel .LBB2_12-.Ltmp9, $2  }
0x83: {  	_ =	sdelay $0x2  }
0x84: {  	[tilespmem:s20], [sflag:$0x2] =	stream.indirect.gather [hbm4b:s1+s17], $0x80, s29, s17, $0xb8;
	[tilespmem:$0x1FEA0] =	vst v63  }
.LBB2_11:
.Ltmp10:
0x85: {  	(pc) =	sbr.rel .LBB2_12-.Ltmp10, $4  }
0x86: {  	p2 =	sne.s32 @!p1 s2, $0x2  }
0x87: {  	p1 =	por p2, p1  }
0x88: {  	s0 =	simm.s32 @!p1 $0x50;
	s2 =	simm.s32 @!p1 $0x1D6A0  }
0x89: {  	[tilespmem:s2], [sflag:$0x3] =	stream.indirect.gather @!p1 [hbm4b:s1+s0], $0x80, s29, s0, $0xb8;
	[tilespmem:$0x1FEA0] =	vst v63  }
.LBB2_14:
0x8a: {  	_ =	sfence.sel $0x180000  }
0x8b: {  	[bflag:$0x0] =	sbarrier.arrive $0xFFFF  }
0x8c: {  	_ =	strace $0x90000050  }
0x8d: {  	s0 =	stileid.u32;
	[bflag:$0x2] =	sbarrier.arrive $0xFFFF  }
0x8e: {  	p0 =	sne.s32 s0, $0x0;
	s0 =	rddreg [dreg:$0x3]  }
0x8f: {  	s0 =	sadd.s32 @!p0 $0x100000, s0  }
0x90: {  	[sflag:s0] =	ssyncadd.tile.s32 @!p0 $0x1;
	_ =	shalt  }
.Lfunc_end2:
_tile_overlayer_lowered:
.L_overlay_start_2:
0x91: {  	(tag) =	ssettag $0x2  }
0x92: {  	s0 =	rddreg [dreg:$0x0];
	s2 =	stileid.u32  }
0x93: {  	s1 =	rddreg [dreg:$0x1];
	p0 =	sne.s32 s2, $0x0  }
0x94: {  	s3 =	rddreg [dreg:$0x2];
	[bflag:$0x3] =	sbarrier.arrive $0xFFFF;
	s2 =	simm.s32 @!p0 $0x1C07  }
0x95: {  	[timem:s3], [sflag:s2] =	dma.local @!p0 [hbm:s0], s1  }
0x96: {  	s0 =	simm.s32 @!p0 $0x7  }
0x97: {  	_ =	swait.ge @!p0 [sflag:s0], s1  }
0x98: {  	s1 =	ssub.s32 @!p0 $0x0, s1;
	[sflag:s0] =	ssyncset.done @!p0 $0x0  }
0x99: {  	[sflag:s0] =	ssyncadd.s32 @!p0 s1  }
0x9a: {  	[bflag:$0x3] =	sbarrier.arrive $0xFFFF  }
0x9b: {  	_ =	shalt  }

// kernel: kernel.18.cloned.1.call-start
scs
__scs_entry_jumppad:
0x0: {  	(pc) =	sbr.rel $0x88, $3  }
0x1: {  	(tag) =	ssettag $0x0;
	lr =	simm.s32 $0x1  }
0x2: {  	[smem:$0x3F96] =	sst lr;
	_ =	strace $0xD0000000  }
0x3: {  	_ = 	snop  }
0x4: {  	_ = 	snop  }
0x5: {  	_ = 	snop  }
0x6: {  	_ = 	snop  }
0x7: {  	_ = 	snop  }
__scs_overlays_trampoline_lowered:
0x8: {  	[smem:$0x3FA5] =	sst s0  }
0x9: {  	[smem:$0x3FA6] =	sst s1  }
0xa: {  	[smem:$0x3FA7] =	sst s2  }
0xb: {  	[smem:$0x3FA8] =	sst s3  }
0xc: {  	[smem:$0x3FA9] =	sst s4  }
0xd: {  	[smem:$0x3FAA] =	sst s5  }
0xe: {  	[smem:$0x3FAB] =	sst s6  }
0xf: {  	[smem:$0x3FAC] =	sst s7  }
0x10: {  	[smem:$0x3FAD] =	sst s8  }
0x11: {  	[smem:$0x3FAE] =	sst s9;
	s0 =	simm.s32 @!p0 $0x0  }
0x12: {  	s1 =	sld [smem:$0x3F94];
	s0 =	simm.s32 @p0 $0x1  }
0x13: {  	[smem:$0x3FAF] =	sst s0;
	s0 =	simm.s32 @!p1 $0x0  }
0x14: {  	s2 =	sld [smem:$0x3F93];
	s0 =	simm.s32 @p1 $0x1  }
0x15: {  	[smem:$0x3FB0] =	sst s0;
	s0 =	simm.s32 @!p2 $0x0  }
0x16: {  	s3 =	sld [smem:$0x3FDB];
	s0 =	simm.s32 @p2 $0x1  }
0x17: {  	s4 =	simm.s32 $0x1BF5;
	[smem:$0x3FB2] =	sst s0  }
0x18: {  	s0 =	sld [smem:$0x3F95];
	_ =	swait.ge [sflag:s4], $0x0  }
0x19: {  	s7 =	sld [smem:$0x3F96]  }
0x1a: {  	s8 =	sadd.s32 $0xFFFFE003, lr  }
0x1b: {  	s9 =	sadd.s32 $0xFFFFFEF7, lr;
	s5 =	simm.s32 $0xFFFFFFFF;
	p2 =	slt.u32 s8, $0xFFFFF086  }
0x1c: {  	p1 =	slt.u32 s9, $0xF7A;
	s5 =	simm.s32 @!p2 $0x0  }
0x1d: {  	s5 =	simm.s32 @p1 $0x1;
	p0 =	seq.s32 s7, s2  }
0x1e: {  	s7 =	smul.u32 @!p0 $0xF7A, s2;
	p2 =	seq.s32 @!p0 s5, $0x0  }
0x1f: {  	s9 =	smul.u32 $0xF7A, s1;
	s8 =	simm.s32 @!p0 $0x1BF5;
	p2 =	por !p2, p0  }
0x20: {  	[sflag:s8] =	ssyncset.s32 @!p0 $0xFFFFF086;
	s6 =	sadd.s32 @!p0 s3, s7;
	s7 =	simm.s32 @!p0 $0x108  }
0x21: {  	s3 =	sadd.s32 s3, s9;
	s6 =	sadd.s32 @!p0 $0x88, s6;
	s7 =	simm.s32 @p2 $0x1082  }
0x22: {  	[simem:s7], [sflag:s8] =	dma.local @!p0 [hbm:s6], $0xF7A  }
0x23: {  	s9 =	sor.u32 $0xD0000000, s2;
	s6 =	simm.s32 $0x108;
	_ =	swait.ge @!p0 [sflag:s8], $0x0  }
0x24: {  	s3 =	sadd.s32 $0x88, s3;
	s6 =	simm.s32 @!p1 $0x1082;
	[sflag:s4] =	ssyncset.s32 $0xFFFFF086  }
0x25: {  	[simem:s6], [sflag:s4] =	dma.local [hbm:s3], $0xF7A  }
0x26: {  	[smem:$0x3F96] =	sst s1;
	(tag) =	ssettag s2;
	_ =	strace s9  }
0x27: {  	s1 =	sld [smem:$0x3FA6]  }
0x28: {  	s2 =	sld [smem:$0x3FA7]  }
0x29: {  	s4 =	sld [smem:$0x3FA9]  }
0x2a: {  	p0 =	seq.s32 s5, $0x0;
	s5 =	sld [smem:$0x3FAA]  }
0x2b: {  	s6 =	sld [smem:$0x3FAB]  }
0x2c: {  	s7 =	sld [smem:$0x3FAC]  }
0x2d: {  	s3 =	simm.s32 $0x108;
	s8 =	sld [smem:$0x3FAD]  }
0x2e: {  	s3 =	simm.s32 @!p0 $0x1082;
	s9 =	sld [smem:$0x3FAE]  }
0x2f: {  	lr =	sadd.s32 s0, s3;
	s0 =	sld [smem:$0x3FA5]  }
0x30: {  	s3 =	sld [smem:$0x3FA8]  }
0x31: {  	[smem:$0x3FB1] =	sst s10  }
0x32: {  	s10 =	sld [smem:$0x3FAF];
	_ =	sdelay $0x3  }
0x33: {  	p0 =	seq.s32 s10, $0x1;
	s10 =	sld [smem:$0x3FB1];
	_ =	sdelay $0x3  }
0x34: {  	[smem:$0x3FB1] =	sst s10  }
0x35: {  	s10 =	sld [smem:$0x3FB0];
	_ =	sdelay $0x3  }
0x36: {  	p1 =	seq.s32 s10, $0x1;
	s10 =	sld [smem:$0x3FB1];
	_ =	sdelay $0x3  }
0x37: {  	[smem:$0x3FB1] =	sst s10  }
0x38: {  	s10 =	sld [smem:$0x3FB2]  }
0x39: {  	_ = 	snop;
	(pc) =	sbr.ind lr, $3  }
0x3a: {  	_ = 	snop  }
0x3b: {  	_ = 	snop  }
0x3c: {  	p2 =	seq.s32 s10, $0x1;
	s10 =	sld [smem:$0x3FB1]  }
0x3d: {  	_ =	shalt  }
0x3e: {  	_ =	shalt  }
0x3f: {  	_ =	shalt  }
0x40: {  	_ =	shalt  }
0x41: {  	_ =	shalt  }
0x42: {  	_ =	shalt  }
0x43: {  	_ =	shalt  }
0x44: {  	_ =	shalt  }
0x45: {  	_ =	shalt  }
0x46: {  	_ =	shalt  }
0x47: {  	_ =	shalt  }
0x48: {  	_ =	shalt  }
0x49: {  	_ =	shalt  }
0x4a: {  	_ =	shalt  }
0x4b: {  	_ =	shalt  }
0x4c: {  	_ =	shalt  }
0x4d: {  	_ =	shalt  }
0x4e: {  	_ =	shalt  }
0x4f: {  	_ =	shalt  }
0x50: {  	_ =	shalt  }
0x51: {  	_ =	shalt  }
0x52: {  	_ =	shalt  }
0x53: {  	_ =	shalt  }
0x54: {  	_ =	shalt  }
0x55: {  	_ =	shalt  }
0x56: {  	_ =	shalt  }
0x57: {  	_ =	shalt  }
0x58: {  	_ =	shalt  }
0x59: {  	_ =	shalt  }
0x5a: {  	_ =	shalt  }
0x5b: {  	_ =	shalt  }
0x5c: {  	_ =	shalt  }
0x5d: {  	_ =	shalt  }
0x5e: {  	_ =	shalt  }
0x5f: {  	_ =	shalt  }
0x60: {  	_ =	shalt  }
0x61: {  	_ =	shalt  }
0x62: {  	_ =	shalt  }
0x63: {  	_ =	shalt  }
0x64: {  	_ =	shalt  }
0x65: {  	_ =	shalt  }
0x66: {  	_ =	shalt  }
0x67: {  	_ =	shalt  }
0x68: {  	_ =	shalt  }
0x69: {  	_ =	shalt  }
0x6a: {  	_ =	shalt  }
0x6b: {  	_ =	shalt  }
0x6c: {  	_ =	shalt  }
0x6d: {  	_ =	shalt  }
0x6e: {  	_ =	shalt  }
0x6f: {  	_ =	shalt  }
0x70: {  	_ =	shalt  }
0x71: {  	_ =	shalt  }
0x72: {  	_ =	shalt  }
0x73: {  	_ =	shalt  }
0x74: {  	_ =	shalt  }
0x75: {  	_ =	shalt  }
0x76: {  	_ =	shalt  }
0x77: {  	_ =	shalt  }
0x78: {  	_ =	shalt  }
0x79: {  	_ =	shalt  }
0x7a: {  	_ =	shalt  }
0x7b: {  	_ =	shalt  }
0x7c: {  	_ =	shalt  }
0x7d: {  	_ =	shalt  }
0x7e: {  	_ =	shalt  }
0x7f: {  	_ =	shalt  }
0x80: {  	_ =	shalt  }
0x81: {  	_ =	shalt  }
0x82: {  	_ =	shalt  }
0x83: {  	_ =	shalt  }
0x84: {  	_ =	shalt  }
0x85: {  	_ =	shalt  }
0x86: {  	_ =	shalt  }
0x87: {  	_ =	shalt  }
.Lfunc_end0:
.L_simem_size_0:
called_computation.2_lowered:
.L_overlay_start_0:
0x88: {  	s2 =	sld [smem:$0x3FD9]  }
0x89: {  	s3 =	sld [smem:$0x3FFE];
	_ =	sdelay $0x1  }
0x8a: {  	s1 =	srdreg.scid  }
0x8b: {  	s0 =	sand.u32 $0x1, s1  }
0x8c: {  	s15 =	sshll.u32 s0, $0xA;
	s2 =	sadd.s32 s3, s2  }
0x8d: {  	s2 =	sadd.s32 s2, s15  }
0x8e: {  	[smem:$0x3FBD] =	sst s2  }
0x8f: {  	_ = 	snop  }
0x90: {  	s2 =	sld [smem:$0x3FD0];
	_ =	sdelay $0x2  }
0x91: {  	s16 =	simm.s32 $0xD;
	s4 =	simm.s32 $0x10  }
0x92: {  	[smem:s4], [sflag:s16] =	dma.local [hbm:s2], $0x1  }
0x93: {  	_ =	swait.eq [sflag:s16], $0x1  }
0x94: {  	[sflag:s16] =	ssyncset.done $0x0  }
0x95: {  	[sflag:s16] =	ssyncadd.s32 $0xFFFFFFFF  }
0x96: {  	s17 =	sld [smem:$0x12];
	(tm) =	ssettm $0x1  }
0x97: {  	s18 =	sld [smem:$0x3FFB];
	_ =	sdelay $0x3  }
0x98: {  	_ =	strace s18  }
0x99: {  	s2 =	sld [smem:$0x3FFC];
	_ =	sdelay $0x3  }
0x9a: {  	_ =	strace s2  }
0x9b: {  	s2 =	sld [smem:$0x3FFD];
	_ =	sdelay $0x3  }
0x9c: {  	_ =	strace s2  }
0x9d: {  	_ =	strace $0x8FFFFFFF  }
0x9e: {  	s19 =	sld [smem:$0x3FDB];
	_ =	sdelay $0x1  }
0x9f: {  	s20 =	simm.s32 $_scs_section_size  }
0xa0: {  	s5 =	simm.s32 $_size__tile_overlayer_lowered;
	s6 =	simm.s32 $_tile_overlayer_lowered  }
0xa1: {  	s7 =	simm.s32 $0x1BFF;
	s21 =	sshll.u32 s6, $0x1;
	s4 =	sadd.s32 s20, s19  }
0xa2: {  	s22 =	simm.s32 $0x0;
	s5 =	sshll.u32 s5, $0x1;
	s6 =	sadd.s32 s21, s4  }
0xa3: {  	[timem:s22], [sflag:s7] =	dma.local [hbm:s6], s5  }
0xa4: {  	_ =	swait.ge [sflag:s7], s5  }
0xa5: {  	s5 =	ssub.s32 $0x0, s5;
	[sflag:s7] =	ssyncset.done $0x0  }
0xa6: {  	[sflag:s7] =	ssyncadd.s32 s5;
	_ =	sdelay $0x1  }
0xa7: {  	s23 =	simm.s32 $0x1B8B  }
0xa8: {  	_ =	swait.ge [sflag:s23], $0x1  }
0xa9: {  	[sflag:s23] =	ssyncset.done $0x0  }
0xaa: {  	[sflag:s23] =	ssyncadd.s32 $0xFFFFFFFF  }
0xab: {  	s5 =	sld [smem:$0x0]  }
0xac: {  	s6 =	sand.u32 $0xFFFFFFFE, s1  }
0xad: {  	p0 =	sne.s32 s1, s6  }
0xae: {  	s6 =	sshll.u32 @p0 s6, $0xE  }
0xaf: {  	s6 =	sadd.s32 @p0 $0x11B8D, s6;
	s7 =	sshll.u32 @p0 s5, $0x11  }
0xb0: {  	s6 =	sor.u32 @p0 s7, s6  }
0xb1: {  	[sflag:s6] =	ssyncadd.remote.s32 @p0 $0x1;
	_ =	sdelay $0x1  }
0xb2: {  	s6 =	simm.s32 @p0 $0x1B8D  }
0xb3: {  	_ =	swait.eq @p0 [sflag:s6], $0x1  }
0xb4: {  	[sflag:s6] =	ssyncadd.s32 @p0 $0xFFFFFFFF  }
0xb5: {  	s7 =	sshll.u32 @!p0 s1, $0xE  }
0xb6: {  	s7 =	sor.u32 @!p0 $0x4000, s7;
	s6 =	simm.s32 @!p0 $0x1B8D  }
0xb7: {  	s5 =	sshll.u32 @!p0 s5, $0x11;
	s7 =	sadd.s32 @!p0 $0x11B8D, s7;
	_ =	swait.eq @!p0 [sflag:s6], $0x1  }
0xb8: {  	s5 =	sor.u32 @!p0 s5, s7;
	[sflag:s6] =	ssyncadd.s32 @!p0 $0xFFFFFFFF  }
0xb9: {  	s25 =	simm.s32 $0x1B8E;
	s24 =	sld [smem:$0x3FFE];
	[sflag:s5] =	ssyncadd.remote.s32 @!p0 $0x1  }
0xba: {  	s26 =	simm.s32 $execute0_lowered;
	[smem:$0x3FD2] =	sst s25  }
0xbb: {  	s6 =	sshll.u32 s26, $0x1;
	_ =	strace $0x8000004C;
	[dreg:$0x1] =	wrdreg $0xFFFFFFFF  }
0xbc: {  	s28 =	simm.s32 $_size_execute0_lowered;
	s4 =	sadd.s32 s4, s6;
	[dreg:$0x0] =	wrdreg $0x0  }
0xbd: {  	s6 =	sshll.u32 s28, $0x1;
	[dreg:$0x2] =	wrdreg s4  }
0xbe: {  	[dreg:$0x3] =	wrdreg s6  }
0xbf: {  	[dreg:$0x4] =	wrdreg $0xC0  }
0xc0: {  	_ =	task [dreg:s22], $0x5FFFF  }
0xc1: {  	[dreg:$0x1] =	wrdreg $0xFFFFFFFF  }
0xc2: {  	[dreg:$0x0] =	wrdreg $0x60  }
0xc3: {  	[dreg:$0x2] =	wrdreg s17  }
0xc4: {  	[dreg:$0x3] =	wrdreg s24  }
0xc5: {  	[dreg:$0x4] =	wrdreg $0x0  }
0xc6: {  	[dreg:$0x5] =	wrdreg $0xB  }
0xc7: {  	_ =	task.clear_ibuf [dreg:s22], $0x6FFFF;
	_ =	strace $0x9000004C  }
0xc8: {  	s29 =	simm.s32 $0xB;
	_ =	strace $0x8000004E  }
0xc9: {  	_ =	swait.ge [sflag:s29], $0x1  }
0xca: {  	[sflag:s29] =	ssyncadd.s32 $0xFFFFFFFF  }
0xcb: {  	_ =	strace $0x9000004E  }
0xcc: {  	_ =	sfence  }
0xcd: {  	s30 =	sld [smem:$0x0];
	_ =	sdelay $0x2  }
0xce: {  	s31 =	sshll.u32 s1, $0xD;
	s1 =	sshrl.u32 s1, $0x2  }
0xcf: {  	s4 =	sand.u32 $0x4000, s31;
	s1 =	sadd.s32 s1, s30  }
0xd0: {  	s0 =	sor.u32 s4, s0;
	s1 =	sshll.u32 s1, $0x11  }
0xd1: {  	s0 =	sor.u32 s1, s0  }
0xd2: {  	s0 =	sadd.s32 $0x8F2B, s0  }
0xd3: {  	[sflag:s0] =	ssyncadd.remote.s32 $0x1  }
0xd4: {  	_ =	sfence.sel $0xFFFF  }
0xd5: {  	[dreg:$0x0] =	wrdreg $0xFFFFFFFF;
	(pc) =	sbr.abs _section_cstart, $3  }
0xd6: {  	[dreg:$0x1] =	wrdreg $0xFFFFFFFF  }
0xd7: {  	_ =	task.clear_ibuf [dreg:s22], $0x2FFFF;
	_ =	strace $0x9FFFFFFF  }
0xd8: {  	(tm) =	ssettm $0x7FFFFFFF  }
0xd9: {  	_ =	shalt  }
tec
execute0_lowered:
.L_overlay_start_1:
0x0: {  	(tag) =	ssettag $0x1  }
0x1: {  	s1 =	rddreg [dreg:$0x0]  }
0x2: {  	s6 =	rddreg [dreg:$0x1]  }
0x3: {  	s0 =	srdreg.scid;
	s3 =	rddreg [dreg:$0x2];
	s17 =	simm.s32 $0x50  }
0x4: {  	s18 =	simm.s32 $0x186A0;
	s19 =	simm.s32 $0x138D0;
	s20 =	simm.s32 $0x1AEA0  }
0x5: {  	s21 =	simm.s32 $0x3;
	s22 =	simm.s32 $0x1D6A0;
	s23 =	simm.s32 $0x5  }
0x6: {  	s25 =	simm.s32 $0x2;
	s2 =	sand.u32 $0x1, s0;
	s0 =	stileid.u32  }
0x7: {  	s26 =	simm.s32 $0x1;
	s28 =	simm.s32 $0x0;
	s8 =	smul.u32 $0x4E000, s0  }
0x8: {  	s4 =	sshll.u32 s2, $0x4;
	s9 =	ssub.s32 $0x2, s2;
	s2 =	smul.u32 $0x138800, s2  }
0x9: {  	s10 =	sadd.s32 $0x69200, s6;
	s14 =	sadd.s32 $0x124800, s3;
	s11 =	smul.u32 $0x13800, s0  }
0xa: {  	p0 =	seq.s32 s0, $0xF;
	s5 =	sor.u32 s0, s4;
	s4 =	simm.s32 $0x0  }
0xb: {  	s30 =	sshrl.u32 s9, $0x1;
	s14 =	sshrl.u32 @p0 s14, $0x3;
	s5 =	smul.u32 $0x4E2, s5  }
0xc: {  	[smem:$0x7FF] =	sst s4;
	s12 =	ssub.s32 s9, s30;
	s8 =	sshrl.u32 s8, $0x2  }
0xd: {  	s31 =	sadd.s32 s11, s2;
	s2 =	sshrl.u32 s2, $0x3;
	s24 =	sadd.s32 s11, s3  }
0xe: {  	s11 =	simm.s32 $0x13880;
	_ =	strace $0x8000004D;
	s16 =	sadd.s32 s8, s3  }
.Ltmp0:
0xf: {  	s8 =	sshrl.u32 s31, $0x3;
	s2 =	sadd.s32 s10, s2;
	(pc) =	sbr.rel .LBB2_1-.Ltmp0, $4  }
0x10: {  	s24 =	sshrl.u32 @!p0 s24, $0x3;
	s7 =	sadd.s32 s5, s6;
	s5 =	sadd.s32 $0x18800, s6  }
0x11: {  	s8 =	sadd.s32 s10, s8;
	s9 =	sadd.s32 $0x24900, s2;
	s10 =	smax.u32 s12, $0x1  }
0x12: {  	s12 =	simm.s32 $0x7;
	s2 =	sshll.u32 @!p0 s0, $0x6;
	s16 =	sshrl.u32 @!p0 s16, $0x3  }
0x13: {  	s6 =	sadd.s32 $0xE000, s7;
	s7 =	sadd.s32 $0x4200, s7;
	s15 =	sor.u32 @!p0 $0x1C07, s2  }
.LBB2_13:
0x14: {  	_ =	swait.ge [sflag:s23], $0x2800  }
0x15: {  	[sflag:s23] =	ssyncset.done $0x0  }
0x16: {  	[sflag:s23] =	ssyncadd.s32 $0xFFFFD800  }
0x17: {  	s0 =	simm.s32 @p0 $0x1FC7;
	[bflag:$0x0] =	sbarrier.arrive $0xFFFF  }
0x18: {  	[hbm:s9], [sflag:s0] =	dma.local @p0 [spmem:s14], $0x2800  }
0x19: {  	s0 =	simm.s32 @p0 $0x7  }
0x1a: {  	s28 =	sadd.s32 $0x1, s28;
	_ =	swait.ge @p0 [sflag:s0], $0x2800  }
0x1b: {  	p1 =	sne.s32 s28, s10;
	[sflag:s0] =	ssyncset.done @p0 $0x0  }
.Ltmp1:
0x1c: {  	[sflag:s0] =	ssyncadd.s32 @p0 $0xFFFFD800;
	s0 =	simm.s32 @!p0 $0x7;
	(pc) =	sbr.rel @!p1 .LBB2_14-.Ltmp1, $4  }
0x1d: {  	[hbm:s8], [sflag:s15] =	dma.local @!p0 [spmem:s24], $0x2700  }
0x1e: {  	_ =	swait.ge @!p0 [sflag:s0], $0x2700  }
0x1f: {  	[sflag:s0] =	ssyncset.done @!p0 $0x0  }
0x20: {  	[sflag:s0] =	ssyncadd.s32 @!p0 $0xFFFFD900  }
.LBB2_1:
0x21: {  	[tilespmem:s11], [sflag:$0x7] =	stream.linear.gather [hbm4b:s6+s4], $0x2710, $0x38;
	[tilespmem:$0x1FEA0] =	vst v63  }
0x22: {  	_ =	swait.ge [sflag:s12], $0x2710  }
0x23: {  	[sflag:s12] =	ssyncset.done $0x0  }
0x24: {  	s0 =	simm.s32 $0x15F90;
	[sflag:s12] =	ssyncadd.s32 $0xFFFFD8F0  }
0x25: {  	[tilespmem:s0], [sflag:$0x7] =	stream.linear.gather [hbm4b:s7+s4], $0x2710, $0x38;
	[tilespmem:$0x1FEA0] =	vst v63  }
0x26: {  	_ =	swait.ge [sflag:s12], $0x2710  }
0x27: {  	[sflag:s12] =	ssyncset.done $0x0  }
0x28: {  	s2 =	simm.s32 @p0 $0x1FC7;
	[sflag:s12] =	ssyncadd.s32 $0xFFFFD8F0  }
0x29: {  	[spmem:s14], [sflag:s2] =	dma.local @p0 [hbm:s5], $0x2800  }
0x2a: {  	s2 =	simm.s32 @p0 $0x7  }
0x2b: {  	_ =	swait.ge @p0 [sflag:s2], $0x2800  }
0x2c: {  	[sflag:s2] =	ssyncset.done @p0 $0x0  }
0x2d: {  	[sflag:s2] =	ssyncadd.s32 @p0 $0xFFFFD800;
	s2 =	simm.s32 @!p0 $0x7  }
0x2e: {  	[spmem:s16], [sflag:s15] =	dma.local @!p0 [hbm:s5], $0x2700  }
0x2f: {  	_ =	swait.ge @!p0 [sflag:s2], $0x2700  }
0x30: {  	[sflag:s2] =	ssyncset.done @!p0 $0x0  }
.Ltmp2:
0x31: {  	[sflag:s2] =	ssyncadd.s32 @!p0 $0xFFFFD900;
	(pc) =	sbr.rel .LBB2_2-.Ltmp2, $4  }
0x32: {  	[bflag:$0x0] =	sbarrier.arrive $0xFFFF  }
0x33: {  	[tilespmem:s18], [sflag:$0x1] =	stream.indirect.gather [hbm4b:s1+s17], $0x80, s11, s17, $0xb8;
	[tilespmem:$0x1FEA0] =	vst v63  }
0x34: {  	s29 =	simm.s32 $0x13920;
	s30 =	simm.s32 $0x15F90;
	s31 =	simm.s32 $0x0  }
0x35: {  	[tilespmem:s20], [sflag:$0x2] =	stream.indirect.gather [hbm4b:s1+s17], $0x80, s19, s17, $0xb8;
	[tilespmem:$0x1FEA0] =	vst v63  }
.LBB2_8:
0x36: {  	[tilespmem:s18], [sflag:$0x1] =	stream.indirect.gather [hbm4b:s1+s17], $0x80, s29, s17, $0xb8;
	[tilespmem:$0x1FEA0] =	vst v63  }
.LBB2_12:
0x37: {  	s31 =	sadd.s32 $0x1, s31  }
0x38: {  	p1 =	sne.s32 s31, $0x7D  }
.Ltmp3:
0x39: {  	_ = 	snop;
	(pc) =	sbr.rel @!p1 .LBB2_13-.Ltmp3, $2  }
0x3a: {  	_ =	sdelay $0x2  }
0x3b: {  	s30 =	sadd.s32 $0x50, s30;
	s29 =	sadd.s32 $0x50, s29  }
.LBB2_2:
0x3c: {  	s2 =	smul.u32 $0xAB, s31;
	_ =	sdelay $0x1  }
0x3d: {  	s2 =	sshrl.u32 s2, $0x9  }
0x3e: {  	s2 =	sand.u32 $0x7F, s2  }
0x3f: {  	s2 =	smul.u32 $0x3, s2;
	_ =	sdelay $0x1  }
0x40: {  	s2 =	ssub.s32 s31, s2  }
0x41: {  	s2 =	sand.u32 $0xFF, s2  }
0x42: {  	p1 =	seq.s32 s2, $0x2  }
.Ltmp4:
0x43: {  	_ = 	snop;
	(pc) =	sbr.rel @p1 .LBB2_4-.Ltmp4, $1  }
0x44: {  	_ =	sdelay $0x3  }
0x45: {  	p1 =	seq.s32 s2, $0x1  }
0x46: {  	_ =	swait.ge @p1 [sflag:s25], $0x2800  }
0x47: {  	[sflag:s25] =	ssyncset.done @p1 $0x0  }
0x48: {  	[sflag:s25] =	ssyncadd.s32 @p1 $0xFFFFD800  }
0x49: {  	[spmem:s3] =	stream.indirect.scatter.add.f32 @p1 [tilespmem:s20], [sflag:$0x5], $0x80, s30, s17, $0xb8;
	[tilespmem:$0x1FEA0] =	vst v63  }
.Ltmp5:
0x4a: {  	_ = 	snop;
	(pc) =	sbr.rel .LBB2_5-.Ltmp5, $4  }
0x4b: {  	_ =	swait.ge @!p1 [sflag:s26], $0x2800  }
0x4c: {  	[sflag:s26] =	ssyncset.done @!p1 $0x0  }
0x4d: {  	[sflag:s26] =	ssyncadd.s32 @!p1 $0xFFFFD800  }
0x4e: {  	[spmem:s3] =	stream.indirect.scatter.add.f32 @!p1 [tilespmem:s18], [sflag:$0x4], $0x80, s30, s17, $0xb8;
	[tilespmem:$0x1FEA0] =	vst v63  }
.LBB2_4:
0x4f: {  	_ =	swait.ge [sflag:s21], $0x2800  }
0x50: {  	[sflag:s21] =	ssyncset.done $0x0  }
0x51: {  	[sflag:s21] =	ssyncadd.s32 $0xFFFFD800  }
0x52: {  	[spmem:s3] =	stream.indirect.scatter.add.f32 [tilespmem:s22], [sflag:$0x6], $0x80, s30, s17, $0xb8;
	[tilespmem:$0x1FEA0] =	vst v63  }
.LBB2_5:
0x53: {  	s2 =	sadd.s32 $0xFFFFFFFF, s31  }
0x54: {  	s0 =	sshll.u32 s2, $0x18  }
0x55: {  	s0 =	sshra.s32 s0, $0x18  }
0x56: {  	s0 =	smul.u32 $0x56, s0;
	_ =	sdelay $0x1  }
0x57: {  	s13 =	sshrl.u32 s0, $0x1F;
	s0 =	sshrl.u32 s0, $0x8  }
0x58: {  	s0 =	sadd.s32 s13, s0  }
0x59: {  	s0 =	smul.u32 $0x3, s0;
	_ =	sdelay $0x1  }
0x5a: {  	s0 =	ssub.s32 s2, s0  }
0x5b: {  	s0 =	sshll.u32 s0, $0x18  }
0x5c: {  	s0 =	sshra.s32 s0, $0x18  }
0x5d: {  	p1 =	slt.s32 s0, $0x0;
	s2 =	sadd.s32 $0x3, s0  }
0x5e: {  	p2 =	seq.s32 s31, $0x0;
	s0 =	smov.u32 @p1 s2  }
0x5f: {  	p1 =	seq.s32 @!p2 s0, $0x0  }
0x60: {  	p1 =	por p2, !p1  }
0x61: {  	p2 =	seq.s32 @p1 s31, $0x0  }
0x62: {  	p3 =	por p2, !p1  }
0x63: {  	p3 =	seq.s32 @!p3 s0, $0x1  }
0x64: {  	p2 =	por @p1 p2, !p3  }
0x65: {  	p2 =	por !p1, !p2  }
0x66: {  	p3 =	seq.s32 @!p2 s31, $0x0  }
0x67: {  	p4 =	por p3, p2  }
0x68: {  	p4 =	sne.s32 @!p4 s0, $0x2  }
0x69: {  	p3 =	por @!p2 p3, p4  }
0x6a: {  	p3 =	por p2, !p3  }
.Ltmp6:
0x6b: {  	_ = 	snop;
	(pc) =	sbr.rel @!p3 .LBB2_7-.Ltmp6, $1  }
0x6c: {  	_ =	sdelay $0x3  }
0x6d: {  	s0 =	simm.s32 $0x4  }
0x6e: {  	s0 =	simm.s32 @p1 $0x5  }
0x6f: {  	s0 =	simm.s32 @!p2 $0x6  }
0x70: {  	_ =	swait.ge [sflag:s0], $0x2800  }
0x71: {  	[sflag:s0] =	ssyncset.done $0x0  }
0x72: {  	[sflag:s0] =	ssyncadd.s32 $0xFFFFD800  }
.LBB2_7:
0x73: {  	s0 =	sadd.s32 $0x2, s31  }
0x74: {  	s2 =	smul.u32 $0xAB, s0;
	_ =	sdelay $0x1  }
0x75: {  	s2 =	sshrl.u32 s2, $0x9  }
0x76: {  	s2 =	sand.u32 $0x7F, s2  }
0x77: {  	s2 =	smul.u32 $0x3, s2;
	_ =	sdelay $0x1  }
0x78: {  	p1 =	sgt.u32 s31, $0x7A;
	s0 =	ssub.s32 s0, s2  }
0x79: {  	s2 =	sand.u32 @!p1 $0xFF, s0  }
0x7a: {  	p2 =	sne.s32 @!p1 s2, $0x0  }
0x7b: {  	p2 =	por p1, p2  }
.Ltmp7:
0x7c: {  	_ = 	snop;
	(pc) =	sbr.rel @!p2 .LBB2_8-.Ltmp7, $1  }
0x7d: {  	_ =	sdelay $0x3  }
0x7e: {  	p2 =	sne.s32 @!p1 s2, $0x1  }
0x7f: {  	p2 =	por p1, p2  }
.Ltmp8:
0x80: {  	_ = 	snop;
	(pc) =	sbr.rel @p2 .LBB2_11-.Ltmp8, $1  }
0x81: {  	_ =	sdelay $0x3  }
.Ltmp9:
0x82: {  	(pc) =	sbr.rel .LBB2_12-.Ltmp9, $2  }
0x83: {  	_ =	sdelay $0x2  }
0x84: {  	[tilespmem:s20], [sflag:$0x2] =	stream.indirect.gather [hbm4b:s1+s17], $0x80, s29, s17, $0xb8;
	[tilespmem:$0x1FEA0] =	vst v63  }
.LBB2_11:
.Ltmp10:
0x85: {  	(pc) =	sbr.rel .LBB2_12-.Ltmp10, $4  }
0x86: {  	p2 =	sne.s32 @!p1 s2, $0x2  }
0x87: {  	p1 =	por p2, p1  }
0x88: {  	s0 =	simm.s32 @!p1 $0x50;
	s2 =	simm.s32 @!p1 $0x1D6A0  }
0x89: {  	[tilespmem:s2], [sflag:$0x3] =	stream.indirect.gather @!p1 [hbm4b:s1+s0], $0x80, s29, s0, $0xb8;
	[tilespmem:$0x1FEA0] =	vst v63  }
.LBB2_14:
0x8a: {  	_ =	sfence.sel $0x180000  }
0x8b: {  	[bflag:$0x0] =	sbarrier.arrive $0xFFFF  }
0x8c: {  	_ =	strace $0x9000004D  }
0x8d: {  	s0 =	stileid.u32;
	[bflag:$0x2] =	sbarrier.arrive $0xFFFF  }
0x8e: {  	p0 =	sne.s32 s0, $0x0;
	s0 =	rddreg [dreg:$0x3]  }
0x8f: {  	s0 =	sadd.s32 @!p0 $0x100000, s0  }
0x90: {  	[sflag:s0] =	ssyncadd.tile.s32 @!p0 $0x1;
	_ =	shalt  }
.Lfunc_end2:
_tile_overlayer_lowered:
.L_overlay_start_2:
0x91: {  	(tag) =	ssettag $0x2  }
0x92: {  	s0 =	rddreg [dreg:$0x0];
	s2 =	stileid.u32  }
0x93: {  	s1 =	rddreg [dreg:$0x1];
	p0 =	sne.s32 s2, $0x0  }
0x94: {  	s3 =	rddreg [dreg:$0x2];
	[bflag:$0x3] =	sbarrier.arrive $0xFFFF;
	s2 =	simm.s32 @!p0 $0x1C07  }
0x95: {  	[timem:s3], [sflag:s2] =	dma.local @!p0 [hbm:s0], s1  }
0x96: {  	s0 =	simm.s32 @!p0 $0x7  }
0x97: {  	_ =	swait.ge @!p0 [sflag:s0], s1  }
0x98: {  	s1 =	ssub.s32 @!p0 $0x0, s1;
	[sflag:s0] =	ssyncset.done @!p0 $0x0  }
0x99: {  	[sflag:s0] =	ssyncadd.s32 @!p0 s1  }
0x9a: {  	[bflag:$0x3] =	sbarrier.arrive $0xFFFF  }
0x9b: {  	_ =	shalt  }

// kernel: kernel.21.cloned.1.call-start
scs
__scs_entry_jumppad:
0x0: {  	(pc) =	sbr.rel $0x88, $3  }
0x1: {  	(tag) =	ssettag $0x0;
	lr =	simm.s32 $0x1  }
0x2: {  	[smem:$0x3F96] =	sst lr;
	_ =	strace $0xD0000000  }
0x3: {  	_ = 	snop  }
0x4: {  	_ = 	snop  }
0x5: {  	_ = 	snop  }
0x6: {  	_ = 	snop  }
0x7: {  	_ = 	snop  }
__scs_overlays_trampoline_lowered:
0x8: {  	[smem:$0x3FA5] =	sst s0  }
0x9: {  	[smem:$0x3FA6] =	sst s1  }
0xa: {  	[smem:$0x3FA7] =	sst s2  }
0xb: {  	[smem:$0x3FA8] =	sst s3  }
0xc: {  	[smem:$0x3FA9] =	sst s4  }
0xd: {  	[smem:$0x3FAA] =	sst s5  }
0xe: {  	[smem:$0x3FAB] =	sst s6  }
0xf: {  	[smem:$0x3FAC] =	sst s7  }
0x10: {  	[smem:$0x3FAD] =	sst s8  }
0x11: {  	[smem:$0x3FAE] =	sst s9;
	s0 =	simm.s32 @!p0 $0x0  }
0x12: {  	s1 =	sld [smem:$0x3F94];
	s0 =	simm.s32 @p0 $0x1  }
0x13: {  	[smem:$0x3FAF] =	sst s0;
	s0 =	simm.s32 @!p1 $0x0  }
0x14: {  	s2 =	sld [smem:$0x3F93];
	s0 =	simm.s32 @p1 $0x1  }
0x15: {  	[smem:$0x3FB0] =	sst s0;
	s0 =	simm.s32 @!p2 $0x0  }
0x16: {  	s3 =	sld [smem:$0x3FDB];
	s0 =	simm.s32 @p2 $0x1  }
0x17: {  	s4 =	simm.s32 $0x1BF5;
	[smem:$0x3FB2] =	sst s0  }
0x18: {  	s0 =	sld [smem:$0x3F95];
	_ =	swait.ge [sflag:s4], $0x0  }
0x19: {  	s7 =	sld [smem:$0x3F96]  }
0x1a: {  	s8 =	sadd.s32 $0xFFFFE003, lr  }
0x1b: {  	s9 =	sadd.s32 $0xFFFFFEF7, lr;
	s5 =	simm.s32 $0xFFFFFFFF;
	p2 =	slt.u32 s8, $0xFFFFF086  }
0x1c: {  	p1 =	slt.u32 s9, $0xF7A;
	s5 =	simm.s32 @!p2 $0x0  }
0x1d: {  	s5 =	simm.s32 @p1 $0x1;
	p0 =	seq.s32 s7, s2  }
0x1e: {  	s7 =	smul.u32 @!p0 $0xF7A, s2;
	p2 =	seq.s32 @!p0 s5, $0x0  }
0x1f: {  	s9 =	smul.u32 $0xF7A, s1;
	s8 =	simm.s32 @!p0 $0x1BF5;
	p2 =	por !p2, p0  }
0x20: {  	[sflag:s8] =	ssyncset.s32 @!p0 $0xFFFFF086;
	s6 =	sadd.s32 @!p0 s3, s7;
	s7 =	simm.s32 @!p0 $0x108  }
0x21: {  	s3 =	sadd.s32 s3, s9;
	s6 =	sadd.s32 @!p0 $0x88, s6;
	s7 =	simm.s32 @p2 $0x1082  }
0x22: {  	[simem:s7], [sflag:s8] =	dma.local @!p0 [hbm:s6], $0xF7A  }
0x23: {  	s9 =	sor.u32 $0xD0000000, s2;
	s6 =	simm.s32 $0x108;
	_ =	swait.ge @!p0 [sflag:s8], $0x0  }
0x24: {  	s3 =	sadd.s32 $0x88, s3;
	s6 =	simm.s32 @!p1 $0x1082;
	[sflag:s4] =	ssyncset.s32 $0xFFFFF086  }
0x25: {  	[simem:s6], [sflag:s4] =	dma.local [hbm:s3], $0xF7A  }
0x26: {  	[smem:$0x3F96] =	sst s1;
	(tag) =	ssettag s2;
	_ =	strace s9  }
0x27: {  	s1 =	sld [smem:$0x3FA6]  }
0x28: {  	s2 =	sld [smem:$0x3FA7]  }
0x29: {  	s4 =	sld [smem:$0x3FA9]  }
0x2a: {  	p0 =	seq.s32 s5, $0x0;
	s5 =	sld [smem:$0x3FAA]  }
0x2b: {  	s6 =	sld [smem:$0x3FAB]  }
0x2c: {  	s7 =	sld [smem:$0x3FAC]  }
0x2d: {  	s3 =	simm.s32 $0x108;
	s8 =	sld [smem:$0x3FAD]  }
0x2e: {  	s3 =	simm.s32 @!p0 $0x1082;
	s9 =	sld [smem:$0x3FAE]  }
0x2f: {  	lr =	sadd.s32 s0, s3;
	s0 =	sld [smem:$0x3FA5]  }
0x30: {  	s3 =	sld [smem:$0x3FA8]  }
0x31: {  	[smem:$0x3FB1] =	sst s10  }
0x32: {  	s10 =	sld [smem:$0x3FAF];
	_ =	sdelay $0x3  }
0x33: {  	p0 =	seq.s32 s10, $0x1;
	s10 =	sld [smem:$0x3FB1];
	_ =	sdelay $0x3  }
0x34: {  	[smem:$0x3FB1] =	sst s10  }
0x35: {  	s10 =	sld [smem:$0x3FB0];
	_ =	sdelay $0x3  }
0x36: {  	p1 =	seq.s32 s10, $0x1;
	s10 =	sld [smem:$0x3FB1];
	_ =	sdelay $0x3  }
0x37: {  	[smem:$0x3FB1] =	sst s10  }
0x38: {  	s10 =	sld [smem:$0x3FB2]  }
0x39: {  	_ = 	snop;
	(pc) =	sbr.ind lr, $3  }
0x3a: {  	_ = 	snop  }
0x3b: {  	_ = 	snop  }
0x3c: {  	p2 =	seq.s32 s10, $0x1;
	s10 =	sld [smem:$0x3FB1]  }
0x3d: {  	_ =	shalt  }
0x3e: {  	_ =	shalt  }
0x3f: {  	_ =	shalt  }
0x40: {  	_ =	shalt  }
0x41: {  	_ =	shalt  }
0x42: {  	_ =	shalt  }
0x43: {  	_ =	shalt  }
0x44: {  	_ =	shalt  }
0x45: {  	_ =	shalt  }
0x46: {  	_ =	shalt  }
0x47: {  	_ =	shalt  }
0x48: {  	_ =	shalt  }
0x49: {  	_ =	shalt  }
0x4a: {  	_ =	shalt  }
0x4b: {  	_ =	shalt  }
0x4c: {  	_ =	shalt  }
0x4d: {  	_ =	shalt  }
0x4e: {  	_ =	shalt  }
0x4f: {  	_ =	shalt  }
0x50: {  	_ =	shalt  }
0x51: {  	_ =	shalt  }
0x52: {  	_ =	shalt  }
0x53: {  	_ =	shalt  }
0x54: {  	_ =	shalt  }
0x55: {  	_ =	shalt  }
0x56: {  	_ =	shalt  }
0x57: {  	_ =	shalt  }
0x58: {  	_ =	shalt  }
0x59: {  	_ =	shalt  }
0x5a: {  	_ =	shalt  }
0x5b: {  	_ =	shalt  }
0x5c: {  	_ =	shalt  }
0x5d: {  	_ =	shalt  }
0x5e: {  	_ =	shalt  }
0x5f: {  	_ =	shalt  }
0x60: {  	_ =	shalt  }
0x61: {  	_ =	shalt  }
0x62: {  	_ =	shalt  }
0x63: {  	_ =	shalt  }
0x64: {  	_ =	shalt  }
0x65: {  	_ =	shalt  }
0x66: {  	_ =	shalt  }
0x67: {  	_ =	shalt  }
0x68: {  	_ =	shalt  }
0x69: {  	_ =	shalt  }
0x6a: {  	_ =	shalt  }
0x6b: {  	_ =	shalt  }
0x6c: {  	_ =	shalt  }
0x6d: {  	_ =	shalt  }
0x6e: {  	_ =	shalt  }
0x6f: {  	_ =	shalt  }
0x70: {  	_ =	shalt  }
0x71: {  	_ =	shalt  }
0x72: {  	_ =	shalt  }
0x73: {  	_ =	shalt  }
0x74: {  	_ =	shalt  }
0x75: {  	_ =	shalt  }
0x76: {  	_ =	shalt  }
0x77: {  	_ =	shalt  }
0x78: {  	_ =	shalt  }
0x79: {  	_ =	shalt  }
0x7a: {  	_ =	shalt  }
0x7b: {  	_ =	shalt  }
0x7c: {  	_ =	shalt  }
0x7d: {  	_ =	shalt  }
0x7e: {  	_ =	shalt  }
0x7f: {  	_ =	shalt  }
0x80: {  	_ =	shalt  }
0x81: {  	_ =	shalt  }
0x82: {  	_ =	shalt  }
0x83: {  	_ =	shalt  }
0x84: {  	_ =	shalt  }
0x85: {  	_ =	shalt  }
0x86: {  	_ =	shalt  }
0x87: {  	_ =	shalt  }
.Lfunc_end0:
.L_simem_size_0:
called_computation.3_lowered:
.L_overlay_start_0:
0x88: {  	s2 =	sld [smem:$0x3FD9]  }
0x89: {  	s3 =	sld [smem:$0x3FFE];
	_ =	sdelay $0x1  }
0x8a: {  	s1 =	srdreg.scid  }
0x8b: {  	s0 =	sand.u32 $0x1, s1  }
0x8c: {  	s15 =	sshll.u32 s0, $0xA;
	s2 =	sadd.s32 s3, s2  }
0x8d: {  	s2 =	sadd.s32 s2, s15  }
0x8e: {  	[smem:$0x3FBD] =	sst s2  }
0x8f: {  	_ = 	snop  }
0x90: {  	s2 =	sld [smem:$0x3FD0];
	_ =	sdelay $0x2  }
0x91: {  	s16 =	simm.s32 $0xD;
	s4 =	simm.s32 $0x10  }
0x92: {  	[smem:s4], [sflag:s16] =	dma.local [hbm:s2], $0x1  }
0x93: {  	_ =	swait.eq [sflag:s16], $0x1  }
0x94: {  	[sflag:s16] =	ssyncset.done $0x0  }
0x95: {  	[sflag:s16] =	ssyncadd.s32 $0xFFFFFFFF  }
0x96: {  	s17 =	sld [smem:$0x11];
	(tm) =	ssettm $0x1  }
0x97: {  	s18 =	sld [smem:$0x3FFB];
	_ =	sdelay $0x3  }
0x98: {  	_ =	strace s18  }
0x99: {  	s2 =	sld [smem:$0x3FFC];
	_ =	sdelay $0x3  }
0x9a: {  	_ =	strace s2  }
0x9b: {  	s2 =	sld [smem:$0x3FFD];
	_ =	sdelay $0x3  }
0x9c: {  	_ =	strace s2  }
0x9d: {  	_ =	strace $0x8FFFFFFF  }
0x9e: {  	s19 =	sld [smem:$0x3FDB];
	_ =	sdelay $0x1  }
0x9f: {  	s20 =	simm.s32 $_scs_section_size  }
0xa0: {  	s5 =	simm.s32 $_size__tile_overlayer_lowered;
	s6 =	simm.s32 $_tile_overlayer_lowered  }
0xa1: {  	s7 =	simm.s32 $0x1BFF;
	s21 =	sshll.u32 s6, $0x1;
	s4 =	sadd.s32 s20, s19  }
0xa2: {  	s22 =	simm.s32 $0x0;
	s5 =	sshll.u32 s5, $0x1;
	s6 =	sadd.s32 s21, s4  }
0xa3: {  	[timem:s22], [sflag:s7] =	dma.local [hbm:s6], s5  }
0xa4: {  	_ =	swait.ge [sflag:s7], s5  }
0xa5: {  	s5 =	ssub.s32 $0x0, s5;
	[sflag:s7] =	ssyncset.done $0x0  }
0xa6: {  	[sflag:s7] =	ssyncadd.s32 s5;
	_ =	sdelay $0x1  }
0xa7: {  	s23 =	simm.s32 $0x1B8B  }
0xa8: {  	_ =	swait.ge [sflag:s23], $0x1  }
0xa9: {  	[sflag:s23] =	ssyncset.done $0x0  }
0xaa: {  	[sflag:s23] =	ssyncadd.s32 $0xFFFFFFFF  }
0xab: {  	s5 =	sld [smem:$0x0]  }
0xac: {  	s6 =	sand.u32 $0xFFFFFFFE, s1  }
0xad: {  	p0 =	sne.s32 s1, s6  }
0xae: {  	s6 =	sshll.u32 @p0 s6, $0xE  }
0xaf: {  	s6 =	sadd.s32 @p0 $0x11B8D, s6;
	s7 =	sshll.u32 @p0 s5, $0x11  }
0xb0: {  	s6 =	sor.u32 @p0 s7, s6  }
0xb1: {  	[sflag:s6] =	ssyncadd.remote.s32 @p0 $0x1;
	_ =	sdelay $0x1  }
0xb2: {  	s6 =	simm.s32 @p0 $0x1B8D  }
0xb3: {  	_ =	swait.eq @p0 [sflag:s6], $0x1  }
0xb4: {  	[sflag:s6] =	ssyncadd.s32 @p0 $0xFFFFFFFF  }
0xb5: {  	s7 =	sshll.u32 @!p0 s1, $0xE  }
0xb6: {  	s7 =	sor.u32 @!p0 $0x4000, s7;
	s6 =	simm.s32 @!p0 $0x1B8D  }
0xb7: {  	s5 =	sshll.u32 @!p0 s5, $0x11;
	s7 =	sadd.s32 @!p0 $0x11B8D, s7;
	_ =	swait.eq @!p0 [sflag:s6], $0x1  }
0xb8: {  	s5 =	sor.u32 @!p0 s5, s7;
	[sflag:s6] =	ssyncadd.s32 @!p0 $0xFFFFFFFF  }
0xb9: {  	s25 =	simm.s32 $0x1B8E;
	s24 =	sld [smem:$0x3FFE];
	[sflag:s5] =	ssyncadd.remote.s32 @!p0 $0x1  }
0xba: {  	s26 =	simm.s32 $execute0_lowered;
	[smem:$0x3FD2] =	sst s25  }
0xbb: {  	s6 =	sshll.u32 s26, $0x1;
	_ =	strace $0x80000049;
	[dreg:$0x1] =	wrdreg $0xFFFFFFFF  }
0xbc: {  	s28 =	simm.s32 $_size_execute0_lowered;
	s4 =	sadd.s32 s4, s6;
	[dreg:$0x0] =	wrdreg $0x0  }
0xbd: {  	s6 =	sshll.u32 s28, $0x1;
	[dreg:$0x2] =	wrdreg s4  }
0xbe: {  	[dreg:$0x3] =	wrdreg s6  }
0xbf: {  	[dreg:$0x4] =	wrdreg $0xC0  }
0xc0: {  	_ =	task [dreg:s22], $0x5FFFF  }
0xc1: {  	[dreg:$0x1] =	wrdreg $0xFFFFFFFF  }
0xc2: {  	[dreg:$0x0] =	wrdreg $0x60  }
0xc3: {  	[dreg:$0x2] =	wrdreg s17  }
0xc4: {  	[dreg:$0x3] =	wrdreg s24  }
0xc5: {  	[dreg:$0x4] =	wrdreg $0x0  }
0xc6: {  	[dreg:$0x5] =	wrdreg $0xC  }
0xc7: {  	_ =	task.clear_ibuf [dreg:s22], $0x6FFFF;
	_ =	strace $0x90000049  }
0xc8: {  	s29 =	simm.s32 $0xC;
	_ =	strace $0x8000004B  }
0xc9: {  	_ =	swait.ge [sflag:s29], $0x1  }
0xca: {  	[sflag:s29] =	ssyncadd.s32 $0xFFFFFFFF  }
0xcb: {  	_ =	strace $0x9000004B  }
0xcc: {  	_ =	sfence  }
0xcd: {  	s30 =	sld [smem:$0x0];
	_ =	sdelay $0x2  }
0xce: {  	s31 =	sshll.u32 s1, $0xD;
	s1 =	sshrl.u32 s1, $0x2  }
0xcf: {  	s4 =	sand.u32 $0x4000, s31;
	s1 =	sadd.s32 s1, s30  }
0xd0: {  	s0 =	sor.u32 s4, s0;
	s1 =	sshll.u32 s1, $0x11  }
0xd1: {  	s0 =	sor.u32 s1, s0  }
0xd2: {  	s0 =	sadd.s32 $0x8F2B, s0  }
0xd3: {  	[sflag:s0] =	ssyncadd.remote.s32 $0x1  }
0xd4: {  	_ =	sfence.sel $0xFFFF  }
0xd5: {  	[dreg:$0x0] =	wrdreg $0xFFFFFFFF;
	(pc) =	sbr.abs _section_cstart, $3  }
0xd6: {  	[dreg:$0x1] =	wrdreg $0xFFFFFFFF  }
0xd7: {  	_ =	task.clear_ibuf [dreg:s22], $0x2FFFF;
	_ =	strace $0x9FFFFFFF  }
0xd8: {  	(tm) =	ssettm $0x7FFFFFFF  }
0xd9: {  	_ =	shalt  }
tec
execute0_lowered:
.L_overlay_start_1:
0x0: {  	(tag) =	ssettag $0x1  }
0x1: {  	s1 =	rddreg [dreg:$0x0]  }
0x2: {  	s6 =	rddreg [dreg:$0x1]  }
0x3: {  	s0 =	srdreg.scid;
	s3 =	rddreg [dreg:$0x2];
	s17 =	simm.s32 $0x50  }
0x4: {  	s18 =	simm.s32 $0x186A0;
	s19 =	simm.s32 $0x138D0;
	s20 =	simm.s32 $0x1AEA0  }
0x5: {  	s21 =	simm.s32 $0x3;
	s22 =	simm.s32 $0x1D6A0;
	s23 =	simm.s32 $0x5  }
0x6: {  	s25 =	simm.s32 $0x2;
	s2 =	sand.u32 $0x1, s0;
	s0 =	stileid.u32  }
0x7: {  	s26 =	simm.s32 $0x1;
	s28 =	simm.s32 $0x0;
	s8 =	smul.u32 $0x4E000, s0  }
0x8: {  	s4 =	sshll.u32 s2, $0x4;
	s9 =	ssub.s32 $0x2, s2;
	s2 =	smul.u32 $0x138800, s2  }
0x9: {  	s10 =	sadd.s32 $0x1B000, s6;
	s14 =	sadd.s32 $0x124800, s3;
	s11 =	smul.u32 $0x13800, s0  }
0xa: {  	p0 =	seq.s32 s0, $0xF;
	s5 =	sor.u32 s0, s4;
	s4 =	simm.s32 $0x0  }
0xb: {  	s30 =	sshrl.u32 s9, $0x1;
	s14 =	sshrl.u32 @p0 s14, $0x3;
	s5 =	smul.u32 $0x4E2, s5  }
0xc: {  	[smem:$0x7FF] =	sst s4;
	s12 =	ssub.s32 s9, s30;
	s8 =	sshrl.u32 s8, $0x2  }
0xd: {  	s31 =	sadd.s32 s11, s2;
	s2 =	sshrl.u32 s2, $0x3;
	s24 =	sadd.s32 s11, s3  }
0xe: {  	s11 =	simm.s32 $0x13880;
	_ =	strace $0x8000004A;
	s16 =	sadd.s32 s8, s3  }
.Ltmp0:
0xf: {  	s8 =	sshrl.u32 s31, $0x3;
	s2 =	sadd.s32 s10, s2;
	(pc) =	sbr.rel .LBB2_1-.Ltmp0, $4  }
0x10: {  	s24 =	sshrl.u32 @!p0 s24, $0x3;
	s7 =	sadd.s32 s5, s6;
	s5 =	sadd.s32 $0x18800, s6  }
0x11: {  	s8 =	sadd.s32 s10, s8;
	s9 =	sadd.s32 $0x24900, s2;
	s10 =	smax.u32 s12, $0x1  }
0x12: {  	s12 =	simm.s32 $0x7;
	s2 =	sshll.u32 @!p0 s0, $0x6;
	s16 =	sshrl.u32 @!p0 s16, $0x3  }
0x13: {  	s6 =	sadd.s32 $0xE000, s7;
	s7 =	sadd.s32 $0x4200, s7;
	s15 =	sor.u32 @!p0 $0x1C07, s2  }
.LBB2_13:
0x14: {  	_ =	swait.ge [sflag:s23], $0x2800  }
0x15: {  	[sflag:s23] =	ssyncset.done $0x0  }
0x16: {  	[sflag:s23] =	ssyncadd.s32 $0xFFFFD800  }
0x17: {  	s0 =	simm.s32 @p0 $0x1FC7;
	[bflag:$0x0] =	sbarrier.arrive $0xFFFF  }
0x18: {  	[hbm:s9], [sflag:s0] =	dma.local @p0 [spmem:s14], $0x2800  }
0x19: {  	s0 =	simm.s32 @p0 $0x7  }
0x1a: {  	s28 =	sadd.s32 $0x1, s28;
	_ =	swait.ge @p0 [sflag:s0], $0x2800  }
0x1b: {  	p1 =	sne.s32 s28, s10;
	[sflag:s0] =	ssyncset.done @p0 $0x0  }
.Ltmp1:
0x1c: {  	[sflag:s0] =	ssyncadd.s32 @p0 $0xFFFFD800;
	s0 =	simm.s32 @!p0 $0x7;
	(pc) =	sbr.rel @!p1 .LBB2_14-.Ltmp1, $4  }
0x1d: {  	[hbm:s8], [sflag:s15] =	dma.local @!p0 [spmem:s24], $0x2700  }
0x1e: {  	_ =	swait.ge @!p0 [sflag:s0], $0x2700  }
0x1f: {  	[sflag:s0] =	ssyncset.done @!p0 $0x0  }
0x20: {  	[sflag:s0] =	ssyncadd.s32 @!p0 $0xFFFFD900  }
.LBB2_1:
0x21: {  	[tilespmem:s11], [sflag:$0x7] =	stream.linear.gather [hbm4b:s6+s4], $0x2710, $0x38;
	[tilespmem:$0x1FEA0] =	vst v63  }
0x22: {  	_ =	swait.ge [sflag:s12], $0x2710  }
0x23: {  	[sflag:s12] =	ssyncset.done $0x0  }
0x24: {  	s0 =	simm.s32 $0x15F90;
	[sflag:s12] =	ssyncadd.s32 $0xFFFFD8F0  }
0x25: {  	[tilespmem:s0], [sflag:$0x7] =	stream.linear.gather [hbm4b:s7+s4], $0x2710, $0x38;
	[tilespmem:$0x1FEA0] =	vst v63  }
0x26: {  	_ =	swait.ge [sflag:s12], $0x2710  }
0x27: {  	[sflag:s12] =	ssyncset.done $0x0  }
0x28: {  	s2 =	simm.s32 @p0 $0x1FC7;
	[sflag:s12] =	ssyncadd.s32 $0xFFFFD8F0  }
0x29: {  	[spmem:s14], [sflag:s2] =	dma.local @p0 [hbm:s5], $0x2800  }
0x2a: {  	s2 =	simm.s32 @p0 $0x7  }
0x2b: {  	_ =	swait.ge @p0 [sflag:s2], $0x2800  }
0x2c: {  	[sflag:s2] =	ssyncset.done @p0 $0x0  }
0x2d: {  	[sflag:s2] =	ssyncadd.s32 @p0 $0xFFFFD800;
	s2 =	simm.s32 @!p0 $0x7  }
0x2e: {  	[spmem:s16], [sflag:s15] =	dma.local @!p0 [hbm:s5], $0x2700  }
0x2f: {  	_ =	swait.ge @!p0 [sflag:s2], $0x2700  }
0x30: {  	[sflag:s2] =	ssyncset.done @!p0 $0x0  }
.Ltmp2:
0x31: {  	[sflag:s2] =	ssyncadd.s32 @!p0 $0xFFFFD900;
	(pc) =	sbr.rel .LBB2_2-.Ltmp2, $4  }
0x32: {  	[bflag:$0x0] =	sbarrier.arrive $0xFFFF  }
0x33: {  	[tilespmem:s18], [sflag:$0x1] =	stream.indirect.gather [hbm4b:s1+s17], $0x80, s11, s17, $0xb8;
	[tilespmem:$0x1FEA0] =	vst v63  }
0x34: {  	s29 =	simm.s32 $0x13920;
	s30 =	simm.s32 $0x15F90;
	s31 =	simm.s32 $0x0  }
0x35: {  	[tilespmem:s20], [sflag:$0x2] =	stream.indirect.gather [hbm4b:s1+s17], $0x80, s19, s17, $0xb8;
	[tilespmem:$0x1FEA0] =	vst v63  }
.LBB2_8:
0x36: {  	[tilespmem:s18], [sflag:$0x1] =	stream.indirect.gather [hbm4b:s1+s17], $0x80, s29, s17, $0xb8;
	[tilespmem:$0x1FEA0] =	vst v63  }
.LBB2_12:
0x37: {  	s31 =	sadd.s32 $0x1, s31  }
0x38: {  	p1 =	sne.s32 s31, $0x7D  }
.Ltmp3:
0x39: {  	_ = 	snop;
	(pc) =	sbr.rel @!p1 .LBB2_13-.Ltmp3, $2  }
0x3a: {  	_ =	sdelay $0x2  }
0x3b: {  	s30 =	sadd.s32 $0x50, s30;
	s29 =	sadd.s32 $0x50, s29  }
.LBB2_2:
0x3c: {  	s2 =	smul.u32 $0xAB, s31;
	_ =	sdelay $0x1  }
0x3d: {  	s2 =	sshrl.u32 s2, $0x9  }
0x3e: {  	s2 =	sand.u32 $0x7F, s2  }
0x3f: {  	s2 =	smul.u32 $0x3, s2;
	_ =	sdelay $0x1  }
0x40: {  	s2 =	ssub.s32 s31, s2  }
0x41: {  	s2 =	sand.u32 $0xFF, s2  }
0x42: {  	p1 =	seq.s32 s2, $0x2  }
.Ltmp4:
0x43: {  	_ = 	snop;
	(pc) =	sbr.rel @p1 .LBB2_4-.Ltmp4, $1  }
0x44: {  	_ =	sdelay $0x3  }
0x45: {  	p1 =	seq.s32 s2, $0x1  }
0x46: {  	_ =	swait.ge @p1 [sflag:s25], $0x2800  }
0x47: {  	[sflag:s25] =	ssyncset.done @p1 $0x0  }
0x48: {  	[sflag:s25] =	ssyncadd.s32 @p1 $0xFFFFD800  }
0x49: {  	[spmem:s3] =	stream.indirect.scatter.add.f32 @p1 [tilespmem:s20], [sflag:$0x5], $0x80, s30, s17, $0xb8;
	[tilespmem:$0x1FEA0] =	vst v63  }
.Ltmp5:
0x4a: {  	_ = 	snop;
	(pc) =	sbr.rel .LBB2_5-.Ltmp5, $4  }
0x4b: {  	_ =	swait.ge @!p1 [sflag:s26], $0x2800  }
0x4c: {  	[sflag:s26] =	ssyncset.done @!p1 $0x0  }
0x4d: {  	[sflag:s26] =	ssyncadd.s32 @!p1 $0xFFFFD800  }
0x4e: {  	[spmem:s3] =	stream.indirect.scatter.add.f32 @!p1 [tilespmem:s18], [sflag:$0x4], $0x80, s30, s17, $0xb8;
	[tilespmem:$0x1FEA0] =	vst v63  }
.LBB2_4:
0x4f: {  	_ =	swait.ge [sflag:s21], $0x2800  }
0x50: {  	[sflag:s21] =	ssyncset.done $0x0  }
0x51: {  	[sflag:s21] =	ssyncadd.s32 $0xFFFFD800  }
0x52: {  	[spmem:s3] =	stream.indirect.scatter.add.f32 [tilespmem:s22], [sflag:$0x6], $0x80, s30, s17, $0xb8;
	[tilespmem:$0x1FEA0] =	vst v63  }
.LBB2_5:
0x53: {  	s2 =	sadd.s32 $0xFFFFFFFF, s31  }
0x54: {  	s0 =	sshll.u32 s2, $0x18  }
0x55: {  	s0 =	sshra.s32 s0, $0x18  }
0x56: {  	s0 =	smul.u32 $0x56, s0;
	_ =	sdelay $0x1  }
0x57: {  	s13 =	sshrl.u32 s0, $0x1F;
	s0 =	sshrl.u32 s0, $0x8  }
0x58: {  	s0 =	sadd.s32 s13, s0  }
0x59: {  	s0 =	smul.u32 $0x3, s0;
	_ =	sdelay $0x1  }
0x5a: {  	s0 =	ssub.s32 s2, s0  }
0x5b: {  	s0 =	sshll.u32 s0, $0x18  }
0x5c: {  	s0 =	sshra.s32 s0, $0x18  }
0x5d: {  	p1 =	slt.s32 s0, $0x0;
	s2 =	sadd.s32 $0x3, s0  }
0x5e: {  	p2 =	seq.s32 s31, $0x0;
	s0 =	smov.u32 @p1 s2  }
0x5f: {  	p1 =	seq.s32 @!p2 s0, $0x0  }
0x60: {  	p1 =	por p2, !p1  }
0x61: {  	p2 =	seq.s32 @p1 s31, $0x0  }
0x62: {  	p3 =	por p2, !p1  }
0x63: {  	p3 =	seq.s32 @!p3 s0, $0x1  }
0x64: {  	p2 =	por @p1 p2, !p3  }
0x65: {  	p2 =	por !p1, !p2  }
0x66: {  	p3 =	seq.s32 @!p2 s31, $0x0  }
0x67: {  	p4 =	por p3, p2  }
0x68: {  	p4 =	sne.s32 @!p4 s0, $0x2  }
0x69: {  	p3 =	por @!p2 p3, p4  }
0x6a: {  	p3 =	por p2, !p3  }
.Ltmp6:
0x6b: {  	_ = 	snop;
	(pc) =	sbr.rel @!p3 .LBB2_7-.Ltmp6, $1  }
0x6c: {  	_ =	sdelay $0x3  }
0x6d: {  	s0 =	simm.s32 $0x4  }
0x6e: {  	s0 =	simm.s32 @p1 $0x5  }
0x6f: {  	s0 =	simm.s32 @!p2 $0x6  }
0x70: {  	_ =	swait.ge [sflag:s0], $0x2800  }
0x71: {  	[sflag:s0] =	ssyncset.done $0x0  }
0x72: {  	[sflag:s0] =	ssyncadd.s32 $0xFFFFD800  }
.LBB2_7:
0x73: {  	s0 =	sadd.s32 $0x2, s31  }
0x74: {  	s2 =	smul.u32 $0xAB, s0;
	_ =	sdelay $0x1  }
0x75: {  	s2 =	sshrl.u32 s2, $0x9  }
0x76: {  	s2 =	sand.u32 $0x7F, s2  }
0x77: {  	s2 =	smul.u32 $0x3, s2;
	_ =	sdelay $0x1  }
0x78: {  	p1 =	sgt.u32 s31, $0x7A;
	s0 =	ssub.s32 s0, s2  }
0x79: {  	s2 =	sand.u32 @!p1 $0xFF, s0  }
0x7a: {  	p2 =	sne.s32 @!p1 s2, $0x0  }
0x7b: {  	p2 =	por p1, p2  }
.Ltmp7:
0x7c: {  	_ = 	snop;
	(pc) =	sbr.rel @!p2 .LBB2_8-.Ltmp7, $1  }
0x7d: {  	_ =	sdelay $0x3  }
0x7e: {  	p2 =	sne.s32 @!p1 s2, $0x1  }
0x7f: {  	p2 =	por p1, p2  }
.Ltmp8:
0x80: {  	_ = 	snop;
	(pc) =	sbr.rel @p2 .LBB2_11-.Ltmp8, $1  }
0x81: {  	_ =	sdelay $0x3  }
.Ltmp9:
0x82: {  	(pc) =	sbr.rel .LBB2_12-.Ltmp9, $2  }
0x83: {  	_ =	sdelay $0x2  }
0x84: {  	[tilespmem:s20], [sflag:$0x2] =	stream.indirect.gather [hbm4b:s1+s17], $0x80, s29, s17, $0xb8;
	[tilespmem:$0x1FEA0] =	vst v63  }
.LBB2_11:
.Ltmp10:
0x85: {  	(pc) =	sbr.rel .LBB2_12-.Ltmp10, $4  }
0x86: {  	p2 =	sne.s32 @!p1 s2, $0x2  }
0x87: {  	p1 =	por p2, p1  }
0x88: {  	s0 =	simm.s32 @!p1 $0x50;
	s2 =	simm.s32 @!p1 $0x1D6A0  }
0x89: {  	[tilespmem:s2], [sflag:$0x3] =	stream.indirect.gather @!p1 [hbm4b:s1+s0], $0x80, s29, s0, $0xb8;
	[tilespmem:$0x1FEA0] =	vst v63  }
.LBB2_14:
0x8a: {  	_ =	sfence.sel $0x180000  }
0x8b: {  	[bflag:$0x0] =	sbarrier.arrive $0xFFFF  }
0x8c: {  	_ =	strace $0x9000004A  }
0x8d: {  	s0 =	stileid.u32;
	[bflag:$0x2] =	sbarrier.arrive $0xFFFF  }
0x8e: {  	p0 =	sne.s32 s0, $0x0;
	s0 =	rddreg [dreg:$0x3]  }
0x8f: {  	s0 =	sadd.s32 @!p0 $0x100000, s0  }
0x90: {  	[sflag:s0] =	ssyncadd.tile.s32 @!p0 $0x1;
	_ =	shalt  }
.Lfunc_end2:
_tile_overlayer_lowered:
.L_overlay_start_2:
0x91: {  	(tag) =	ssettag $0x2  }
0x92: {  	s0 =	rddreg [dreg:$0x0];
	s2 =	stileid.u32  }
0x93: {  	s1 =	rddreg [dreg:$0x1];
	p0 =	sne.s32 s2, $0x0  }
0x94: {  	s3 =	rddreg [dreg:$0x2];
	[bflag:$0x3] =	sbarrier.arrive $0xFFFF;
	s2 =	simm.s32 @!p0 $0x1C07  }
0x95: {  	[timem:s3], [sflag:s2] =	dma.local @!p0 [hbm:s0], s1  }
0x96: {  	s0 =	simm.s32 @!p0 $0x7  }
0x97: {  	_ =	swait.ge @!p0 [sflag:s0], s1  }
0x98: {  	s1 =	ssub.s32 @!p0 $0x0, s1;
	[sflag:s0] =	ssyncset.done @!p0 $0x0  }
0x99: {  	[sflag:s0] =	ssyncadd.s32 @!p0 s1  }
0x9a: {  	[bflag:$0x3] =	sbarrier.arrive $0xFFFF  }
0x9b: {  	_ =	shalt  }

// kernel: kernel.24.cloned.1.call-start
scs
__scs_entry_jumppad:
0x0: {  	(pc) =	sbr.rel $0x88, $3  }
0x1: {  	(tag) =	ssettag $0x0;
	lr =	simm.s32 $0x1  }
0x2: {  	[smem:$0x3F96] =	sst lr;
	_ =	strace $0xD0000000  }
0x3: {  	_ = 	snop  }
0x4: {  	_ = 	snop  }
0x5: {  	_ = 	snop  }
0x6: {  	_ = 	snop  }
0x7: {  	_ = 	snop  }
__scs_overlays_trampoline_lowered:
0x8: {  	[smem:$0x3FA5] =	sst s0  }
0x9: {  	[smem:$0x3FA6] =	sst s1  }
0xa: {  	[smem:$0x3FA7] =	sst s2  }
0xb: {  	[smem:$0x3FA8] =	sst s3  }
0xc: {  	[smem:$0x3FA9] =	sst s4  }
0xd: {  	[smem:$0x3FAA] =	sst s5  }
0xe: {  	[smem:$0x3FAB] =	sst s6  }
0xf: {  	[smem:$0x3FAC] =	sst s7  }
0x10: {  	[smem:$0x3FAD] =	sst s8  }
0x11: {  	[smem:$0x3FAE] =	sst s9;
	s0 =	simm.s32 @!p0 $0x0  }
0x12: {  	s1 =	sld [smem:$0x3F94];
	s0 =	simm.s32 @p0 $0x1  }
0x13: {  	[smem:$0x3FAF] =	sst s0;
	s0 =	simm.s32 @!p1 $0x0  }
0x14: {  	s2 =	sld [smem:$0x3F93];
	s0 =	simm.s32 @p1 $0x1  }
0x15: {  	[smem:$0x3FB0] =	sst s0;
	s0 =	simm.s32 @!p2 $0x0  }
0x16: {  	s3 =	sld [smem:$0x3FDB];
	s0 =	simm.s32 @p2 $0x1  }
0x17: {  	s4 =	simm.s32 $0x1BF5;
	[smem:$0x3FB2] =	sst s0  }
0x18: {  	s0 =	sld [smem:$0x3F95];
	_ =	swait.ge [sflag:s4], $0x0  }
0x19: {  	s7 =	sld [smem:$0x3F96]  }
0x1a: {  	s8 =	sadd.s32 $0xFFFFE003, lr  }
0x1b: {  	s9 =	sadd.s32 $0xFFFFFEF7, lr;
	s5 =	simm.s32 $0xFFFFFFFF;
	p2 =	slt.u32 s8, $0xFFFFF086  }
0x1c: {  	p1 =	slt.u32 s9, $0xF7A;
	s5 =	simm.s32 @!p2 $0x0  }
0x1d: {  	s5 =	simm.s32 @p1 $0x1;
	p0 =	seq.s32 s7, s2  }
0x1e: {  	s7 =	smul.u32 @!p0 $0xF7A, s2;
	p2 =	seq.s32 @!p0 s5, $0x0  }
0x1f: {  	s9 =	smul.u32 $0xF7A, s1;
	s8 =	simm.s32 @!p0 $0x1BF5;
	p2 =	por !p2, p0  }
0x20: {  	[sflag:s8] =	ssyncset.s32 @!p0 $0xFFFFF086;
	s6 =	sadd.s32 @!p0 s3, s7;
	s7 =	simm.s32 @!p0 $0x108  }
0x21: {  	s3 =	sadd.s32 s3, s9;
	s6 =	sadd.s32 @!p0 $0x88, s6;
	s7 =	simm.s32 @p2 $0x1082  }
0x22: {  	[simem:s7], [sflag:s8] =	dma.local @!p0 [hbm:s6], $0xF7A  }
0x23: {  	s9 =	sor.u32 $0xD0000000, s2;
	s6 =	simm.s32 $0x108;
	_ =	swait.ge @!p0 [sflag:s8], $0x0  }
0x24: {  	s3 =	sadd.s32 $0x88, s3;
	s6 =	simm.s32 @!p1 $0x1082;
	[sflag:s4] =	ssyncset.s32 $0xFFFFF086  }
0x25: {  	[simem:s6], [sflag:s4] =	dma.local [hbm:s3], $0xF7A  }
0x26: {  	[smem:$0x3F96] =	sst s1;
	(tag) =	ssettag s2;
	_ =	strace s9  }
0x27: {  	s1 =	sld [smem:$0x3FA6]  }
0x28: {  	s2 =	sld [smem:$0x3FA7]  }
0x29: {  	s4 =	sld [smem:$0x3FA9]  }
0x2a: {  	p0 =	seq.s32 s5, $0x0;
	s5 =	sld [smem:$0x3FAA]  }
0x2b: {  	s6 =	sld [smem:$0x3FAB]  }
0x2c: {  	s7 =	sld [smem:$0x3FAC]  }
0x2d: {  	s3 =	simm.s32 $0x108;
	s8 =	sld [smem:$0x3FAD]  }
0x2e: {  	s3 =	simm.s32 @!p0 $0x1082;
	s9 =	sld [smem:$0x3FAE]  }
0x2f: {  	lr =	sadd.s32 s0, s3;
	s0 =	sld [smem:$0x3FA5]  }
0x30: {  	s3 =	sld [smem:$0x3FA8]  }
0x31: {  	[smem:$0x3FB1] =	sst s10  }
0x32: {  	s10 =	sld [smem:$0x3FAF];
	_ =	sdelay $0x3  }
0x33: {  	p0 =	seq.s32 s10, $0x1;
	s10 =	sld [smem:$0x3FB1];
	_ =	sdelay $0x3  }
0x34: {  	[smem:$0x3FB1] =	sst s10  }
0x35: {  	s10 =	sld [smem:$0x3FB0];
	_ =	sdelay $0x3  }
0x36: {  	p1 =	seq.s32 s10, $0x1;
	s10 =	sld [smem:$0x3FB1];
	_ =	sdelay $0x3  }
0x37: {  	[smem:$0x3FB1] =	sst s10  }
0x38: {  	s10 =	sld [smem:$0x3FB2]  }
0x39: {  	_ = 	snop;
	(pc) =	sbr.ind lr, $3  }
0x3a: {  	_ = 	snop  }
0x3b: {  	_ = 	snop  }
0x3c: {  	p2 =	seq.s32 s10, $0x1;
	s10 =	sld [smem:$0x3FB1]  }
0x3d: {  	_ =	shalt  }
0x3e: {  	_ =	shalt  }
0x3f: {  	_ =	shalt  }
0x40: {  	_ =	shalt  }
0x41: {  	_ =	shalt  }
0x42: {  	_ =	shalt  }
0x43: {  	_ =	shalt  }
0x44: {  	_ =	shalt  }
0x45: {  	_ =	shalt  }
0x46: {  	_ =	shalt  }
0x47: {  	_ =	shalt  }
0x48: {  	_ =	shalt  }
0x49: {  	_ =	shalt  }
0x4a: {  	_ =	shalt  }
0x4b: {  	_ =	shalt  }
0x4c: {  	_ =	shalt  }
0x4d: {  	_ =	shalt  }
0x4e: {  	_ =	shalt  }
0x4f: {  	_ =	shalt  }
0x50: {  	_ =	shalt  }
0x51: {  	_ =	shalt  }
0x52: {  	_ =	shalt  }
0x53: {  	_ =	shalt  }
0x54: {  	_ =	shalt  }
0x55: {  	_ =	shalt  }
0x56: {  	_ =	shalt  }
0x57: {  	_ =	shalt  }
0x58: {  	_ =	shalt  }
0x59: {  	_ =	shalt  }
0x5a: {  	_ =	shalt  }
0x5b: {  	_ =	shalt  }
0x5c: {  	_ =	shalt  }
0x5d: {  	_ =	shalt  }
0x5e: {  	_ =	shalt  }
0x5f: {  	_ =	shalt  }
0x60: {  	_ =	shalt  }
0x61: {  	_ =	shalt  }
0x62: {  	_ =	shalt  }
0x63: {  	_ =	shalt  }
0x64: {  	_ =	shalt  }
0x65: {  	_ =	shalt  }
0x66: {  	_ =	shalt  }
0x67: {  	_ =	shalt  }
0x68: {  	_ =	shalt  }
0x69: {  	_ =	shalt  }
0x6a: {  	_ =	shalt  }
0x6b: {  	_ =	shalt  }
0x6c: {  	_ =	shalt  }
0x6d: {  	_ =	shalt  }
0x6e: {  	_ =	shalt  }
0x6f: {  	_ =	shalt  }
0x70: {  	_ =	shalt  }
0x71: {  	_ =	shalt  }
0x72: {  	_ =	shalt  }
0x73: {  	_ =	shalt  }
0x74: {  	_ =	shalt  }
0x75: {  	_ =	shalt  }
0x76: {  	_ =	shalt  }
0x77: {  	_ =	shalt  }
0x78: {  	_ =	shalt  }
0x79: {  	_ =	shalt  }
0x7a: {  	_ =	shalt  }
0x7b: {  	_ =	shalt  }
0x7c: {  	_ =	shalt  }
0x7d: {  	_ =	shalt  }
0x7e: {  	_ =	shalt  }
0x7f: {  	_ =	shalt  }
0x80: {  	_ =	shalt  }
0x81: {  	_ =	shalt  }
0x82: {  	_ =	shalt  }
0x83: {  	_ =	shalt  }
0x84: {  	_ =	shalt  }
0x85: {  	_ =	shalt  }
0x86: {  	_ =	shalt  }
0x87: {  	_ =	shalt  }
.Lfunc_end0:
.L_simem_size_0:
called_computation.4_lowered:
.L_overlay_start_0:
0x88: {  	s2 =	sld [smem:$0x3FD9]  }
0x89: {  	s3 =	sld [smem:$0x3FFE];
	_ =	sdelay $0x1  }
0x8a: {  	s1 =	srdreg.scid  }
0x8b: {  	s0 =	sand.u32 $0x1, s1  }
0x8c: {  	s15 =	sshll.u32 s0, $0xA;
	s2 =	sadd.s32 s3, s2  }
0x8d: {  	s2 =	sadd.s32 s2, s15  }
0x8e: {  	[smem:$0x3FBD] =	sst s2  }
0x8f: {  	_ = 	snop  }
0x90: {  	s2 =	sld [smem:$0x3FD0];
	_ =	sdelay $0x2  }
0x91: {  	s16 =	simm.s32 $0xD;
	s4 =	simm.s32 $0x10  }
0x92: {  	[smem:s4], [sflag:s16] =	dma.local [hbm:s2], $0x1  }
0x93: {  	_ =	swait.eq [sflag:s16], $0x1  }
0x94: {  	[sflag:s16] =	ssyncset.done $0x0  }
0x95: {  	[sflag:s16] =	ssyncadd.s32 $0xFFFFFFFF  }
0x96: {  	s17 =	sld [smem:$0x12];
	(tm) =	ssettm $0x1  }
0x97: {  	s18 =	sld [smem:$0x3FFB];
	_ =	sdelay $0x3  }
0x98: {  	_ =	strace s18  }
0x99: {  	s2 =	sld [smem:$0x3FFC];
	_ =	sdelay $0x3  }
0x9a: {  	_ =	strace s2  }
0x9b: {  	s2 =	sld [smem:$0x3FFD];
	_ =	sdelay $0x3  }
0x9c: {  	_ =	strace s2  }
0x9d: {  	_ =	strace $0x8FFFFFFF  }
0x9e: {  	s19 =	sld [smem:$0x3FDB];
	_ =	sdelay $0x1  }
0x9f: {  	s20 =	simm.s32 $_scs_section_size  }
0xa0: {  	s5 =	simm.s32 $_size__tile_overlayer_lowered;
	s6 =	simm.s32 $_tile_overlayer_lowered  }
0xa1: {  	s7 =	simm.s32 $0x1BFF;
	s21 =	sshll.u32 s6, $0x1;
	s4 =	sadd.s32 s20, s19  }
0xa2: {  	s22 =	simm.s32 $0x0;
	s5 =	sshll.u32 s5, $0x1;
	s6 =	sadd.s32 s21, s4  }
0xa3: {  	[timem:s22], [sflag:s7] =	dma.local [hbm:s6], s5  }
0xa4: {  	_ =	swait.ge [sflag:s7], s5  }
0xa5: {  	s5 =	ssub.s32 $0x0, s5;
	[sflag:s7] =	ssyncset.done $0x0  }
0xa6: {  	[sflag:s7] =	ssyncadd.s32 s5;
	_ =	sdelay $0x1  }
0xa7: {  	s23 =	simm.s32 $0x1B8B  }
0xa8: {  	_ =	swait.ge [sflag:s23], $0x1  }
0xa9: {  	[sflag:s23] =	ssyncset.done $0x0  }
0xaa: {  	[sflag:s23] =	ssyncadd.s32 $0xFFFFFFFF  }
0xab: {  	s5 =	sld [smem:$0x0]  }
0xac: {  	s6 =	sand.u32 $0xFFFFFFFE, s1  }
0xad: {  	p0 =	sne.s32 s1, s6  }
0xae: {  	s6 =	sshll.u32 @p0 s6, $0xE  }
0xaf: {  	s6 =	sadd.s32 @p0 $0x11B8D, s6;
	s7 =	sshll.u32 @p0 s5, $0x11  }
0xb0: {  	s6 =	sor.u32 @p0 s7, s6  }
0xb1: {  	[sflag:s6] =	ssyncadd.remote.s32 @p0 $0x1;
	_ =	sdelay $0x1  }
0xb2: {  	s6 =	simm.s32 @p0 $0x1B8D  }
0xb3: {  	_ =	swait.eq @p0 [sflag:s6], $0x1  }
0xb4: {  	[sflag:s6] =	ssyncadd.s32 @p0 $0xFFFFFFFF  }
0xb5: {  	s7 =	sshll.u32 @!p0 s1, $0xE  }
0xb6: {  	s7 =	sor.u32 @!p0 $0x4000, s7;
	s6 =	simm.s32 @!p0 $0x1B8D  }
0xb7: {  	s5 =	sshll.u32 @!p0 s5, $0x11;
	s7 =	sadd.s32 @!p0 $0x11B8D, s7;
	_ =	swait.eq @!p0 [sflag:s6], $0x1  }
0xb8: {  	s5 =	sor.u32 @!p0 s5, s7;
	[sflag:s6] =	ssyncadd.s32 @!p0 $0xFFFFFFFF  }
0xb9: {  	s25 =	simm.s32 $0x1B8E;
	s24 =	sld [smem:$0x3FFE];
	[sflag:s5] =	ssyncadd.remote.s32 @!p0 $0x1  }
0xba: {  	s26 =	simm.s32 $execute0_lowered;
	[smem:$0x3FD2] =	sst s25  }
0xbb: {  	s6 =	sshll.u32 s26, $0x1;
	_ =	strace $0x80000058;
	[dreg:$0x1] =	wrdreg $0xFFFFFFFF  }
0xbc: {  	s28 =	simm.s32 $_size_execute0_lowered;
	s4 =	sadd.s32 s4, s6;
	[dreg:$0x0] =	wrdreg $0x0  }
0xbd: {  	s6 =	sshll.u32 s28, $0x1;
	[dreg:$0x2] =	wrdreg s4  }
0xbe: {  	[dreg:$0x3] =	wrdreg s6  }
0xbf: {  	[dreg:$0x4] =	wrdreg $0xC0  }
0xc0: {  	_ =	task [dreg:s22], $0x5FFFF  }
0xc1: {  	[dreg:$0x1] =	wrdreg $0xFFFFFFFF  }
0xc2: {  	[dreg:$0x0] =	wrdreg $0x60  }
0xc3: {  	[dreg:$0x2] =	wrdreg s17  }
0xc4: {  	[dreg:$0x3] =	wrdreg s24  }
0xc5: {  	[dreg:$0x4] =	wrdreg $0x0  }
0xc6: {  	[dreg:$0x5] =	wrdreg $0x9  }
0xc7: {  	_ =	task.clear_ibuf [dreg:s22], $0x6FFFF;
	_ =	strace $0x90000058  }
0xc8: {  	s29 =	simm.s32 $0x9;
	_ =	strace $0x8000005A  }
0xc9: {  	_ =	swait.ge [sflag:s29], $0x1  }
0xca: {  	[sflag:s29] =	ssyncadd.s32 $0xFFFFFFFF  }
0xcb: {  	_ =	strace $0x9000005A  }
0xcc: {  	_ =	sfence  }
0xcd: {  	s30 =	sld [smem:$0x0];
	_ =	sdelay $0x2  }
0xce: {  	s31 =	sshll.u32 s1, $0xD;
	s1 =	sshrl.u32 s1, $0x2  }
0xcf: {  	s4 =	sand.u32 $0x4000, s31;
	s1 =	sadd.s32 s1, s30  }
0xd0: {  	s0 =	sor.u32 s4, s0;
	s1 =	sshll.u32 s1, $0x11  }
0xd1: {  	s0 =	sor.u32 s1, s0  }
0xd2: {  	s0 =	sadd.s32 $0x8F2B, s0  }
0xd3: {  	[sflag:s0] =	ssyncadd.remote.s32 $0x1  }
0xd4: {  	_ =	sfence.sel $0xFFFF  }
0xd5: {  	[dreg:$0x0] =	wrdreg $0xFFFFFFFF;
	(pc) =	sbr.abs _section_cstart, $3  }
0xd6: {  	[dreg:$0x1] =	wrdreg $0xFFFFFFFF  }
0xd7: {  	_ =	task.clear_ibuf [dreg:s22], $0x2FFFF;
	_ =	strace $0x9FFFFFFF  }
0xd8: {  	(tm) =	ssettm $0x7FFFFFFF  }
0xd9: {  	_ =	shalt  }
tec
execute0_lowered:
.L_overlay_start_1:
0x0: {  	(tag) =	ssettag $0x1  }
0x1: {  	s1 =	rddreg [dreg:$0x0]  }
0x2: {  	s6 =	rddreg [dreg:$0x1]  }
0x3: {  	s0 =	srdreg.scid;
	s3 =	rddreg [dreg:$0x2];
	s17 =	simm.s32 $0x50  }
0x4: {  	s18 =	simm.s32 $0x186A0;
	s19 =	simm.s32 $0x138D0;
	s20 =	simm.s32 $0x1AEA0  }
0x5: {  	s21 =	simm.s32 $0x3;
	s22 =	simm.s32 $0x1D6A0;
	s23 =	simm.s32 $0x5  }
0x6: {  	s25 =	simm.s32 $0x2;
	s2 =	sand.u32 $0x1, s0;
	s0 =	stileid.u32  }
0x7: {  	s26 =	simm.s32 $0x1;
	s28 =	simm.s32 $0x0;
	s8 =	smul.u32 $0x4E000, s0  }
0x8: {  	s4 =	sshll.u32 s2, $0x4;
	s9 =	ssub.s32 $0x2, s2;
	s2 =	smul.u32 $0x138800, s2  }
0x9: {  	s10 =	sadd.s32 $0xB7400, s6;
	s14 =	sadd.s32 $0x124800, s3;
	s11 =	smul.u32 $0x13800, s0  }
0xa: {  	p0 =	seq.s32 s0, $0xF;
	s5 =	sor.u32 s0, s4;
	s4 =	simm.s32 $0x0  }
0xb: {  	s30 =	sshrl.u32 s9, $0x1;
	s14 =	sshrl.u32 @p0 s14, $0x3;
	s5 =	smul.u32 $0x4E2, s5  }
0xc: {  	[smem:$0x7FF] =	sst s4;
	s12 =	ssub.s32 s9, s30;
	s8 =	sshrl.u32 s8, $0x2  }
0xd: {  	s31 =	sadd.s32 s11, s2;
	s2 =	sshrl.u32 s2, $0x3;
	s24 =	sadd.s32 s11, s3  }
0xe: {  	s11 =	simm.s32 $0x13880;
	_ =	strace $0x80000059;
	s16 =	sadd.s32 s8, s3  }
.Ltmp0:
0xf: {  	s8 =	sshrl.u32 s31, $0x3;
	s2 =	sadd.s32 s10, s2;
	(pc) =	sbr.rel .LBB2_1-.Ltmp0, $4  }
0x10: {  	s24 =	sshrl.u32 @!p0 s24, $0x3;
	s7 =	sadd.s32 s5, s6;
	s5 =	sadd.s32 $0x18800, s6  }
0x11: {  	s8 =	sadd.s32 s10, s8;
	s9 =	sadd.s32 $0x24900, s2;
	s10 =	smax.u32 s12, $0x1  }
0x12: {  	s12 =	simm.s32 $0x7;
	s2 =	sshll.u32 @!p0 s0, $0x6;
	s16 =	sshrl.u32 @!p0 s16, $0x3  }
0x13: {  	s6 =	sadd.s32 $0xE000, s7;
	s7 =	sadd.s32 $0x4200, s7;
	s15 =	sor.u32 @!p0 $0x1C07, s2  }
.LBB2_13:
0x14: {  	_ =	swait.ge [sflag:s23], $0x2800  }
0x15: {  	[sflag:s23] =	ssyncset.done $0x0  }
0x16: {  	[sflag:s23] =	ssyncadd.s32 $0xFFFFD800  }
0x17: {  	s0 =	simm.s32 @p0 $0x1FC7;
	[bflag:$0x0] =	sbarrier.arrive $0xFFFF  }
0x18: {  	[hbm:s9], [sflag:s0] =	dma.local @p0 [spmem:s14], $0x2800  }
0x19: {  	s0 =	simm.s32 @p0 $0x7  }
0x1a: {  	s28 =	sadd.s32 $0x1, s28;
	_ =	swait.ge @p0 [sflag:s0], $0x2800  }
0x1b: {  	p1 =	sne.s32 s28, s10;
	[sflag:s0] =	ssyncset.done @p0 $0x0  }
.Ltmp1:
0x1c: {  	[sflag:s0] =	ssyncadd.s32 @p0 $0xFFFFD800;
	s0 =	simm.s32 @!p0 $0x7;
	(pc) =	sbr.rel @!p1 .LBB2_14-.Ltmp1, $4  }
0x1d: {  	[hbm:s8], [sflag:s15] =	dma.local @!p0 [spmem:s24], $0x2700  }
0x1e: {  	_ =	swait.ge @!p0 [sflag:s0], $0x2700  }
0x1f: {  	[sflag:s0] =	ssyncset.done @!p0 $0x0  }
0x20: {  	[sflag:s0] =	ssyncadd.s32 @!p0 $0xFFFFD900  }
.LBB2_1:
0x21: {  	[tilespmem:s11], [sflag:$0x7] =	stream.linear.gather [hbm4b:s6+s4], $0x2710, $0x38;
	[tilespmem:$0x1FEA0] =	vst v63  }
0x22: {  	_ =	swait.ge [sflag:s12], $0x2710  }
0x23: {  	[sflag:s12] =	ssyncset.done $0x0  }
0x24: {  	s0 =	simm.s32 $0x15F90;
	[sflag:s12] =	ssyncadd.s32 $0xFFFFD8F0  }
0x25: {  	[tilespmem:s0], [sflag:$0x7] =	stream.linear.gather [hbm4b:s7+s4], $0x2710, $0x38;
	[tilespmem:$0x1FEA0] =	vst v63  }
0x26: {  	_ =	swait.ge [sflag:s12], $0x2710  }
0x27: {  	[sflag:s12] =	ssyncset.done $0x0  }
0x28: {  	s2 =	simm.s32 @p0 $0x1FC7;
	[sflag:s12] =	ssyncadd.s32 $0xFFFFD8F0  }
0x29: {  	[spmem:s14], [sflag:s2] =	dma.local @p0 [hbm:s5], $0x2800  }
0x2a: {  	s2 =	simm.s32 @p0 $0x7  }
0x2b: {  	_ =	swait.ge @p0 [sflag:s2], $0x2800  }
0x2c: {  	[sflag:s2] =	ssyncset.done @p0 $0x0  }
0x2d: {  	[sflag:s2] =	ssyncadd.s32 @p0 $0xFFFFD800;
	s2 =	simm.s32 @!p0 $0x7  }
0x2e: {  	[spmem:s16], [sflag:s15] =	dma.local @!p0 [hbm:s5], $0x2700  }
0x2f: {  	_ =	swait.ge @!p0 [sflag:s2], $0x2700  }
0x30: {  	[sflag:s2] =	ssyncset.done @!p0 $0x0  }
.Ltmp2:
0x31: {  	[sflag:s2] =	ssyncadd.s32 @!p0 $0xFFFFD900;
	(pc) =	sbr.rel .LBB2_2-.Ltmp2, $4  }
0x32: {  	[bflag:$0x0] =	sbarrier.arrive $0xFFFF  }
0x33: {  	[tilespmem:s18], [sflag:$0x1] =	stream.indirect.gather [hbm4b:s1+s17], $0x80, s11, s17, $0xb8;
	[tilespmem:$0x1FEA0] =	vst v63  }
0x34: {  	s29 =	simm.s32 $0x13920;
	s30 =	simm.s32 $0x15F90;
	s31 =	simm.s32 $0x0  }
0x35: {  	[tilespmem:s20], [sflag:$0x2] =	stream.indirect.gather [hbm4b:s1+s17], $0x80, s19, s17, $0xb8;
	[tilespmem:$0x1FEA0] =	vst v63  }
.LBB2_8:
0x36: {  	[tilespmem:s18], [sflag:$0x1] =	stream.indirect.gather [hbm4b:s1+s17], $0x80, s29, s17, $0xb8;
	[tilespmem:$0x1FEA0] =	vst v63  }
.LBB2_12:
0x37: {  	s31 =	sadd.s32 $0x1, s31  }
0x38: {  	p1 =	sne.s32 s31, $0x7D  }
.Ltmp3:
0x39: {  	_ = 	snop;
	(pc) =	sbr.rel @!p1 .LBB2_13-.Ltmp3, $2  }
0x3a: {  	_ =	sdelay $0x2  }
0x3b: {  	s30 =	sadd.s32 $0x50, s30;
	s29 =	sadd.s32 $0x50, s29  }
.LBB2_2:
0x3c: {  	s2 =	smul.u32 $0xAB, s31;
	_ =	sdelay $0x1  }
0x3d: {  	s2 =	sshrl.u32 s2, $0x9  }
0x3e: {  	s2 =	sand.u32 $0x7F, s2  }
0x3f: {  	s2 =	smul.u32 $0x3, s2;
	_ =	sdelay $0x1  }
0x40: {  	s2 =	ssub.s32 s31, s2  }
0x41: {  	s2 =	sand.u32 $0xFF, s2  }
0x42: {  	p1 =	seq.s32 s2, $0x2  }
.Ltmp4:
0x43: {  	_ = 	snop;
	(pc) =	sbr.rel @p1 .LBB2_4-.Ltmp4, $1  }
0x44: {  	_ =	sdelay $0x3  }
0x45: {  	p1 =	seq.s32 s2, $0x1  }
0x46: {  	_ =	swait.ge @p1 [sflag:s25], $0x2800  }
0x47: {  	[sflag:s25] =	ssyncset.done @p1 $0x0  }
0x48: {  	[sflag:s25] =	ssyncadd.s32 @p1 $0xFFFFD800  }
0x49: {  	[spmem:s3] =	stream.indirect.scatter.add.f32 @p1 [tilespmem:s20], [sflag:$0x5], $0x80, s30, s17, $0xb8;
	[tilespmem:$0x1FEA0] =	vst v63  }
.Ltmp5:
0x4a: {  	_ = 	snop;
	(pc) =	sbr.rel .LBB2_5-.Ltmp5, $4  }
0x4b: {  	_ =	swait.ge @!p1 [sflag:s26], $0x2800  }
0x4c: {  	[sflag:s26] =	ssyncset.done @!p1 $0x0  }
0x4d: {  	[sflag:s26] =	ssyncadd.s32 @!p1 $0xFFFFD800  }
0x4e: {  	[spmem:s3] =	stream.indirect.scatter.add.f32 @!p1 [tilespmem:s18], [sflag:$0x4], $0x80, s30, s17, $0xb8;
	[tilespmem:$0x1FEA0] =	vst v63  }
.LBB2_4:
0x4f: {  	_ =	swait.ge [sflag:s21], $0x2800  }
0x50: {  	[sflag:s21] =	ssyncset.done $0x0  }
0x51: {  	[sflag:s21] =	ssyncadd.s32 $0xFFFFD800  }
0x52: {  	[spmem:s3] =	stream.indirect.scatter.add.f32 [tilespmem:s22], [sflag:$0x6], $0x80, s30, s17, $0xb8;
	[tilespmem:$0x1FEA0] =	vst v63  }
.LBB2_5:
0x53: {  	s2 =	sadd.s32 $0xFFFFFFFF, s31  }
0x54: {  	s0 =	sshll.u32 s2, $0x18  }
0x55: {  	s0 =	sshra.s32 s0, $0x18  }
0x56: {  	s0 =	smul.u32 $0x56, s0;
	_ =	sdelay $0x1  }
0x57: {  	s13 =	sshrl.u32 s0, $0x1F;
	s0 =	sshrl.u32 s0, $0x8  }
0x58: {  	s0 =	sadd.s32 s13, s0  }
0x59: {  	s0 =	smul.u32 $0x3, s0;
	_ =	sdelay $0x1  }
0x5a: {  	s0 =	ssub.s32 s2, s0  }
0x5b: {  	s0 =	sshll.u32 s0, $0x18  }
0x5c: {  	s0 =	sshra.s32 s0, $0x18  }
0x5d: {  	p1 =	slt.s32 s0, $0x0;
	s2 =	sadd.s32 $0x3, s0  }
0x5e: {  	p2 =	seq.s32 s31, $0x0;
	s0 =	smov.u32 @p1 s2  }
0x5f: {  	p1 =	seq.s32 @!p2 s0, $0x0  }
0x60: {  	p1 =	por p2, !p1  }
0x61: {  	p2 =	seq.s32 @p1 s31, $0x0  }
0x62: {  	p3 =	por p2, !p1  }
0x63: {  	p3 =	seq.s32 @!p3 s0, $0x1  }
0x64: {  	p2 =	por @p1 p2, !p3  }
0x65: {  	p2 =	por !p1, !p2  }
0x66: {  	p3 =	seq.s32 @!p2 s31, $0x0  }
0x67: {  	p4 =	por p3, p2  }
0x68: {  	p4 =	sne.s32 @!p4 s0, $0x2  }
0x69: {  	p3 =	por @!p2 p3, p4  }
0x6a: {  	p3 =	por p2, !p3  }
.Ltmp6:
0x6b: {  	_ = 	snop;
	(pc) =	sbr.rel @!p3 .LBB2_7-.Ltmp6, $1  }
0x6c: {  	_ =	sdelay $0x3  }
0x6d: {  	s0 =	simm.s32 $0x4  }
0x6e: {  	s0 =	simm.s32 @p1 $0x5  }
0x6f: {  	s0 =	simm.s32 @!p2 $0x6  }
0x70: {  	_ =	swait.ge [sflag:s0], $0x2800  }
0x71: {  	[sflag:s0] =	ssyncset.done $0x0  }
0x72: {  	[sflag:s0] =	ssyncadd.s32 $0xFFFFD800  }
.LBB2_7:
0x73: {  	s0 =	sadd.s32 $0x2, s31  }
0x74: {  	s2 =	smul.u32 $0xAB, s0;
	_ =	sdelay $0x1  }
0x75: {  	s2 =	sshrl.u32 s2, $0x9  }
0x76: {  	s2 =	sand.u32 $0x7F, s2  }
0x77: {  	s2 =	smul.u32 $0x3, s2;
	_ =	sdelay $0x1  }
0x78: {  	p1 =	sgt.u32 s31, $0x7A;
	s0 =	ssub.s32 s0, s2  }
0x79: {  	s2 =	sand.u32 @!p1 $0xFF, s0  }
0x7a: {  	p2 =	sne.s32 @!p1 s2, $0x0  }
0x7b: {  	p2 =	por p1, p2  }
.Ltmp7:
0x7c: {  	_ = 	snop;
	(pc) =	sbr.rel @!p2 .LBB2_8-.Ltmp7, $1  }
0x7d: {  	_ =	sdelay $0x3  }
0x7e: {  	p2 =	sne.s32 @!p1 s2, $0x1  }
0x7f: {  	p2 =	por p1, p2  }
.Ltmp8:
0x80: {  	_ = 	snop;
	(pc) =	sbr.rel @p2 .LBB2_11-.Ltmp8, $1  }
0x81: {  	_ =	sdelay $0x3  }
.Ltmp9:
0x82: {  	(pc) =	sbr.rel .LBB2_12-.Ltmp9, $2  }
0x83: {  	_ =	sdelay $0x2  }
0x84: {  	[tilespmem:s20], [sflag:$0x2] =	stream.indirect.gather [hbm4b:s1+s17], $0x80, s29, s17, $0xb8;
	[tilespmem:$0x1FEA0] =	vst v63  }
.LBB2_11:
.Ltmp10:
0x85: {  	(pc) =	sbr.rel .LBB2_12-.Ltmp10, $4  }
0x86: {  	p2 =	sne.s32 @!p1 s2, $0x2  }
0x87: {  	p1 =	por p2, p1  }
0x88: {  	s0 =	simm.s32 @!p1 $0x50;
	s2 =	simm.s32 @!p1 $0x1D6A0  }
0x89: {  	[tilespmem:s2], [sflag:$0x3] =	stream.indirect.gather @!p1 [hbm4b:s1+s0], $0x80, s29, s0, $0xb8;
	[tilespmem:$0x1FEA0] =	vst v63  }
.LBB2_14:
0x8a: {  	_ =	sfence.sel $0x180000  }
0x8b: {  	[bflag:$0x0] =	sbarrier.arrive $0xFFFF  }
0x8c: {  	_ =	strace $0x90000059  }
0x8d: {  	s0 =	stileid.u32;
	[bflag:$0x2] =	sbarrier.arrive $0xFFFF  }
0x8e: {  	p0 =	sne.s32 s0, $0x0;
	s0 =	rddreg [dreg:$0x3]  }
0x8f: {  	s0 =	sadd.s32 @!p0 $0x100000, s0  }
0x90: {  	[sflag:s0] =	ssyncadd.tile.s32 @!p0 $0x1;
	_ =	shalt  }
.Lfunc_end2:
_tile_overlayer_lowered:
.L_overlay_start_2:
0x91: {  	(tag) =	ssettag $0x2  }
0x92: {  	s0 =	rddreg [dreg:$0x0];
	s2 =	stileid.u32  }
0x93: {  	s1 =	rddreg [dreg:$0x1];
	p0 =	sne.s32 s2, $0x0  }
0x94: {  	s3 =	rddreg [dreg:$0x2];
	[bflag:$0x3] =	sbarrier.arrive $0xFFFF;
	s2 =	simm.s32 @!p0 $0x1C07  }
0x95: {  	[timem:s3], [sflag:s2] =	dma.local @!p0 [hbm:s0], s1  }
0x96: {  	s0 =	simm.s32 @!p0 $0x7  }
0x97: {  	_ =	swait.ge @!p0 [sflag:s0], s1  }
0x98: {  	s1 =	ssub.s32 @!p0 $0x0, s1;
	[sflag:s0] =	ssyncset.done @!p0 $0x0  }
0x99: {  	[sflag:s0] =	ssyncadd.s32 @!p0 s1  }
0x9a: {  	[bflag:$0x3] =	sbarrier.arrive $0xFFFF  }
0x9b: {  	_ =	shalt  }

// kernel: kernel.27.cloned.1.call-start
scs
__scs_entry_jumppad:
0x0: {  	(pc) =	sbr.rel $0x88, $3  }
0x1: {  	(tag) =	ssettag $0x0;
	lr =	simm.s32 $0x1  }
0x2: {  	[smem:$0x3F96] =	sst lr;
	_ =	strace $0xD0000000  }
0x3: {  	_ = 	snop  }
0x4: {  	_ = 	snop  }
0x5: {  	_ = 	snop  }
0x6: {  	_ = 	snop  }
0x7: {  	_ = 	snop  }
__scs_overlays_trampoline_lowered:
0x8: {  	[smem:$0x3FA5] =	sst s0  }
0x9: {  	[smem:$0x3FA6] =	sst s1  }
0xa: {  	[smem:$0x3FA7] =	sst s2  }
0xb: {  	[smem:$0x3FA8] =	sst s3  }
0xc: {  	[smem:$0x3FA9] =	sst s4  }
0xd: {  	[smem:$0x3FAA] =	sst s5  }
0xe: {  	[smem:$0x3FAB] =	sst s6  }
0xf: {  	[smem:$0x3FAC] =	sst s7  }
0x10: {  	[smem:$0x3FAD] =	sst s8  }
0x11: {  	[smem:$0x3FAE] =	sst s9;
	s0 =	simm.s32 @!p0 $0x0  }
0x12: {  	s1 =	sld [smem:$0x3F94];
	s0 =	simm.s32 @p0 $0x1  }
0x13: {  	[smem:$0x3FAF] =	sst s0;
	s0 =	simm.s32 @!p1 $0x0  }
0x14: {  	s2 =	sld [smem:$0x3F93];
	s0 =	simm.s32 @p1 $0x1  }
0x15: {  	[smem:$0x3FB0] =	sst s0;
	s0 =	simm.s32 @!p2 $0x0  }
0x16: {  	s3 =	sld [smem:$0x3FDB];
	s0 =	simm.s32 @p2 $0x1  }
0x17: {  	s4 =	simm.s32 $0x1BF5;
	[smem:$0x3FB2] =	sst s0  }
0x18: {  	s0 =	sld [smem:$0x3F95];
	_ =	swait.ge [sflag:s4], $0x0  }
0x19: {  	s7 =	sld [smem:$0x3F96]  }
0x1a: {  	s8 =	sadd.s32 $0xFFFFE003, lr  }
0x1b: {  	s9 =	sadd.s32 $0xFFFFFEF7, lr;
	s5 =	simm.s32 $0xFFFFFFFF;
	p2 =	slt.u32 s8, $0xFFFFF086  }
0x1c: {  	p1 =	slt.u32 s9, $0xF7A;
	s5 =	simm.s32 @!p2 $0x0  }
0x1d: {  	s5 =	simm.s32 @p1 $0x1;
	p0 =	seq.s32 s7, s2  }
0x1e: {  	s7 =	smul.u32 @!p0 $0xF7A, s2;
	p2 =	seq.s32 @!p0 s5, $0x0  }
0x1f: {  	s9 =	smul.u32 $0xF7A, s1;
	s8 =	simm.s32 @!p0 $0x1BF5;
	p2 =	por !p2, p0  }
0x20: {  	[sflag:s8] =	ssyncset.s32 @!p0 $0xFFFFF086;
	s6 =	sadd.s32 @!p0 s3, s7;
	s7 =	simm.s32 @!p0 $0x108  }
0x21: {  	s3 =	sadd.s32 s3, s9;
	s6 =	sadd.s32 @!p0 $0x88, s6;
	s7 =	simm.s32 @p2 $0x1082  }
0x22: {  	[simem:s7], [sflag:s8] =	dma.local @!p0 [hbm:s6], $0xF7A  }
0x23: {  	s9 =	sor.u32 $0xD0000000, s2;
	s6 =	simm.s32 $0x108;
	_ =	swait.ge @!p0 [sflag:s8], $0x0  }
0x24: {  	s3 =	sadd.s32 $0x88, s3;
	s6 =	simm.s32 @!p1 $0x1082;
	[sflag:s4] =	ssyncset.s32 $0xFFFFF086  }
0x25: {  	[simem:s6], [sflag:s4] =	dma.local [hbm:s3], $0xF7A  }
0x26: {  	[smem:$0x3F96] =	sst s1;
	(tag) =	ssettag s2;
	_ =	strace s9  }
0x27: {  	s1 =	sld [smem:$0x3FA6]  }
0x28: {  	s2 =	sld [smem:$0x3FA7]  }
0x29: {  	s4 =	sld [smem:$0x3FA9]  }
0x2a: {  	p0 =	seq.s32 s5, $0x0;
	s5 =	sld [smem:$0x3FAA]  }
0x2b: {  	s6 =	sld [smem:$0x3FAB]  }
0x2c: {  	s7 =	sld [smem:$0x3FAC]  }
0x2d: {  	s3 =	simm.s32 $0x108;
	s8 =	sld [smem:$0x3FAD]  }
0x2e: {  	s3 =	simm.s32 @!p0 $0x1082;
	s9 =	sld [smem:$0x3FAE]  }
0x2f: {  	lr =	sadd.s32 s0, s3;
	s0 =	sld [smem:$0x3FA5]  }
0x30: {  	s3 =	sld [smem:$0x3FA8]  }
0x31: {  	[smem:$0x3FB1] =	sst s10  }
0x32: {  	s10 =	sld [smem:$0x3FAF];
	_ =	sdelay $0x3  }
0x33: {  	p0 =	seq.s32 s10, $0x1;
	s10 =	sld [smem:$0x3FB1];
	_ =	sdelay $0x3  }
0x34: {  	[smem:$0x3FB1] =	sst s10  }
0x35: {  	s10 =	sld [smem:$0x3FB0];
	_ =	sdelay $0x3  }
0x36: {  	p1 =	seq.s32 s10, $0x1;
	s10 =	sld [smem:$0x3FB1];
	_ =	sdelay $0x3  }
0x37: {  	[smem:$0x3FB1] =	sst s10  }
0x38: {  	s10 =	sld [smem:$0x3FB2]  }
0x39: {  	_ = 	snop;
	(pc) =	sbr.ind lr, $3  }
0x3a: {  	_ = 	snop  }
0x3b: {  	_ = 	snop  }
0x3c: {  	p2 =	seq.s32 s10, $0x1;
	s10 =	sld [smem:$0x3FB1]  }
0x3d: {  	_ =	shalt  }
0x3e: {  	_ =	shalt  }
0x3f: {  	_ =	shalt  }
0x40: {  	_ =	shalt  }
0x41: {  	_ =	shalt  }
0x42: {  	_ =	shalt  }
0x43: {  	_ =	shalt  }
0x44: {  	_ =	shalt  }
0x45: {  	_ =	shalt  }
0x46: {  	_ =	shalt  }
0x47: {  	_ =	shalt  }
0x48: {  	_ =	shalt  }
0x49: {  	_ =	shalt  }
0x4a: {  	_ =	shalt  }
0x4b: {  	_ =	shalt  }
0x4c: {  	_ =	shalt  }
0x4d: {  	_ =	shalt  }
0x4e: {  	_ =	shalt  }
0x4f: {  	_ =	shalt  }
0x50: {  	_ =	shalt  }
0x51: {  	_ =	shalt  }
0x52: {  	_ =	shalt  }
0x53: {  	_ =	shalt  }
0x54: {  	_ =	shalt  }
0x55: {  	_ =	shalt  }
0x56: {  	_ =	shalt  }
0x57: {  	_ =	shalt  }
0x58: {  	_ =	shalt  }
0x59: {  	_ =	shalt  }
0x5a: {  	_ =	shalt  }
0x5b: {  	_ =	shalt  }
0x5c: {  	_ =	shalt  }
0x5d: {  	_ =	shalt  }
0x5e: {  	_ =	shalt  }
0x5f: {  	_ =	shalt  }
0x60: {  	_ =	shalt  }
0x61: {  	_ =	shalt  }
0x62: {  	_ =	shalt  }
0x63: {  	_ =	shalt  }
0x64: {  	_ =	shalt  }
0x65: {  	_ =	shalt  }
0x66: {  	_ =	shalt  }
0x67: {  	_ =	shalt  }
0x68: {  	_ =	shalt  }
0x69: {  	_ =	shalt  }
0x6a: {  	_ =	shalt  }
0x6b: {  	_ =	shalt  }
0x6c: {  	_ =	shalt  }
0x6d: {  	_ =	shalt  }
0x6e: {  	_ =	shalt  }
0x6f: {  	_ =	shalt  }
0x70: {  	_ =	shalt  }
0x71: {  	_ =	shalt  }
0x72: {  	_ =	shalt  }
0x73: {  	_ =	shalt  }
0x74: {  	_ =	shalt  }
0x75: {  	_ =	shalt  }
0x76: {  	_ =	shalt  }
0x77: {  	_ =	shalt  }
0x78: {  	_ =	shalt  }
0x79: {  	_ =	shalt  }
0x7a: {  	_ =	shalt  }
0x7b: {  	_ =	shalt  }
0x7c: {  	_ =	shalt  }
0x7d: {  	_ =	shalt  }
0x7e: {  	_ =	shalt  }
0x7f: {  	_ =	shalt  }
0x80: {  	_ =	shalt  }
0x81: {  	_ =	shalt  }
0x82: {  	_ =	shalt  }
0x83: {  	_ =	shalt  }
0x84: {  	_ =	shalt  }
0x85: {  	_ =	shalt  }
0x86: {  	_ =	shalt  }
0x87: {  	_ =	shalt  }
.Lfunc_end0:
.L_simem_size_0:
called_computation.5_lowered:
.L_overlay_start_0:
0x88: {  	s2 =	sld [smem:$0x3FD9]  }
0x89: {  	s3 =	sld [smem:$0x3FFE];
	_ =	sdelay $0x1  }
0x8a: {  	s1 =	srdreg.scid  }
0x8b: {  	s0 =	sand.u32 $0x1, s1  }
0x8c: {  	s15 =	sshll.u32 s0, $0xA;
	s2 =	sadd.s32 s3, s2  }
0x8d: {  	s2 =	sadd.s32 s2, s15  }
0x8e: {  	[smem:$0x3FBD] =	sst s2  }
0x8f: {  	_ = 	snop  }
0x90: {  	s2 =	sld [smem:$0x3FD0];
	_ =	sdelay $0x2  }
0x91: {  	s16 =	simm.s32 $0xD;
	s4 =	simm.s32 $0x10  }
0x92: {  	[smem:s4], [sflag:s16] =	dma.local [hbm:s2], $0x1  }
0x93: {  	_ =	swait.eq [sflag:s16], $0x1  }
0x94: {  	[sflag:s16] =	ssyncset.done $0x0  }
0x95: {  	[sflag:s16] =	ssyncadd.s32 $0xFFFFFFFF  }
0x96: {  	s17 =	sld [smem:$0x11];
	(tm) =	ssettm $0x1  }
0x97: {  	s18 =	sld [smem:$0x3FFB];
	_ =	sdelay $0x3  }
0x98: {  	_ =	strace s18  }
0x99: {  	s2 =	sld [smem:$0x3FFC];
	_ =	sdelay $0x3  }
0x9a: {  	_ =	strace s2  }
0x9b: {  	s2 =	sld [smem:$0x3FFD];
	_ =	sdelay $0x3  }
0x9c: {  	_ =	strace s2  }
0x9d: {  	_ =	strace $0x8FFFFFFF  }
0x9e: {  	s19 =	sld [smem:$0x3FDB];
	_ =	sdelay $0x1  }
0x9f: {  	s20 =	simm.s32 $_scs_section_size  }
0xa0: {  	s5 =	simm.s32 $_size__tile_overlayer_lowered;
	s6 =	simm.s32 $_tile_overlayer_lowered  }
0xa1: {  	s7 =	simm.s32 $0x1BFF;
	s21 =	sshll.u32 s6, $0x1;
	s4 =	sadd.s32 s20, s19  }
0xa2: {  	s22 =	simm.s32 $0x0;
	s5 =	sshll.u32 s5, $0x1;
	s6 =	sadd.s32 s21, s4  }
0xa3: {  	[timem:s22], [sflag:s7] =	dma.local [hbm:s6], s5  }
0xa4: {  	_ =	swait.ge [sflag:s7], s5  }
0xa5: {  	s5 =	ssub.s32 $0x0, s5;
	[sflag:s7] =	ssyncset.done $0x0  }
0xa6: {  	[sflag:s7] =	ssyncadd.s32 s5;
	_ =	sdelay $0x1  }
0xa7: {  	s23 =	simm.s32 $0x1B8B  }
0xa8: {  	_ =	swait.ge [sflag:s23], $0x1  }
0xa9: {  	[sflag:s23] =	ssyncset.done $0x0  }
0xaa: {  	[sflag:s23] =	ssyncadd.s32 $0xFFFFFFFF  }
0xab: {  	s5 =	sld [smem:$0x0]  }
0xac: {  	s6 =	sand.u32 $0xFFFFFFFE, s1  }
0xad: {  	p0 =	sne.s32 s1, s6  }
0xae: {  	s6 =	sshll.u32 @p0 s6, $0xE  }
0xaf: {  	s6 =	sadd.s32 @p0 $0x11B8D, s6;
	s7 =	sshll.u32 @p0 s5, $0x11  }
0xb0: {  	s6 =	sor.u32 @p0 s7, s6  }
0xb1: {  	[sflag:s6] =	ssyncadd.remote.s32 @p0 $0x1;
	_ =	sdelay $0x1  }
0xb2: {  	s6 =	simm.s32 @p0 $0x1B8D  }
0xb3: {  	_ =	swait.eq @p0 [sflag:s6], $0x1  }
0xb4: {  	[sflag:s6] =	ssyncadd.s32 @p0 $0xFFFFFFFF  }
0xb5: {  	s7 =	sshll.u32 @!p0 s1, $0xE  }
0xb6: {  	s7 =	sor.u32 @!p0 $0x4000, s7;
	s6 =	simm.s32 @!p0 $0x1B8D  }
0xb7: {  	s5 =	sshll.u32 @!p0 s5, $0x11;
	s7 =	sadd.s32 @!p0 $0x11B8D, s7;
	_ =	swait.eq @!p0 [sflag:s6], $0x1  }
0xb8: {  	s5 =	sor.u32 @!p0 s5, s7;
	[sflag:s6] =	ssyncadd.s32 @!p0 $0xFFFFFFFF  }
0xb9: {  	s25 =	simm.s32 $0x1B8E;
	s24 =	sld [smem:$0x3FFE];
	[sflag:s5] =	ssyncadd.remote.s32 @!p0 $0x1  }
0xba: {  	s26 =	simm.s32 $execute0_lowered;
	[smem:$0x3FD2] =	sst s25  }
0xbb: {  	s6 =	sshll.u32 s26, $0x1;
	_ =	strace $0x80000055;
	[dreg:$0x1] =	wrdreg $0xFFFFFFFF  }
0xbc: {  	s28 =	simm.s32 $_size_execute0_lowered;
	s4 =	sadd.s32 s4, s6;
	[dreg:$0x0] =	wrdreg $0x0  }
0xbd: {  	s6 =	sshll.u32 s28, $0x1;
	[dreg:$0x2] =	wrdreg s4  }
0xbe: {  	[dreg:$0x3] =	wrdreg s6  }
0xbf: {  	[dreg:$0x4] =	wrdreg $0xC0  }
0xc0: {  	_ =	task [dreg:s22], $0x5FFFF  }
0xc1: {  	[dreg:$0x1] =	wrdreg $0xFFFFFFFF  }
0xc2: {  	[dreg:$0x0] =	wrdreg $0x60  }
0xc3: {  	[dreg:$0x2] =	wrdreg s17  }
0xc4: {  	[dreg:$0x3] =	wrdreg s24  }
0xc5: {  	[dreg:$0x4] =	wrdreg $0x0  }
0xc6: {  	[dreg:$0x5] =	wrdreg $0xA  }
0xc7: {  	_ =	task.clear_ibuf [dreg:s22], $0x6FFFF;
	_ =	strace $0x90000055  }
0xc8: {  	s29 =	simm.s32 $0xA;
	_ =	strace $0x80000057  }
0xc9: {  	_ =	swait.ge [sflag:s29], $0x1  }
0xca: {  	[sflag:s29] =	ssyncadd.s32 $0xFFFFFFFF  }
0xcb: {  	_ =	strace $0x90000057  }
0xcc: {  	_ =	sfence  }
0xcd: {  	s30 =	sld [smem:$0x0];
	_ =	sdelay $0x2  }
0xce: {  	s31 =	sshll.u32 s1, $0xD;
	s1 =	sshrl.u32 s1, $0x2  }
0xcf: {  	s4 =	sand.u32 $0x4000, s31;
	s1 =	sadd.s32 s1, s30  }
0xd0: {  	s0 =	sor.u32 s4, s0;
	s1 =	sshll.u32 s1, $0x11  }
0xd1: {  	s0 =	sor.u32 s1, s0  }
0xd2: {  	s0 =	sadd.s32 $0x8F2B, s0  }
0xd3: {  	[sflag:s0] =	ssyncadd.remote.s32 $0x1  }
0xd4: {  	_ =	sfence.sel $0xFFFF  }
0xd5: {  	[dreg:$0x0] =	wrdreg $0xFFFFFFFF;
	(pc) =	sbr.abs _section_cstart, $3  }
0xd6: {  	[dreg:$0x1] =	wrdreg $0xFFFFFFFF  }
0xd7: {  	_ =	task.clear_ibuf [dreg:s22], $0x2FFFF;
	_ =	strace $0x9FFFFFFF  }
0xd8: {  	(tm) =	ssettm $0x7FFFFFFF  }
0xd9: {  	_ =	shalt  }
tec
execute0_lowered:
.L_overlay_start_1:
0x0: {  	(tag) =	ssettag $0x1  }
0x1: {  	s1 =	rddreg [dreg:$0x0]  }
0x2: {  	s6 =	rddreg [dreg:$0x1]  }
0x3: {  	s0 =	srdreg.scid;
	s3 =	rddreg [dreg:$0x2];
	s17 =	simm.s32 $0x50  }
0x4: {  	s18 =	simm.s32 $0x186A0;
	s19 =	simm.s32 $0x138D0;
	s20 =	simm.s32 $0x1AEA0  }
0x5: {  	s21 =	simm.s32 $0x3;
	s22 =	simm.s32 $0x1D6A0;
	s23 =	simm.s32 $0x5  }
0x6: {  	s25 =	simm.s32 $0x2;
	s2 =	sand.u32 $0x1, s0;
	s0 =	stileid.u32  }
0x7: {  	s26 =	simm.s32 $0x1;
	s28 =	simm.s32 $0x0;
	s8 =	smul.u32 $0x4E000, s0  }
0x8: {  	s4 =	sshll.u32 s2, $0x4;
	s9 =	ssub.s32 $0x2, s2;
	s2 =	smul.u32 $0x138800, s2  }
0x9: {  	s10 =	sadd.s32 $0x69200, s6;
	s14 =	sadd.s32 $0x124800, s3;
	s11 =	smul.u32 $0x13800, s0  }
0xa: {  	p0 =	seq.s32 s0, $0xF;
	s5 =	sor.u32 s0, s4;
	s4 =	simm.s32 $0x0  }
0xb: {  	s30 =	sshrl.u32 s9, $0x1;
	s14 =	sshrl.u32 @p0 s14, $0x3;
	s5 =	smul.u32 $0x4E2, s5  }
0xc: {  	[smem:$0x7FF] =	sst s4;
	s12 =	ssub.s32 s9, s30;
	s8 =	sshrl.u32 s8, $0x2  }
0xd: {  	s31 =	sadd.s32 s11, s2;
	s2 =	sshrl.u32 s2, $0x3;
	s24 =	sadd.s32 s11, s3  }
0xe: {  	s11 =	simm.s32 $0x13880;
	_ =	strace $0x80000056;
	s16 =	sadd.s32 s8, s3  }
.Ltmp0:
0xf: {  	s8 =	sshrl.u32 s31, $0x3;
	s2 =	sadd.s32 s10, s2;
	(pc) =	sbr.rel .LBB2_1-.Ltmp0, $4  }
0x10: {  	s24 =	sshrl.u32 @!p0 s24, $0x3;
	s7 =	sadd.s32 s5, s6;
	s5 =	sadd.s32 $0x18800, s6  }
0x11: {  	s8 =	sadd.s32 s10, s8;
	s9 =	sadd.s32 $0x24900, s2;
	s10 =	smax.u32 s12, $0x1  }
0x12: {  	s12 =	simm.s32 $0x7;
	s2 =	sshll.u32 @!p0 s0, $0x6;
	s16 =	sshrl.u32 @!p0 s16, $0x3  }
0x13: {  	s6 =	sadd.s32 $0xE000, s7;
	s7 =	sadd.s32 $0x4200, s7;
	s15 =	sor.u32 @!p0 $0x1C07, s2  }
.LBB2_13:
0x14: {  	_ =	swait.ge [sflag:s23], $0x2800  }
0x15: {  	[sflag:s23] =	ssyncset.done $0x0  }
0x16: {  	[sflag:s23] =	ssyncadd.s32 $0xFFFFD800  }
0x17: {  	s0 =	simm.s32 @p0 $0x1FC7;
	[bflag:$0x0] =	sbarrier.arrive $0xFFFF  }
0x18: {  	[hbm:s9], [sflag:s0] =	dma.local @p0 [spmem:s14], $0x2800  }
0x19: {  	s0 =	simm.s32 @p0 $0x7  }
0x1a: {  	s28 =	sadd.s32 $0x1, s28;
	_ =	swait.ge @p0 [sflag:s0], $0x2800  }
0x1b: {  	p1 =	sne.s32 s28, s10;
	[sflag:s0] =	ssyncset.done @p0 $0x0  }
.Ltmp1:
0x1c: {  	[sflag:s0] =	ssyncadd.s32 @p0 $0xFFFFD800;
	s0 =	simm.s32 @!p0 $0x7;
	(pc) =	sbr.rel @!p1 .LBB2_14-.Ltmp1, $4  }
0x1d: {  	[hbm:s8], [sflag:s15] =	dma.local @!p0 [spmem:s24], $0x2700  }
0x1e: {  	_ =	swait.ge @!p0 [sflag:s0], $0x2700  }
0x1f: {  	[sflag:s0] =	ssyncset.done @!p0 $0x0  }
0x20: {  	[sflag:s0] =	ssyncadd.s32 @!p0 $0xFFFFD900  }
.LBB2_1:
0x21: {  	[tilespmem:s11], [sflag:$0x7] =	stream.linear.gather [hbm4b:s6+s4], $0x2710, $0x38;
	[tilespmem:$0x1FEA0] =	vst v63  }
0x22: {  	_ =	swait.ge [sflag:s12], $0x2710  }
0x23: {  	[sflag:s12] =	ssyncset.done $0x0  }
0x24: {  	s0 =	simm.s32 $0x15F90;
	[sflag:s12] =	ssyncadd.s32 $0xFFFFD8F0  }
0x25: {  	[tilespmem:s0], [sflag:$0x7] =	stream.linear.gather [hbm4b:s7+s4], $0x2710, $0x38;
	[tilespmem:$0x1FEA0] =	vst v63  }
0x26: {  	_ =	swait.ge [sflag:s12], $0x2710  }
0x27: {  	[sflag:s12] =	ssyncset.done $0x0  }
0x28: {  	s2 =	simm.s32 @p0 $0x1FC7;
	[sflag:s12] =	ssyncadd.s32 $0xFFFFD8F0  }
0x29: {  	[spmem:s14], [sflag:s2] =	dma.local @p0 [hbm:s5], $0x2800  }
0x2a: {  	s2 =	simm.s32 @p0 $0x7  }
0x2b: {  	_ =	swait.ge @p0 [sflag:s2], $0x2800  }
0x2c: {  	[sflag:s2] =	ssyncset.done @p0 $0x0  }
0x2d: {  	[sflag:s2] =	ssyncadd.s32 @p0 $0xFFFFD800;
	s2 =	simm.s32 @!p0 $0x7  }
0x2e: {  	[spmem:s16], [sflag:s15] =	dma.local @!p0 [hbm:s5], $0x2700  }
0x2f: {  	_ =	swait.ge @!p0 [sflag:s2], $0x2700  }
0x30: {  	[sflag:s2] =	ssyncset.done @!p0 $0x0  }
.Ltmp2:
0x31: {  	[sflag:s2] =	ssyncadd.s32 @!p0 $0xFFFFD900;
	(pc) =	sbr.rel .LBB2_2-.Ltmp2, $4  }
0x32: {  	[bflag:$0x0] =	sbarrier.arrive $0xFFFF  }
0x33: {  	[tilespmem:s18], [sflag:$0x1] =	stream.indirect.gather [hbm4b:s1+s17], $0x80, s11, s17, $0xb8;
	[tilespmem:$0x1FEA0] =	vst v63  }
0x34: {  	s29 =	simm.s32 $0x13920;
	s30 =	simm.s32 $0x15F90;
	s31 =	simm.s32 $0x0  }
0x35: {  	[tilespmem:s20], [sflag:$0x2] =	stream.indirect.gather [hbm4b:s1+s17], $0x80, s19, s17, $0xb8;
	[tilespmem:$0x1FEA0] =	vst v63  }
.LBB2_8:
0x36: {  	[tilespmem:s18], [sflag:$0x1] =	stream.indirect.gather [hbm4b:s1+s17], $0x80, s29, s17, $0xb8;
	[tilespmem:$0x1FEA0] =	vst v63  }
.LBB2_12:
0x37: {  	s31 =	sadd.s32 $0x1, s31  }
0x38: {  	p1 =	sne.s32 s31, $0x7D  }
.Ltmp3:
0x39: {  	_ = 	snop;
	(pc) =	sbr.rel @!p1 .LBB2_13-.Ltmp3, $2  }
0x3a: {  	_ =	sdelay $0x2  }
0x3b: {  	s30 =	sadd.s32 $0x50, s30;
	s29 =	sadd.s32 $0x50, s29  }
.LBB2_2:
0x3c: {  	s2 =	smul.u32 $0xAB, s31;
	_ =	sdelay $0x1  }
0x3d: {  	s2 =	sshrl.u32 s2, $0x9  }
0x3e: {  	s2 =	sand.u32 $0x7F, s2  }
0x3f: {  	s2 =	smul.u32 $0x3, s2;
	_ =	sdelay $0x1  }
0x40: {  	s2 =	ssub.s32 s31, s2  }
0x41: {  	s2 =	sand.u32 $0xFF, s2  }
0x42: {  	p1 =	seq.s32 s2, $0x2  }
.Ltmp4:
0x43: {  	_ = 	snop;
	(pc) =	sbr.rel @p1 .LBB2_4-.Ltmp4, $1  }
0x44: {  	_ =	sdelay $0x3  }
0x45: {  	p1 =	seq.s32 s2, $0x1  }
0x46: {  	_ =	swait.ge @p1 [sflag:s25], $0x2800  }
0x47: {  	[sflag:s25] =	ssyncset.done @p1 $0x0  }
0x48: {  	[sflag:s25] =	ssyncadd.s32 @p1 $0xFFFFD800  }
0x49: {  	[spmem:s3] =	stream.indirect.scatter.add.f32 @p1 [tilespmem:s20], [sflag:$0x5], $0x80, s30, s17, $0xb8;
	[tilespmem:$0x1FEA0] =	vst v63  }
.Ltmp5:
0x4a: {  	_ = 	snop;
	(pc) =	sbr.rel .LBB2_5-.Ltmp5, $4  }
0x4b: {  	_ =	swait.ge @!p1 [sflag:s26], $0x2800  }
0x4c: {  	[sflag:s26] =	ssyncset.done @!p1 $0x0  }
0x4d: {  	[sflag:s26] =	ssyncadd.s32 @!p1 $0xFFFFD800  }
0x4e: {  	[spmem:s3] =	stream.indirect.scatter.add.f32 @!p1 [tilespmem:s18], [sflag:$0x4], $0x80, s30, s17, $0xb8;
	[tilespmem:$0x1FEA0] =	vst v63  }
.LBB2_4:
0x4f: {  	_ =	swait.ge [sflag:s21], $0x2800  }
0x50: {  	[sflag:s21] =	ssyncset.done $0x0  }
0x51: {  	[sflag:s21] =	ssyncadd.s32 $0xFFFFD800  }
0x52: {  	[spmem:s3] =	stream.indirect.scatter.add.f32 [tilespmem:s22], [sflag:$0x6], $0x80, s30, s17, $0xb8;
	[tilespmem:$0x1FEA0] =	vst v63  }
.LBB2_5:
0x53: {  	s2 =	sadd.s32 $0xFFFFFFFF, s31  }
0x54: {  	s0 =	sshll.u32 s2, $0x18  }
0x55: {  	s0 =	sshra.s32 s0, $0x18  }
0x56: {  	s0 =	smul.u32 $0x56, s0;
	_ =	sdelay $0x1  }
0x57: {  	s13 =	sshrl.u32 s0, $0x1F;
	s0 =	sshrl.u32 s0, $0x8  }
0x58: {  	s0 =	sadd.s32 s13, s0  }
0x59: {  	s0 =	smul.u32 $0x3, s0;
	_ =	sdelay $0x1  }
0x5a: {  	s0 =	ssub.s32 s2, s0  }
0x5b: {  	s0 =	sshll.u32 s0, $0x18  }
0x5c: {  	s0 =	sshra.s32 s0, $0x18  }
0x5d: {  	p1 =	slt.s32 s0, $0x0;
	s2 =	sadd.s32 $0x3, s0  }
0x5e: {  	p2 =	seq.s32 s31, $0x0;
	s0 =	smov.u32 @p1 s2  }
0x5f: {  	p1 =	seq.s32 @!p2 s0, $0x0  }
0x60: {  	p1 =	por p2, !p1  }
0x61: {  	p2 =	seq.s32 @p1 s31, $0x0  }
0x62: {  	p3 =	por p2, !p1  }
0x63: {  	p3 =	seq.s32 @!p3 s0, $0x1  }
0x64: {  	p2 =	por @p1 p2, !p3  }
0x65: {  	p2 =	por !p1, !p2  }
0x66: {  	p3 =	seq.s32 @!p2 s31, $0x0  }
0x67: {  	p4 =	por p3, p2  }
0x68: {  	p4 =	sne.s32 @!p4 s0, $0x2  }
0x69: {  	p3 =	por @!p2 p3, p4  }
0x6a: {  	p3 =	por p2, !p3  }
.Ltmp6:
0x6b: {  	_ = 	snop;
	(pc) =	sbr.rel @!p3 .LBB2_7-.Ltmp6, $1  }
0x6c: {  	_ =	sdelay $0x3  }
0x6d: {  	s0 =	simm.s32 $0x4  }
0x6e: {  	s0 =	simm.s32 @p1 $0x5  }
0x6f: {  	s0 =	simm.s32 @!p2 $0x6  }
0x70: {  	_ =	swait.ge [sflag:s0], $0x2800  }
0x71: {  	[sflag:s0] =	ssyncset.done $0x0  }
0x72: {  	[sflag:s0] =	ssyncadd.s32 $0xFFFFD800  }
.LBB2_7:
0x73: {  	s0 =	sadd.s32 $0x2, s31  }
0x74: {  	s2 =	smul.u32 $0xAB, s0;
	_ =	sdelay $0x1  }
0x75: {  	s2 =	sshrl.u32 s2, $0x9  }
0x76: {  	s2 =	sand.u32 $0x7F, s2  }
0x77: {  	s2 =	smul.u32 $0x3, s2;
	_ =	sdelay $0x1  }
0x78: {  	p1 =	sgt.u32 s31, $0x7A;
	s0 =	ssub.s32 s0, s2  }
0x79: {  	s2 =	sand.u32 @!p1 $0xFF, s0  }
0x7a: {  	p2 =	sne.s32 @!p1 s2, $0x0  }
0x7b: {  	p2 =	por p1, p2  }
.Ltmp7:
0x7c: {  	_ = 	snop;
	(pc) =	sbr.rel @!p2 .LBB2_8-.Ltmp7, $1  }
0x7d: {  	_ =	sdelay $0x3  }
0x7e: {  	p2 =	sne.s32 @!p1 s2, $0x1  }
0x7f: {  	p2 =	por p1, p2  }
.Ltmp8:
0x80: {  	_ = 	snop;
	(pc) =	sbr.rel @p2 .LBB2_11-.Ltmp8, $1  }
0x81: {  	_ =	sdelay $0x3  }
.Ltmp9:
0x82: {  	(pc) =	sbr.rel .LBB2_12-.Ltmp9, $2  }
0x83: {  	_ =	sdelay $0x2  }
0x84: {  	[tilespmem:s20], [sflag:$0x2] =	stream.indirect.gather [hbm4b:s1+s17], $0x80, s29, s17, $0xb8;
	[tilespmem:$0x1FEA0] =	vst v63  }
.LBB2_11:
.Ltmp10:
0x85: {  	(pc) =	sbr.rel .LBB2_12-.Ltmp10, $4  }
0x86: {  	p2 =	sne.s32 @!p1 s2, $0x2  }
0x87: {  	p1 =	por p2, p1  }
0x88: {  	s0 =	simm.s32 @!p1 $0x50;
	s2 =	simm.s32 @!p1 $0x1D6A0  }
0x89: {  	[tilespmem:s2], [sflag:$0x3] =	stream.indirect.gather @!p1 [hbm4b:s1+s0], $0x80, s29, s0, $0xb8;
	[tilespmem:$0x1FEA0] =	vst v63  }
.LBB2_14:
0x8a: {  	_ =	sfence.sel $0x180000  }
0x8b: {  	[bflag:$0x0] =	sbarrier.arrive $0xFFFF  }
0x8c: {  	_ =	strace $0x90000056  }
0x8d: {  	s0 =	stileid.u32;
	[bflag:$0x2] =	sbarrier.arrive $0xFFFF  }
0x8e: {  	p0 =	sne.s32 s0, $0x0;
	s0 =	rddreg [dreg:$0x3]  }
0x8f: {  	s0 =	sadd.s32 @!p0 $0x100000, s0  }
0x90: {  	[sflag:s0] =	ssyncadd.tile.s32 @!p0 $0x1;
	_ =	shalt  }
.Lfunc_end2:
_tile_overlayer_lowered:
.L_overlay_start_2:
0x91: {  	(tag) =	ssettag $0x2  }
0x92: {  	s0 =	rddreg [dreg:$0x0];
	s2 =	stileid.u32  }
0x93: {  	s1 =	rddreg [dreg:$0x1];
	p0 =	sne.s32 s2, $0x0  }
0x94: {  	s3 =	rddreg [dreg:$0x2];
	[bflag:$0x3] =	sbarrier.arrive $0xFFFF;
	s2 =	simm.s32 @!p0 $0x1C07  }
0x95: {  	[timem:s3], [sflag:s2] =	dma.local @!p0 [hbm:s0], s1  }
0x96: {  	s0 =	simm.s32 @!p0 $0x7  }
0x97: {  	_ =	swait.ge @!p0 [sflag:s0], s1  }
0x98: {  	s1 =	ssub.s32 @!p0 $0x0, s1;
	[sflag:s0] =	ssyncset.done @!p0 $0x0  }
0x99: {  	[sflag:s0] =	ssyncadd.s32 @!p0 s1  }
0x9a: {  	[bflag:$0x3] =	sbarrier.arrive $0xFFFF  }
0x9b: {  	_ =	shalt  }

// kernel: kernel.30.cloned.1.call-start
scs
__scs_entry_jumppad:
0x0: {  	(pc) =	sbr.rel $0x88, $3  }
0x1: {  	(tag) =	ssettag $0x0;
	lr =	simm.s32 $0x1  }
0x2: {  	[smem:$0x3F96] =	sst lr;
	_ =	strace $0xD0000000  }
0x3: {  	_ = 	snop  }
0x4: {  	_ = 	snop  }
0x5: {  	_ = 	snop  }
0x6: {  	_ = 	snop  }
0x7: {  	_ = 	snop  }
__scs_overlays_trampoline_lowered:
0x8: {  	[smem:$0x3FA5] =	sst s0  }
0x9: {  	[smem:$0x3FA6] =	sst s1  }
0xa: {  	[smem:$0x3FA7] =	sst s2  }
0xb: {  	[smem:$0x3FA8] =	sst s3  }
0xc: {  	[smem:$0x3FA9] =	sst s4  }
0xd: {  	[smem:$0x3FAA] =	sst s5  }
0xe: {  	[smem:$0x3FAB] =	sst s6  }
0xf: {  	[smem:$0x3FAC] =	sst s7  }
0x10: {  	[smem:$0x3FAD] =	sst s8  }
0x11: {  	[smem:$0x3FAE] =	sst s9;
	s0 =	simm.s32 @!p0 $0x0  }
0x12: {  	s1 =	sld [smem:$0x3F94];
	s0 =	simm.s32 @p0 $0x1  }
0x13: {  	[smem:$0x3FAF] =	sst s0;
	s0 =	simm.s32 @!p1 $0x0  }
0x14: {  	s2 =	sld [smem:$0x3F93];
	s0 =	simm.s32 @p1 $0x1  }
0x15: {  	[smem:$0x3FB0] =	sst s0;
	s0 =	simm.s32 @!p2 $0x0  }
0x16: {  	s3 =	sld [smem:$0x3FDB];
	s0 =	simm.s32 @p2 $0x1  }
0x17: {  	s4 =	simm.s32 $0x1BF5;
	[smem:$0x3FB2] =	sst s0  }
0x18: {  	s0 =	sld [smem:$0x3F95];
	_ =	swait.ge [sflag:s4], $0x0  }
0x19: {  	s7 =	sld [smem:$0x3F96]  }
0x1a: {  	s8 =	sadd.s32 $0xFFFFE003, lr  }
0x1b: {  	s9 =	sadd.s32 $0xFFFFFEF7, lr;
	s5 =	simm.s32 $0xFFFFFFFF;
	p2 =	slt.u32 s8, $0xFFFFF086  }
0x1c: {  	p1 =	slt.u32 s9, $0xF7A;
	s5 =	simm.s32 @!p2 $0x0  }
0x1d: {  	s5 =	simm.s32 @p1 $0x1;
	p0 =	seq.s32 s7, s2  }
0x1e: {  	s7 =	smul.u32 @!p0 $0xF7A, s2;
	p2 =	seq.s32 @!p0 s5, $0x0  }
0x1f: {  	s9 =	smul.u32 $0xF7A, s1;
	s8 =	simm.s32 @!p0 $0x1BF5;
	p2 =	por !p2, p0  }
0x20: {  	[sflag:s8] =	ssyncset.s32 @!p0 $0xFFFFF086;
	s6 =	sadd.s32 @!p0 s3, s7;
	s7 =	simm.s32 @!p0 $0x108  }
0x21: {  	s3 =	sadd.s32 s3, s9;
	s6 =	sadd.s32 @!p0 $0x88, s6;
	s7 =	simm.s32 @p2 $0x1082  }
0x22: {  	[simem:s7], [sflag:s8] =	dma.local @!p0 [hbm:s6], $0xF7A  }
0x23: {  	s9 =	sor.u32 $0xD0000000, s2;
	s6 =	simm.s32 $0x108;
	_ =	swait.ge @!p0 [sflag:s8], $0x0  }
0x24: {  	s3 =	sadd.s32 $0x88, s3;
	s6 =	simm.s32 @!p1 $0x1082;
	[sflag:s4] =	ssyncset.s32 $0xFFFFF086  }
0x25: {  	[simem:s6], [sflag:s4] =	dma.local [hbm:s3], $0xF7A  }
0x26: {  	[smem:$0x3F96] =	sst s1;
	(tag) =	ssettag s2;
	_ =	strace s9  }
0x27: {  	s1 =	sld [smem:$0x3FA6]  }
0x28: {  	s2 =	sld [smem:$0x3FA7]  }
0x29: {  	s4 =	sld [smem:$0x3FA9]  }
0x2a: {  	p0 =	seq.s32 s5, $0x0;
	s5 =	sld [smem:$0x3FAA]  }
0x2b: {  	s6 =	sld [smem:$0x3FAB]  }
0x2c: {  	s7 =	sld [smem:$0x3FAC]  }
0x2d: {  	s3 =	simm.s32 $0x108;
	s8 =	sld [smem:$0x3FAD]  }
0x2e: {  	s3 =	simm.s32 @!p0 $0x1082;
	s9 =	sld [smem:$0x3FAE]  }
0x2f: {  	lr =	sadd.s32 s0, s3;
	s0 =	sld [smem:$0x3FA5]  }
0x30: {  	s3 =	sld [smem:$0x3FA8]  }
0x31: {  	[smem:$0x3FB1] =	sst s10  }
0x32: {  	s10 =	sld [smem:$0x3FAF];
	_ =	sdelay $0x3  }
0x33: {  	p0 =	seq.s32 s10, $0x1;
	s10 =	sld [smem:$0x3FB1];
	_ =	sdelay $0x3  }
0x34: {  	[smem:$0x3FB1] =	sst s10  }
0x35: {  	s10 =	sld [smem:$0x3FB0];
	_ =	sdelay $0x3  }
0x36: {  	p1 =	seq.s32 s10, $0x1;
	s10 =	sld [smem:$0x3FB1];
	_ =	sdelay $0x3  }
0x37: {  	[smem:$0x3FB1] =	sst s10  }
0x38: {  	s10 =	sld [smem:$0x3FB2]  }
0x39: {  	_ = 	snop;
	(pc) =	sbr.ind lr, $3  }
0x3a: {  	_ = 	snop  }
0x3b: {  	_ = 	snop  }
0x3c: {  	p2 =	seq.s32 s10, $0x1;
	s10 =	sld [smem:$0x3FB1]  }
0x3d: {  	_ =	shalt  }
0x3e: {  	_ =	shalt  }
0x3f: {  	_ =	shalt  }
0x40: {  	_ =	shalt  }
0x41: {  	_ =	shalt  }
0x42: {  	_ =	shalt  }
0x43: {  	_ =	shalt  }
0x44: {  	_ =	shalt  }
0x45: {  	_ =	shalt  }
0x46: {  	_ =	shalt  }
0x47: {  	_ =	shalt  }
0x48: {  	_ =	shalt  }
0x49: {  	_ =	shalt  }
0x4a: {  	_ =	shalt  }
0x4b: {  	_ =	shalt  }
0x4c: {  	_ =	shalt  }
0x4d: {  	_ =	shalt  }
0x4e: {  	_ =	shalt  }
0x4f: {  	_ =	shalt  }
0x50: {  	_ =	shalt  }
0x51: {  	_ =	shalt  }
0x52: {  	_ =	shalt  }
0x53: {  	_ =	shalt  }
0x54: {  	_ =	shalt  }
0x55: {  	_ =	shalt  }
0x56: {  	_ =	shalt  }
0x57: {  	_ =	shalt  }
0x58: {  	_ =	shalt  }
0x59: {  	_ =	shalt  }
0x5a: {  	_ =	shalt  }
0x5b: {  	_ =	shalt  }
0x5c: {  	_ =	shalt  }
0x5d: {  	_ =	shalt  }
0x5e: {  	_ =	shalt  }
0x5f: {  	_ =	shalt  }
0x60: {  	_ =	shalt  }
0x61: {  	_ =	shalt  }
0x62: {  	_ =	shalt  }
0x63: {  	_ =	shalt  }
0x64: {  	_ =	shalt  }
0x65: {  	_ =	shalt  }
0x66: {  	_ =	shalt  }
0x67: {  	_ =	shalt  }
0x68: {  	_ =	shalt  }
0x69: {  	_ =	shalt  }
0x6a: {  	_ =	shalt  }
0x6b: {  	_ =	shalt  }
0x6c: {  	_ =	shalt  }
0x6d: {  	_ =	shalt  }
0x6e: {  	_ =	shalt  }
0x6f: {  	_ =	shalt  }
0x70: {  	_ =	shalt  }
0x71: {  	_ =	shalt  }
0x72: {  	_ =	shalt  }
0x73: {  	_ =	shalt  }
0x74: {  	_ =	shalt  }
0x75: {  	_ =	shalt  }
0x76: {  	_ =	shalt  }
0x77: {  	_ =	shalt  }
0x78: {  	_ =	shalt  }
0x79: {  	_ =	shalt  }
0x7a: {  	_ =	shalt  }
0x7b: {  	_ =	shalt  }
0x7c: {  	_ =	shalt  }
0x7d: {  	_ =	shalt  }
0x7e: {  	_ =	shalt  }
0x7f: {  	_ =	shalt  }
0x80: {  	_ =	shalt  }
0x81: {  	_ =	shalt  }
0x82: {  	_ =	shalt  }
0x83: {  	_ =	shalt  }
0x84: {  	_ =	shalt  }
0x85: {  	_ =	shalt  }
0x86: {  	_ =	shalt  }
0x87: {  	_ =	shalt  }
.Lfunc_end0:
.L_simem_size_0:
called_computation.6_lowered:
.L_overlay_start_0:
0x88: {  	s2 =	sld [smem:$0x3FD9]  }
0x89: {  	s3 =	sld [smem:$0x3FFE];
	_ =	sdelay $0x1  }
0x8a: {  	s1 =	srdreg.scid  }
0x8b: {  	s0 =	sand.u32 $0x1, s1  }
0x8c: {  	s14 =	sshll.u32 s0, $0xA;
	s2 =	sadd.s32 s3, s2  }
0x8d: {  	s2 =	sadd.s32 s2, s14  }
0x8e: {  	[smem:$0x3FBD] =	sst s2  }
0x8f: {  	_ = 	snop  }
0x90: {  	s2 =	sld [smem:$0x3FD0];
	_ =	sdelay $0x2  }
0x91: {  	s15 =	simm.s32 $0xD;
	s4 =	simm.s32 $0x10  }
0x92: {  	[smem:s4], [sflag:s15] =	dma.local [hbm:s2], $0x1  }
0x93: {  	_ =	swait.eq [sflag:s15], $0x1  }
0x94: {  	[sflag:s15] =	ssyncset.done $0x0  }
0x95: {  	[sflag:s15] =	ssyncadd.s32 $0xFFFFFFFF  }
0x96: {  	s16 =	sld [smem:$0x10];
	(tm) =	ssettm $0x1  }
0x97: {  	s17 =	sld [smem:$0x3FFB];
	_ =	sdelay $0x3  }
0x98: {  	_ =	strace s17  }
0x99: {  	s3 =	sld [smem:$0x3FFC];
	_ =	sdelay $0x3  }
0x9a: {  	_ =	strace s3  }
0x9b: {  	s3 =	sld [smem:$0x3FFD];
	_ =	sdelay $0x3  }
0x9c: {  	_ =	strace s3  }
0x9d: {  	_ =	strace $0x8FFFFFFF  }
0x9e: {  	s18 =	sld [smem:$0x3FDB];
	_ =	sdelay $0x1  }
0x9f: {  	s19 =	simm.s32 $_scs_section_size  }
0xa0: {  	s5 =	simm.s32 $_size__tile_overlayer_lowered;
	s6 =	simm.s32 $_tile_overlayer_lowered  }
0xa1: {  	s22 =	simm.s32 $0x1BFF;
	s21 =	sshll.u32 s6, $0x1;
	s3 =	sadd.s32 s19, s18  }
0xa2: {  	s7 =	simm.s32 $0x0;
	s20 =	sshll.u32 s5, $0x1;
	s5 =	sadd.s32 s21, s3  }
0xa3: {  	[timem:s7], [sflag:s22] =	dma.local [hbm:s5], s20  }
0xa4: {  	_ =	swait.ge [sflag:s22], s20  }
0xa5: {  	s4 =	ssub.s32 $0x0, s20;
	[sflag:s22] =	ssyncset.done $0x0  }
0xa6: {  	[sflag:s22] =	ssyncadd.s32 s4;
	_ =	sdelay $0x1  }
0xa7: {  	s23 =	simm.s32 $0x1B8B  }
0xa8: {  	_ =	swait.ge [sflag:s23], $0x1  }
0xa9: {  	[sflag:s23] =	ssyncset.done $0x0  }
0xaa: {  	s25 =	simm.s32 $0x1B8E;
	s24 =	sld [smem:$0x3FFE];
	[sflag:s23] =	ssyncadd.s32 $0xFFFFFFFF  }
0xab: {  	s26 =	simm.s32 $execute0_lowered;
	[smem:$0x3FD2] =	sst s25  }
0xac: {  	s5 =	sshll.u32 s26, $0x1;
	_ =	strace $0x80000052;
	[dreg:$0x1] =	wrdreg $0xFFFFFFFF  }
0xad: {  	s28 =	simm.s32 $_size_execute0_lowered;
	s3 =	sadd.s32 s3, s5;
	[dreg:$0x0] =	wrdreg $0x0  }
0xae: {  	s5 =	sshll.u32 s28, $0x1;
	[dreg:$0x2] =	wrdreg s3  }
0xaf: {  	[dreg:$0x3] =	wrdreg s5  }
0xb0: {  	[dreg:$0x4] =	wrdreg $0xC0  }
0xb1: {  	_ =	task [dreg:s7], $0x5FFFF  }
0xb2: {  	[dreg:$0x1] =	wrdreg $0xFFFFFFFF  }
0xb3: {  	[dreg:$0x0] =	wrdreg $0x60  }
0xb4: {  	[dreg:$0x2] =	wrdreg s16  }
0xb5: {  	[dreg:$0x3] =	wrdreg s24  }
0xb6: {  	[dreg:$0x4] =	wrdreg $0x0  }
0xb7: {  	[dreg:$0x5] =	wrdreg $0xB  }
0xb8: {  	_ =	task.clear_ibuf [dreg:s7], $0x6FFFF;
	_ =	strace $0x90000052  }
0xb9: {  	s29 =	simm.s32 $0xB;
	_ =	strace $0x80000054  }
0xba: {  	_ =	swait.ge [sflag:s29], $0x1  }
0xbb: {  	[sflag:s29] =	ssyncadd.s32 $0xFFFFFFFF  }
0xbc: {  	_ =	strace $0x90000054  }
0xbd: {  	_ =	sfence  }
0xbe: {  	s30 =	sld [smem:$0x0];
	_ =	sdelay $0x2  }
0xbf: {  	s31 =	sshll.u32 s1, $0xD;
	s1 =	sshrl.u32 s1, $0x2  }
0xc0: {  	s3 =	sand.u32 $0x4000, s31;
	s1 =	sadd.s32 s1, s30  }
0xc1: {  	s0 =	sor.u32 s3, s0;
	s1 =	sshll.u32 s1, $0x11  }
0xc2: {  	s0 =	sor.u32 s1, s0  }
0xc3: {  	s0 =	sadd.s32 $0x8F2B, s0  }
0xc4: {  	[sflag:s0] =	ssyncadd.remote.s32 $0x1  }
0xc5: {  	_ =	sfence.sel $0xFFFF  }
0xc6: {  	[dreg:$0x0] =	wrdreg $0xFFFFFFFF;
	(pc) =	sbr.abs _section_cstart, $3  }
0xc7: {  	[dreg:$0x1] =	wrdreg $0xFFFFFFFF  }
0xc8: {  	_ =	task.clear_ibuf [dreg:s7], $0x2FFFF;
	_ =	strace $0x9FFFFFFF  }
0xc9: {  	(tm) =	ssettm $0x7FFFFFFF  }
tec
execute0_lowered:
.L_overlay_start_1:
0x0: {  	(tag) =	ssettag $0x1  }
0x1: {  	s1 =	rddreg [dreg:$0x0]  }
0x2: {  	s6 =	rddreg [dreg:$0x1]  }
0x3: {  	s0 =	srdreg.scid;
	s3 =	rddreg [dreg:$0x2];
	s17 =	simm.s32 $0x50  }
0x4: {  	s18 =	simm.s32 $0x186A0;
	s19 =	simm.s32 $0x138D0;
	s20 =	simm.s32 $0x1AEA0  }
0x5: {  	s21 =	simm.s32 $0x3;
	s22 =	simm.s32 $0x1D6A0;
	s23 =	simm.s32 $0x5  }
0x6: {  	s25 =	simm.s32 $0x2;
	s2 =	sand.u32 $0x1, s0;
	s0 =	stileid.u32  }
0x7: {  	s26 =	simm.s32 $0x1;
	s28 =	simm.s32 $0x0;
	s8 =	smul.u32 $0x4E000, s0  }
0x8: {  	s4 =	sshll.u32 s2, $0x4;
	s9 =	ssub.s32 $0x2, s2;
	s2 =	smul.u32 $0x138800, s2  }
0x9: {  	s10 =	sadd.s32 $0x1B000, s6;
	s14 =	sadd.s32 $0x124800, s3;
	s11 =	smul.u32 $0x13800, s0  }
0xa: {  	p0 =	seq.s32 s0, $0xF;
	s5 =	sor.u32 s0, s4;
	s4 =	simm.s32 $0x0  }
0xb: {  	s30 =	sshrl.u32 s9, $0x1;
	s14 =	sshrl.u32 @p0 s14, $0x3;
	s5 =	smul.u32 $0x4E2, s5  }
0xc: {  	[smem:$0x7FF] =	sst s4;
	s12 =	ssub.s32 s9, s30;
	s8 =	sshrl.u32 s8, $0x2  }
0xd: {  	s31 =	sadd.s32 s11, s2;
	s2 =	sshrl.u32 s2, $0x3;
	s24 =	sadd.s32 s11, s3  }
0xe: {  	s11 =	simm.s32 $0x13880;
	_ =	strace $0x80000053;
	s16 =	sadd.s32 s8, s3  }
.Ltmp0:
0xf: {  	s8 =	sshrl.u32 s31, $0x3;
	s2 =	sadd.s32 s10, s2;
	(pc) =	sbr.rel .LBB2_1-.Ltmp0, $4  }
0x10: {  	s24 =	sshrl.u32 @!p0 s24, $0x3;
	s7 =	sadd.s32 s5, s6;
	s5 =	sadd.s32 $0x18800, s6  }
0x11: {  	s8 =	sadd.s32 s10, s8;
	s9 =	sadd.s32 $0x24900, s2;
	s10 =	smax.u32 s12, $0x1  }
0x12: {  	s12 =	simm.s32 $0x7;
	s2 =	sshll.u32 @!p0 s0, $0x6;
	s16 =	sshrl.u32 @!p0 s16, $0x3  }
0x13: {  	s6 =	sadd.s32 $0xE000, s7;
	s7 =	sadd.s32 $0x4200, s7;
	s15 =	sor.u32 @!p0 $0x1C07, s2  }
.LBB2_13:
0x14: {  	_ =	swait.ge [sflag:s23], $0x2800  }
0x15: {  	[sflag:s23] =	ssyncset.done $0x0  }
0x16: {  	[sflag:s23] =	ssyncadd.s32 $0xFFFFD800  }
0x17: {  	s0 =	simm.s32 @p0 $0x1FC7;
	[bflag:$0x0] =	sbarrier.arrive $0xFFFF  }
0x18: {  	[hbm:s9], [sflag:s0] =	dma.local @p0 [spmem:s14], $0x2800  }
0x19: {  	s0 =	simm.s32 @p0 $0x7  }
0x1a: {  	s28 =	sadd.s32 $0x1, s28;
	_ =	swait.ge @p0 [sflag:s0], $0x2800  }
0x1b: {  	p1 =	sne.s32 s28, s10;
	[sflag:s0] =	ssyncset.done @p0 $0x0  }
.Ltmp1:
0x1c: {  	[sflag:s0] =	ssyncadd.s32 @p0 $0xFFFFD800;
	s0 =	simm.s32 @!p0 $0x7;
	(pc) =	sbr.rel @!p1 .LBB2_14-.Ltmp1, $4  }
0x1d: {  	[hbm:s8], [sflag:s15] =	dma.local @!p0 [spmem:s24], $0x2700  }
0x1e: {  	_ =	swait.ge @!p0 [sflag:s0], $0x2700  }
0x1f: {  	[sflag:s0] =	ssyncset.done @!p0 $0x0  }
0x20: {  	[sflag:s0] =	ssyncadd.s32 @!p0 $0xFFFFD900  }
.LBB2_1:
0x21: {  	[tilespmem:s11], [sflag:$0x7] =	stream.linear.gather [hbm4b:s6+s4], $0x2710, $0x38;
	[tilespmem:$0x1FEA0] =	vst v63  }
0x22: {  	_ =	swait.ge [sflag:s12], $0x2710  }
0x23: {  	[sflag:s12] =	ssyncset.done $0x0  }
0x24: {  	s0 =	simm.s32 $0x15F90;
	[sflag:s12] =	ssyncadd.s32 $0xFFFFD8F0  }
0x25: {  	[tilespmem:s0], [sflag:$0x7] =	stream.linear.gather [hbm4b:s7+s4], $0x2710, $0x38;
	[tilespmem:$0x1FEA0] =	vst v63  }
0x26: {  	_ =	swait.ge [sflag:s12], $0x2710  }
0x27: {  	[sflag:s12] =	ssyncset.done $0x0  }
0x28: {  	s2 =	simm.s32 @p0 $0x1FC7;
	[sflag:s12] =	ssyncadd.s32 $0xFFFFD8F0  }
0x29: {  	[spmem:s14], [sflag:s2] =	dma.local @p0 [hbm:s5], $0x2800  }
0x2a: {  	s2 =	simm.s32 @p0 $0x7  }
0x2b: {  	_ =	swait.ge @p0 [sflag:s2], $0x2800  }
0x2c: {  	[sflag:s2] =	ssyncset.done @p0 $0x0  }
0x2d: {  	[sflag:s2] =	ssyncadd.s32 @p0 $0xFFFFD800;
	s2 =	simm.s32 @!p0 $0x7  }
0x2e: {  	[spmem:s16], [sflag:s15] =	dma.local @!p0 [hbm:s5], $0x2700  }
0x2f: {  	_ =	swait.ge @!p0 [sflag:s2], $0x2700  }
0x30: {  	[sflag:s2] =	ssyncset.done @!p0 $0x0  }
.Ltmp2:
0x31: {  	[sflag:s2] =	ssyncadd.s32 @!p0 $0xFFFFD900;
	(pc) =	sbr.rel .LBB2_2-.Ltmp2, $4  }
0x32: {  	[bflag:$0x0] =	sbarrier.arrive $0xFFFF  }
0x33: {  	[tilespmem:s18], [sflag:$0x1] =	stream.indirect.gather [hbm4b:s1+s17], $0x80, s11, s17, $0xb8;
	[tilespmem:$0x1FEA0] =	vst v63  }
0x34: {  	s29 =	simm.s32 $0x13920;
	s30 =	simm.s32 $0x15F90;
	s31 =	simm.s32 $0x0  }
0x35: {  	[tilespmem:s20], [sflag:$0x2] =	stream.indirect.gather [hbm4b:s1+s17], $0x80, s19, s17, $0xb8;
	[tilespmem:$0x1FEA0] =	vst v63  }
.LBB2_8:
0x36: {  	[tilespmem:s18], [sflag:$0x1] =	stream.indirect.gather [hbm4b:s1+s17], $0x80, s29, s17, $0xb8;
	[tilespmem:$0x1FEA0] =	vst v63  }
.LBB2_12:
0x37: {  	s31 =	sadd.s32 $0x1, s31  }
0x38: {  	p1 =	sne.s32 s31, $0x7D  }
.Ltmp3:
0x39: {  	_ = 	snop;
	(pc) =	sbr.rel @!p1 .LBB2_13-.Ltmp3, $2  }
0x3a: {  	_ =	sdelay $0x2  }
0x3b: {  	s30 =	sadd.s32 $0x50, s30;
	s29 =	sadd.s32 $0x50, s29  }
.LBB2_2:
0x3c: {  	s2 =	smul.u32 $0xAB, s31;
	_ =	sdelay $0x1  }
0x3d: {  	s2 =	sshrl.u32 s2, $0x9  }
0x3e: {  	s2 =	sand.u32 $0x7F, s2  }
0x3f: {  	s2 =	smul.u32 $0x3, s2;
	_ =	sdelay $0x1  }
0x40: {  	s2 =	ssub.s32 s31, s2  }
0x41: {  	s2 =	sand.u32 $0xFF, s2  }
0x42: {  	p1 =	seq.s32 s2, $0x2  }
.Ltmp4:
0x43: {  	_ = 	snop;
	(pc) =	sbr.rel @p1 .LBB2_4-.Ltmp4, $1  }
0x44: {  	_ =	sdelay $0x3  }
0x45: {  	p1 =	seq.s32 s2, $0x1  }
0x46: {  	_ =	swait.ge @p1 [sflag:s25], $0x2800  }
0x47: {  	[sflag:s25] =	ssyncset.done @p1 $0x0  }
0x48: {  	[sflag:s25] =	ssyncadd.s32 @p1 $0xFFFFD800  }
0x49: {  	[spmem:s3] =	stream.indirect.scatter.add.f32 @p1 [tilespmem:s20], [sflag:$0x5], $0x80, s30, s17, $0xb8;
	[tilespmem:$0x1FEA0] =	vst v63  }
.Ltmp5:
0x4a: {  	_ = 	snop;
	(pc) =	sbr.rel .LBB2_5-.Ltmp5, $4  }
0x4b: {  	_ =	swait.ge @!p1 [sflag:s26], $0x2800  }
0x4c: {  	[sflag:s26] =	ssyncset.done @!p1 $0x0  }
0x4d: {  	[sflag:s26] =	ssyncadd.s32 @!p1 $0xFFFFD800  }
0x4e: {  	[spmem:s3] =	stream.indirect.scatter.add.f32 @!p1 [tilespmem:s18], [sflag:$0x4], $0x80, s30, s17, $0xb8;
	[tilespmem:$0x1FEA0] =	vst v63  }
.LBB2_4:
0x4f: {  	_ =	swait.ge [sflag:s21], $0x2800  }
0x50: {  	[sflag:s21] =	ssyncset.done $0x0  }
0x51: {  	[sflag:s21] =	ssyncadd.s32 $0xFFFFD800  }
0x52: {  	[spmem:s3] =	stream.indirect.scatter.add.f32 [tilespmem:s22], [sflag:$0x6], $0x80, s30, s17, $0xb8;
	[tilespmem:$0x1FEA0] =	vst v63  }
.LBB2_5:
0x53: {  	s2 =	sadd.s32 $0xFFFFFFFF, s31  }
0x54: {  	s0 =	sshll.u32 s2, $0x18  }
0x55: {  	s0 =	sshra.s32 s0, $0x18  }
0x56: {  	s0 =	smul.u32 $0x56, s0;
	_ =	sdelay $0x1  }
0x57: {  	s13 =	sshrl.u32 s0, $0x1F;
	s0 =	sshrl.u32 s0, $0x8  }
0x58: {  	s0 =	sadd.s32 s13, s0  }
0x59: {  	s0 =	smul.u32 $0x3, s0;
	_ =	sdelay $0x1  }
0x5a: {  	s0 =	ssub.s32 s2, s0  }
0x5b: {  	s0 =	sshll.u32 s0, $0x18  }
0x5c: {  	s0 =	sshra.s32 s0, $0x18  }
0x5d: {  	p1 =	slt.s32 s0, $0x0;
	s2 =	sadd.s32 $0x3, s0  }
0x5e: {  	p2 =	seq.s32 s31, $0x0;
	s0 =	smov.u32 @p1 s2  }
0x5f: {  	p1 =	seq.s32 @!p2 s0, $0x0  }
0x60: {  	p1 =	por p2, !p1  }
0x61: {  	p2 =	seq.s32 @p1 s31, $0x0  }
0x62: {  	p3 =	por p2, !p1  }
0x63: {  	p3 =	seq.s32 @!p3 s0, $0x1  }
0x64: {  	p2 =	por @p1 p2, !p3  }
0x65: {  	p2 =	por !p1, !p2  }
0x66: {  	p3 =	seq.s32 @!p2 s31, $0x0  }
0x67: {  	p4 =	por p3, p2  }
0x68: {  	p4 =	sne.s32 @!p4 s0, $0x2  }
0x69: {  	p3 =	por @!p2 p3, p4  }
0x6a: {  	p3 =	por p2, !p3  }
.Ltmp6:
0x6b: {  	_ = 	snop;
	(pc) =	sbr.rel @!p3 .LBB2_7-.Ltmp6, $1  }
0x6c: {  	_ =	sdelay $0x3  }
0x6d: {  	s0 =	simm.s32 $0x4  }
0x6e: {  	s0 =	simm.s32 @p1 $0x5  }
0x6f: {  	s0 =	simm.s32 @!p2 $0x6  }
0x70: {  	_ =	swait.ge [sflag:s0], $0x2800  }
0x71: {  	[sflag:s0] =	ssyncset.done $0x0  }
0x72: {  	[sflag:s0] =	ssyncadd.s32 $0xFFFFD800  }
.LBB2_7:
0x73: {  	s0 =	sadd.s32 $0x2, s31  }
0x74: {  	s2 =	smul.u32 $0xAB, s0;
	_ =	sdelay $0x1  }
0x75: {  	s2 =	sshrl.u32 s2, $0x9  }
0x76: {  	s2 =	sand.u32 $0x7F, s2  }
0x77: {  	s2 =	smul.u32 $0x3, s2;
	_ =	sdelay $0x1  }
0x78: {  	p1 =	sgt.u32 s31, $0x7A;
	s0 =	ssub.s32 s0, s2  }
0x79: {  	s2 =	sand.u32 @!p1 $0xFF, s0  }
0x7a: {  	p2 =	sne.s32 @!p1 s2, $0x0  }
0x7b: {  	p2 =	por p1, p2  }
.Ltmp7:
0x7c: {  	_ = 	snop;
	(pc) =	sbr.rel @!p2 .LBB2_8-.Ltmp7, $1  }
0x7d: {  	_ =	sdelay $0x3  }
0x7e: {  	p2 =	sne.s32 @!p1 s2, $0x1  }
0x7f: {  	p2 =	por p1, p2  }
.Ltmp8:
0x80: {  	_ = 	snop;
	(pc) =	sbr.rel @p2 .LBB2_11-.Ltmp8, $1  }
0x81: {  	_ =	sdelay $0x3  }
.Ltmp9:
0x82: {  	(pc) =	sbr.rel .LBB2_12-.Ltmp9, $2  }
0x83: {  	_ =	sdelay $0x2  }
0x84: {  	[tilespmem:s20], [sflag:$0x2] =	stream.indirect.gather [hbm4b:s1+s17], $0x80, s29, s17, $0xb8;
	[tilespmem:$0x1FEA0] =	vst v63  }
.LBB2_11:
.Ltmp10:
0x85: {  	(pc) =	sbr.rel .LBB2_12-.Ltmp10, $4  }
0x86: {  	p2 =	sne.s32 @!p1 s2, $0x2  }
0x87: {  	p1 =	por p2, p1  }
0x88: {  	s0 =	simm.s32 @!p1 $0x50;
	s2 =	simm.s32 @!p1 $0x1D6A0  }
0x89: {  	[tilespmem:s2], [sflag:$0x3] =	stream.indirect.gather @!p1 [hbm4b:s1+s0], $0x80, s29, s0, $0xb8;
	[tilespmem:$0x1FEA0] =	vst v63  }
.LBB2_14:
0x8a: {  	_ =	sfence.sel $0x180000  }
0x8b: {  	[bflag:$0x0] =	sbarrier.arrive $0xFFFF  }
0x8c: {  	_ =	strace $0x90000053  }
0x8d: {  	s0 =	stileid.u32;
	[bflag:$0x2] =	sbarrier.arrive $0xFFFF  }
0x8e: {  	p0 =	sne.s32 s0, $0x0;
	s0 =	rddreg [dreg:$0x3]  }
0x8f: {  	s0 =	sadd.s32 @!p0 $0x100000, s0  }
0x90: {  	[sflag:s0] =	ssyncadd.tile.s32 @!p0 $0x1;
	_ =	shalt  }
.Lfunc_end2:
_tile_overlayer_lowered:
.L_overlay_start_2:
0x91: {  	(tag) =	ssettag $0x2  }
0x92: {  	s0 =	rddreg [dreg:$0x0];
	s2 =	stileid.u32  }
0x93: {  	s1 =	rddreg [dreg:$0x1];
	p0 =	sne.s32 s2, $0x0  }
0x94: {  	s3 =	rddreg [dreg:$0x2];
	[bflag:$0x3] =	sbarrier.arrive $0xFFFF;
	s2 =	simm.s32 @!p0 $0x1C07  }
0x95: {  	[timem:s3], [sflag:s2] =	dma.local @!p0 [hbm:s0], s1  }
0x96: {  	s0 =	simm.s32 @!p0 $0x7  }
0x97: {  	_ =	swait.ge @!p0 [sflag:s0], s1  }
0x98: {  	s1 =	ssub.s32 @!p0 $0x0, s1;
	[sflag:s0] =	ssyncset.done @!p0 $0x0  }
0x99: {  	[sflag:s0] =	ssyncadd.s32 @!p0 s1  }
0x9a: {  	[bflag:$0x3] =	sbarrier.arrive $0xFFFF  }
0x9b: {  	_ =	shalt  }

</sc_bundles>
